<compile_context>
chip_gen: v7x
topology: tpu7x:2x2x1
jax: 0.10.2.dev20260603
libtpu: 0.0.44.dev20260713+nightly
codegen_flags: <defaults>
</compile_context>

<pallas_src>
import functools

import jax
import jax.numpy as jnp
from jax import lax
from jax.experimental import pallas as pl
from jax.experimental.pallas import tpu as pltpu
from jax.experimental.pallas import tpu_sc as plsc

B, F, D = 4096, 26, 16
NW = 32
BPW = B // NW
NL = 16
NGRP = BPW // NL

_mesh = plsc.VectorSubcoreMesh(core_axis_name="c", subcore_axis_name="s")


@functools.partial(
    pl.kernel,
    mesh=_mesh,
    out_type=jax.ShapeDtypeStruct((B,), jnp.float32),
    compiler_params=pltpu.CompilerParams(needs_layout_passes=False),
    scratch_types=[
        pltpu.VMEM((F, BPW), jnp.int32),
        pltpu.VMEM((F * BPW,), jnp.float32),
        pltpu.VMEM((2, F // 2, D, BPW), jnp.float32),
        pltpu.VMEM((NGRP, D, NL), jnp.float32),
        pltpu.VMEM((NGRP, D, NL), jnp.float32),
        pltpu.VMEM((BPW,), jnp.float32),
        pltpu.SemaphoreType.DMA,
        pltpu.SemaphoreType.DMA,
        pltpu.SemaphoreType.DMA,
    ],
)
def _fm_sc(idx_hbm, emb_hbm, w_hbm, out_hbm, idx_v, rows_v, emb_v, s_v, q_v,
           out_v, sem_g, sem_e0, sem_e1):
    wid = lax.axis_index("s") * 2 + lax.axis_index("c")
    b0 = wid * BPW
    HF = F // 2

    cps_e = [
        pltpu.async_copy(emb_hbm.at[pl.ds(h * HF, HF), :, pl.ds(b0, BPW)],
                         emb_v.at[h], sem)
        for h, sem in ((0, sem_e0), (1, sem_e1))
    ]
    pltpu.sync_copy(idx_hbm.at[:, pl.ds(b0, BPW)], idx_v)
    cps_g = [
        pltpu.async_copy(w_hbm.at[idx_v.at[f]],
                         rows_v.at[pl.ds(f * BPW, BPW)], sem_g)
        for f in range(F)
    ]

    cps_e[0].wait()
    for g in range(NGRP):
        gb = g * NL

        def body0(d, _, g=g, gb=gb):
            v0 = emb_v[0, 0, d, pl.ds(gb, NL)]
            acc_s = v0
            acc_q = v0 * v0
            for f in range(1, HF):
                v = emb_v[0, f, d, pl.ds(gb, NL)]
                acc_s = acc_s + v
                acc_q = acc_q + v * v
            s_v[g, d, :] = acc_s
            q_v[g, d, :] = acc_q
            return 0

        lax.fori_loop(0, D, body0, 0)

    cps_e[1].wait()
    for g in range(NGRP):
        gb = g * NL

        def body1(d, sec, g=g, gb=gb):
            v0 = emb_v[1, 0, d, pl.ds(gb, NL)]
            acc_s = v0
            acc_q = v0 * v0
            for f in range(1, HF):
                v = emb_v[1, f, d, pl.ds(gb, NL)]
                acc_s = acc_s + v
                acc_q = acc_q + v * v
            acc_s = acc_s + s_v[g, d, :]
            acc_q = acc_q + q_v[g, d, :]
            return sec + (acc_s * acc_s - acc_q)

        sec = lax.fori_loop(0, D, body1, jnp.zeros((NL,), jnp.float32))
        out_v[pl.ds(gb, NL)] = 0.5 * sec

    for cp in cps_g:
        cp.wait()
    for g in range(NGRP):
        gb = g * NL
        first = rows_v[pl.ds(gb, NL)]
        for f in range(1, F):
            first = first + rows_v[pl.ds(f * BPW + gb, NL)]
        out_v[pl.ds(gb, NL)] = out_v[pl.ds(gb, NL)] + first

    pltpu.sync_copy(out_v, out_hbm.at[pl.ds(b0, BPW)])


def kernel(sparse_inputs, embed_inputs, w):
    idx = sparse_inputs.astype(jnp.int32).T
    emb = jnp.transpose(embed_inputs, (1, 2, 0))
    wf = jnp.pad(w.T, ((0, 0), (0, 448))).reshape(-1)
    out = _fm_sc(idx, emb, wf)
    return out.reshape(B, 1)

# --- scband reference (transcript-rebuilt; emitter-appended) ---
"""Pipeline reference for scband-fm-81509889343855 (READ-ONLY COPY).

The authoritative reference and input builder live on the scoring server;
editing this copy changes nothing except your own understanding.
"""

import jax, jax.numpy as jnp
import numpy as np

FEATURES_LEN = 1000000
B, F, D = 4096, 26, 16

def setup_inputs(seed: int = 0) -> dict:
    key = jax.random.key(seed)
    k1, k2, k3 = jax.random.split(key, 3)
    sparse_inputs = jax.random.randint(k1, (B, F), 0, FEATURES_LEN, dtype=jnp.int64)
    embed_inputs = jax.random.normal(k2, (B, F, D), dtype=jnp.float32)
    w = jax.random.normal(k3, (FEATURES_LEN, 1), dtype=jnp.float32) * 0.05
    return {"sparse_inputs": sparse_inputs, "embed_inputs": embed_inputs, "w": w}

def reference(sparse_inputs, embed_inputs, w):
    # first order: embedding lookup into w [vocab, 1], gather -> [B, F, 1], sum over fields -> [B, 1]
    first_order = jnp.sum(jnp.take(w, sparse_inputs, axis=0), axis=1)
    # second order FM interaction: 0.5 * sum((sum e)^2 - sum(e^2)) over embed dim
    square_sum = jnp.square(jnp.sum(embed_inputs, axis=1, keepdims=True))  # [B, 1, D]
    sum_square = jnp.sum(jnp.square(embed_inputs), axis=1, keepdims=True)  # [B, 1, D]
    second_order = 0.5 * jnp.sum(square_sum - sum_square, axis=2)  # [B, 1]
    outputs = first_order + second_order
    return outputs

if __name__ == "__main__":
    import jax
    _d = setup_inputs()
    print(jax.jit(kernel)(*tuple(_d.values())))

</pallas_src>

<mosaic_0001>
#map = affine_map<(d0, d1) -> (0, 0)>
#map1 = affine_map<(d0, d1) -> (0, 0, 0)>
#map2 = affine_map<(d0, d1) -> (0)>
module attributes {stable_mosaic.version = 14 : i64} {
  func.func @_fm_sc(%arg0: i32, %arg1: i32, %arg2: memref<26x4096xi32, #tpu.memory_space<hbm>>, %arg3: memref<26x16x4096xf32, #tpu.memory_space<hbm>>, %arg4: memref<1000448xf32, #tpu.memory_space<hbm>>, %arg5: memref<4096xf32, #tpu.memory_space<hbm>>, %arg6: memref<26x128xi32, #tpu.memory_space<vmem>>, %arg7: memref<3328xf32, #tpu.memory_space<vmem>>, %arg8: memref<2x13x16x128xf32, #tpu.memory_space<vmem>>, %arg9: memref<8x16x16xf32, #tpu.memory_space<vmem>>, %arg10: memref<8x16x16xf32, #tpu.memory_space<vmem>>, %arg11: memref<128xf32, #tpu.memory_space<vmem>>, %arg12: memref<!tpu.dma_semaphore, #tpu.memory_space<semaphore_mem>>, %arg13: memref<!tpu.dma_semaphore, #tpu.memory_space<semaphore_mem>>, %arg14: memref<!tpu.dma_semaphore, #tpu.memory_space<semaphore_mem>>) attributes {dimension_semantics = [#tpu.dimension_semantics<core_parallel>, #tpu.dimension_semantics<subcore_parallel>], iteration_bounds = array<i64: 2, 16>, scalar_prefetch = 0 : i64, scratch_operands = 9 : i64, tpu.core_type = #tpu.core_type<sc_vector_subcore>, window_params = [{transform_indices = #map}, {transform_indices = #map1}, {transform_indices = #map2}, {transform_indices = #map2}]} {
    %mul3A = arith.constant 2 : i32
    %mul3A_0 = arith.muli %arg1, %mul3A : i32
    %add3A = arith.addi %mul3A_0, %arg0 : i32
    %mul3A_1 = arith.constant 128 : i32
    %mul3A_2 = arith.muli %add3A, %mul3A_1 : i32
    %dma_start3A = arith.constant 0 : i32
    %dma_start3A_3 = arith.constant 0 : i32
    %dma_start3A_4 = arith.constant 0 : i32
    %dma_start3A_5 = arith.constant 0 : i32
    %dma_start3A_6 = tpu.memref_slice %arg8[%dma_start3A, %dma_start3A_3, %dma_start3A_4, %dma_start3A_5] : memref<2x13x16x128xf32, #tpu.memory_space<vmem>> -> memref<1x13x16x128xf32, #tpu.memory_space<vmem>>
    %dma_start3A_7 = tpu.memref_squeeze %dma_start3A_6 : memref<1x13x16x128xf32, #tpu.memory_space<vmem>> -> memref<13x16x128xf32, #tpu.memory_space<vmem>>
    %dma_start3A_8 = arith.constant 0 : i32
    %dma_start3A_9 = arith.constant 0 : i32
    %dma_start3A_10 = tpu.memref_slice %arg3[%dma_start3A_8, %dma_start3A_9, %mul3A_2] : memref<26x16x4096xf32, #tpu.memory_space<hbm>> -> memref<13x16x128xf32, #tpu.memory_space<hbm>>
    %dma_start3A_11 = arith.constant 0 : i32
    %dma_start3A_12 = arith.constant 0 : i32
    %dma_start3A_13 = arith.constant 0 : i32
    %dma_start3A_14 = tpu.memref_slice %arg8[%dma_start3A, %dma_start3A_11, %dma_start3A_12, %dma_start3A_13] : memref<2x13x16x128xf32, #tpu.memory_space<vmem>> -> memref<1x13x16x128xf32, #tpu.memory_space<vmem>>
    %dma_start3A_15 = tpu.memref_squeeze %dma_start3A_14 : memref<1x13x16x128xf32, #tpu.memory_space<vmem>> -> memref<13x16x128xf32, #tpu.memory_space<vmem>>
    %dma_start3A_16 = arith.constant 0 : i32
    %dma_start3A_17 = arith.constant 0 : i32
    %dma_start3A_18 = tpu.memref_slice %arg3[%dma_start3A_16, %dma_start3A_17, %mul3A_2] : memref<26x16x4096xf32, #tpu.memory_space<hbm>> -> memref<13x16x128xf32, #tpu.memory_space<hbm>>
    tpu.enqueue_dma source(%dma_start3A_18 : memref<13x16x128xf32, #tpu.memory_space<hbm>>) target(%dma_start3A_15 : memref<13x16x128xf32, #tpu.memory_space<vmem>>) target_semaphore(%arg13 : memref<!tpu.dma_semaphore, #tpu.memory_space<semaphore_mem>>)
    %dma_start3A_19 = arith.constant 1 : i32
    %dma_start3A_20 = arith.constant 0 : i32
    %dma_start3A_21 = arith.constant 0 : i32
    %dma_start3A_22 = arith.constant 0 : i32
    %dma_start3A_23 = tpu.memref_slice %arg8[%dma_start3A_19, %dma_start3A_20, %dma_start3A_21, %dma_start3A_22] : memref<2x13x16x128xf32, #tpu.memory_space<vmem>> -> memref<1x13x16x128xf32, #tpu.memory_space<vmem>>
    %dma_start3A_24 = tpu.memref_squeeze %dma_start3A_23 : memref<1x13x16x128xf32, #tpu.memory_space<vmem>> -> memref<13x16x128xf32, #tpu.memory_space<vmem>>
    %dma_start3A_25 = arith.constant 13 : i32
    %dma_start3A_26 = arith.constant 0 : i32
    %dma_start3A_27 = tpu.memref_slice %arg3[%dma_start3A_25, %dma_start3A_26, %mul3A_2] : memref<26x16x4096xf32, #tpu.memory_space<hbm>> -> memref<13x16x128xf32, #tpu.memory_space<hbm>>
    %dma_start3A_28 = arith.constant 0 : i32
    %dma_start3A_29 = arith.constant 0 : i32
    %dma_start3A_30 = arith.constant 0 : i32
    %dma_start3A_31 = tpu.memref_slice %arg8[%dma_start3A_19, %dma_start3A_28, %dma_start3A_29, %dma_start3A_30] : memref<2x13x16x128xf32, #tpu.memory_space<vmem>> -> memref<1x13x16x128xf32, #tpu.memory_space<vmem>>
    %dma_start3A_32 = tpu.memref_squeeze %dma_start3A_31 : memref<1x13x16x128xf32, #tpu.memory_space<vmem>> -> memref<13x16x128xf32, #tpu.memory_space<vmem>>
    %dma_start3A_33 = arith.constant 13 : i32
    %dma_start3A_34 = arith.constant 0 : i32
    %dma_start3A_35 = tpu.memref_slice %arg3[%dma_start3A_33, %dma_start3A_34, %mul3A_2] : memref<26x16x4096xf32, #tpu.memory_space<hbm>> -> memref<13x16x128xf32, #tpu.memory_space<hbm>>
    tpu.enqueue_dma source(%dma_start3A_35 : memref<13x16x128xf32, #tpu.memory_space<hbm>>) target(%dma_start3A_32 : memref<13x16x128xf32, #tpu.memory_space<vmem>>) target_semaphore(%arg14 : memref<!tpu.dma_semaphore, #tpu.memory_space<semaphore_mem>>)
    "tpu.region"() ({
      %run_scoped3A = tpu.sem_alloc : memref<!tpu.dma_semaphore, #tpu.memory_space<semaphore_mem>>
      %dma_start3A_1297 = arith.constant 0 : i32
      %dma_start3A_1298 = tpu.memref_slice %arg2[%dma_start3A_1297, %mul3A_2] : memref<26x4096xi32, #tpu.memory_space<hbm>> -> memref<26x128xi32, #tpu.memory_space<hbm>>
      %dma_start3A_1299 = arith.constant 0 : i32
      %dma_start3A_1300 = tpu.memref_slice %arg2[%dma_start3A_1299, %mul3A_2] : memref<26x4096xi32, #tpu.memory_space<hbm>> -> memref<26x128xi32, #tpu.memory_space<hbm>>
      tpu.enqueue_dma source(%dma_start3A_1300 : memref<26x128xi32, #tpu.memory_space<hbm>>) target(%arg6 : memref<26x128xi32, #tpu.memory_space<vmem>>) target_semaphore(%run_scoped3A : memref<!tpu.dma_semaphore, #tpu.memory_space<semaphore_mem>>)
      %dma_wait3A_1301 = arith.constant 0 : i32
      %dma_wait3A_1302 = tpu.memref_slice %arg2[%dma_wait3A_1301, %mul3A_2] : memref<26x4096xi32, #tpu.memory_space<hbm>> -> memref<26x128xi32, #tpu.memory_space<hbm>>
      %dma_wait3A_1303 = arith.constant 0 : i32
      %dma_wait3A_1304 = tpu.memref_slice %arg2[%dma_wait3A_1303, %mul3A_2] : memref<26x4096xi32, #tpu.memory_space<hbm>> -> memref<26x128xi32, #tpu.memory_space<hbm>>
      tpu.wait_dma2 semaphore(%run_scoped3A : memref<!tpu.dma_semaphore, #tpu.memory_space<semaphore_mem>>) src(%dma_wait3A_1304 : memref<26x128xi32, #tpu.memory_space<hbm>>) dst(%arg6 : memref<26x128xi32, #tpu.memory_space<vmem>>)
      tpu.yield
    }) : () -> ()
    %dma_start3A_36 = arith.constant 0 : i32
    %dma_start3A_37 = arith.constant 0 : i32
    %dma_start3A_38 = tpu.memref_slice %arg7[%dma_start3A_37] : memref<3328xf32, #tpu.memory_space<vmem>> -> memref<128xf32, #tpu.memory_space<vmem>>
    %dma_start3A_39 = arith.constant 0 : i32
    %dma_start3A_40 = tpu.memref_slice %arg6[%dma_start3A_36, %dma_start3A_39] : memref<26x128xi32, #tpu.memory_space<vmem>> -> memref<1x128xi32, #tpu.memory_space<vmem>>
    %dma_start3A_41 = tpu.memref_squeeze %dma_start3A_40 : memref<1x128xi32, #tpu.memory_space<vmem>> -> memref<128xi32, #tpu.memory_space<vmem>>
    %dma_start3A_42 = arith.constant 0 : i32
    %dma_start3A_43 = tpu.memref_slice %arg4[%dma_start3A_42] : memref<1000448xf32, #tpu.memory_space<hbm>> -> memref<1000448xf32, #tpu.memory_space<hbm>>
    tpu.enqueue_indirect_dma source(%dma_start3A_43 : memref<1000448xf32, #tpu.memory_space<hbm>>) target(%dma_start3A_38 : memref<128xf32, #tpu.memory_space<vmem>>) offsets(%dma_start3A_41 : memref<128xi32, #tpu.memory_space<vmem>>) semaphore(%arg12 : memref<!tpu.dma_semaphore, #tpu.memory_space<semaphore_mem>>)
    %dma_start3A_44 = arith.constant 1 : i32
    %dma_start3A_45 = arith.constant 128 : i32
    %dma_start3A_46 = tpu.memref_slice %arg7[%dma_start3A_45] : memref<3328xf32, #tpu.memory_space<vmem>> -> memref<128xf32, #tpu.memory_space<vmem>>
    %dma_start3A_47 = arith.constant 0 : i32
    %dma_start3A_48 = tpu.memref_slice %arg6[%dma_start3A_44, %dma_start3A_47] : memref<26x128xi32, #tpu.memory_space<vmem>> -> memref<1x128xi32, #tpu.memory_space<vmem>>
    %dma_start3A_49 = tpu.memref_squeeze %dma_start3A_48 : memref<1x128xi32, #tpu.memory_space<vmem>> -> memref<128xi32, #tpu.memory_space<vmem>>
    %dma_start3A_50 = arith.constant 0 : i32
    %dma_start3A_51 = tpu.memref_slice %arg4[%dma_start3A_50] : memref<1000448xf32, #tpu.memory_space<hbm>> -> memref<1000448xf32, #tpu.memory_space<hbm>>
    tpu.enqueue_indirect_dma source(%dma_start3A_51 : memref<1000448xf32, #tpu.memory_space<hbm>>) target(%dma_start3A_46 : memref<128xf32, #tpu.memory_space<vmem>>) offsets(%dma_start3A_49 : memref<128xi32, #tpu.memory_space<vmem>>) semaphore(%arg12 : memref<!tpu.dma_semaphore, #tpu.memory_space<semaphore_mem>>)
    %dma_start3A_52 = arith.constant 2 : i32
    %dma_start3A_53 = arith.constant 256 : i32
    %dma_start3A_54 = tpu.memref_slice %arg7[%dma_start3A_53] : memref<3328xf32, #tpu.memory_space<vmem>> -> memref<128xf32, #tpu.memory_space<vmem>>
    %dma_start3A_55 = arith.constant 0 : i32
    %dma_start3A_56 = tpu.memref_slice %arg6[%dma_start3A_52, %dma_start3A_55] : memref<26x128xi32, #tpu.memory_space<vmem>> -> memref<1x128xi32, #tpu.memory_space<vmem>>
    %dma_start3A_57 = tpu.memref_squeeze %dma_start3A_56 : memref<1x128xi32, #tpu.memory_space<vmem>> -> memref<128xi32, #tpu.memory_space<vmem>>
    %dma_start3A_58 = arith.constant 0 : i32
    %dma_start3A_59 = tpu.memref_slice %arg4[%dma_start3A_58] : memref<1000448xf32, #tpu.memory_space<hbm>> -> memref<1000448xf32, #tpu.memory_space<hbm>>
    tpu.enqueue_indirect_dma source(%dma_start3A_59 : memref<1000448xf32, #tpu.memory_space<hbm>>) target(%dma_start3A_54 : memref<128xf32, #tpu.memory_space<vmem>>) offsets(%dma_start3A_57 : memref<128xi32, #tpu.memory_space<vmem>>) semaphore(%arg12 : memref<!tpu.dma_semaphore, #tpu.memory_space<semaphore_mem>>)
    %dma_start3A_60 = arith.constant 3 : i32
    %dma_start3A_61 = arith.constant 384 : i32
    %dma_start3A_62 = tpu.memref_slice %arg7[%dma_start3A_61] : memref<3328xf32, #tpu.memory_space<vmem>> -> memref<128xf32, #tpu.memory_space<vmem>>
    %dma_start3A_63 = arith.constant 0 : i32
    %dma_start3A_64 = tpu.memref_slice %arg6[%dma_start3A_60, %dma_start3A_63] : memref<26x128xi32, #tpu.memory_space<vmem>> -> memref<1x128xi32, #tpu.memory_space<vmem>>
    %dma_start3A_65 = tpu.memref_squeeze %dma_start3A_64 : memref<1x128xi32, #tpu.memory_space<vmem>> -> memref<128xi32, #tpu.memory_space<vmem>>
    %dma_start3A_66 = arith.constant 0 : i32
    %dma_start3A_67 = tpu.memref_slice %arg4[%dma_start3A_66] : memref<1000448xf32, #tpu.memory_space<hbm>> -> memref<1000448xf32, #tpu.memory_space<hbm>>
    tpu.enqueue_indirect_dma source(%dma_start3A_67 : memref<1000448xf32, #tpu.memory_space<hbm>>) target(%dma_start3A_62 : memref<128xf32, #tpu.memory_space<vmem>>) offsets(%dma_start3A_65 : memref<128xi32, #tpu.memory_space<vmem>>) semaphore(%arg12 : memref<!tpu.dma_semaphore, #tpu.memory_space<semaphore_mem>>)
    %dma_start3A_68 = arith.constant 4 : i32
    %dma_start3A_69 = arith.constant 512 : i32
    %dma_start3A_70 = tpu.memref_slice %arg7[%dma_start3A_69] : memref<3328xf32, #tpu.memory_space<vmem>> -> memref<128xf32, #tpu.memory_space<vmem>>
    %dma_start3A_71 = arith.constant 0 : i32
    %dma_start3A_72 = tpu.memref_slice %arg6[%dma_start3A_68, %dma_start3A_71] : memref<26x128xi32, #tpu.memory_space<vmem>> -> memref<1x128xi32, #tpu.memory_space<vmem>>
    %dma_start3A_73 = tpu.memref_squeeze %dma_start3A_72 : memref<1x128xi32, #tpu.memory_space<vmem>> -> memref<128xi32, #tpu.memory_space<vmem>>
    %dma_start3A_74 = arith.constant 0 : i32
    %dma_start3A_75 = tpu.memref_slice %arg4[%dma_start3A_74] : memref<1000448xf32, #tpu.memory_space<hbm>> -> memref<1000448xf32, #tpu.memory_space<hbm>>
    tpu.enqueue_indirect_dma source(%dma_start3A_75 : memref<1000448xf32, #tpu.memory_space<hbm>>) target(%dma_start3A_70 : memref<128xf32, #tpu.memory_space<vmem>>) offsets(%dma_start3A_73 : memref<128xi32, #tpu.memory_space<vmem>>) semaphore(%arg12 : memref<!tpu.dma_semaphore, #tpu.memory_space<semaphore_mem>>)
    %dma_start3A_76 = arith.constant 5 : i32
    %dma_start3A_77 = arith.constant 640 : i32
    %dma_start3A_78 = tpu.memref_slice %arg7[%dma_start3A_77] : memref<3328xf32, #tpu.memory_space<vmem>> -> memref<128xf32, #tpu.memory_space<vmem>>
    %dma_start3A_79 = arith.constant 0 : i32
    %dma_start3A_80 = tpu.memref_slice %arg6[%dma_start3A_76, %dma_start3A_79] : memref<26x128xi32, #tpu.memory_space<vmem>> -> memref<1x128xi32, #tpu.memory_space<vmem>>
    %dma_start3A_81 = tpu.memref_squeeze %dma_start3A_80 : memref<1x128xi32, #tpu.memory_space<vmem>> -> memref<128xi32, #tpu.memory_space<vmem>>
    %dma_start3A_82 = arith.constant 0 : i32
    %dma_start3A_83 = tpu.memref_slice %arg4[%dma_start3A_82] : memref<1000448xf32, #tpu.memory_space<hbm>> -> memref<1000448xf32, #tpu.memory_space<hbm>>
    tpu.enqueue_indirect_dma source(%dma_start3A_83 : memref<1000448xf32, #tpu.memory_space<hbm>>) target(%dma_start3A_78 : memref<128xf32, #tpu.memory_space<vmem>>) offsets(%dma_start3A_81 : memref<128xi32, #tpu.memory_space<vmem>>) semaphore(%arg12 : memref<!tpu.dma_semaphore, #tpu.memory_space<semaphore_mem>>)
    %dma_start3A_84 = arith.constant 6 : i32
    %dma_start3A_85 = arith.constant 768 : i32
    %dma_start3A_86 = tpu.memref_slice %arg7[%dma_start3A_85] : memref<3328xf32, #tpu.memory_space<vmem>> -> memref<128xf32, #tpu.memory_space<vmem>>
    %dma_start3A_87 = arith.constant 0 : i32
    %dma_start3A_88 = tpu.memref_slice %arg6[%dma_start3A_84, %dma_start3A_87] : memref<26x128xi32, #tpu.memory_space<vmem>> -> memref<1x128xi32, #tpu.memory_space<vmem>>
    %dma_start3A_89 = tpu.memref_squeeze %dma_start3A_88 : memref<1x128xi32, #tpu.memory_space<vmem>> -> memref<128xi32, #tpu.memory_space<vmem>>
    %dma_start3A_90 = arith.constant 0 : i32
    %dma_start3A_91 = tpu.memref_slice %arg4[%dma_start3A_90] : memref<1000448xf32, #tpu.memory_space<hbm>> -> memref<1000448xf32, #tpu.memory_space<hbm>>
    tpu.enqueue_indirect_dma source(%dma_start3A_91 : memref<1000448xf32, #tpu.memory_space<hbm>>) target(%dma_start3A_86 : memref<128xf32, #tpu.memory_space<vmem>>) offsets(%dma_start3A_89 : memref<128xi32, #tpu.memory_space<vmem>>) semaphore(%arg12 : memref<!tpu.dma_semaphore, #tpu.memory_space<semaphore_mem>>)
    %dma_start3A_92 = arith.constant 7 : i32
    %dma_start3A_93 = arith.constant 896 : i32
    %dma_start3A_94 = tpu.memref_slice %arg7[%dma_start3A_93] : memref<3328xf32, #tpu.memory_space<vmem>> -> memref<128xf32, #tpu.memory_space<vmem>>
    %dma_start3A_95 = arith.constant 0 : i32
    %dma_start3A_96 = tpu.memref_slice %arg6[%dma_start3A_92, %dma_start3A_95] : memref<26x128xi32, #tpu.memory_space<vmem>> -> memref<1x128xi32, #tpu.memory_space<vmem>>
    %dma_start3A_97 = tpu.memref_squeeze %dma_start3A_96 : memref<1x128xi32, #tpu.memory_space<vmem>> -> memref<128xi32, #tpu.memory_space<vmem>>
    %dma_start3A_98 = arith.constant 0 : i32
    %dma_start3A_99 = tpu.memref_slice %arg4[%dma_start3A_98] : memref<1000448xf32, #tpu.memory_space<hbm>> -> memref<1000448xf32, #tpu.memory_space<hbm>>
    tpu.enqueue_indirect_dma source(%dma_start3A_99 : memref<1000448xf32, #tpu.memory_space<hbm>>) target(%dma_start3A_94 : memref<128xf32, #tpu.memory_space<vmem>>) offsets(%dma_start3A_97 : memref<128xi32, #tpu.memory_space<vmem>>) semaphore(%arg12 : memref<!tpu.dma_semaphore, #tpu.memory_space<semaphore_mem>>)
    %dma_start3A_100 = arith.constant 8 : i32
    %dma_start3A_101 = arith.constant 1024 : i32
    %dma_start3A_102 = tpu.memref_slice %arg7[%dma_start3A_101] : memref<3328xf32, #tpu.memory_space<vmem>> -> memref<128xf32, #tpu.memory_space<vmem>>
    %dma_start3A_103 = arith.constant 0 : i32
    %dma_start3A_104 = tpu.memref_slice %arg6[%dma_start3A_100, %dma_start3A_103] : memref<26x128xi32, #tpu.memory_space<vmem>> -> memref<1x128xi32, #tpu.memory_space<vmem>>
    %dma_start3A_105 = tpu.memref_squeeze %dma_start3A_104 : memref<1x128xi32, #tpu.memory_space<vmem>> -> memref<128xi32, #tpu.memory_space<vmem>>
    %dma_start3A_106 = arith.constant 0 : i32
    %dma_start3A_107 = tpu.memref_slice %arg4[%dma_start3A_106] : memref<1000448xf32, #tpu.memory_space<hbm>> -> memref<1000448xf32, #tpu.memory_space<hbm>>
    tpu.enqueue_indirect_dma source(%dma_start3A_107 : memref<1000448xf32, #tpu.memory_space<hbm>>) target(%dma_start3A_102 : memref<128xf32, #tpu.memory_space<vmem>>) offsets(%dma_start3A_105 : memref<128xi32, #tpu.memory_space<vmem>>) semaphore(%arg12 : memref<!tpu.dma_semaphore, #tpu.memory_space<semaphore_mem>>)
    %dma_start3A_108 = arith.constant 9 : i32
    %dma_start3A_109 = arith.constant 1152 : i32
    %dma_start3A_110 = tpu.memref_slice %arg7[%dma_start3A_109] : memref<3328xf32, #tpu.memory_space<vmem>> -> memref<128xf32, #tpu.memory_space<vmem>>
    %dma_start3A_111 = arith.constant 0 : i32
    %dma_start3A_112 = tpu.memref_slice %arg6[%dma_start3A_108, %dma_start3A_111] : memref<26x128xi32, #tpu.memory_space<vmem>> -> memref<1x128xi32, #tpu.memory_space<vmem>>
    %dma_start3A_113 = tpu.memref_squeeze %dma_start3A_112 : memref<1x128xi32, #tpu.memory_space<vmem>> -> memref<128xi32, #tpu.memory_space<vmem>>
    %dma_start3A_114 = arith.constant 0 : i32
    %dma_start3A_115 = tpu.memref_slice %arg4[%dma_start3A_114] : memref<1000448xf32, #tpu.memory_space<hbm>> -> memref<1000448xf32, #tpu.memory_space<hbm>>
    tpu.enqueue_indirect_dma source(%dma_start3A_115 : memref<1000448xf32, #tpu.memory_space<hbm>>) target(%dma_start3A_110 : memref<128xf32, #tpu.memory_space<vmem>>) offsets(%dma_start3A_113 : memref<128xi32, #tpu.memory_space<vmem>>) semaphore(%arg12 : memref<!tpu.dma_semaphore, #tpu.memory_space<semaphore_mem>>)
    %dma_start3A_116 = arith.constant 10 : i32
    %dma_start3A_117 = arith.constant 1280 : i32
    %dma_start3A_118 = tpu.memref_slice %arg7[%dma_start3A_117] : memref<3328xf32, #tpu.memory_space<vmem>> -> memref<128xf32, #tpu.memory_space<vmem>>
    %dma_start3A_119 = arith.constant 0 : i32
    %dma_start3A_120 = tpu.memref_slice %arg6[%dma_start3A_116, %dma_start3A_119] : memref<26x128xi32, #tpu.memory_space<vmem>> -> memref<1x128xi32, #tpu.memory_space<vmem>>
    %dma_start3A_121 = tpu.memref_squeeze %dma_start3A_120 : memref<1x128xi32, #tpu.memory_space<vmem>> -> memref<128xi32, #tpu.memory_space<vmem>>
    %dma_start3A_122 = arith.constant 0 : i32
    %dma_start3A_123 = tpu.memref_slice %arg4[%dma_start3A_122] : memref<1000448xf32, #tpu.memory_space<hbm>> -> memref<1000448xf32, #tpu.memory_space<hbm>>
    tpu.enqueue_indirect_dma source(%dma_start3A_123 : memref<1000448xf32, #tpu.memory_space<hbm>>) target(%dma_start3A_118 : memref<128xf32, #tpu.memory_space<vmem>>) offsets(%dma_start3A_121 : memref<128xi32, #tpu.memory_space<vmem>>) semaphore(%arg12 : memref<!tpu.dma_semaphore, #tpu.memory_space<semaphore_mem>>)
    %dma_start3A_124 = arith.constant 11 : i32
    %dma_start3A_125 = arith.constant 1408 : i32
    %dma_start3A_126 = tpu.memref_slice %arg7[%dma_start3A_125] : memref<3328xf32, #tpu.memory_space<vmem>> -> memref<128xf32, #tpu.memory_space<vmem>>
    %dma_start3A_127 = arith.constant 0 : i32
    %dma_start3A_128 = tpu.memref_slice %arg6[%dma_start3A_124, %dma_start3A_127] : memref<26x128xi32, #tpu.memory_space<vmem>> -> memref<1x128xi32, #tpu.memory_space<vmem>>
    %dma_start3A_129 = tpu.memref_squeeze %dma_start3A_128 : memref<1x128xi32, #tpu.memory_space<vmem>> -> memref<128xi32, #tpu.memory_space<vmem>>
    %dma_start3A_130 = arith.constant 0 : i32
    %dma_start3A_131 = tpu.memref_slice %arg4[%dma_start3A_130] : memref<1000448xf32, #tpu.memory_space<hbm>> -> memref<1000448xf32, #tpu.memory_space<hbm>>
    tpu.enqueue_indirect_dma source(%dma_start3A_131 : memref<1000448xf32, #tpu.memory_space<hbm>>) target(%dma_start3A_126 : memref<128xf32, #tpu.memory_space<vmem>>) offsets(%dma_start3A_129 : memref<128xi32, #tpu.memory_space<vmem>>) semaphore(%arg12 : memref<!tpu.dma_semaphore, #tpu.memory_space<semaphore_mem>>)
    %dma_start3A_132 = arith.constant 12 : i32
    %dma_start3A_133 = arith.constant 1536 : i32
    %dma_start3A_134 = tpu.memref_slice %arg7[%dma_start3A_133] : memref<3328xf32, #tpu.memory_space<vmem>> -> memref<128xf32, #tpu.memory_space<vmem>>
    %dma_start3A_135 = arith.constant 0 : i32
    %dma_start3A_136 = tpu.memref_slice %arg6[%dma_start3A_132, %dma_start3A_135] : memref<26x128xi32, #tpu.memory_space<vmem>> -> memref<1x128xi32, #tpu.memory_space<vmem>>
    %dma_start3A_137 = tpu.memref_squeeze %dma_start3A_136 : memref<1x128xi32, #tpu.memory_space<vmem>> -> memref<128xi32, #tpu.memory_space<vmem>>
    %dma_start3A_138 = arith.constant 0 : i32
    %dma_start3A_139 = tpu.memref_slice %arg4[%dma_start3A_138] : memref<1000448xf32, #tpu.memory_space<hbm>> -> memref<1000448xf32, #tpu.memory_space<hbm>>
    tpu.enqueue_indirect_dma source(%dma_start3A_139 : memref<1000448xf32, #tpu.memory_space<hbm>>) target(%dma_start3A_134 : memref<128xf32, #tpu.memory_space<vmem>>) offsets(%dma_start3A_137 : memref<128xi32, #tpu.memory_space<vmem>>) semaphore(%arg12 : memref<!tpu.dma_semaphore, #tpu.memory_space<semaphore_mem>>)
    %dma_start3A_140 = arith.constant 13 : i32
    %dma_start3A_141 = arith.constant 1664 : i32
    %dma_start3A_142 = tpu.memref_slice %arg7[%dma_start3A_141] : memref<3328xf32, #tpu.memory_space<vmem>> -> memref<128xf32, #tpu.memory_space<vmem>>
    %dma_start3A_143 = arith.constant 0 : i32
    %dma_start3A_144 = tpu.memref_slice %arg6[%dma_start3A_140, %dma_start3A_143] : memref<26x128xi32, #tpu.memory_space<vmem>> -> memref<1x128xi32, #tpu.memory_space<vmem>>
    %dma_start3A_145 = tpu.memref_squeeze %dma_start3A_144 : memref<1x128xi32, #tpu.memory_space<vmem>> -> memref<128xi32, #tpu.memory_space<vmem>>
    %dma_start3A_146 = arith.constant 0 : i32
    %dma_start3A_147 = tpu.memref_slice %arg4[%dma_start3A_146] : memref<1000448xf32, #tpu.memory_space<hbm>> -> memref<1000448xf32, #tpu.memory_space<hbm>>
    tpu.enqueue_indirect_dma source(%dma_start3A_147 : memref<1000448xf32, #tpu.memory_space<hbm>>) target(%dma_start3A_142 : memref<128xf32, #tpu.memory_space<vmem>>) offsets(%dma_start3A_145 : memref<128xi32, #tpu.memory_space<vmem>>) semaphore(%arg12 : memref<!tpu.dma_semaphore, #tpu.memory_space<semaphore_mem>>)
    %dma_start3A_148 = arith.constant 14 : i32
    %dma_start3A_149 = arith.constant 1792 : i32
    %dma_start3A_150 = tpu.memref_slice %arg7[%dma_start3A_149] : memref<3328xf32, #tpu.memory_space<vmem>> -> memref<128xf32, #tpu.memory_space<vmem>>
    %dma_start3A_151 = arith.constant 0 : i32
    %dma_start3A_152 = tpu.memref_slice %arg6[%dma_start3A_148, %dma_start3A_151] : memref<26x128xi32, #tpu.memory_space<vmem>> -> memref<1x128xi32, #tpu.memory_space<vmem>>
    %dma_start3A_153 = tpu.memref_squeeze %dma_start3A_152 : memref<1x128xi32, #tpu.memory_space<vmem>> -> memref<128xi32, #tpu.memory_space<vmem>>
    %dma_start3A_154 = arith.constant 0 : i32
    %dma_start3A_155 = tpu.memref_slice %arg4[%dma_start3A_154] : memref<1000448xf32, #tpu.memory_space<hbm>> -> memref<1000448xf32, #tpu.memory_space<hbm>>
    tpu.enqueue_indirect_dma source(%dma_start3A_155 : memref<1000448xf32, #tpu.memory_space<hbm>>) target(%dma_start3A_150 : memref<128xf32, #tpu.memory_space<vmem>>) offsets(%dma_start3A_153 : memref<128xi32, #tpu.memory_space<vmem>>) semaphore(%arg12 : memref<!tpu.dma_semaphore, #tpu.memory_space<semaphore_mem>>)
    %dma_start3A_156 = arith.constant 15 : i32
    %dma_start3A_157 = arith.constant 1920 : i32
    %dma_start3A_158 = tpu.memref_slice %arg7[%dma_start3A_157] : memref<3328xf32, #tpu.memory_space<vmem>> -> memref<128xf32, #tpu.memory_space<vmem>>
    %dma_start3A_159 = arith.constant 0 : i32
    %dma_start3A_160 = tpu.memref_slice %arg6[%dma_start3A_156, %dma_start3A_159] : memref<26x128xi32, #tpu.memory_space<vmem>> -> memref<1x128xi32, #tpu.memory_space<vmem>>
    %dma_start3A_161 = tpu.memref_squeeze %dma_start3A_160 : memref<1x128xi32, #tpu.memory_space<vmem>> -> memref<128xi32, #tpu.memory_space<vmem>>
    %dma_start3A_162 = arith.constant 0 : i32
    %dma_start3A_163 = tpu.memref_slice %arg4[%dma_start3A_162] : memref<1000448xf32, #tpu.memory_space<hbm>> -> memref<1000448xf32, #tpu.memory_space<hbm>>
    tpu.enqueue_indirect_dma source(%dma_start3A_163 : memref<1000448xf32, #tpu.memory_space<hbm>>) target(%dma_start3A_158 : memref<128xf32, #tpu.memory_space<vmem>>) offsets(%dma_start3A_161 : memref<128xi32, #tpu.memory_space<vmem>>) semaphore(%arg12 : memref<!tpu.dma_semaphore, #tpu.memory_space<semaphore_mem>>)
    %dma_start3A_164 = arith.constant 16 : i32
    %dma_start3A_165 = arith.constant 2048 : i32
    %dma_start3A_166 = tpu.memref_slice %arg7[%dma_start3A_165] : memref<3328xf32, #tpu.memory_space<vmem>> -> memref<128xf32, #tpu.memory_space<vmem>>
    %dma_start3A_167 = arith.constant 0 : i32
    %dma_start3A_168 = tpu.memref_slice %arg6[%dma_start3A_164, %dma_start3A_167] : memref<26x128xi32, #tpu.memory_space<vmem>> -> memref<1x128xi32, #tpu.memory_space<vmem>>
    %dma_start3A_169 = tpu.memref_squeeze %dma_start3A_168 : memref<1x128xi32, #tpu.memory_space<vmem>> -> memref<128xi32, #tpu.memory_space<vmem>>
    %dma_start3A_170 = arith.constant 0 : i32
    %dma_start3A_171 = tpu.memref_slice %arg4[%dma_start3A_170] : memref<1000448xf32, #tpu.memory_space<hbm>> -> memref<1000448xf32, #tpu.memory_space<hbm>>
    tpu.enqueue_indirect_dma source(%dma_start3A_171 : memref<1000448xf32, #tpu.memory_space<hbm>>) target(%dma_start3A_166 : memref<128xf32, #tpu.memory_space<vmem>>) offsets(%dma_start3A_169 : memref<128xi32, #tpu.memory_space<vmem>>) semaphore(%arg12 : memref<!tpu.dma_semaphore, #tpu.memory_space<semaphore_mem>>)
    %dma_start3A_172 = arith.constant 17 : i32
    %dma_start3A_173 = arith.constant 2176 : i32
    %dma_start3A_174 = tpu.memref_slice %arg7[%dma_start3A_173] : memref<3328xf32, #tpu.memory_space<vmem>> -> memref<128xf32, #tpu.memory_space<vmem>>
    %dma_start3A_175 = arith.constant 0 : i32
    %dma_start3A_176 = tpu.memref_slice %arg6[%dma_start3A_172, %dma_start3A_175] : memref<26x128xi32, #tpu.memory_space<vmem>> -> memref<1x128xi32, #tpu.memory_space<vmem>>
    %dma_start3A_177 = tpu.memref_squeeze %dma_start3A_176 : memref<1x128xi32, #tpu.memory_space<vmem>> -> memref<128xi32, #tpu.memory_space<vmem>>
    %dma_start3A_178 = arith.constant 0 : i32
    %dma_start3A_179 = tpu.memref_slice %arg4[%dma_start3A_178] : memref<1000448xf32, #tpu.memory_space<hbm>> -> memref<1000448xf32, #tpu.memory_space<hbm>>
    tpu.enqueue_indirect_dma source(%dma_start3A_179 : memref<1000448xf32, #tpu.memory_space<hbm>>) target(%dma_start3A_174 : memref<128xf32, #tpu.memory_space<vmem>>) offsets(%dma_start3A_177 : memref<128xi32, #tpu.memory_space<vmem>>) semaphore(%arg12 : memref<!tpu.dma_semaphore, #tpu.memory_space<semaphore_mem>>)
    %dma_start3A_180 = arith.constant 18 : i32
    %dma_start3A_181 = arith.constant 2304 : i32
    %dma_start3A_182 = tpu.memref_slice %arg7[%dma_start3A_181] : memref<3328xf32, #tpu.memory_space<vmem>> -> memref<128xf32, #tpu.memory_space<vmem>>
    %dma_start3A_183 = arith.constant 0 : i32
    %dma_start3A_184 = tpu.memref_slice %arg6[%dma_start3A_180, %dma_start3A_183] : memref<26x128xi32, #tpu.memory_space<vmem>> -> memref<1x128xi32, #tpu.memory_space<vmem>>
    %dma_start3A_185 = tpu.memref_squeeze %dma_start3A_184 : memref<1x128xi32, #tpu.memory_space<vmem>> -> memref<128xi32, #tpu.memory_space<vmem>>
    %dma_start3A_186 = arith.constant 0 : i32
    %dma_start3A_187 = tpu.memref_slice %arg4[%dma_start3A_186] : memref<1000448xf32, #tpu.memory_space<hbm>> -> memref<1000448xf32, #tpu.memory_space<hbm>>
    tpu.enqueue_indirect_dma source(%dma_start3A_187 : memref<1000448xf32, #tpu.memory_space<hbm>>) target(%dma_start3A_182 : memref<128xf32, #tpu.memory_space<vmem>>) offsets(%dma_start3A_185 : memref<128xi32, #tpu.memory_space<vmem>>) semaphore(%arg12 : memref<!tpu.dma_semaphore, #tpu.memory_space<semaphore_mem>>)
    %dma_start3A_188 = arith.constant 19 : i32
    %dma_start3A_189 = arith.constant 2432 : i32
    %dma_start3A_190 = tpu.memref_slice %arg7[%dma_start3A_189] : memref<3328xf32, #tpu.memory_space<vmem>> -> memref<128xf32, #tpu.memory_space<vmem>>
    %dma_start3A_191 = arith.constant 0 : i32
    %dma_start3A_192 = tpu.memref_slice %arg6[%dma_start3A_188, %dma_start3A_191] : memref<26x128xi32, #tpu.memory_space<vmem>> -> memref<1x128xi32, #tpu.memory_space<vmem>>
    %dma_start3A_193 = tpu.memref_squeeze %dma_start3A_192 : memref<1x128xi32, #tpu.memory_space<vmem>> -> memref<128xi32, #tpu.memory_space<vmem>>
    %dma_start3A_194 = arith.constant 0 : i32
    %dma_start3A_195 = tpu.memref_slice %arg4[%dma_start3A_194] : memref<1000448xf32, #tpu.memory_space<hbm>> -> memref<1000448xf32, #tpu.memory_space<hbm>>
    tpu.enqueue_indirect_dma source(%dma_start3A_195 : memref<1000448xf32, #tpu.memory_space<hbm>>) target(%dma_start3A_190 : memref<128xf32, #tpu.memory_space<vmem>>) offsets(%dma_start3A_193 : memref<128xi32, #tpu.memory_space<vmem>>) semaphore(%arg12 : memref<!tpu.dma_semaphore, #tpu.memory_space<semaphore_mem>>)
    %dma_start3A_196 = arith.constant 20 : i32
    %dma_start3A_197 = arith.constant 2560 : i32
    %dma_start3A_198 = tpu.memref_slice %arg7[%dma_start3A_197] : memref<3328xf32, #tpu.memory_space<vmem>> -> memref<128xf32, #tpu.memory_space<vmem>>
    %dma_start3A_199 = arith.constant 0 : i32
    %dma_start3A_200 = tpu.memref_slice %arg6[%dma_start3A_196, %dma_start3A_199] : memref<26x128xi32, #tpu.memory_space<vmem>> -> memref<1x128xi32, #tpu.memory_space<vmem>>
    %dma_start3A_201 = tpu.memref_squeeze %dma_start3A_200 : memref<1x128xi32, #tpu.memory_space<vmem>> -> memref<128xi32, #tpu.memory_space<vmem>>
    %dma_start3A_202 = arith.constant 0 : i32
    %dma_start3A_203 = tpu.memref_slice %arg4[%dma_start3A_202] : memref<1000448xf32, #tpu.memory_space<hbm>> -> memref<1000448xf32, #tpu.memory_space<hbm>>
    tpu.enqueue_indirect_dma source(%dma_start3A_203 : memref<1000448xf32, #tpu.memory_space<hbm>>) target(%dma_start3A_198 : memref<128xf32, #tpu.memory_space<vmem>>) offsets(%dma_start3A_201 : memref<128xi32, #tpu.memory_space<vmem>>) semaphore(%arg12 : memref<!tpu.dma_semaphore, #tpu.memory_space<semaphore_mem>>)
    %dma_start3A_204 = arith.constant 21 : i32
    %dma_start3A_205 = arith.constant 2688 : i32
    %dma_start3A_206 = tpu.memref_slice %arg7[%dma_start3A_205] : memref<3328xf32, #tpu.memory_space<vmem>> -> memref<128xf32, #tpu.memory_space<vmem>>
    %dma_start3A_207 = arith.constant 0 : i32
    %dma_start3A_208 = tpu.memref_slice %arg6[%dma_start3A_204, %dma_start3A_207] : memref<26x128xi32, #tpu.memory_space<vmem>> -> memref<1x128xi32, #tpu.memory_space<vmem>>
    %dma_start3A_209 = tpu.memref_squeeze %dma_start3A_208 : memref<1x128xi32, #tpu.memory_space<vmem>> -> memref<128xi32, #tpu.memory_space<vmem>>
    %dma_start3A_210 = arith.constant 0 : i32
    %dma_start3A_211 = tpu.memref_slice %arg4[%dma_start3A_210] : memref<1000448xf32, #tpu.memory_space<hbm>> -> memref<1000448xf32, #tpu.memory_space<hbm>>
    tpu.enqueue_indirect_dma source(%dma_start3A_211 : memref<1000448xf32, #tpu.memory_space<hbm>>) target(%dma_start3A_206 : memref<128xf32, #tpu.memory_space<vmem>>) offsets(%dma_start3A_209 : memref<128xi32, #tpu.memory_space<vmem>>) semaphore(%arg12 : memref<!tpu.dma_semaphore, #tpu.memory_space<semaphore_mem>>)
    %dma_start3A_212 = arith.constant 22 : i32
    %dma_start3A_213 = arith.constant 2816 : i32
    %dma_start3A_214 = tpu.memref_slice %arg7[%dma_start3A_213] : memref<3328xf32, #tpu.memory_space<vmem>> -> memref<128xf32, #tpu.memory_space<vmem>>
    %dma_start3A_215 = arith.constant 0 : i32
    %dma_start3A_216 = tpu.memref_slice %arg6[%dma_start3A_212, %dma_start3A_215] : memref<26x128xi32, #tpu.memory_space<vmem>> -> memref<1x128xi32, #tpu.memory_space<vmem>>
    %dma_start3A_217 = tpu.memref_squeeze %dma_start3A_216 : memref<1x128xi32, #tpu.memory_space<vmem>> -> memref<128xi32, #tpu.memory_space<vmem>>
    %dma_start3A_218 = arith.constant 0 : i32
    %dma_start3A_219 = tpu.memref_slice %arg4[%dma_start3A_218] : memref<1000448xf32, #tpu.memory_space<hbm>> -> memref<1000448xf32, #tpu.memory_space<hbm>>
    tpu.enqueue_indirect_dma source(%dma_start3A_219 : memref<1000448xf32, #tpu.memory_space<hbm>>) target(%dma_start3A_214 : memref<128xf32, #tpu.memory_space<vmem>>) offsets(%dma_start3A_217 : memref<128xi32, #tpu.memory_space<vmem>>) semaphore(%arg12 : memref<!tpu.dma_semaphore, #tpu.memory_space<semaphore_mem>>)
    %dma_start3A_220 = arith.constant 23 : i32
    %dma_start3A_221 = arith.constant 2944 : i32
    %dma_start3A_222 = tpu.memref_slice %arg7[%dma_start3A_221] : memref<3328xf32, #tpu.memory_space<vmem>> -> memref<128xf32, #tpu.memory_space<vmem>>
    %dma_start3A_223 = arith.constant 0 : i32
    %dma_start3A_224 = tpu.memref_slice %arg6[%dma_start3A_220, %dma_start3A_223] : memref<26x128xi32, #tpu.memory_space<vmem>> -> memref<1x128xi32, #tpu.memory_space<vmem>>
    %dma_start3A_225 = tpu.memref_squeeze %dma_start3A_224 : memref<1x128xi32, #tpu.memory_space<vmem>> -> memref<128xi32, #tpu.memory_space<vmem>>
    %dma_start3A_226 = arith.constant 0 : i32
    %dma_start3A_227 = tpu.memref_slice %arg4[%dma_start3A_226] : memref<1000448xf32, #tpu.memory_space<hbm>> -> memref<1000448xf32, #tpu.memory_space<hbm>>
    tpu.enqueue_indirect_dma source(%dma_start3A_227 : memref<1000448xf32, #tpu.memory_space<hbm>>) target(%dma_start3A_222 : memref<128xf32, #tpu.memory_space<vmem>>) offsets(%dma_start3A_225 : memref<128xi32, #tpu.memory_space<vmem>>) semaphore(%arg12 : memref<!tpu.dma_semaphore, #tpu.memory_space<semaphore_mem>>)
    %dma_start3A_228 = arith.constant 24 : i32
    %dma_start3A_229 = arith.constant 3072 : i32
    %dma_start3A_230 = tpu.memref_slice %arg7[%dma_start3A_229] : memref<3328xf32, #tpu.memory_space<vmem>> -> memref<128xf32, #tpu.memory_space<vmem>>
    %dma_start3A_231 = arith.constant 0 : i32
    %dma_start3A_232 = tpu.memref_slice %arg6[%dma_start3A_228, %dma_start3A_231] : memref<26x128xi32, #tpu.memory_space<vmem>> -> memref<1x128xi32, #tpu.memory_space<vmem>>
    %dma_start3A_233 = tpu.memref_squeeze %dma_start3A_232 : memref<1x128xi32, #tpu.memory_space<vmem>> -> memref<128xi32, #tpu.memory_space<vmem>>
    %dma_start3A_234 = arith.constant 0 : i32
    %dma_start3A_235 = tpu.memref_slice %arg4[%dma_start3A_234] : memref<1000448xf32, #tpu.memory_space<hbm>> -> memref<1000448xf32, #tpu.memory_space<hbm>>
    tpu.enqueue_indirect_dma source(%dma_start3A_235 : memref<1000448xf32, #tpu.memory_space<hbm>>) target(%dma_start3A_230 : memref<128xf32, #tpu.memory_space<vmem>>) offsets(%dma_start3A_233 : memref<128xi32, #tpu.memory_space<vmem>>) semaphore(%arg12 : memref<!tpu.dma_semaphore, #tpu.memory_space<semaphore_mem>>)
    %dma_start3A_236 = arith.constant 25 : i32
    %dma_start3A_237 = arith.constant 3200 : i32
    %dma_start3A_238 = tpu.memref_slice %arg7[%dma_start3A_237] : memref<3328xf32, #tpu.memory_space<vmem>> -> memref<128xf32, #tpu.memory_space<vmem>>
    %dma_start3A_239 = arith.constant 0 : i32
    %dma_start3A_240 = tpu.memref_slice %arg6[%dma_start3A_236, %dma_start3A_239] : memref<26x128xi32, #tpu.memory_space<vmem>> -> memref<1x128xi32, #tpu.memory_space<vmem>>
    %dma_start3A_241 = tpu.memref_squeeze %dma_start3A_240 : memref<1x128xi32, #tpu.memory_space<vmem>> -> memref<128xi32, #tpu.memory_space<vmem>>
    %dma_start3A_242 = arith.constant 0 : i32
    %dma_start3A_243 = tpu.memref_slice %arg4[%dma_start3A_242] : memref<1000448xf32, #tpu.memory_space<hbm>> -> memref<1000448xf32, #tpu.memory_space<hbm>>
    tpu.enqueue_indirect_dma source(%dma_start3A_243 : memref<1000448xf32, #tpu.memory_space<hbm>>) target(%dma_start3A_238 : memref<128xf32, #tpu.memory_space<vmem>>) offsets(%dma_start3A_241 : memref<128xi32, #tpu.memory_space<vmem>>) semaphore(%arg12 : memref<!tpu.dma_semaphore, #tpu.memory_space<semaphore_mem>>)
    %dma_wait3A = arith.constant 0 : i32
    %dma_wait3A_244 = arith.constant 0 : i32
    %dma_wait3A_245 = arith.constant 0 : i32
    %dma_wait3A_246 = arith.constant 0 : i32
    %dma_wait3A_247 = tpu.memref_slice %arg8[%dma_wait3A, %dma_wait3A_244, %dma_wait3A_245, %dma_wait3A_246] : memref<2x13x16x128xf32, #tpu.memory_space<vmem>> -> memref<1x13x16x128xf32, #tpu.memory_space<vmem>>
    %dma_wait3A_248 = tpu.memref_squeeze %dma_wait3A_247 : memref<1x13x16x128xf32, #tpu.memory_space<vmem>> -> memref<13x16x128xf32, #tpu.memory_space<vmem>>
    %dma_wait3A_249 = arith.constant 0 : i32
    %dma_wait3A_250 = arith.constant 0 : i32
    %dma_wait3A_251 = tpu.memref_slice %arg3[%dma_wait3A_249, %dma_wait3A_250, %mul3A_2] : memref<26x16x4096xf32, #tpu.memory_space<hbm>> -> memref<13x16x128xf32, #tpu.memory_space<hbm>>
    %dma_wait3A_252 = arith.constant 0 : i32
    %dma_wait3A_253 = arith.constant 0 : i32
    %dma_wait3A_254 = arith.constant 0 : i32
    %dma_wait3A_255 = tpu.memref_slice %arg8[%dma_wait3A, %dma_wait3A_252, %dma_wait3A_253, %dma_wait3A_254] : memref<2x13x16x128xf32, #tpu.memory_space<vmem>> -> memref<1x13x16x128xf32, #tpu.memory_space<vmem>>
    %dma_wait3A_256 = tpu.memref_squeeze %dma_wait3A_255 : memref<1x13x16x128xf32, #tpu.memory_space<vmem>> -> memref<13x16x128xf32, #tpu.memory_space<vmem>>
    %dma_wait3A_257 = arith.constant 0 : i32
    %dma_wait3A_258 = arith.constant 0 : i32
    %dma_wait3A_259 = tpu.memref_slice %arg3[%dma_wait3A_257, %dma_wait3A_258, %mul3A_2] : memref<26x16x4096xf32, #tpu.memory_space<hbm>> -> memref<13x16x128xf32, #tpu.memory_space<hbm>>
    tpu.wait_dma2 semaphore(%arg13 : memref<!tpu.dma_semaphore, #tpu.memory_space<semaphore_mem>>) src(%dma_wait3A_259 : memref<13x16x128xf32, #tpu.memory_space<hbm>>) dst(%dma_wait3A_256 : memref<13x16x128xf32, #tpu.memory_space<vmem>>)
    %scan3A = arith.constant 0 : i32
    %scan3A_260 = arith.constant 0 : i32
    %scan3A_261 = arith.constant 16 : i32
    %scan3A_262 = arith.addi %scan3A_260, %scan3A_261 : i32
    %scan3A_263 = arith.constant 1 : i32
    %scan3A_264 = scf.for %scan3A_1297 = %scan3A_260 to %scan3A_262 step %scan3A_263 iter_args(%scan3A_1298 = %scan3A) -> (i32)  : i32 {
      %get3A_1299 = arith.constant 0 : i32
      %get3A_1300 = arith.constant 0 : i32
      %get3A_1301 = arith.index_cast %get3A_1299 : i32 to index
      %get3A_1302 = arith.index_cast %get3A_1300 : i32 to index
      %get3A_1303 = arith.index_cast %scan3A_1297 : i32 to index
      %get3A_1304 = arith.constant 0 : index
      %get3A_1305 = tpu.vector_load %arg8[%get3A_1301, %get3A_1302, %get3A_1303, %get3A_1304] {strides = array<i32>} : memref<2x13x16x128xf32, #tpu.memory_space<vmem>>, vector<16xf32>,
      %mul3A_1306 = arith.mulf %get3A_1305, %get3A_1305 : vector<16xf32>
      %get3A_1307 = arith.constant 0 : i32
      %get3A_1308 = arith.constant 1 : i32
      %get3A_1309 = arith.index_cast %get3A_1307 : i32 to index
      %get3A_1310 = arith.index_cast %get3A_1308 : i32 to index
      %get3A_1311 = arith.index_cast %scan3A_1297 : i32 to index
      %get3A_1312 = arith.constant 0 : index
      %get3A_1313 = tpu.vector_load %arg8[%get3A_1309, %get3A_1310, %get3A_1311, %get3A_1312] {strides = array<i32>} : memref<2x13x16x128xf32, #tpu.memory_space<vmem>>, vector<16xf32>,
      %add3A_1314 = arith.addf %get3A_1305, %get3A_1313 : vector<16xf32>
      %mul3A_1315 = arith.mulf %get3A_1313, %get3A_1313 : vector<16xf32>
      %add3A_1316 = arith.addf %mul3A_1306, %mul3A_1315 : vector<16xf32>
      %get3A_1317 = arith.constant 0 : i32
      %get3A_1318 = arith.constant 2 : i32
      %get3A_1319 = arith.index_cast %get3A_1317 : i32 to index
      %get3A_1320 = arith.index_cast %get3A_1318 : i32 to index
      %get3A_1321 = arith.index_cast %scan3A_1297 : i32 to index
      %get3A_1322 = arith.constant 0 : index
      %get3A_1323 = tpu.vector_load %arg8[%get3A_1319, %get3A_1320, %get3A_1321, %get3A_1322] {strides = array<i32>} : memref<2x13x16x128xf32, #tpu.memory_space<vmem>>, vector<16xf32>,
      %add3A_1324 = arith.addf %add3A_1314, %get3A_1323 : vector<16xf32>
      %mul3A_1325 = arith.mulf %get3A_1323, %get3A_1323 : vector<16xf32>
      %add3A_1326 = arith.addf %add3A_1316, %mul3A_1325 : vector<16xf32>
      %get3A_1327 = arith.constant 0 : i32
      %get3A_1328 = arith.constant 3 : i32
      %get3A_1329 = arith.index_cast %get3A_1327 : i32 to index
      %get3A_1330 = arith.index_cast %get3A_1328 : i32 to index
      %get3A_1331 = arith.index_cast %scan3A_1297 : i32 to index
      %get3A_1332 = arith.constant 0 : index
      %get3A_1333 = tpu.vector_load %arg8[%get3A_1329, %get3A_1330, %get3A_1331, %get3A_1332] {strides = array<i32>} : memref<2x13x16x128xf32, #tpu.memory_space<vmem>>, vector<16xf32>,
      %add3A_1334 = arith.addf %add3A_1324, %get3A_1333 : vector<16xf32>
      %mul3A_1335 = arith.mulf %get3A_1333, %get3A_1333 : vector<16xf32>
      %add3A_1336 = arith.addf %add3A_1326, %mul3A_1335 : vector<16xf32>
      %get3A_1337 = arith.constant 0 : i32
      %get3A_1338 = arith.constant 4 : i32
      %get3A_1339 = arith.index_cast %get3A_1337 : i32 to index
      %get3A_1340 = arith.index_cast %get3A_1338 : i32 to index
      %get3A_1341 = arith.index_cast %scan3A_1297 : i32 to index
      %get3A_1342 = arith.constant 0 : index
      %get3A_1343 = tpu.vector_load %arg8[%get3A_1339, %get3A_1340, %get3A_1341, %get3A_1342] {strides = array<i32>} : memref<2x13x16x128xf32, #tpu.memory_space<vmem>>, vector<16xf32>,
      %add3A_1344 = arith.addf %add3A_1334, %get3A_1343 : vector<16xf32>
      %mul3A_1345 = arith.mulf %get3A_1343, %get3A_1343 : vector<16xf32>
      %add3A_1346 = arith.addf %add3A_1336, %mul3A_1345 : vector<16xf32>
      %get3A_1347 = arith.constant 0 : i32
      %get3A_1348 = arith.constant 5 : i32
      %get3A_1349 = arith.index_cast %get3A_1347 : i32 to index
      %get3A_1350 = arith.index_cast %get3A_1348 : i32 to index
      %get3A_1351 = arith.index_cast %scan3A_1297 : i32 to index
      %get3A_1352 = arith.constant 0 : index
      %get3A_1353 = tpu.vector_load %arg8[%get3A_1349, %get3A_1350, %get3A_1351, %get3A_1352] {strides = array<i32>} : memref<2x13x16x128xf32, #tpu.memory_space<vmem>>, vector<16xf32>,
      %add3A_1354 = arith.addf %add3A_1344, %get3A_1353 : vector<16xf32>
      %mul3A_1355 = arith.mulf %get3A_1353, %get3A_1353 : vector<16xf32>
      %add3A_1356 = arith.addf %add3A_1346, %mul3A_1355 : vector<16xf32>
      %get3A_1357 = arith.constant 0 : i32
      %get3A_1358 = arith.constant 6 : i32
      %get3A_1359 = arith.index_cast %get3A_1357 : i32 to index
      %get3A_1360 = arith.index_cast %get3A_1358 : i32 to index
      %get3A_1361 = arith.index_cast %scan3A_1297 : i32 to index
      %get3A_1362 = arith.constant 0 : index
      %get3A_1363 = tpu.vector_load %arg8[%get3A_1359, %get3A_1360, %get3A_1361, %get3A_1362] {strides = array<i32>} : memref<2x13x16x128xf32, #tpu.memory_space<vmem>>, vector<16xf32>,
      %add3A_1364 = arith.addf %add3A_1354, %get3A_1363 : vector<16xf32>
      %mul3A_1365 = arith.mulf %get3A_1363, %get3A_1363 : vector<16xf32>
      %add3A_1366 = arith.addf %add3A_1356, %mul3A_1365 : vector<16xf32>
      %get3A_1367 = arith.constant 0 : i32
      %get3A_1368 = arith.constant 7 : i32
      %get3A_1369 = arith.index_cast %get3A_1367 : i32 to index
      %get3A_1370 = arith.index_cast %get3A_1368 : i32 to index
      %get3A_1371 = arith.index_cast %scan3A_1297 : i32 to index
      %get3A_1372 = arith.constant 0 : index
      %get3A_1373 = tpu.vector_load %arg8[%get3A_1369, %get3A_1370, %get3A_1371, %get3A_1372] {strides = array<i32>} : memref<2x13x16x128xf32, #tpu.memory_space<vmem>>, vector<16xf32>,
      %add3A_1374 = arith.addf %add3A_1364, %get3A_1373 : vector<16xf32>
      %mul3A_1375 = arith.mulf %get3A_1373, %get3A_1373 : vector<16xf32>
      %add3A_1376 = arith.addf %add3A_1366, %mul3A_1375 : vector<16xf32>
      %get3A_1377 = arith.constant 0 : i32
      %get3A_1378 = arith.constant 8 : i32
      %get3A_1379 = arith.index_cast %get3A_1377 : i32 to index
      %get3A_1380 = arith.index_cast %get3A_1378 : i32 to index
      %get3A_1381 = arith.index_cast %scan3A_1297 : i32 to index
      %get3A_1382 = arith.constant 0 : index
      %get3A_1383 = tpu.vector_load %arg8[%get3A_1379, %get3A_1380, %get3A_1381, %get3A_1382] {strides = array<i32>} : memref<2x13x16x128xf32, #tpu.memory_space<vmem>>, vector<16xf32>,
      %add3A_1384 = arith.addf %add3A_1374, %get3A_1383 : vector<16xf32>
      %mul3A_1385 = arith.mulf %get3A_1383, %get3A_1383 : vector<16xf32>
      %add3A_1386 = arith.addf %add3A_1376, %mul3A_1385 : vector<16xf32>
      %get3A_1387 = arith.constant 0 : i32
      %get3A_1388 = arith.constant 9 : i32
      %get3A_1389 = arith.index_cast %get3A_1387 : i32 to index
      %get3A_1390 = arith.index_cast %get3A_1388 : i32 to index
      %get3A_1391 = arith.index_cast %scan3A_1297 : i32 to index
      %get3A_1392 = arith.constant 0 : index
      %get3A_1393 = tpu.vector_load %arg8[%get3A_1389, %get3A_1390, %get3A_1391, %get3A_1392] {strides = array<i32>} : memref<2x13x16x128xf32, #tpu.memory_space<vmem>>, vector<16xf32>,
      %add3A_1394 = arith.addf %add3A_1384, %get3A_1393 : vector<16xf32>
      %mul3A_1395 = arith.mulf %get3A_1393, %get3A_1393 : vector<16xf32>
      %add3A_1396 = arith.addf %add3A_1386, %mul3A_1395 : vector<16xf32>
      %get3A_1397 = arith.constant 0 : i32
      %get3A_1398 = arith.constant 10 : i32
      %get3A_1399 = arith.index_cast %get3A_1397 : i32 to index
      %get3A_1400 = arith.index_cast %get3A_1398 : i32 to index
      %get3A_1401 = arith.index_cast %scan3A_1297 : i32 to index
      %get3A_1402 = arith.constant 0 : index
      %get3A_1403 = tpu.vector_load %arg8[%get3A_1399, %get3A_1400, %get3A_1401, %get3A_1402] {strides = array<i32>} : memref<2x13x16x128xf32, #tpu.memory_space<vmem>>, vector<16xf32>,
      %add3A_1404 = arith.addf %add3A_1394, %get3A_1403 : vector<16xf32>
      %mul3A_1405 = arith.mulf %get3A_1403, %get3A_1403 : vector<16xf32>
      %add3A_1406 = arith.addf %add3A_1396, %mul3A_1405 : vector<16xf32>
      %get3A_1407 = arith.constant 0 : i32
      %get3A_1408 = arith.constant 11 : i32
      %get3A_1409 = arith.index_cast %get3A_1407 : i32 to index
      %get3A_1410 = arith.index_cast %get3A_1408 : i32 to index
      %get3A_1411 = arith.index_cast %scan3A_1297 : i32 to index
      %get3A_1412 = arith.constant 0 : index
      %get3A_1413 = tpu.vector_load %arg8[%get3A_1409, %get3A_1410, %get3A_1411, %get3A_1412] {strides = array<i32>} : memref<2x13x16x128xf32, #tpu.memory_space<vmem>>, vector<16xf32>,
      %add3A_1414 = arith.addf %add3A_1404, %get3A_1413 : vector<16xf32>
      %mul3A_1415 = arith.mulf %get3A_1413, %get3A_1413 : vector<16xf32>
      %add3A_1416 = arith.addf %add3A_1406, %mul3A_1415 : vector<16xf32>
      %get3A_1417 = arith.constant 0 : i32
      %get3A_1418 = arith.constant 12 : i32
      %get3A_1419 = arith.index_cast %get3A_1417 : i32 to index
      %get3A_1420 = arith.index_cast %get3A_1418 : i32 to index
      %get3A_1421 = arith.index_cast %scan3A_1297 : i32 to index
      %get3A_1422 = arith.constant 0 : index
      %get3A_1423 = tpu.vector_load %arg8[%get3A_1419, %get3A_1420, %get3A_1421, %get3A_1422] {strides = array<i32>} : memref<2x13x16x128xf32, #tpu.memory_space<vmem>>, vector<16xf32>,
      %add3A_1424 = arith.addf %add3A_1414, %get3A_1423 : vector<16xf32>
      %mul3A_1425 = arith.mulf %get3A_1423, %get3A_1423 : vector<16xf32>
      %add3A_1426 = arith.addf %add3A_1416, %mul3A_1425 : vector<16xf32>
      %swap3A_1427 = arith.constant 0 : i32
      %swap3A_1428 = arith.index_cast %swap3A_1427 : i32 to index
      %swap3A_1429 = arith.index_cast %scan3A_1297 : i32 to index
      %swap3A_1430 = arith.constant 0 : index
      %swap3A_1431 = tpu.vector_load %arg9[%swap3A_1428, %swap3A_1429, %swap3A_1430] {strides = array<i32>} : memref<8x16x16xf32, #tpu.memory_space<vmem>>, vector<16xf32>,
      tpu.vector_store %arg9[%swap3A_1428, %swap3A_1429, %swap3A_1430], %add3A_1424 {strides = array<i32>} : memref<8x16x16xf32, #tpu.memory_space<vmem>>, vector<16xf32>,
      %swap3A_1432 = arith.constant 0 : i32
      %swap3A_1433 = arith.index_cast %swap3A_1432 : i32 to index
      %swap3A_1434 = arith.index_cast %scan3A_1297 : i32 to index
      %swap3A_1435 = arith.constant 0 : index
      %swap3A_1436 = tpu.vector_load %arg10[%swap3A_1433, %swap3A_1434, %swap3A_1435] {strides = array<i32>} : memref<8x16x16xf32, #tpu.memory_space<vmem>>, vector<16xf32>,
      tpu.vector_store %arg10[%swap3A_1433, %swap3A_1434, %swap3A_1435], %add3A_1426 {strides = array<i32>} : memref<8x16x16xf32, #tpu.memory_space<vmem>>, vector<16xf32>,
      %scan3A_1437 = arith.constant 0 : i32
      scf.yield %scan3A_1437 : i32
    }
    %scan3A_265 = arith.constant 16 : i32
    %scan3A_266 = arith.constant 0 : i32
    %scan3A_267 = arith.constant 0 : i32
    %scan3A_268 = arith.constant 16 : i32
    %scan3A_269 = arith.addi %scan3A_267, %scan3A_268 : i32
    %scan3A_270 = arith.constant 1 : i32
    %scan3A_271 = scf.for %scan3A_1297 = %scan3A_267 to %scan3A_269 step %scan3A_270 iter_args(%scan3A_1298 = %scan3A_266) -> (i32)  : i32 {
      %get3A_1299 = arith.constant 0 : i32
      %get3A_1300 = arith.constant 0 : i32
      %get3A_1301 = arith.index_cast %get3A_1299 : i32 to index
      %get3A_1302 = arith.index_cast %get3A_1300 : i32 to index
      %get3A_1303 = arith.index_cast %scan3A_1297 : i32 to index
      %get3A_1304 = arith.constant 16 : index
      %get3A_1305 = tpu.vector_load %arg8[%get3A_1301, %get3A_1302, %get3A_1303, %get3A_1304] {strides = array<i32>} : memref<2x13x16x128xf32, #tpu.memory_space<vmem>>, vector<16xf32>,
      %mul3A_1306 = arith.mulf %get3A_1305, %get3A_1305 : vector<16xf32>
      %get3A_1307 = arith.constant 0 : i32
      %get3A_1308 = arith.constant 1 : i32
      %get3A_1309 = arith.index_cast %get3A_1307 : i32 to index
      %get3A_1310 = arith.index_cast %get3A_1308 : i32 to index
      %get3A_1311 = arith.index_cast %scan3A_1297 : i32 to index
      %get3A_1312 = arith.constant 16 : index
      %get3A_1313 = tpu.vector_load %arg8[%get3A_1309, %get3A_1310, %get3A_1311, %get3A_1312] {strides = array<i32>} : memref<2x13x16x128xf32, #tpu.memory_space<vmem>>, vector<16xf32>,
      %add3A_1314 = arith.addf %get3A_1305, %get3A_1313 : vector<16xf32>
      %mul3A_1315 = arith.mulf %get3A_1313, %get3A_1313 : vector<16xf32>
      %add3A_1316 = arith.addf %mul3A_1306, %mul3A_1315 : vector<16xf32>
      %get3A_1317 = arith.constant 0 : i32
      %get3A_1318 = arith.constant 2 : i32
      %get3A_1319 = arith.index_cast %get3A_1317 : i32 to index
      %get3A_1320 = arith.index_cast %get3A_1318 : i32 to index
      %get3A_1321 = arith.index_cast %scan3A_1297 : i32 to index
      %get3A_1322 = arith.constant 16 : index
      %get3A_1323 = tpu.vector_load %arg8[%get3A_1319, %get3A_1320, %get3A_1321, %get3A_1322] {strides = array<i32>} : memref<2x13x16x128xf32, #tpu.memory_space<vmem>>, vector<16xf32>,
      %add3A_1324 = arith.addf %add3A_1314, %get3A_1323 : vector<16xf32>
      %mul3A_1325 = arith.mulf %get3A_1323, %get3A_1323 : vector<16xf32>
      %add3A_1326 = arith.addf %add3A_1316, %mul3A_1325 : vector<16xf32>
      %get3A_1327 = arith.constant 0 : i32
      %get3A_1328 = arith.constant 3 : i32
      %get3A_1329 = arith.index_cast %get3A_1327 : i32 to index
      %get3A_1330 = arith.index_cast %get3A_1328 : i32 to index
      %get3A_1331 = arith.index_cast %scan3A_1297 : i32 to index
      %get3A_1332 = arith.constant 16 : index
      %get3A_1333 = tpu.vector_load %arg8[%get3A_1329, %get3A_1330, %get3A_1331, %get3A_1332] {strides = array<i32>} : memref<2x13x16x128xf32, #tpu.memory_space<vmem>>, vector<16xf32>,
      %add3A_1334 = arith.addf %add3A_1324, %get3A_1333 : vector<16xf32>
      %mul3A_1335 = arith.mulf %get3A_1333, %get3A_1333 : vector<16xf32>
      %add3A_1336 = arith.addf %add3A_1326, %mul3A_1335 : vector<16xf32>
      %get3A_1337 = arith.constant 0 : i32
      %get3A_1338 = arith.constant 4 : i32
      %get3A_1339 = arith.index_cast %get3A_1337 : i32 to index
      %get3A_1340 = arith.index_cast %get3A_1338 : i32 to index
      %get3A_1341 = arith.index_cast %scan3A_1297 : i32 to index
      %get3A_1342 = arith.constant 16 : index
      %get3A_1343 = tpu.vector_load %arg8[%get3A_1339, %get3A_1340, %get3A_1341, %get3A_1342] {strides = array<i32>} : memref<2x13x16x128xf32, #tpu.memory_space<vmem>>, vector<16xf32>,
      %add3A_1344 = arith.addf %add3A_1334, %get3A_1343 : vector<16xf32>
      %mul3A_1345 = arith.mulf %get3A_1343, %get3A_1343 : vector<16xf32>
      %add3A_1346 = arith.addf %add3A_1336, %mul3A_1345 : vector<16xf32>
      %get3A_1347 = arith.constant 0 : i32
      %get3A_1348 = arith.constant 5 : i32
      %get3A_1349 = arith.index_cast %get3A_1347 : i32 to index
      %get3A_1350 = arith.index_cast %get3A_1348 : i32 to index
      %get3A_1351 = arith.index_cast %scan3A_1297 : i32 to index
      %get3A_1352 = arith.constant 16 : index
      %get3A_1353 = tpu.vector_load %arg8[%get3A_1349, %get3A_1350, %get3A_1351, %get3A_1352] {strides = array<i32>} : memref<2x13x16x128xf32, #tpu.memory_space<vmem>>, vector<16xf32>,
      %add3A_1354 = arith.addf %add3A_1344, %get3A_1353 : vector<16xf32>
      %mul3A_1355 = arith.mulf %get3A_1353, %get3A_1353 : vector<16xf32>
      %add3A_1356 = arith.addf %add3A_1346, %mul3A_1355 : vector<16xf32>
      %get3A_1357 = arith.constant 0 : i32
      %get3A_1358 = arith.constant 6 : i32
      %get3A_1359 = arith.index_cast %get3A_1357 : i32 to index
      %get3A_1360 = arith.index_cast %get3A_1358 : i32 to index
      %get3A_1361 = arith.index_cast %scan3A_1297 : i32 to index
      %get3A_1362 = arith.constant 16 : index
      %get3A_1363 = tpu.vector_load %arg8[%get3A_1359, %get3A_1360, %get3A_1361, %get3A_1362] {strides = array<i32>} : memref<2x13x16x128xf32, #tpu.memory_space<vmem>>, vector<16xf32>,
      %add3A_1364 = arith.addf %add3A_1354, %get3A_1363 : vector<16xf32>
      %mul3A_1365 = arith.mulf %get3A_1363, %get3A_1363 : vector<16xf32>
      %add3A_1366 = arith.addf %add3A_1356, %mul3A_1365 : vector<16xf32>
      %get3A_1367 = arith.constant 0 : i32
      %get3A_1368 = arith.constant 7 : i32
      %get3A_1369 = arith.index_cast %get3A_1367 : i32 to index
      %get3A_1370 = arith.index_cast %get3A_1368 : i32 to index
      %get3A_1371 = arith.index_cast %scan3A_1297 : i32 to index
      %get3A_1372 = arith.constant 16 : index
      %get3A_1373 = tpu.vector_load %arg8[%get3A_1369, %get3A_1370, %get3A_1371, %get3A_1372] {strides = array<i32>} : memref<2x13x16x128xf32, #tpu.memory_space<vmem>>, vector<16xf32>,
      %add3A_1374 = arith.addf %add3A_1364, %get3A_1373 : vector<16xf32>
      %mul3A_1375 = arith.mulf %get3A_1373, %get3A_1373 : vector<16xf32>
      %add3A_1376 = arith.addf %add3A_1366, %mul3A_1375 : vector<16xf32>
      %get3A_1377 = arith.constant 0 : i32
      %get3A_1378 = arith.constant 8 : i32
      %get3A_1379 = arith.index_cast %get3A_1377 : i32 to index
      %get3A_1380 = arith.index_cast %get3A_1378 : i32 to index
      %get3A_1381 = arith.index_cast %scan3A_1297 : i32 to index
      %get3A_1382 = arith.constant 16 : index
      %get3A_1383 = tpu.vector_load %arg8[%get3A_1379, %get3A_1380, %get3A_1381, %get3A_1382] {strides = array<i32>} : memref<2x13x16x128xf32, #tpu.memory_space<vmem>>, vector<16xf32>,
      %add3A_1384 = arith.addf %add3A_1374, %get3A_1383 : vector<16xf32>
      %mul3A_1385 = arith.mulf %get3A_1383, %get3A_1383 : vector<16xf32>
      %add3A_1386 = arith.addf %add3A_1376, %mul3A_1385 : vector<16xf32>
      %get3A_1387 = arith.constant 0 : i32
      %get3A_1388 = arith.constant 9 : i32
      %get3A_1389 = arith.index_cast %get3A_1387 : i32 to index
      %get3A_1390 = arith.index_cast %get3A_1388 : i32 to index
      %get3A_1391 = arith.index_cast %scan3A_1297 : i32 to index
      %get3A_1392 = arith.constant 16 : index
      %get3A_1393 = tpu.vector_load %arg8[%get3A_1389, %get3A_1390, %get3A_1391, %get3A_1392] {strides = array<i32>} : memref<2x13x16x128xf32, #tpu.memory_space<vmem>>, vector<16xf32>,
      %add3A_1394 = arith.addf %add3A_1384, %get3A_1393 : vector<16xf32>
      %mul3A_1395 = arith.mulf %get3A_1393, %get3A_1393 : vector<16xf32>
      %add3A_1396 = arith.addf %add3A_1386, %mul3A_1395 : vector<16xf32>
      %get3A_1397 = arith.constant 0 : i32
      %get3A_1398 = arith.constant 10 : i32
      %get3A_1399 = arith.index_cast %get3A_1397 : i32 to index
      %get3A_1400 = arith.index_cast %get3A_1398 : i32 to index
      %get3A_1401 = arith.index_cast %scan3A_1297 : i32 to index
      %get3A_1402 = arith.constant 16 : index
      %get3A_1403 = tpu.vector_load %arg8[%get3A_1399, %get3A_1400, %get3A_1401, %get3A_1402] {strides = array<i32>} : memref<2x13x16x128xf32, #tpu.memory_space<vmem>>, vector<16xf32>,
      %add3A_1404 = arith.addf %add3A_1394, %get3A_1403 : vector<16xf32>
      %mul3A_1405 = arith.mulf %get3A_1403, %get3A_1403 : vector<16xf32>
      %add3A_1406 = arith.addf %add3A_1396, %mul3A_1405 : vector<16xf32>
      %get3A_1407 = arith.constant 0 : i32
      %get3A_1408 = arith.constant 11 : i32
      %get3A_1409 = arith.index_cast %get3A_1407 : i32 to index
      %get3A_1410 = arith.index_cast %get3A_1408 : i32 to index
      %get3A_1411 = arith.index_cast %scan3A_1297 : i32 to index
      %get3A_1412 = arith.constant 16 : index
      %get3A_1413 = tpu.vector_load %arg8[%get3A_1409, %get3A_1410, %get3A_1411, %get3A_1412] {strides = array<i32>} : memref<2x13x16x128xf32, #tpu.memory_space<vmem>>, vector<16xf32>,
      %add3A_1414 = arith.addf %add3A_1404, %get3A_1413 : vector<16xf32>
      %mul3A_1415 = arith.mulf %get3A_1413, %get3A_1413 : vector<16xf32>
      %add3A_1416 = arith.addf %add3A_1406, %mul3A_1415 : vector<16xf32>
      %get3A_1417 = arith.constant 0 : i32
      %get3A_1418 = arith.constant 12 : i32
      %get3A_1419 = arith.index_cast %get3A_1417 : i32 to index
      %get3A_1420 = arith.index_cast %get3A_1418 : i32 to index
      %get3A_1421 = arith.index_cast %scan3A_1297 : i32 to index
      %get3A_1422 = arith.constant 16 : index
      %get3A_1423 = tpu.vector_load %arg8[%get3A_1419, %get3A_1420, %get3A_1421, %get3A_1422] {strides = array<i32>} : memref<2x13x16x128xf32, #tpu.memory_space<vmem>>, vector<16xf32>,
      %add3A_1424 = arith.addf %add3A_1414, %get3A_1423 : vector<16xf32>
      %mul3A_1425 = arith.mulf %get3A_1423, %get3A_1423 : vector<16xf32>
      %add3A_1426 = arith.addf %add3A_1416, %mul3A_1425 : vector<16xf32>
      %swap3A_1427 = arith.constant 1 : i32
      %swap3A_1428 = arith.index_cast %swap3A_1427 : i32 to index
      %swap3A_1429 = arith.index_cast %scan3A_1297 : i32 to index
      %swap3A_1430 = arith.constant 0 : index
      %swap3A_1431 = tpu.vector_load %arg9[%swap3A_1428, %swap3A_1429, %swap3A_1430] {strides = array<i32>} : memref<8x16x16xf32, #tpu.memory_space<vmem>>, vector<16xf32>,
      tpu.vector_store %arg9[%swap3A_1428, %swap3A_1429, %swap3A_1430], %add3A_1424 {strides = array<i32>} : memref<8x16x16xf32, #tpu.memory_space<vmem>>, vector<16xf32>,
      %swap3A_1432 = arith.constant 1 : i32
      %swap3A_1433 = arith.index_cast %swap3A_1432 : i32 to index
      %swap3A_1434 = arith.index_cast %scan3A_1297 : i32 to index
      %swap3A_1435 = arith.constant 0 : index
      %swap3A_1436 = tpu.vector_load %arg10[%swap3A_1433, %swap3A_1434, %swap3A_1435] {strides = array<i32>} : memref<8x16x16xf32, #tpu.memory_space<vmem>>, vector<16xf32>,
      tpu.vector_store %arg10[%swap3A_1433, %swap3A_1434, %swap3A_1435], %add3A_1426 {strides = array<i32>} : memref<8x16x16xf32, #tpu.memory_space<vmem>>, vector<16xf32>,
      %scan3A_1437 = arith.constant 0 : i32
      scf.yield %scan3A_1437 : i32
    }
    %scan3A_272 = arith.constant 16 : i32
    %scan3A_273 = arith.constant 0 : i32
    %scan3A_274 = arith.constant 0 : i32
    %scan3A_275 = arith.constant 16 : i32
    %scan3A_276 = arith.addi %scan3A_274, %scan3A_275 : i32
    %scan3A_277 = arith.constant 1 : i32
    %scan3A_278 = scf.for %scan3A_1297 = %scan3A_274 to %scan3A_276 step %scan3A_277 iter_args(%scan3A_1298 = %scan3A_273) -> (i32)  : i32 {
      %get3A_1299 = arith.constant 0 : i32
      %get3A_1300 = arith.constant 0 : i32
      %get3A_1301 = arith.index_cast %get3A_1299 : i32 to index
      %get3A_1302 = arith.index_cast %get3A_1300 : i32 to index
      %get3A_1303 = arith.index_cast %scan3A_1297 : i32 to index
      %get3A_1304 = arith.constant 32 : index
      %get3A_1305 = tpu.vector_load %arg8[%get3A_1301, %get3A_1302, %get3A_1303, %get3A_1304] {strides = array<i32>} : memref<2x13x16x128xf32, #tpu.memory_space<vmem>>, vector<16xf32>,
      %mul3A_1306 = arith.mulf %get3A_1305, %get3A_1305 : vector<16xf32>
      %get3A_1307 = arith.constant 0 : i32
      %get3A_1308 = arith.constant 1 : i32
      %get3A_1309 = arith.index_cast %get3A_1307 : i32 to index
      %get3A_1310 = arith.index_cast %get3A_1308 : i32 to index
      %get3A_1311 = arith.index_cast %scan3A_1297 : i32 to index
      %get3A_1312 = arith.constant 32 : index
      %get3A_1313 = tpu.vector_load %arg8[%get3A_1309, %get3A_1310, %get3A_1311, %get3A_1312] {strides = array<i32>} : memref<2x13x16x128xf32, #tpu.memory_space<vmem>>, vector<16xf32>,
      %add3A_1314 = arith.addf %get3A_1305, %get3A_1313 : vector<16xf32>
      %mul3A_1315 = arith.mulf %get3A_1313, %get3A_1313 : vector<16xf32>
      %add3A_1316 = arith.addf %mul3A_1306, %mul3A_1315 : vector<16xf32>
      %get3A_1317 = arith.constant 0 : i32
      %get3A_1318 = arith.constant 2 : i32
      %get3A_1319 = arith.index_cast %get3A_1317 : i32 to index
      %get3A_1320 = arith.index_cast %get3A_1318 : i32 to index
      %get3A_1321 = arith.index_cast %scan3A_1297 : i32 to index
      %get3A_1322 = arith.constant 32 : index
      %get3A_1323 = tpu.vector_load %arg8[%get3A_1319, %get3A_1320, %get3A_1321, %get3A_1322] {strides = array<i32>} : memref<2x13x16x128xf32, #tpu.memory_space<vmem>>, vector<16xf32>,
      %add3A_1324 = arith.addf %add3A_1314, %get3A_1323 : vector<16xf32>
      %mul3A_1325 = arith.mulf %get3A_1323, %get3A_1323 : vector<16xf32>
      %add3A_1326 = arith.addf %add3A_1316, %mul3A_1325 : vector<16xf32>
      %get3A_1327 = arith.constant 0 : i32
      %get3A_1328 = arith.constant 3 : i32
      %get3A_1329 = arith.index_cast %get3A_1327 : i32 to index
      %get3A_1330 = arith.index_cast %get3A_1328 : i32 to index
      %get3A_1331 = arith.index_cast %scan3A_1297 : i32 to index
      %get3A_1332 = arith.constant 32 : index
      %get3A_1333 = tpu.vector_load %arg8[%get3A_1329, %get3A_1330, %get3A_1331, %get3A_1332] {strides = array<i32>} : memref<2x13x16x128xf32, #tpu.memory_space<vmem>>, vector<16xf32>,
      %add3A_1334 = arith.addf %add3A_1324, %get3A_1333 : vector<16xf32>
      %mul3A_1335 = arith.mulf %get3A_1333, %get3A_1333 : vector<16xf32>
      %add3A_1336 = arith.addf %add3A_1326, %mul3A_1335 : vector<16xf32>
      %get3A_1337 = arith.constant 0 : i32
      %get3A_1338 = arith.constant 4 : i32
      %get3A_1339 = arith.index_cast %get3A_1337 : i32 to index
      %get3A_1340 = arith.index_cast %get3A_1338 : i32 to index
      %get3A_1341 = arith.index_cast %scan3A_1297 : i32 to index
      %get3A_1342 = arith.constant 32 : index
      %get3A_1343 = tpu.vector_load %arg8[%get3A_1339, %get3A_1340, %get3A_1341, %get3A_1342] {strides = array<i32>} : memref<2x13x16x128xf32, #tpu.memory_space<vmem>>, vector<16xf32>,
      %add3A_1344 = arith.addf %add3A_1334, %get3A_1343 : vector<16xf32>
      %mul3A_1345 = arith.mulf %get3A_1343, %get3A_1343 : vector<16xf32>
      %add3A_1346 = arith.addf %add3A_1336, %mul3A_1345 : vector<16xf32>
      %get3A_1347 = arith.constant 0 : i32
      %get3A_1348 = arith.constant 5 : i32
      %get3A_1349 = arith.index_cast %get3A_1347 : i32 to index
      %get3A_1350 = arith.index_cast %get3A_1348 : i32 to index
      %get3A_1351 = arith.index_cast %scan3A_1297 : i32 to index
      %get3A_1352 = arith.constant 32 : index
      %get3A_1353 = tpu.vector_load %arg8[%get3A_1349, %get3A_1350, %get3A_1351, %get3A_1352] {strides = array<i32>} : memref<2x13x16x128xf32, #tpu.memory_space<vmem>>, vector<16xf32>,
      %add3A_1354 = arith.addf %add3A_1344, %get3A_1353 : vector<16xf32>
      %mul3A_1355 = arith.mulf %get3A_1353, %get3A_1353 : vector<16xf32>
      %add3A_1356 = arith.addf %add3A_1346, %mul3A_1355 : vector<16xf32>
      %get3A_1357 = arith.constant 0 : i32
      %get3A_1358 = arith.constant 6 : i32
      %get3A_1359 = arith.index_cast %get3A_1357 : i32 to index
      %get3A_1360 = arith.index_cast %get3A_1358 : i32 to index
      %get3A_1361 = arith.index_cast %scan3A_1297 : i32 to index
      %get3A_1362 = arith.constant 32 : index
      %get3A_1363 = tpu.vector_load %arg8[%get3A_1359, %get3A_1360, %get3A_1361, %get3A_1362] {strides = array<i32>} : memref<2x13x16x128xf32, #tpu.memory_space<vmem>>, vector<16xf32>,
      %add3A_1364 = arith.addf %add3A_1354, %get3A_1363 : vector<16xf32>
      %mul3A_1365 = arith.mulf %get3A_1363, %get3A_1363 : vector<16xf32>
      %add3A_1366 = arith.addf %add3A_1356, %mul3A_1365 : vector<16xf32>
      %get3A_1367 = arith.constant 0 : i32
      %get3A_1368 = arith.constant 7 : i32
      %get3A_1369 = arith.index_cast %get3A_1367 : i32 to index
      %get3A_1370 = arith.index_cast %get3A_1368 : i32 to index
      %get3A_1371 = arith.index_cast %scan3A_1297 : i32 to index
      %get3A_1372 = arith.constant 32 : index
      %get3A_1373 = tpu.vector_load %arg8[%get3A_1369, %get3A_1370, %get3A_1371, %get3A_1372] {strides = array<i32>} : memref<2x13x16x128xf32, #tpu.memory_space<vmem>>, vector<16xf32>,
      %add3A_1374 = arith.addf %add3A_1364, %get3A_1373 : vector<16xf32>
      %mul3A_1375 = arith.mulf %get3A_1373, %get3A_1373 : vector<16xf32>
      %add3A_1376 = arith.addf %add3A_1366, %mul3A_1375 : vector<16xf32>
      %get3A_1377 = arith.constant 0 : i32
      %get3A_1378 = arith.constant 8 : i32
      %get3A_1379 = arith.index_cast %get3A_1377 : i32 to index
      %get3A_1380 = arith.index_cast %get3A_1378 : i32 to index
      %get3A_1381 = arith.index_cast %scan3A_1297 : i32 to index
      %get3A_1382 = arith.constant 32 : index
      %get3A_1383 = tpu.vector_load %arg8[%get3A_1379, %get3A_1380, %get3A_1381, %get3A_1382] {strides = array<i32>} : memref<2x13x16x128xf32, #tpu.memory_space<vmem>>, vector<16xf32>,
      %add3A_1384 = arith.addf %add3A_1374, %get3A_1383 : vector<16xf32>
      %mul3A_1385 = arith.mulf %get3A_1383, %get3A_1383 : vector<16xf32>
      %add3A_1386 = arith.addf %add3A_1376, %mul3A_1385 : vector<16xf32>
      %get3A_1387 = arith.constant 0 : i32
      %get3A_1388 = arith.constant 9 : i32
      %get3A_1389 = arith.index_cast %get3A_1387 : i32 to index
      %get3A_1390 = arith.index_cast %get3A_1388 : i32 to index
      %get3A_1391 = arith.index_cast %scan3A_1297 : i32 to index
      %get3A_1392 = arith.constant 32 : index
      %get3A_1393 = tpu.vector_load %arg8[%get3A_1389, %get3A_1390, %get3A_1391, %get3A_1392] {strides = array<i32>} : memref<2x13x16x128xf32, #tpu.memory_space<vmem>>, vector<16xf32>,
      %add3A_1394 = arith.addf %add3A_1384, %get3A_1393 : vector<16xf32>
      %mul3A_1395 = arith.mulf %get3A_1393, %get3A_1393 : vector<16xf32>
      %add3A_1396 = arith.addf %add3A_1386, %mul3A_1395 : vector<16xf32>
      %get3A_1397 = arith.constant 0 : i32
      %get3A_1398 = arith.constant 10 : i32
      %get3A_1399 = arith.index_cast %get3A_1397 : i32 to index
      %get3A_1400 = arith.index_cast %get3A_1398 : i32 to index
      %get3A_1401 = arith.index_cast %scan3A_1297 : i32 to index
      %get3A_1402 = arith.constant 32 : index
      %get3A_1403 = tpu.vector_load %arg8[%get3A_1399, %get3A_1400, %get3A_1401, %get3A_1402] {strides = array<i32>} : memref<2x13x16x128xf32, #tpu.memory_space<vmem>>, vector<16xf32>,
      %add3A_1404 = arith.addf %add3A_1394, %get3A_1403 : vector<16xf32>
      %mul3A_1405 = arith.mulf %get3A_1403, %get3A_1403 : vector<16xf32>
      %add3A_1406 = arith.addf %add3A_1396, %mul3A_1405 : vector<16xf32>
      %get3A_1407 = arith.constant 0 : i32
      %get3A_1408 = arith.constant 11 : i32
      %get3A_1409 = arith.index_cast %get3A_1407 : i32 to index
      %get3A_1410 = arith.index_cast %get3A_1408 : i32 to index
      %get3A_1411 = arith.index_cast %scan3A_1297 : i32 to index
      %get3A_1412 = arith.constant 32 : index
      %get3A_1413 = tpu.vector_load %arg8[%get3A_1409, %get3A_1410, %get3A_1411, %get3A_1412] {strides = array<i32>} : memref<2x13x16x128xf32, #tpu.memory_space<vmem>>, vector<16xf32>,
      %add3A_1414 = arith.addf %add3A_1404, %get3A_1413 : vector<16xf32>
      %mul3A_1415 = arith.mulf %get3A_1413, %get3A_1413 : vector<16xf32>
      %add3A_1416 = arith.addf %add3A_1406, %mul3A_1415 : vector<16xf32>
      %get3A_1417 = arith.constant 0 : i32
      %get3A_1418 = arith.constant 12 : i32
      %get3A_1419 = arith.index_cast %get3A_1417 : i32 to index
      %get3A_1420 = arith.index_cast %get3A_1418 : i32 to index
      %get3A_1421 = arith.index_cast %scan3A_1297 : i32 to index
      %get3A_1422 = arith.constant 32 : index
      %get3A_1423 = tpu.vector_load %arg8[%get3A_1419, %get3A_1420, %get3A_1421, %get3A_1422] {strides = array<i32>} : memref<2x13x16x128xf32, #tpu.memory_space<vmem>>, vector<16xf32>,
      %add3A_1424 = arith.addf %add3A_1414, %get3A_1423 : vector<16xf32>
      %mul3A_1425 = arith.mulf %get3A_1423, %get3A_1423 : vector<16xf32>
      %add3A_1426 = arith.addf %add3A_1416, %mul3A_1425 : vector<16xf32>
      %swap3A_1427 = arith.constant 2 : i32
      %swap3A_1428 = arith.index_cast %swap3A_1427 : i32 to index
      %swap3A_1429 = arith.index_cast %scan3A_1297 : i32 to index
      %swap3A_1430 = arith.constant 0 : index
      %swap3A_1431 = tpu.vector_load %arg9[%swap3A_1428, %swap3A_1429, %swap3A_1430] {strides = array<i32>} : memref<8x16x16xf32, #tpu.memory_space<vmem>>, vector<16xf32>,
      tpu.vector_store %arg9[%swap3A_1428, %swap3A_1429, %swap3A_1430], %add3A_1424 {strides = array<i32>} : memref<8x16x16xf32, #tpu.memory_space<vmem>>, vector<16xf32>,
      %swap3A_1432 = arith.constant 2 : i32
      %swap3A_1433 = arith.index_cast %swap3A_1432 : i32 to index
      %swap3A_1434 = arith.index_cast %scan3A_1297 : i32 to index
      %swap3A_1435 = arith.constant 0 : index
      %swap3A_1436 = tpu.vector_load %arg10[%swap3A_1433, %swap3A_1434, %swap3A_1435] {strides = array<i32>} : memref<8x16x16xf32, #tpu.memory_space<vmem>>, vector<16xf32>,
      tpu.vector_store %arg10[%swap3A_1433, %swap3A_1434, %swap3A_1435], %add3A_1426 {strides = array<i32>} : memref<8x16x16xf32, #tpu.memory_space<vmem>>, vector<16xf32>,
      %scan3A_1437 = arith.constant 0 : i32
      scf.yield %scan3A_1437 : i32
    }
    %scan3A_279 = arith.constant 16 : i32
    %scan3A_280 = arith.constant 0 : i32
    %scan3A_281 = arith.constant 0 : i32
    %scan3A_282 = arith.constant 16 : i32
    %scan3A_283 = arith.addi %scan3A_281, %scan3A_282 : i32
    %scan3A_284 = arith.constant 1 : i32
    %scan3A_285 = scf.for %scan3A_1297 = %scan3A_281 to %scan3A_283 step %scan3A_284 iter_args(%scan3A_1298 = %scan3A_280) -> (i32)  : i32 {
      %get3A_1299 = arith.constant 0 : i32
      %get3A_1300 = arith.constant 0 : i32
      %get3A_1301 = arith.index_cast %get3A_1299 : i32 to index
      %get3A_1302 = arith.index_cast %get3A_1300 : i32 to index
      %get3A_1303 = arith.index_cast %scan3A_1297 : i32 to index
      %get3A_1304 = arith.constant 48 : index
      %get3A_1305 = tpu.vector_load %arg8[%get3A_1301, %get3A_1302, %get3A_1303, %get3A_1304] {strides = array<i32>} : memref<2x13x16x128xf32, #tpu.memory_space<vmem>>, vector<16xf32>,
      %mul3A_1306 = arith.mulf %get3A_1305, %get3A_1305 : vector<16xf32>
      %get3A_1307 = arith.constant 0 : i32
      %get3A_1308 = arith.constant 1 : i32
      %get3A_1309 = arith.index_cast %get3A_1307 : i32 to index
      %get3A_1310 = arith.index_cast %get3A_1308 : i32 to index
      %get3A_1311 = arith.index_cast %scan3A_1297 : i32 to index
      %get3A_1312 = arith.constant 48 : index
      %get3A_1313 = tpu.vector_load %arg8[%get3A_1309, %get3A_1310, %get3A_1311, %get3A_1312] {strides = array<i32>} : memref<2x13x16x128xf32, #tpu.memory_space<vmem>>, vector<16xf32>,
      %add3A_1314 = arith.addf %get3A_1305, %get3A_1313 : vector<16xf32>
      %mul3A_1315 = arith.mulf %get3A_1313, %get3A_1313 : vector<16xf32>
      %add3A_1316 = arith.addf %mul3A_1306, %mul3A_1315 : vector<16xf32>
      %get3A_1317 = arith.constant 0 : i32
      %get3A_1318 = arith.constant 2 : i32
      %get3A_1319 = arith.index_cast %get3A_1317 : i32 to index
      %get3A_1320 = arith.index_cast %get3A_1318 : i32 to index
      %get3A_1321 = arith.index_cast %scan3A_1297 : i32 to index
      %get3A_1322 = arith.constant 48 : index
      %get3A_1323 = tpu.vector_load %arg8[%get3A_1319, %get3A_1320, %get3A_1321, %get3A_1322] {strides = array<i32>} : memref<2x13x16x128xf32, #tpu.memory_space<vmem>>, vector<16xf32>,
      %add3A_1324 = arith.addf %add3A_1314, %get3A_1323 : vector<16xf32>
      %mul3A_1325 = arith.mulf %get3A_1323, %get3A_1323 : vector<16xf32>
      %add3A_1326 = arith.addf %add3A_1316, %mul3A_1325 : vector<16xf32>
      %get3A_1327 = arith.constant 0 : i32
      %get3A_1328 = arith.constant 3 : i32
      %get3A_1329 = arith.index_cast %get3A_1327 : i32 to index
      %get3A_1330 = arith.index_cast %get3A_1328 : i32 to index
      %get3A_1331 = arith.index_cast %scan3A_1297 : i32 to index
      %get3A_1332 = arith.constant 48 : index
      %get3A_1333 = tpu.vector_load %arg8[%get3A_1329, %get3A_1330, %get3A_1331, %get3A_1332] {strides = array<i32>} : memref<2x13x16x128xf32, #tpu.memory_space<vmem>>, vector<16xf32>,
      %add3A_1334 = arith.addf %add3A_1324, %get3A_1333 : vector<16xf32>
      %mul3A_1335 = arith.mulf %get3A_1333, %get3A_1333 : vector<16xf32>
      %add3A_1336 = arith.addf %add3A_1326, %mul3A_1335 : vector<16xf32>
      %get3A_1337 = arith.constant 0 : i32
      %get3A_1338 = arith.constant 4 : i32
      %get3A_1339 = arith.index_cast %get3A_1337 : i32 to index
      %get3A_1340 = arith.index_cast %get3A_1338 : i32 to index
      %get3A_1341 = arith.index_cast %scan3A_1297 : i32 to index
      %get3A_1342 = arith.constant 48 : index
      %get3A_1343 = tpu.vector_load %arg8[%get3A_1339, %get3A_1340, %get3A_1341, %get3A_1342] {strides = array<i32>} : memref<2x13x16x128xf32, #tpu.memory_space<vmem>>, vector<16xf32>,
      %add3A_1344 = arith.addf %add3A_1334, %get3A_1343 : vector<16xf32>
      %mul3A_1345 = arith.mulf %get3A_1343, %get3A_1343 : vector<16xf32>
      %add3A_1346 = arith.addf %add3A_1336, %mul3A_1345 : vector<16xf32>
      %get3A_1347 = arith.constant 0 : i32
      %get3A_1348 = arith.constant 5 : i32
      %get3A_1349 = arith.index_cast %get3A_1347 : i32 to index
      %get3A_1350 = arith.index_cast %get3A_1348 : i32 to index
      %get3A_1351 = arith.index_cast %scan3A_1297 : i32 to index
      %get3A_1352 = arith.constant 48 : index
      %get3A_1353 = tpu.vector_load %arg8[%get3A_1349, %get3A_1350, %get3A_1351, %get3A_1352] {strides = array<i32>} : memref<2x13x16x128xf32, #tpu.memory_space<vmem>>, vector<16xf32>,
      %add3A_1354 = arith.addf %add3A_1344, %get3A_1353 : vector<16xf32>
      %mul3A_1355 = arith.mulf %get3A_1353, %get3A_1353 : vector<16xf32>
      %add3A_1356 = arith.addf %add3A_1346, %mul3A_1355 : vector<16xf32>
      %get3A_1357 = arith.constant 0 : i32
      %get3A_1358 = arith.constant 6 : i32
      %get3A_1359 = arith.index_cast %get3A_1357 : i32 to index
      %get3A_1360 = arith.index_cast %get3A_1358 : i32 to index
      %get3A_1361 = arith.index_cast %scan3A_1297 : i32 to index
      %get3A_1362 = arith.constant 48 : index
      %get3A_1363 = tpu.vector_load %arg8[%get3A_1359, %get3A_1360, %get3A_1361, %get3A_1362] {strides = array<i32>} : memref<2x13x16x128xf32, #tpu.memory_space<vmem>>, vector<16xf32>,
      %add3A_1364 = arith.addf %add3A_1354, %get3A_1363 : vector<16xf32>
      %mul3A_1365 = arith.mulf %get3A_1363, %get3A_1363 : vector<16xf32>
      %add3A_1366 = arith.addf %add3A_1356, %mul3A_1365 : vector<16xf32>
      %get3A_1367 = arith.constant 0 : i32
      %get3A_1368 = arith.constant 7 : i32
      %get3A_1369 = arith.index_cast %get3A_1367 : i32 to index
      %get3A_1370 = arith.index_cast %get3A_1368 : i32 to index
      %get3A_1371 = arith.index_cast %scan3A_1297 : i32 to index
      %get3A_1372 = arith.constant 48 : index
      %get3A_1373 = tpu.vector_load %arg8[%get3A_1369, %get3A_1370, %get3A_1371, %get3A_1372] {strides = array<i32>} : memref<2x13x16x128xf32, #tpu.memory_space<vmem>>, vector<16xf32>,
      %add3A_1374 = arith.addf %add3A_1364, %get3A_1373 : vector<16xf32>
      %mul3A_1375 = arith.mulf %get3A_1373, %get3A_1373 : vector<16xf32>
      %add3A_1376 = arith.addf %add3A_1366, %mul3A_1375 : vector<16xf32>
      %get3A_1377 = arith.constant 0 : i32
      %get3A_1378 = arith.constant 8 : i32
      %get3A_1379 = arith.index_cast %get3A_1377 : i32 to index
      %get3A_1380 = arith.index_cast %get3A_1378 : i32 to index
      %get3A_1381 = arith.index_cast %scan3A_1297 : i32 to index
      %get3A_1382 = arith.constant 48 : index
      %get3A_1383 = tpu.vector_load %arg8[%get3A_1379, %get3A_1380, %get3A_1381, %get3A_1382] {strides = array<i32>} : memref<2x13x16x128xf32, #tpu.memory_space<vmem>>, vector<16xf32>,
      %add3A_1384 = arith.addf %add3A_1374, %get3A_1383 : vector<16xf32>
      %mul3A_1385 = arith.mulf %get3A_1383, %get3A_1383 : vector<16xf32>
      %add3A_1386 = arith.addf %add3A_1376, %mul3A_1385 : vector<16xf32>
      %get3A_1387 = arith.constant 0 : i32
      %get3A_1388 = arith.constant 9 : i32
      %get3A_1389 = arith.index_cast %get3A_1387 : i32 to index
      %get3A_1390 = arith.index_cast %get3A_1388 : i32 to index
      %get3A_1391 = arith.index_cast %scan3A_1297 : i32 to index
      %get3A_1392 = arith.constant 48 : index
      %get3A_1393 = tpu.vector_load %arg8[%get3A_1389, %get3A_1390, %get3A_1391, %get3A_1392] {strides = array<i32>} : memref<2x13x16x128xf32, #tpu.memory_space<vmem>>, vector<16xf32>,
      %add3A_1394 = arith.addf %add3A_1384, %get3A_1393 : vector<16xf32>
      %mul3A_1395 = arith.mulf %get3A_1393, %get3A_1393 : vector<16xf32>
      %add3A_1396 = arith.addf %add3A_1386, %mul3A_1395 : vector<16xf32>
      %get3A_1397 = arith.constant 0 : i32
      %get3A_1398 = arith.constant 10 : i32
      %get3A_1399 = arith.index_cast %get3A_1397 : i32 to index
      %get3A_1400 = arith.index_cast %get3A_1398 : i32 to index
      %get3A_1401 = arith.index_cast %scan3A_1297 : i32 to index
      %get3A_1402 = arith.constant 48 : index
      %get3A_1403 = tpu.vector_load %arg8[%get3A_1399, %get3A_1400, %get3A_1401, %get3A_1402] {strides = array<i32>} : memref<2x13x16x128xf32, #tpu.memory_space<vmem>>, vector<16xf32>,
      %add3A_1404 = arith.addf %add3A_1394, %get3A_1403 : vector<16xf32>
      %mul3A_1405 = arith.mulf %get3A_1403, %get3A_1403 : vector<16xf32>
      %add3A_1406 = arith.addf %add3A_1396, %mul3A_1405 : vector<16xf32>
      %get3A_1407 = arith.constant 0 : i32
      %get3A_1408 = arith.constant 11 : i32
      %get3A_1409 = arith.index_cast %get3A_1407 : i32 to index
      %get3A_1410 = arith.index_cast %get3A_1408 : i32 to index
      %get3A_1411 = arith.index_cast %scan3A_1297 : i32 to index
      %get3A_1412 = arith.constant 48 : index
      %get3A_1413 = tpu.vector_load %arg8[%get3A_1409, %get3A_1410, %get3A_1411, %get3A_1412] {strides = array<i32>} : memref<2x13x16x128xf32, #tpu.memory_space<vmem>>, vector<16xf32>,
      %add3A_1414 = arith.addf %add3A_1404, %get3A_1413 : vector<16xf32>
      %mul3A_1415 = arith.mulf %get3A_1413, %get3A_1413 : vector<16xf32>
      %add3A_1416 = arith.addf %add3A_1406, %mul3A_1415 : vector<16xf32>
      %get3A_1417 = arith.constant 0 : i32
      %get3A_1418 = arith.constant 12 : i32
      %get3A_1419 = arith.index_cast %get3A_1417 : i32 to index
      %get3A_1420 = arith.index_cast %get3A_1418 : i32 to index
      %get3A_1421 = arith.index_cast %scan3A_1297 : i32 to index
      %get3A_1422 = arith.constant 48 : index
      %get3A_1423 = tpu.vector_load %arg8[%get3A_1419, %get3A_1420, %get3A_1421, %get3A_1422] {strides = array<i32>} : memref<2x13x16x128xf32, #tpu.memory_space<vmem>>, vector<16xf32>,
      %add3A_1424 = arith.addf %add3A_1414, %get3A_1423 : vector<16xf32>
      %mul3A_1425 = arith.mulf %get3A_1423, %get3A_1423 : vector<16xf32>
      %add3A_1426 = arith.addf %add3A_1416, %mul3A_1425 : vector<16xf32>
      %swap3A_1427 = arith.constant 3 : i32
      %swap3A_1428 = arith.index_cast %swap3A_1427 : i32 to index
      %swap3A_1429 = arith.index_cast %scan3A_1297 : i32 to index
      %swap3A_1430 = arith.constant 0 : index
      %swap3A_1431 = tpu.vector_load %arg9[%swap3A_1428, %swap3A_1429, %swap3A_1430] {strides = array<i32>} : memref<8x16x16xf32, #tpu.memory_space<vmem>>, vector<16xf32>,
      tpu.vector_store %arg9[%swap3A_1428, %swap3A_1429, %swap3A_1430], %add3A_1424 {strides = array<i32>} : memref<8x16x16xf32, #tpu.memory_space<vmem>>, vector<16xf32>,
      %swap3A_1432 = arith.constant 3 : i32
      %swap3A_1433 = arith.index_cast %swap3A_1432 : i32 to index
      %swap3A_1434 = arith.index_cast %scan3A_1297 : i32 to index
      %swap3A_1435 = arith.constant 0 : index
      %swap3A_1436 = tpu.vector_load %arg10[%swap3A_1433, %swap3A_1434, %swap3A_1435] {strides = array<i32>} : memref<8x16x16xf32, #tpu.memory_space<vmem>>, vector<16xf32>,
      tpu.vector_store %arg10[%swap3A_1433, %swap3A_1434, %swap3A_1435], %add3A_1426 {strides = array<i32>} : memref<8x16x16xf32, #tpu.memory_space<vmem>>, vector<16xf32>,
      %scan3A_1437 = arith.constant 0 : i32
      scf.yield %scan3A_1437 : i32
    }
    %scan3A_286 = arith.constant 16 : i32
    %scan3A_287 = arith.constant 0 : i32
    %scan3A_288 = arith.constant 0 : i32
    %scan3A_289 = arith.constant 16 : i32
    %scan3A_290 = arith.addi %scan3A_288, %scan3A_289 : i32
    %scan3A_291 = arith.constant 1 : i32
    %scan3A_292 = scf.for %scan3A_1297 = %scan3A_288 to %scan3A_290 step %scan3A_291 iter_args(%scan3A_1298 = %scan3A_287) -> (i32)  : i32 {
      %get3A_1299 = arith.constant 0 : i32
      %get3A_1300 = arith.constant 0 : i32
      %get3A_1301 = arith.index_cast %get3A_1299 : i32 to index
      %get3A_1302 = arith.index_cast %get3A_1300 : i32 to index
      %get3A_1303 = arith.index_cast %scan3A_1297 : i32 to index
      %get3A_1304 = arith.constant 64 : index
      %get3A_1305 = tpu.vector_load %arg8[%get3A_1301, %get3A_1302, %get3A_1303, %get3A_1304] {strides = array<i32>} : memref<2x13x16x128xf32, #tpu.memory_space<vmem>>, vector<16xf32>,
      %mul3A_1306 = arith.mulf %get3A_1305, %get3A_1305 : vector<16xf32>
      %get3A_1307 = arith.constant 0 : i32
      %get3A_1308 = arith.constant 1 : i32
      %get3A_1309 = arith.index_cast %get3A_1307 : i32 to index
      %get3A_1310 = arith.index_cast %get3A_1308 : i32 to index
      %get3A_1311 = arith.index_cast %scan3A_1297 : i32 to index
      %get3A_1312 = arith.constant 64 : index
      %get3A_1313 = tpu.vector_load %arg8[%get3A_1309, %get3A_1310, %get3A_1311, %get3A_1312] {strides = array<i32>} : memref<2x13x16x128xf32, #tpu.memory_space<vmem>>, vector<16xf32>,
      %add3A_1314 = arith.addf %get3A_1305, %get3A_1313 : vector<16xf32>
      %mul3A_1315 = arith.mulf %get3A_1313, %get3A_1313 : vector<16xf32>
      %add3A_1316 = arith.addf %mul3A_1306, %mul3A_1315 : vector<16xf32>
      %get3A_1317 = arith.constant 0 : i32
      %get3A_1318 = arith.constant 2 : i32
      %get3A_1319 = arith.index_cast %get3A_1317 : i32 to index
      %get3A_1320 = arith.index_cast %get3A_1318 : i32 to index
      %get3A_1321 = arith.index_cast %scan3A_1297 : i32 to index
      %get3A_1322 = arith.constant 64 : index
      %get3A_1323 = tpu.vector_load %arg8[%get3A_1319, %get3A_1320, %get3A_1321, %get3A_1322] {strides = array<i32>} : memref<2x13x16x128xf32, #tpu.memory_space<vmem>>, vector<16xf32>,
      %add3A_1324 = arith.addf %add3A_1314, %get3A_1323 : vector<16xf32>
      %mul3A_1325 = arith.mulf %get3A_1323, %get3A_1323 : vector<16xf32>
      %add3A_1326 = arith.addf %add3A_1316, %mul3A_1325 : vector<16xf32>
      %get3A_1327 = arith.constant 0 : i32
      %get3A_1328 = arith.constant 3 : i32
      %get3A_1329 = arith.index_cast %get3A_1327 : i32 to index
      %get3A_1330 = arith.index_cast %get3A_1328 : i32 to index
      %get3A_1331 = arith.index_cast %scan3A_1297 : i32 to index
      %get3A_1332 = arith.constant 64 : index
      %get3A_1333 = tpu.vector_load %arg8[%get3A_1329, %get3A_1330, %get3A_1331, %get3A_1332] {strides = array<i32>} : memref<2x13x16x128xf32, #tpu.memory_space<vmem>>, vector<16xf32>,
      %add3A_1334 = arith.addf %add3A_1324, %get3A_1333 : vector<16xf32>
      %mul3A_1335 = arith.mulf %get3A_1333, %get3A_1333 : vector<16xf32>
      %add3A_1336 = arith.addf %add3A_1326, %mul3A_1335 : vector<16xf32>
      %get3A_1337 = arith.constant 0 : i32
      %get3A_1338 = arith.constant 4 : i32
      %get3A_1339 = arith.index_cast %get3A_1337 : i32 to index
      %get3A_1340 = arith.index_cast %get3A_1338 : i32 to index
      %get3A_1341 = arith.index_cast %scan3A_1297 : i32 to index
      %get3A_1342 = arith.constant 64 : index
      %get3A_1343 = tpu.vector_load %arg8[%get3A_1339, %get3A_1340, %get3A_1341, %get3A_1342] {strides = array<i32>} : memref<2x13x16x128xf32, #tpu.memory_space<vmem>>, vector<16xf32>,
      %add3A_1344 = arith.addf %add3A_1334, %get3A_1343 : vector<16xf32>
      %mul3A_1345 = arith.mulf %get3A_1343, %get3A_1343 : vector<16xf32>
      %add3A_1346 = arith.addf %add3A_1336, %mul3A_1345 : vector<16xf32>
      %get3A_1347 = arith.constant 0 : i32
      %get3A_1348 = arith.constant 5 : i32
      %get3A_1349 = arith.index_cast %get3A_1347 : i32 to index
      %get3A_1350 = arith.index_cast %get3A_1348 : i32 to index
      %get3A_1351 = arith.index_cast %scan3A_1297 : i32 to index
      %get3A_1352 = arith.constant 64 : index
      %get3A_1353 = tpu.vector_load %arg8[%get3A_1349, %get3A_1350, %get3A_1351, %get3A_1352] {strides = array<i32>} : memref<2x13x16x128xf32, #tpu.memory_space<vmem>>, vector<16xf32>,
      %add3A_1354 = arith.addf %add3A_1344, %get3A_1353 : vector<16xf32>
      %mul3A_1355 = arith.mulf %get3A_1353, %get3A_1353 : vector<16xf32>
      %add3A_1356 = arith.addf %add3A_1346, %mul3A_1355 : vector<16xf32>
      %get3A_1357 = arith.constant 0 : i32
      %get3A_1358 = arith.constant 6 : i32
      %get3A_1359 = arith.index_cast %get3A_1357 : i32 to index
      %get3A_1360 = arith.index_cast %get3A_1358 : i32 to index
      %get3A_1361 = arith.index_cast %scan3A_1297 : i32 to index
      %get3A_1362 = arith.constant 64 : index
      %get3A_1363 = tpu.vector_load %arg8[%get3A_1359, %get3A_1360, %get3A_1361, %get3A_1362] {strides = array<i32>} : memref<2x13x16x128xf32, #tpu.memory_space<vmem>>, vector<16xf32>,
      %add3A_1364 = arith.addf %add3A_1354, %get3A_1363 : vector<16xf32>
      %mul3A_1365 = arith.mulf %get3A_1363, %get3A_1363 : vector<16xf32>
      %add3A_1366 = arith.addf %add3A_1356, %mul3A_1365 : vector<16xf32>
      %get3A_1367 = arith.constant 0 : i32
      %get3A_1368 = arith.constant 7 : i32
      %get3A_1369 = arith.index_cast %get3A_1367 : i32 to index
      %get3A_1370 = arith.index_cast %get3A_1368 : i32 to index
      %get3A_1371 = arith.index_cast %scan3A_1297 : i32 to index
      %get3A_1372 = arith.constant 64 : index
      %get3A_1373 = tpu.vector_load %arg8[%get3A_1369, %get3A_1370, %get3A_1371, %get3A_1372] {strides = array<i32>} : memref<2x13x16x128xf32, #tpu.memory_space<vmem>>, vector<16xf32>,
      %add3A_1374 = arith.addf %add3A_1364, %get3A_1373 : vector<16xf32>
      %mul3A_1375 = arith.mulf %get3A_1373, %get3A_1373 : vector<16xf32>
      %add3A_1376 = arith.addf %add3A_1366, %mul3A_1375 : vector<16xf32>
      %get3A_1377 = arith.constant 0 : i32
      %get3A_1378 = arith.constant 8 : i32
      %get3A_1379 = arith.index_cast %get3A_1377 : i32 to index
      %get3A_1380 = arith.index_cast %get3A_1378 : i32 to index
      %get3A_1381 = arith.index_cast %scan3A_1297 : i32 to index
      %get3A_1382 = arith.constant 64 : index
      %get3A_1383 = tpu.vector_load %arg8[%get3A_1379, %get3A_1380, %get3A_1381, %get3A_1382] {strides = array<i32>} : memref<2x13x16x128xf32, #tpu.memory_space<vmem>>, vector<16xf32>,
      %add3A_1384 = arith.addf %add3A_1374, %get3A_1383 : vector<16xf32>
      %mul3A_1385 = arith.mulf %get3A_1383, %get3A_1383 : vector<16xf32>
      %add3A_1386 = arith.addf %add3A_1376, %mul3A_1385 : vector<16xf32>
      %get3A_1387 = arith.constant 0 : i32
      %get3A_1388 = arith.constant 9 : i32
      %get3A_1389 = arith.index_cast %get3A_1387 : i32 to index
      %get3A_1390 = arith.index_cast %get3A_1388 : i32 to index
      %get3A_1391 = arith.index_cast %scan3A_1297 : i32 to index
      %get3A_1392 = arith.constant 64 : index
      %get3A_1393 = tpu.vector_load %arg8[%get3A_1389, %get3A_1390, %get3A_1391, %get3A_1392] {strides = array<i32>} : memref<2x13x16x128xf32, #tpu.memory_space<vmem>>, vector<16xf32>,
      %add3A_1394 = arith.addf %add3A_1384, %get3A_1393 : vector<16xf32>
      %mul3A_1395 = arith.mulf %get3A_1393, %get3A_1393 : vector<16xf32>
      %add3A_1396 = arith.addf %add3A_1386, %mul3A_1395 : vector<16xf32>
      %get3A_1397 = arith.constant 0 : i32
      %get3A_1398 = arith.constant 10 : i32
      %get3A_1399 = arith.index_cast %get3A_1397 : i32 to index
      %get3A_1400 = arith.index_cast %get3A_1398 : i32 to index
      %get3A_1401 = arith.index_cast %scan3A_1297 : i32 to index
      %get3A_1402 = arith.constant 64 : index
      %get3A_1403 = tpu.vector_load %arg8[%get3A_1399, %get3A_1400, %get3A_1401, %get3A_1402] {strides = array<i32>} : memref<2x13x16x128xf32, #tpu.memory_space<vmem>>, vector<16xf32>,
      %add3A_1404 = arith.addf %add3A_1394, %get3A_1403 : vector<16xf32>
      %mul3A_1405 = arith.mulf %get3A_1403, %get3A_1403 : vector<16xf32>
      %add3A_1406 = arith.addf %add3A_1396, %mul3A_1405 : vector<16xf32>
      %get3A_1407 = arith.constant 0 : i32
      %get3A_1408 = arith.constant 11 : i32
      %get3A_1409 = arith.index_cast %get3A_1407 : i32 to index
      %get3A_1410 = arith.index_cast %get3A_1408 : i32 to index
      %get3A_1411 = arith.index_cast %scan3A_1297 : i32 to index
      %get3A_1412 = arith.constant 64 : index
      %get3A_1413 = tpu.vector_load %arg8[%get3A_1409, %get3A_1410, %get3A_1411, %get3A_1412] {strides = array<i32>} : memref<2x13x16x128xf32, #tpu.memory_space<vmem>>, vector<16xf32>,
      %add3A_1414 = arith.addf %add3A_1404, %get3A_1413 : vector<16xf32>
      %mul3A_1415 = arith.mulf %get3A_1413, %get3A_1413 : vector<16xf32>
      %add3A_1416 = arith.addf %add3A_1406, %mul3A_1415 : vector<16xf32>
      %get3A_1417 = arith.constant 0 : i32
      %get3A_1418 = arith.constant 12 : i32
      %get3A_1419 = arith.index_cast %get3A_1417 : i32 to index
      %get3A_1420 = arith.index_cast %get3A_1418 : i32 to index
      %get3A_1421 = arith.index_cast %scan3A_1297 : i32 to index
      %get3A_1422 = arith.constant 64 : index
      %get3A_1423 = tpu.vector_load %arg8[%get3A_1419, %get3A_1420, %get3A_1421, %get3A_1422] {strides = array<i32>} : memref<2x13x16x128xf32, #tpu.memory_space<vmem>>, vector<16xf32>,
      %add3A_1424 = arith.addf %add3A_1414, %get3A_1423 : vector<16xf32>
      %mul3A_1425 = arith.mulf %get3A_1423, %get3A_1423 : vector<16xf32>
      %add3A_1426 = arith.addf %add3A_1416, %mul3A_1425 : vector<16xf32>
      %swap3A_1427 = arith.constant 4 : i32
      %swap3A_1428 = arith.index_cast %swap3A_1427 : i32 to index
      %swap3A_1429 = arith.index_cast %scan3A_1297 : i32 to index
      %swap3A_1430 = arith.constant 0 : index
      %swap3A_1431 = tpu.vector_load %arg9[%swap3A_1428, %swap3A_1429, %swap3A_1430] {strides = array<i32>} : memref<8x16x16xf32, #tpu.memory_space<vmem>>, vector<16xf32>,
      tpu.vector_store %arg9[%swap3A_1428, %swap3A_1429, %swap3A_1430], %add3A_1424 {strides = array<i32>} : memref<8x16x16xf32, #tpu.memory_space<vmem>>, vector<16xf32>,
      %swap3A_1432 = arith.constant 4 : i32
      %swap3A_1433 = arith.index_cast %swap3A_1432 : i32 to index
      %swap3A_1434 = arith.index_cast %scan3A_1297 : i32 to index
      %swap3A_1435 = arith.constant 0 : index
      %swap3A_1436 = tpu.vector_load %arg10[%swap3A_1433, %swap3A_1434, %swap3A_1435] {strides = array<i32>} : memref<8x16x16xf32, #tpu.memory_space<vmem>>, vector<16xf32>,
      tpu.vector_store %arg10[%swap3A_1433, %swap3A_1434, %swap3A_1435], %add3A_1426 {strides = array<i32>} : memref<8x16x16xf32, #tpu.memory_space<vmem>>, vector<16xf32>,
      %scan3A_1437 = arith.constant 0 : i32
      scf.yield %scan3A_1437 : i32
    }
    %scan3A_293 = arith.constant 16 : i32
    %scan3A_294 = arith.constant 0 : i32
    %scan3A_295 = arith.constant 0 : i32
    %scan3A_296 = arith.constant 16 : i32
    %scan3A_297 = arith.addi %scan3A_295, %scan3A_296 : i32
    %scan3A_298 = arith.constant 1 : i32
    %scan3A_299 = scf.for %scan3A_1297 = %scan3A_295 to %scan3A_297 step %scan3A_298 iter_args(%scan3A_1298 = %scan3A_294) -> (i32)  : i32 {
      %get3A_1299 = arith.constant 0 : i32
      %get3A_1300 = arith.constant 0 : i32
      %get3A_1301 = arith.index_cast %get3A_1299 : i32 to index
      %get3A_1302 = arith.index_cast %get3A_1300 : i32 to index
      %get3A_1303 = arith.index_cast %scan3A_1297 : i32 to index
      %get3A_1304 = arith.constant 80 : index
      %get3A_1305 = tpu.vector_load %arg8[%get3A_1301, %get3A_1302, %get3A_1303, %get3A_1304] {strides = array<i32>} : memref<2x13x16x128xf32, #tpu.memory_space<vmem>>, vector<16xf32>,
      %mul3A_1306 = arith.mulf %get3A_1305, %get3A_1305 : vector<16xf32>
      %get3A_1307 = arith.constant 0 : i32
      %get3A_1308 = arith.constant 1 : i32
      %get3A_1309 = arith.index_cast %get3A_1307 : i32 to index
      %get3A_1310 = arith.index_cast %get3A_1308 : i32 to index
      %get3A_1311 = arith.index_cast %scan3A_1297 : i32 to index
      %get3A_1312 = arith.constant 80 : index
      %get3A_1313 = tpu.vector_load %arg8[%get3A_1309, %get3A_1310, %get3A_1311, %get3A_1312] {strides = array<i32>} : memref<2x13x16x128xf32, #tpu.memory_space<vmem>>, vector<16xf32>,
      %add3A_1314 = arith.addf %get3A_1305, %get3A_1313 : vector<16xf32>
      %mul3A_1315 = arith.mulf %get3A_1313, %get3A_1313 : vector<16xf32>
      %add3A_1316 = arith.addf %mul3A_1306, %mul3A_1315 : vector<16xf32>
      %get3A_1317 = arith.constant 0 : i32
      %get3A_1318 = arith.constant 2 : i32
      %get3A_1319 = arith.index_cast %get3A_1317 : i32 to index
      %get3A_1320 = arith.index_cast %get3A_1318 : i32 to index
      %get3A_1321 = arith.index_cast %scan3A_1297 : i32 to index
      %get3A_1322 = arith.constant 80 : index
      %get3A_1323 = tpu.vector_load %arg8[%get3A_1319, %get3A_1320, %get3A_1321, %get3A_1322] {strides = array<i32>} : memref<2x13x16x128xf32, #tpu.memory_space<vmem>>, vector<16xf32>,
      %add3A_1324 = arith.addf %add3A_1314, %get3A_1323 : vector<16xf32>
      %mul3A_1325 = arith.mulf %get3A_1323, %get3A_1323 : vector<16xf32>
      %add3A_1326 = arith.addf %add3A_1316, %mul3A_1325 : vector<16xf32>
      %get3A_1327 = arith.constant 0 : i32
      %get3A_1328 = arith.constant 3 : i32
      %get3A_1329 = arith.index_cast %get3A_1327 : i32 to index
      %get3A_1330 = arith.index_cast %get3A_1328 : i32 to index
      %get3A_1331 = arith.index_cast %scan3A_1297 : i32 to index
      %get3A_1332 = arith.constant 80 : index
      %get3A_1333 = tpu.vector_load %arg8[%get3A_1329, %get3A_1330, %get3A_1331, %get3A_1332] {strides = array<i32>} : memref<2x13x16x128xf32, #tpu.memory_space<vmem>>, vector<16xf32>,
      %add3A_1334 = arith.addf %add3A_1324, %get3A_1333 : vector<16xf32>
      %mul3A_1335 = arith.mulf %get3A_1333, %get3A_1333 : vector<16xf32>
      %add3A_1336 = arith.addf %add3A_1326, %mul3A_1335 : vector<16xf32>
      %get3A_1337 = arith.constant 0 : i32
      %get3A_1338 = arith.constant 4 : i32
      %get3A_1339 = arith.index_cast %get3A_1337 : i32 to index
      %get3A_1340 = arith.index_cast %get3A_1338 : i32 to index
      %get3A_1341 = arith.index_cast %scan3A_1297 : i32 to index
      %get3A_1342 = arith.constant 80 : index
      %get3A_1343 = tpu.vector_load %arg8[%get3A_1339, %get3A_1340, %get3A_1341, %get3A_1342] {strides = array<i32>} : memref<2x13x16x128xf32, #tpu.memory_space<vmem>>, vector<16xf32>,
      %add3A_1344 = arith.addf %add3A_1334, %get3A_1343 : vector<16xf32>
      %mul3A_1345 = arith.mulf %get3A_1343, %get3A_1343 : vector<16xf32>
      %add3A_1346 = arith.addf %add3A_1336, %mul3A_1345 : vector<16xf32>
      %get3A_1347 = arith.constant 0 : i32
      %get3A_1348 = arith.constant 5 : i32
      %get3A_1349 = arith.index_cast %get3A_1347 : i32 to index
      %get3A_1350 = arith.index_cast %get3A_1348 : i32 to index
      %get3A_1351 = arith.index_cast %scan3A_1297 : i32 to index
      %get3A_1352 = arith.constant 80 : index
      %get3A_1353 = tpu.vector_load %arg8[%get3A_1349, %get3A_1350, %get3A_1351, %get3A_1352] {strides = array<i32>} : memref<2x13x16x128xf32, #tpu.memory_space<vmem>>, vector<16xf32>,
      %add3A_1354 = arith.addf %add3A_1344, %get3A_1353 : vector<16xf32>
      %mul3A_1355 = arith.mulf %get3A_1353, %get3A_1353 : vector<16xf32>
      %add3A_1356 = arith.addf %add3A_1346, %mul3A_1355 : vector<16xf32>
      %get3A_1357 = arith.constant 0 : i32
      %get3A_1358 = arith.constant 6 : i32
      %get3A_1359 = arith.index_cast %get3A_1357 : i32 to index
      %get3A_1360 = arith.index_cast %get3A_1358 : i32 to index
      %get3A_1361 = arith.index_cast %scan3A_1297 : i32 to index
      %get3A_1362 = arith.constant 80 : index
      %get3A_1363 = tpu.vector_load %arg8[%get3A_1359, %get3A_1360, %get3A_1361, %get3A_1362] {strides = array<i32>} : memref<2x13x16x128xf32, #tpu.memory_space<vmem>>, vector<16xf32>,
      %add3A_1364 = arith.addf %add3A_1354, %get3A_1363 : vector<16xf32>
      %mul3A_1365 = arith.mulf %get3A_1363, %get3A_1363 : vector<16xf32>
      %add3A_1366 = arith.addf %add3A_1356, %mul3A_1365 : vector<16xf32>
      %get3A_1367 = arith.constant 0 : i32
      %get3A_1368 = arith.constant 7 : i32
      %get3A_1369 = arith.index_cast %get3A_1367 : i32 to index
      %get3A_1370 = arith.index_cast %get3A_1368 : i32 to index
      %get3A_1371 = arith.index_cast %scan3A_1297 : i32 to index
      %get3A_1372 = arith.constant 80 : index
      %get3A_1373 = tpu.vector_load %arg8[%get3A_1369, %get3A_1370, %get3A_1371, %get3A_1372] {strides = array<i32>} : memref<2x13x16x128xf32, #tpu.memory_space<vmem>>, vector<16xf32>,
      %add3A_1374 = arith.addf %add3A_1364, %get3A_1373 : vector<16xf32>
      %mul3A_1375 = arith.mulf %get3A_1373, %get3A_1373 : vector<16xf32>
      %add3A_1376 = arith.addf %add3A_1366, %mul3A_1375 : vector<16xf32>
      %get3A_1377 = arith.constant 0 : i32
      %get3A_1378 = arith.constant 8 : i32
      %get3A_1379 = arith.index_cast %get3A_1377 : i32 to index
      %get3A_1380 = arith.index_cast %get3A_1378 : i32 to index
      %get3A_1381 = arith.index_cast %scan3A_1297 : i32 to index
      %get3A_1382 = arith.constant 80 : index
      %get3A_1383 = tpu.vector_load %arg8[%get3A_1379, %get3A_1380, %get3A_1381, %get3A_1382] {strides = array<i32>} : memref<2x13x16x128xf32, #tpu.memory_space<vmem>>, vector<16xf32>,
      %add3A_1384 = arith.addf %add3A_1374, %get3A_1383 : vector<16xf32>
      %mul3A_1385 = arith.mulf %get3A_1383, %get3A_1383 : vector<16xf32>
      %add3A_1386 = arith.addf %add3A_1376, %mul3A_1385 : vector<16xf32>
      %get3A_1387 = arith.constant 0 : i32
      %get3A_1388 = arith.constant 9 : i32
      %get3A_1389 = arith.index_cast %get3A_1387 : i32 to index
      %get3A_1390 = arith.index_cast %get3A_1388 : i32 to index
      %get3A_1391 = arith.index_cast %scan3A_1297 : i32 to index
      %get3A_1392 = arith.constant 80 : index
      %get3A_1393 = tpu.vector_load %arg8[%get3A_1389, %get3A_1390, %get3A_1391, %get3A_1392] {strides = array<i32>} : memref<2x13x16x128xf32, #tpu.memory_space<vmem>>, vector<16xf32>,
      %add3A_1394 = arith.addf %add3A_1384, %get3A_1393 : vector<16xf32>
      %mul3A_1395 = arith.mulf %get3A_1393, %get3A_1393 : vector<16xf32>
      %add3A_1396 = arith.addf %add3A_1386, %mul3A_1395 : vector<16xf32>
      %get3A_1397 = arith.constant 0 : i32
      %get3A_1398 = arith.constant 10 : i32
      %get3A_1399 = arith.index_cast %get3A_1397 : i32 to index
      %get3A_1400 = arith.index_cast %get3A_1398 : i32 to index
      %get3A_1401 = arith.index_cast %scan3A_1297 : i32 to index
      %get3A_1402 = arith.constant 80 : index
      %get3A_1403 = tpu.vector_load %arg8[%get3A_1399, %get3A_1400, %get3A_1401, %get3A_1402] {strides = array<i32>} : memref<2x13x16x128xf32, #tpu.memory_space<vmem>>, vector<16xf32>,
      %add3A_1404 = arith.addf %add3A_1394, %get3A_1403 : vector<16xf32>
      %mul3A_1405 = arith.mulf %get3A_1403, %get3A_1403 : vector<16xf32>
      %add3A_1406 = arith.addf %add3A_1396, %mul3A_1405 : vector<16xf32>
      %get3A_1407 = arith.constant 0 : i32
      %get3A_1408 = arith.constant 11 : i32
      %get3A_1409 = arith.index_cast %get3A_1407 : i32 to index
      %get3A_1410 = arith.index_cast %get3A_1408 : i32 to index
      %get3A_1411 = arith.index_cast %scan3A_1297 : i32 to index
      %get3A_1412 = arith.constant 80 : index
      %get3A_1413 = tpu.vector_load %arg8[%get3A_1409, %get3A_1410, %get3A_1411, %get3A_1412] {strides = array<i32>} : memref<2x13x16x128xf32, #tpu.memory_space<vmem>>, vector<16xf32>,
      %add3A_1414 = arith.addf %add3A_1404, %get3A_1413 : vector<16xf32>
      %mul3A_1415 = arith.mulf %get3A_1413, %get3A_1413 : vector<16xf32>
      %add3A_1416 = arith.addf %add3A_1406, %mul3A_1415 : vector<16xf32>
      %get3A_1417 = arith.constant 0 : i32
      %get3A_1418 = arith.constant 12 : i32
      %get3A_1419 = arith.index_cast %get3A_1417 : i32 to index
      %get3A_1420 = arith.index_cast %get3A_1418 : i32 to index
      %get3A_1421 = arith.index_cast %scan3A_1297 : i32 to index
      %get3A_1422 = arith.constant 80 : index
      %get3A_1423 = tpu.vector_load %arg8[%get3A_1419, %get3A_1420, %get3A_1421, %get3A_1422] {strides = array<i32>} : memref<2x13x16x128xf32, #tpu.memory_space<vmem>>, vector<16xf32>,
      %add3A_1424 = arith.addf %add3A_1414, %get3A_1423 : vector<16xf32>
      %mul3A_1425 = arith.mulf %get3A_1423, %get3A_1423 : vector<16xf32>
      %add3A_1426 = arith.addf %add3A_1416, %mul3A_1425 : vector<16xf32>
      %swap3A_1427 = arith.constant 5 : i32
      %swap3A_1428 = arith.index_cast %swap3A_1427 : i32 to index
      %swap3A_1429 = arith.index_cast %scan3A_1297 : i32 to index
      %swap3A_1430 = arith.constant 0 : index
      %swap3A_1431 = tpu.vector_load %arg9[%swap3A_1428, %swap3A_1429, %swap3A_1430] {strides = array<i32>} : memref<8x16x16xf32, #tpu.memory_space<vmem>>, vector<16xf32>,
      tpu.vector_store %arg9[%swap3A_1428, %swap3A_1429, %swap3A_1430], %add3A_1424 {strides = array<i32>} : memref<8x16x16xf32, #tpu.memory_space<vmem>>, vector<16xf32>,
      %swap3A_1432 = arith.constant 5 : i32
      %swap3A_1433 = arith.index_cast %swap3A_1432 : i32 to index
      %swap3A_1434 = arith.index_cast %scan3A_1297 : i32 to index
      %swap3A_1435 = arith.constant 0 : index
      %swap3A_1436 = tpu.vector_load %arg10[%swap3A_1433, %swap3A_1434, %swap3A_1435] {strides = array<i32>} : memref<8x16x16xf32, #tpu.memory_space<vmem>>, vector<16xf32>,
      tpu.vector_store %arg10[%swap3A_1433, %swap3A_1434, %swap3A_1435], %add3A_1426 {strides = array<i32>} : memref<8x16x16xf32, #tpu.memory_space<vmem>>, vector<16xf32>,
      %scan3A_1437 = arith.constant 0 : i32
      scf.yield %scan3A_1437 : i32
    }
    %scan3A_300 = arith.constant 16 : i32
    %scan3A_301 = arith.constant 0 : i32
    %scan3A_302 = arith.constant 0 : i32
    %scan3A_303 = arith.constant 16 : i32
    %scan3A_304 = arith.addi %scan3A_302, %scan3A_303 : i32
    %scan3A_305 = arith.constant 1 : i32
    %scan3A_306 = scf.for %scan3A_1297 = %scan3A_302 to %scan3A_304 step %scan3A_305 iter_args(%scan3A_1298 = %scan3A_301) -> (i32)  : i32 {
      %get3A_1299 = arith.constant 0 : i32
      %get3A_1300 = arith.constant 0 : i32
      %get3A_1301 = arith.index_cast %get3A_1299 : i32 to index
      %get3A_1302 = arith.index_cast %get3A_1300 : i32 to index
      %get3A_1303 = arith.index_cast %scan3A_1297 : i32 to index
      %get3A_1304 = arith.constant 96 : index
      %get3A_1305 = tpu.vector_load %arg8[%get3A_1301, %get3A_1302, %get3A_1303, %get3A_1304] {strides = array<i32>} : memref<2x13x16x128xf32, #tpu.memory_space<vmem>>, vector<16xf32>,
      %mul3A_1306 = arith.mulf %get3A_1305, %get3A_1305 : vector<16xf32>
      %get3A_1307 = arith.constant 0 : i32
      %get3A_1308 = arith.constant 1 : i32
      %get3A_1309 = arith.index_cast %get3A_1307 : i32 to index
      %get3A_1310 = arith.index_cast %get3A_1308 : i32 to index
      %get3A_1311 = arith.index_cast %scan3A_1297 : i32 to index
      %get3A_1312 = arith.constant 96 : index
      %get3A_1313 = tpu.vector_load %arg8[%get3A_1309, %get3A_1310, %get3A_1311, %get3A_1312] {strides = array<i32>} : memref<2x13x16x128xf32, #tpu.memory_space<vmem>>, vector<16xf32>,
      %add3A_1314 = arith.addf %get3A_1305, %get3A_1313 : vector<16xf32>
      %mul3A_1315 = arith.mulf %get3A_1313, %get3A_1313 : vector<16xf32>
      %add3A_1316 = arith.addf %mul3A_1306, %mul3A_1315 : vector<16xf32>
      %get3A_1317 = arith.constant 0 : i32
      %get3A_1318 = arith.constant 2 : i32
      %get3A_1319 = arith.index_cast %get3A_1317 : i32 to index
      %get3A_1320 = arith.index_cast %get3A_1318 : i32 to index
      %get3A_1321 = arith.index_cast %scan3A_1297 : i32 to index
      %get3A_1322 = arith.constant 96 : index
      %get3A_1323 = tpu.vector_load %arg8[%get3A_1319, %get3A_1320, %get3A_1321, %get3A_1322] {strides = array<i32>} : memref<2x13x16x128xf32, #tpu.memory_space<vmem>>, vector<16xf32>,
      %add3A_1324 = arith.addf %add3A_1314, %get3A_1323 : vector<16xf32>
      %mul3A_1325 = arith.mulf %get3A_1323, %get3A_1323 : vector<16xf32>
      %add3A_1326 = arith.addf %add3A_1316, %mul3A_1325 : vector<16xf32>
      %get3A_1327 = arith.constant 0 : i32
      %get3A_1328 = arith.constant 3 : i32
      %get3A_1329 = arith.index_cast %get3A_1327 : i32 to index
      %get3A_1330 = arith.index_cast %get3A_1328 : i32 to index
      %get3A_1331 = arith.index_cast %scan3A_1297 : i32 to index
      %get3A_1332 = arith.constant 96 : index
      %get3A_1333 = tpu.vector_load %arg8[%get3A_1329, %get3A_1330, %get3A_1331, %get3A_1332] {strides = array<i32>} : memref<2x13x16x128xf32, #tpu.memory_space<vmem>>, vector<16xf32>,
      %add3A_1334 = arith.addf %add3A_1324, %get3A_1333 : vector<16xf32>
      %mul3A_1335 = arith.mulf %get3A_1333, %get3A_1333 : vector<16xf32>
      %add3A_1336 = arith.addf %add3A_1326, %mul3A_1335 : vector<16xf32>
      %get3A_1337 = arith.constant 0 : i32
      %get3A_1338 = arith.constant 4 : i32
      %get3A_1339 = arith.index_cast %get3A_1337 : i32 to index
      %get3A_1340 = arith.index_cast %get3A_1338 : i32 to index
      %get3A_1341 = arith.index_cast %scan3A_1297 : i32 to index
      %get3A_1342 = arith.constant 96 : index
      %get3A_1343 = tpu.vector_load %arg8[%get3A_1339, %get3A_1340, %get3A_1341, %get3A_1342] {strides = array<i32>} : memref<2x13x16x128xf32, #tpu.memory_space<vmem>>, vector<16xf32>,
      %add3A_1344 = arith.addf %add3A_1334, %get3A_1343 : vector<16xf32>
      %mul3A_1345 = arith.mulf %get3A_1343, %get3A_1343 : vector<16xf32>
      %add3A_1346 = arith.addf %add3A_1336, %mul3A_1345 : vector<16xf32>
      %get3A_1347 = arith.constant 0 : i32
      %get3A_1348 = arith.constant 5 : i32
      %get3A_1349 = arith.index_cast %get3A_1347 : i32 to index
      %get3A_1350 = arith.index_cast %get3A_1348 : i32 to index
      %get3A_1351 = arith.index_cast %scan3A_1297 : i32 to index
      %get3A_1352 = arith.constant 96 : index
      %get3A_1353 = tpu.vector_load %arg8[%get3A_1349, %get3A_1350, %get3A_1351, %get3A_1352] {strides = array<i32>} : memref<2x13x16x128xf32, #tpu.memory_space<vmem>>, vector<16xf32>,
      %add3A_1354 = arith.addf %add3A_1344, %get3A_1353 : vector<16xf32>
      %mul3A_1355 = arith.mulf %get3A_1353, %get3A_1353 : vector<16xf32>
      %add3A_1356 = arith.addf %add3A_1346, %mul3A_1355 : vector<16xf32>
      %get3A_1357 = arith.constant 0 : i32
      %get3A_1358 = arith.constant 6 : i32
      %get3A_1359 = arith.index_cast %get3A_1357 : i32 to index
      %get3A_1360 = arith.index_cast %get3A_1358 : i32 to index
      %get3A_1361 = arith.index_cast %scan3A_1297 : i32 to index
      %get3A_1362 = arith.constant 96 : index
      %get3A_1363 = tpu.vector_load %arg8[%get3A_1359, %get3A_1360, %get3A_1361, %get3A_1362] {strides = array<i32>} : memref<2x13x16x128xf32, #tpu.memory_space<vmem>>, vector<16xf32>,
      %add3A_1364 = arith.addf %add3A_1354, %get3A_1363 : vector<16xf32>
      %mul3A_1365 = arith.mulf %get3A_1363, %get3A_1363 : vector<16xf32>
      %add3A_1366 = arith.addf %add3A_1356, %mul3A_1365 : vector<16xf32>
      %get3A_1367 = arith.constant 0 : i32
      %get3A_1368 = arith.constant 7 : i32
      %get3A_1369 = arith.index_cast %get3A_1367 : i32 to index
      %get3A_1370 = arith.index_cast %get3A_1368 : i32 to index
      %get3A_1371 = arith.index_cast %scan3A_1297 : i32 to index
      %get3A_1372 = arith.constant 96 : index
      %get3A_1373 = tpu.vector_load %arg8[%get3A_1369, %get3A_1370, %get3A_1371, %get3A_1372] {strides = array<i32>} : memref<2x13x16x128xf32, #tpu.memory_space<vmem>>, vector<16xf32>,
      %add3A_1374 = arith.addf %add3A_1364, %get3A_1373 : vector<16xf32>
      %mul3A_1375 = arith.mulf %get3A_1373, %get3A_1373 : vector<16xf32>
      %add3A_1376 = arith.addf %add3A_1366, %mul3A_1375 : vector<16xf32>
      %get3A_1377 = arith.constant 0 : i32
      %get3A_1378 = arith.constant 8 : i32
      %get3A_1379 = arith.index_cast %get3A_1377 : i32 to index
      %get3A_1380 = arith.index_cast %get3A_1378 : i32 to index
      %get3A_1381 = arith.index_cast %scan3A_1297 : i32 to index
      %get3A_1382 = arith.constant 96 : index
      %get3A_1383 = tpu.vector_load %arg8[%get3A_1379, %get3A_1380, %get3A_1381, %get3A_1382] {strides = array<i32>} : memref<2x13x16x128xf32, #tpu.memory_space<vmem>>, vector<16xf32>,
      %add3A_1384 = arith.addf %add3A_1374, %get3A_1383 : vector<16xf32>
      %mul3A_1385 = arith.mulf %get3A_1383, %get3A_1383 : vector<16xf32>
      %add3A_1386 = arith.addf %add3A_1376, %mul3A_1385 : vector<16xf32>
      %get3A_1387 = arith.constant 0 : i32
      %get3A_1388 = arith.constant 9 : i32
      %get3A_1389 = arith.index_cast %get3A_1387 : i32 to index
      %get3A_1390 = arith.index_cast %get3A_1388 : i32 to index
      %get3A_1391 = arith.index_cast %scan3A_1297 : i32 to index
      %get3A_1392 = arith.constant 96 : index
      %get3A_1393 = tpu.vector_load %arg8[%get3A_1389, %get3A_1390, %get3A_1391, %get3A_1392] {strides = array<i32>} : memref<2x13x16x128xf32, #tpu.memory_space<vmem>>, vector<16xf32>,
      %add3A_1394 = arith.addf %add3A_1384, %get3A_1393 : vector<16xf32>
      %mul3A_1395 = arith.mulf %get3A_1393, %get3A_1393 : vector<16xf32>
      %add3A_1396 = arith.addf %add3A_1386, %mul3A_1395 : vector<16xf32>
      %get3A_1397 = arith.constant 0 : i32
      %get3A_1398 = arith.constant 10 : i32
      %get3A_1399 = arith.index_cast %get3A_1397 : i32 to index
      %get3A_1400 = arith.index_cast %get3A_1398 : i32 to index
      %get3A_1401 = arith.index_cast %scan3A_1297 : i32 to index
      %get3A_1402 = arith.constant 96 : index
      %get3A_1403 = tpu.vector_load %arg8[%get3A_1399, %get3A_1400, %get3A_1401, %get3A_1402] {strides = array<i32>} : memref<2x13x16x128xf32, #tpu.memory_space<vmem>>, vector<16xf32>,
      %add3A_1404 = arith.addf %add3A_1394, %get3A_1403 : vector<16xf32>
      %mul3A_1405 = arith.mulf %get3A_1403, %get3A_1403 : vector<16xf32>
      %add3A_1406 = arith.addf %add3A_1396, %mul3A_1405 : vector<16xf32>
      %get3A_1407 = arith.constant 0 : i32
      %get3A_1408 = arith.constant 11 : i32
      %get3A_1409 = arith.index_cast %get3A_1407 : i32 to index
      %get3A_1410 = arith.index_cast %get3A_1408 : i32 to index
      %get3A_1411 = arith.index_cast %scan3A_1297 : i32 to index
      %get3A_1412 = arith.constant 96 : index
      %get3A_1413 = tpu.vector_load %arg8[%get3A_1409, %get3A_1410, %get3A_1411, %get3A_1412] {strides = array<i32>} : memref<2x13x16x128xf32, #tpu.memory_space<vmem>>, vector<16xf32>,
      %add3A_1414 = arith.addf %add3A_1404, %get3A_1413 : vector<16xf32>
      %mul3A_1415 = arith.mulf %get3A_1413, %get3A_1413 : vector<16xf32>
      %add3A_1416 = arith.addf %add3A_1406, %mul3A_1415 : vector<16xf32>
      %get3A_1417 = arith.constant 0 : i32
      %get3A_1418 = arith.constant 12 : i32
      %get3A_1419 = arith.index_cast %get3A_1417 : i32 to index
      %get3A_1420 = arith.index_cast %get3A_1418 : i32 to index
      %get3A_1421 = arith.index_cast %scan3A_1297 : i32 to index
      %get3A_1422 = arith.constant 96 : index
      %get3A_1423 = tpu.vector_load %arg8[%get3A_1419, %get3A_1420, %get3A_1421, %get3A_1422] {strides = array<i32>} : memref<2x13x16x128xf32, #tpu.memory_space<vmem>>, vector<16xf32>,
      %add3A_1424 = arith.addf %add3A_1414, %get3A_1423 : vector<16xf32>
      %mul3A_1425 = arith.mulf %get3A_1423, %get3A_1423 : vector<16xf32>
      %add3A_1426 = arith.addf %add3A_1416, %mul3A_1425 : vector<16xf32>
      %swap3A_1427 = arith.constant 6 : i32
      %swap3A_1428 = arith.index_cast %swap3A_1427 : i32 to index
      %swap3A_1429 = arith.index_cast %scan3A_1297 : i32 to index
      %swap3A_1430 = arith.constant 0 : index
      %swap3A_1431 = tpu.vector_load %arg9[%swap3A_1428, %swap3A_1429, %swap3A_1430] {strides = array<i32>} : memref<8x16x16xf32, #tpu.memory_space<vmem>>, vector<16xf32>,
      tpu.vector_store %arg9[%swap3A_1428, %swap3A_1429, %swap3A_1430], %add3A_1424 {strides = array<i32>} : memref<8x16x16xf32, #tpu.memory_space<vmem>>, vector<16xf32>,
      %swap3A_1432 = arith.constant 6 : i32
      %swap3A_1433 = arith.index_cast %swap3A_1432 : i32 to index
      %swap3A_1434 = arith.index_cast %scan3A_1297 : i32 to index
      %swap3A_1435 = arith.constant 0 : index
      %swap3A_1436 = tpu.vector_load %arg10[%swap3A_1433, %swap3A_1434, %swap3A_1435] {strides = array<i32>} : memref<8x16x16xf32, #tpu.memory_space<vmem>>, vector<16xf32>,
      tpu.vector_store %arg10[%swap3A_1433, %swap3A_1434, %swap3A_1435], %add3A_1426 {strides = array<i32>} : memref<8x16x16xf32, #tpu.memory_space<vmem>>, vector<16xf32>,
      %scan3A_1437 = arith.constant 0 : i32
      scf.yield %scan3A_1437 : i32
    }
    %scan3A_307 = arith.constant 16 : i32
    %scan3A_308 = arith.constant 0 : i32
    %scan3A_309 = arith.constant 0 : i32
    %scan3A_310 = arith.constant 16 : i32
    %scan3A_311 = arith.addi %scan3A_309, %scan3A_310 : i32
    %scan3A_312 = arith.constant 1 : i32
    %scan3A_313 = scf.for %scan3A_1297 = %scan3A_309 to %scan3A_311 step %scan3A_312 iter_args(%scan3A_1298 = %scan3A_308) -> (i32)  : i32 {
      %get3A_1299 = arith.constant 0 : i32
      %get3A_1300 = arith.constant 0 : i32
      %get3A_1301 = arith.index_cast %get3A_1299 : i32 to index
      %get3A_1302 = arith.index_cast %get3A_1300 : i32 to index
      %get3A_1303 = arith.index_cast %scan3A_1297 : i32 to index
      %get3A_1304 = arith.constant 112 : index
      %get3A_1305 = tpu.vector_load %arg8[%get3A_1301, %get3A_1302, %get3A_1303, %get3A_1304] {strides = array<i32>} : memref<2x13x16x128xf32, #tpu.memory_space<vmem>>, vector<16xf32>,
      %mul3A_1306 = arith.mulf %get3A_1305, %get3A_1305 : vector<16xf32>
      %get3A_1307 = arith.constant 0 : i32
      %get3A_1308 = arith.constant 1 : i32
      %get3A_1309 = arith.index_cast %get3A_1307 : i32 to index
      %get3A_1310 = arith.index_cast %get3A_1308 : i32 to index
      %get3A_1311 = arith.index_cast %scan3A_1297 : i32 to index
      %get3A_1312 = arith.constant 112 : index
      %get3A_1313 = tpu.vector_load %arg8[%get3A_1309, %get3A_1310, %get3A_1311, %get3A_1312] {strides = array<i32>} : memref<2x13x16x128xf32, #tpu.memory_space<vmem>>, vector<16xf32>,
      %add3A_1314 = arith.addf %get3A_1305, %get3A_1313 : vector<16xf32>
      %mul3A_1315 = arith.mulf %get3A_1313, %get3A_1313 : vector<16xf32>
      %add3A_1316 = arith.addf %mul3A_1306, %mul3A_1315 : vector<16xf32>
      %get3A_1317 = arith.constant 0 : i32
      %get3A_1318 = arith.constant 2 : i32
      %get3A_1319 = arith.index_cast %get3A_1317 : i32 to index
      %get3A_1320 = arith.index_cast %get3A_1318 : i32 to index
      %get3A_1321 = arith.index_cast %scan3A_1297 : i32 to index
      %get3A_1322 = arith.constant 112 : index
      %get3A_1323 = tpu.vector_load %arg8[%get3A_1319, %get3A_1320, %get3A_1321, %get3A_1322] {strides = array<i32>} : memref<2x13x16x128xf32, #tpu.memory_space<vmem>>, vector<16xf32>,
      %add3A_1324 = arith.addf %add3A_1314, %get3A_1323 : vector<16xf32>
      %mul3A_1325 = arith.mulf %get3A_1323, %get3A_1323 : vector<16xf32>
      %add3A_1326 = arith.addf %add3A_1316, %mul3A_1325 : vector<16xf32>
      %get3A_1327 = arith.constant 0 : i32
      %get3A_1328 = arith.constant 3 : i32
      %get3A_1329 = arith.index_cast %get3A_1327 : i32 to index
      %get3A_1330 = arith.index_cast %get3A_1328 : i32 to index
      %get3A_1331 = arith.index_cast %scan3A_1297 : i32 to index
      %get3A_1332 = arith.constant 112 : index
      %get3A_1333 = tpu.vector_load %arg8[%get3A_1329, %get3A_1330, %get3A_1331, %get3A_1332] {strides = array<i32>} : memref<2x13x16x128xf32, #tpu.memory_space<vmem>>, vector<16xf32>,
      %add3A_1334 = arith.addf %add3A_1324, %get3A_1333 : vector<16xf32>
      %mul3A_1335 = arith.mulf %get3A_1333, %get3A_1333 : vector<16xf32>
      %add3A_1336 = arith.addf %add3A_1326, %mul3A_1335 : vector<16xf32>
      %get3A_1337 = arith.constant 0 : i32
      %get3A_1338 = arith.constant 4 : i32
      %get3A_1339 = arith.index_cast %get3A_1337 : i32 to index
      %get3A_1340 = arith.index_cast %get3A_1338 : i32 to index
      %get3A_1341 = arith.index_cast %scan3A_1297 : i32 to index
      %get3A_1342 = arith.constant 112 : index
      %get3A_1343 = tpu.vector_load %arg8[%get3A_1339, %get3A_1340, %get3A_1341, %get3A_1342] {strides = array<i32>} : memref<2x13x16x128xf32, #tpu.memory_space<vmem>>, vector<16xf32>,
      %add3A_1344 = arith.addf %add3A_1334, %get3A_1343 : vector<16xf32>
      %mul3A_1345 = arith.mulf %get3A_1343, %get3A_1343 : vector<16xf32>
      %add3A_1346 = arith.addf %add3A_1336, %mul3A_1345 : vector<16xf32>
      %get3A_1347 = arith.constant 0 : i32
      %get3A_1348 = arith.constant 5 : i32
      %get3A_1349 = arith.index_cast %get3A_1347 : i32 to index
      %get3A_1350 = arith.index_cast %get3A_1348 : i32 to index
      %get3A_1351 = arith.index_cast %scan3A_1297 : i32 to index
      %get3A_1352 = arith.constant 112 : index
      %get3A_1353 = tpu.vector_load %arg8[%get3A_1349, %get3A_1350, %get3A_1351, %get3A_1352] {strides = array<i32>} : memref<2x13x16x128xf32, #tpu.memory_space<vmem>>, vector<16xf32>,
      %add3A_1354 = arith.addf %add3A_1344, %get3A_1353 : vector<16xf32>
      %mul3A_1355 = arith.mulf %get3A_1353, %get3A_1353 : vector<16xf32>
      %add3A_1356 = arith.addf %add3A_1346, %mul3A_1355 : vector<16xf32>
      %get3A_1357 = arith.constant 0 : i32
      %get3A_1358 = arith.constant 6 : i32
      %get3A_1359 = arith.index_cast %get3A_1357 : i32 to index
      %get3A_1360 = arith.index_cast %get3A_1358 : i32 to index
      %get3A_1361 = arith.index_cast %scan3A_1297 : i32 to index
      %get3A_1362 = arith.constant 112 : index
      %get3A_1363 = tpu.vector_load %arg8[%get3A_1359, %get3A_1360, %get3A_1361, %get3A_1362] {strides = array<i32>} : memref<2x13x16x128xf32, #tpu.memory_space<vmem>>, vector<16xf32>,
      %add3A_1364 = arith.addf %add3A_1354, %get3A_1363 : vector<16xf32>
      %mul3A_1365 = arith.mulf %get3A_1363, %get3A_1363 : vector<16xf32>
      %add3A_1366 = arith.addf %add3A_1356, %mul3A_1365 : vector<16xf32>
      %get3A_1367 = arith.constant 0 : i32
      %get3A_1368 = arith.constant 7 : i32
      %get3A_1369 = arith.index_cast %get3A_1367 : i32 to index
      %get3A_1370 = arith.index_cast %get3A_1368 : i32 to index
      %get3A_1371 = arith.index_cast %scan3A_1297 : i32 to index
      %get3A_1372 = arith.constant 112 : index
      %get3A_1373 = tpu.vector_load %arg8[%get3A_1369, %get3A_1370, %get3A_1371, %get3A_1372] {strides = array<i32>} : memref<2x13x16x128xf32, #tpu.memory_space<vmem>>, vector<16xf32>,
      %add3A_1374 = arith.addf %add3A_1364, %get3A_1373 : vector<16xf32>
      %mul3A_1375 = arith.mulf %get3A_1373, %get3A_1373 : vector<16xf32>
      %add3A_1376 = arith.addf %add3A_1366, %mul3A_1375 : vector<16xf32>
      %get3A_1377 = arith.constant 0 : i32
      %get3A_1378 = arith.constant 8 : i32
      %get3A_1379 = arith.index_cast %get3A_1377 : i32 to index
      %get3A_1380 = arith.index_cast %get3A_1378 : i32 to index
      %get3A_1381 = arith.index_cast %scan3A_1297 : i32 to index
      %get3A_1382 = arith.constant 112 : index
      %get3A_1383 = tpu.vector_load %arg8[%get3A_1379, %get3A_1380, %get3A_1381, %get3A_1382] {strides = array<i32>} : memref<2x13x16x128xf32, #tpu.memory_space<vmem>>, vector<16xf32>,
      %add3A_1384 = arith.addf %add3A_1374, %get3A_1383 : vector<16xf32>
      %mul3A_1385 = arith.mulf %get3A_1383, %get3A_1383 : vector<16xf32>
      %add3A_1386 = arith.addf %add3A_1376, %mul3A_1385 : vector<16xf32>
      %get3A_1387 = arith.constant 0 : i32
      %get3A_1388 = arith.constant 9 : i32
      %get3A_1389 = arith.index_cast %get3A_1387 : i32 to index
      %get3A_1390 = arith.index_cast %get3A_1388 : i32 to index
      %get3A_1391 = arith.index_cast %scan3A_1297 : i32 to index
      %get3A_1392 = arith.constant 112 : index
      %get3A_1393 = tpu.vector_load %arg8[%get3A_1389, %get3A_1390, %get3A_1391, %get3A_1392] {strides = array<i32>} : memref<2x13x16x128xf32, #tpu.memory_space<vmem>>, vector<16xf32>,
      %add3A_1394 = arith.addf %add3A_1384, %get3A_1393 : vector<16xf32>
      %mul3A_1395 = arith.mulf %get3A_1393, %get3A_1393 : vector<16xf32>
      %add3A_1396 = arith.addf %add3A_1386, %mul3A_1395 : vector<16xf32>
      %get3A_1397 = arith.constant 0 : i32
      %get3A_1398 = arith.constant 10 : i32
      %get3A_1399 = arith.index_cast %get3A_1397 : i32 to index
      %get3A_1400 = arith.index_cast %get3A_1398 : i32 to index
      %get3A_1401 = arith.index_cast %scan3A_1297 : i32 to index
      %get3A_1402 = arith.constant 112 : index
      %get3A_1403 = tpu.vector_load %arg8[%get3A_1399, %get3A_1400, %get3A_1401, %get3A_1402] {strides = array<i32>} : memref<2x13x16x128xf32, #tpu.memory_space<vmem>>, vector<16xf32>,
      %add3A_1404 = arith.addf %add3A_1394, %get3A_1403 : vector<16xf32>
      %mul3A_1405 = arith.mulf %get3A_1403, %get3A_1403 : vector<16xf32>
      %add3A_1406 = arith.addf %add3A_1396, %mul3A_1405 : vector<16xf32>
      %get3A_1407 = arith.constant 0 : i32
      %get3A_1408 = arith.constant 11 : i32
      %get3A_1409 = arith.index_cast %get3A_1407 : i32 to index
      %get3A_1410 = arith.index_cast %get3A_1408 : i32 to index
      %get3A_1411 = arith.index_cast %scan3A_1297 : i32 to index
      %get3A_1412 = arith.constant 112 : index
      %get3A_1413 = tpu.vector_load %arg8[%get3A_1409, %get3A_1410, %get3A_1411, %get3A_1412] {strides = array<i32>} : memref<2x13x16x128xf32, #tpu.memory_space<vmem>>, vector<16xf32>,
      %add3A_1414 = arith.addf %add3A_1404, %get3A_1413 : vector<16xf32>
      %mul3A_1415 = arith.mulf %get3A_1413, %get3A_1413 : vector<16xf32>
      %add3A_1416 = arith.addf %add3A_1406, %mul3A_1415 : vector<16xf32>
      %get3A_1417 = arith.constant 0 : i32
      %get3A_1418 = arith.constant 12 : i32
      %get3A_1419 = arith.index_cast %get3A_1417 : i32 to index
      %get3A_1420 = arith.index_cast %get3A_1418 : i32 to index
      %get3A_1421 = arith.index_cast %scan3A_1297 : i32 to index
      %get3A_1422 = arith.constant 112 : index
      %get3A_1423 = tpu.vector_load %arg8[%get3A_1419, %get3A_1420, %get3A_1421, %get3A_1422] {strides = array<i32>} : memref<2x13x16x128xf32, #tpu.memory_space<vmem>>, vector<16xf32>,
      %add3A_1424 = arith.addf %add3A_1414, %get3A_1423 : vector<16xf32>
      %mul3A_1425 = arith.mulf %get3A_1423, %get3A_1423 : vector<16xf32>
      %add3A_1426 = arith.addf %add3A_1416, %mul3A_1425 : vector<16xf32>
      %swap3A_1427 = arith.constant 7 : i32
      %swap3A_1428 = arith.index_cast %swap3A_1427 : i32 to index
      %swap3A_1429 = arith.index_cast %scan3A_1297 : i32 to index
      %swap3A_1430 = arith.constant 0 : index
      %swap3A_1431 = tpu.vector_load %arg9[%swap3A_1428, %swap3A_1429, %swap3A_1430] {strides = array<i32>} : memref<8x16x16xf32, #tpu.memory_space<vmem>>, vector<16xf32>,
      tpu.vector_store %arg9[%swap3A_1428, %swap3A_1429, %swap3A_1430], %add3A_1424 {strides = array<i32>} : memref<8x16x16xf32, #tpu.memory_space<vmem>>, vector<16xf32>,
      %swap3A_1432 = arith.constant 7 : i32
      %swap3A_1433 = arith.index_cast %swap3A_1432 : i32 to index
      %swap3A_1434 = arith.index_cast %scan3A_1297 : i32 to index
      %swap3A_1435 = arith.constant 0 : index
      %swap3A_1436 = tpu.vector_load %arg10[%swap3A_1433, %swap3A_1434, %swap3A_1435] {strides = array<i32>} : memref<8x16x16xf32, #tpu.memory_space<vmem>>, vector<16xf32>,
      tpu.vector_store %arg10[%swap3A_1433, %swap3A_1434, %swap3A_1435], %add3A_1426 {strides = array<i32>} : memref<8x16x16xf32, #tpu.memory_space<vmem>>, vector<16xf32>,
      %scan3A_1437 = arith.constant 0 : i32
      scf.yield %scan3A_1437 : i32
    }
    %scan3A_314 = arith.constant 16 : i32
    %dma_wait3A_315 = arith.constant 1 : i32
    %dma_wait3A_316 = arith.constant 0 : i32
    %dma_wait3A_317 = arith.constant 0 : i32
    %dma_wait3A_318 = arith.constant 0 : i32
    %dma_wait3A_319 = tpu.memref_slice %arg8[%dma_wait3A_315, %dma_wait3A_316, %dma_wait3A_317, %dma_wait3A_318] : memref<2x13x16x128xf32, #tpu.memory_space<vmem>> -> memref<1x13x16x128xf32, #tpu.memory_space<vmem>>
    %dma_wait3A_320 = tpu.memref_squeeze %dma_wait3A_319 : memref<1x13x16x128xf32, #tpu.memory_space<vmem>> -> memref<13x16x128xf32, #tpu.memory_space<vmem>>
    %dma_wait3A_321 = arith.constant 13 : i32
    %dma_wait3A_322 = arith.constant 0 : i32
    %dma_wait3A_323 = tpu.memref_slice %arg3[%dma_wait3A_321, %dma_wait3A_322, %mul3A_2] : memref<26x16x4096xf32, #tpu.memory_space<hbm>> -> memref<13x16x128xf32, #tpu.memory_space<hbm>>
    %dma_wait3A_324 = arith.constant 0 : i32
    %dma_wait3A_325 = arith.constant 0 : i32
    %dma_wait3A_326 = arith.constant 0 : i32
    %dma_wait3A_327 = tpu.memref_slice %arg8[%dma_wait3A_315, %dma_wait3A_324, %dma_wait3A_325, %dma_wait3A_326] : memref<2x13x16x128xf32, #tpu.memory_space<vmem>> -> memref<1x13x16x128xf32, #tpu.memory_space<vmem>>
    %dma_wait3A_328 = tpu.memref_squeeze %dma_wait3A_327 : memref<1x13x16x128xf32, #tpu.memory_space<vmem>> -> memref<13x16x128xf32, #tpu.memory_space<vmem>>
    %dma_wait3A_329 = arith.constant 13 : i32
    %dma_wait3A_330 = arith.constant 0 : i32
    %dma_wait3A_331 = tpu.memref_slice %arg3[%dma_wait3A_329, %dma_wait3A_330, %mul3A_2] : memref<26x16x4096xf32, #tpu.memory_space<hbm>> -> memref<13x16x128xf32, #tpu.memory_space<hbm>>
    tpu.wait_dma2 semaphore(%arg14 : memref<!tpu.dma_semaphore, #tpu.memory_space<semaphore_mem>>) src(%dma_wait3A_331 : memref<13x16x128xf32, #tpu.memory_space<hbm>>) dst(%dma_wait3A_328 : memref<13x16x128xf32, #tpu.memory_space<vmem>>)
    %broadcast_in_dim3A = arith.constant 0.000000e+00 : f32
    %broadcast_in_dim3A_332 = vector.broadcast %broadcast_in_dim3A : f32 to vector<16xf32>
    %scan3A_333 = arith.constant 0 : i32
    %scan3A_334 = arith.constant 16 : i32
    %scan3A_335 = arith.addi %scan3A_333, %scan3A_334 : i32
    %scan3A_336 = arith.constant 1 : i32
    %scan3A_337 = scf.for %scan3A_1297 = %scan3A_333 to %scan3A_335 step %scan3A_336 iter_args(%scan3A_1298 = %broadcast_in_dim3A_332) -> (vector<16xf32>)  : i32 {
      %get3A_1299 = arith.constant 1 : i32
      %get3A_1300 = arith.constant 0 : i32
      %get3A_1301 = arith.index_cast %get3A_1299 : i32 to index
      %get3A_1302 = arith.index_cast %get3A_1300 : i32 to index
      %get3A_1303 = arith.index_cast %scan3A_1297 : i32 to index
      %get3A_1304 = arith.constant 0 : index
      %get3A_1305 = tpu.vector_load %arg8[%get3A_1301, %get3A_1302, %get3A_1303, %get3A_1304] {strides = array<i32>} : memref<2x13x16x128xf32, #tpu.memory_space<vmem>>, vector<16xf32>,
      %mul3A_1306 = arith.mulf %get3A_1305, %get3A_1305 : vector<16xf32>
      %get3A_1307 = arith.constant 1 : i32
      %get3A_1308 = arith.constant 1 : i32
      %get3A_1309 = arith.index_cast %get3A_1307 : i32 to index
      %get3A_1310 = arith.index_cast %get3A_1308 : i32 to index
      %get3A_1311 = arith.index_cast %scan3A_1297 : i32 to index
      %get3A_1312 = arith.constant 0 : index
      %get3A_1313 = tpu.vector_load %arg8[%get3A_1309, %get3A_1310, %get3A_1311, %get3A_1312] {strides = array<i32>} : memref<2x13x16x128xf32, #tpu.memory_space<vmem>>, vector<16xf32>,
      %add3A_1314 = arith.addf %get3A_1305, %get3A_1313 : vector<16xf32>
      %mul3A_1315 = arith.mulf %get3A_1313, %get3A_1313 : vector<16xf32>
      %add3A_1316 = arith.addf %mul3A_1306, %mul3A_1315 : vector<16xf32>
      %get3A_1317 = arith.constant 1 : i32
      %get3A_1318 = arith.constant 2 : i32
      %get3A_1319 = arith.index_cast %get3A_1317 : i32 to index
      %get3A_1320 = arith.index_cast %get3A_1318 : i32 to index
      %get3A_1321 = arith.index_cast %scan3A_1297 : i32 to index
      %get3A_1322 = arith.constant 0 : index
      %get3A_1323 = tpu.vector_load %arg8[%get3A_1319, %get3A_1320, %get3A_1321, %get3A_1322] {strides = array<i32>} : memref<2x13x16x128xf32, #tpu.memory_space<vmem>>, vector<16xf32>,
      %add3A_1324 = arith.addf %add3A_1314, %get3A_1323 : vector<16xf32>
      %mul3A_1325 = arith.mulf %get3A_1323, %get3A_1323 : vector<16xf32>
      %add3A_1326 = arith.addf %add3A_1316, %mul3A_1325 : vector<16xf32>
      %get3A_1327 = arith.constant 1 : i32
      %get3A_1328 = arith.constant 3 : i32
      %get3A_1329 = arith.index_cast %get3A_1327 : i32 to index
      %get3A_1330 = arith.index_cast %get3A_1328 : i32 to index
      %get3A_1331 = arith.index_cast %scan3A_1297 : i32 to index
      %get3A_1332 = arith.constant 0 : index
      %get3A_1333 = tpu.vector_load %arg8[%get3A_1329, %get3A_1330, %get3A_1331, %get3A_1332] {strides = array<i32>} : memref<2x13x16x128xf32, #tpu.memory_space<vmem>>, vector<16xf32>,
      %add3A_1334 = arith.addf %add3A_1324, %get3A_1333 : vector<16xf32>
      %mul3A_1335 = arith.mulf %get3A_1333, %get3A_1333 : vector<16xf32>
      %add3A_1336 = arith.addf %add3A_1326, %mul3A_1335 : vector<16xf32>
      %get3A_1337 = arith.constant 1 : i32
      %get3A_1338 = arith.constant 4 : i32
      %get3A_1339 = arith.index_cast %get3A_1337 : i32 to index
      %get3A_1340 = arith.index_cast %get3A_1338 : i32 to index
      %get3A_1341 = arith.index_cast %scan3A_1297 : i32 to index
      %get3A_1342 = arith.constant 0 : index
      %get3A_1343 = tpu.vector_load %arg8[%get3A_1339, %get3A_1340, %get3A_1341, %get3A_1342] {strides = array<i32>} : memref<2x13x16x128xf32, #tpu.memory_space<vmem>>, vector<16xf32>,
      %add3A_1344 = arith.addf %add3A_1334, %get3A_1343 : vector<16xf32>
      %mul3A_1345 = arith.mulf %get3A_1343, %get3A_1343 : vector<16xf32>
      %add3A_1346 = arith.addf %add3A_1336, %mul3A_1345 : vector<16xf32>
      %get3A_1347 = arith.constant 1 : i32
      %get3A_1348 = arith.constant 5 : i32
      %get3A_1349 = arith.index_cast %get3A_1347 : i32 to index
      %get3A_1350 = arith.index_cast %get3A_1348 : i32 to index
      %get3A_1351 = arith.index_cast %scan3A_1297 : i32 to index
      %get3A_1352 = arith.constant 0 : index
      %get3A_1353 = tpu.vector_load %arg8[%get3A_1349, %get3A_1350, %get3A_1351, %get3A_1352] {strides = array<i32>} : memref<2x13x16x128xf32, #tpu.memory_space<vmem>>, vector<16xf32>,
      %add3A_1354 = arith.addf %add3A_1344, %get3A_1353 : vector<16xf32>
      %mul3A_1355 = arith.mulf %get3A_1353, %get3A_1353 : vector<16xf32>
      %add3A_1356 = arith.addf %add3A_1346, %mul3A_1355 : vector<16xf32>
      %get3A_1357 = arith.constant 1 : i32
      %get3A_1358 = arith.constant 6 : i32
      %get3A_1359 = arith.index_cast %get3A_1357 : i32 to index
      %get3A_1360 = arith.index_cast %get3A_1358 : i32 to index
      %get3A_1361 = arith.index_cast %scan3A_1297 : i32 to index
      %get3A_1362 = arith.constant 0 : index
      %get3A_1363 = tpu.vector_load %arg8[%get3A_1359, %get3A_1360, %get3A_1361, %get3A_1362] {strides = array<i32>} : memref<2x13x16x128xf32, #tpu.memory_space<vmem>>, vector<16xf32>,
      %add3A_1364 = arith.addf %add3A_1354, %get3A_1363 : vector<16xf32>
      %mul3A_1365 = arith.mulf %get3A_1363, %get3A_1363 : vector<16xf32>
      %add3A_1366 = arith.addf %add3A_1356, %mul3A_1365 : vector<16xf32>
      %get3A_1367 = arith.constant 1 : i32
      %get3A_1368 = arith.constant 7 : i32
      %get3A_1369 = arith.index_cast %get3A_1367 : i32 to index
      %get3A_1370 = arith.index_cast %get3A_1368 : i32 to index
      %get3A_1371 = arith.index_cast %scan3A_1297 : i32 to index
      %get3A_1372 = arith.constant 0 : index
      %get3A_1373 = tpu.vector_load %arg8[%get3A_1369, %get3A_1370, %get3A_1371, %get3A_1372] {strides = array<i32>} : memref<2x13x16x128xf32, #tpu.memory_space<vmem>>, vector<16xf32>,
      %add3A_1374 = arith.addf %add3A_1364, %get3A_1373 : vector<16xf32>
      %mul3A_1375 = arith.mulf %get3A_1373, %get3A_1373 : vector<16xf32>
      %add3A_1376 = arith.addf %add3A_1366, %mul3A_1375 : vector<16xf32>
      %get3A_1377 = arith.constant 1 : i32
      %get3A_1378 = arith.constant 8 : i32
      %get3A_1379 = arith.index_cast %get3A_1377 : i32 to index
      %get3A_1380 = arith.index_cast %get3A_1378 : i32 to index
      %get3A_1381 = arith.index_cast %scan3A_1297 : i32 to index
      %get3A_1382 = arith.constant 0 : index
      %get3A_1383 = tpu.vector_load %arg8[%get3A_1379, %get3A_1380, %get3A_1381, %get3A_1382] {strides = array<i32>} : memref<2x13x16x128xf32, #tpu.memory_space<vmem>>, vector<16xf32>,
      %add3A_1384 = arith.addf %add3A_1374, %get3A_1383 : vector<16xf32>
      %mul3A_1385 = arith.mulf %get3A_1383, %get3A_1383 : vector<16xf32>
      %add3A_1386 = arith.addf %add3A_1376, %mul3A_1385 : vector<16xf32>
      %get3A_1387 = arith.constant 1 : i32
      %get3A_1388 = arith.constant 9 : i32
      %get3A_1389 = arith.index_cast %get3A_1387 : i32 to index
      %get3A_1390 = arith.index_cast %get3A_1388 : i32 to index
      %get3A_1391 = arith.index_cast %scan3A_1297 : i32 to index
      %get3A_1392 = arith.constant 0 : index
      %get3A_1393 = tpu.vector_load %arg8[%get3A_1389, %get3A_1390, %get3A_1391, %get3A_1392] {strides = array<i32>} : memref<2x13x16x128xf32, #tpu.memory_space<vmem>>, vector<16xf32>,
      %add3A_1394 = arith.addf %add3A_1384, %get3A_1393 : vector<16xf32>
      %mul3A_1395 = arith.mulf %get3A_1393, %get3A_1393 : vector<16xf32>
      %add3A_1396 = arith.addf %add3A_1386, %mul3A_1395 : vector<16xf32>
      %get3A_1397 = arith.constant 1 : i32
      %get3A_1398 = arith.constant 10 : i32
      %get3A_1399 = arith.index_cast %get3A_1397 : i32 to index
      %get3A_1400 = arith.index_cast %get3A_1398 : i32 to index
      %get3A_1401 = arith.index_cast %scan3A_1297 : i32 to index
      %get3A_1402 = arith.constant 0 : index
      %get3A_1403 = tpu.vector_load %arg8[%get3A_1399, %get3A_1400, %get3A_1401, %get3A_1402] {strides = array<i32>} : memref<2x13x16x128xf32, #tpu.memory_space<vmem>>, vector<16xf32>,
      %add3A_1404 = arith.addf %add3A_1394, %get3A_1403 : vector<16xf32>
      %mul3A_1405 = arith.mulf %get3A_1403, %get3A_1403 : vector<16xf32>
      %add3A_1406 = arith.addf %add3A_1396, %mul3A_1405 : vector<16xf32>
      %get3A_1407 = arith.constant 1 : i32
      %get3A_1408 = arith.constant 11 : i32
      %get3A_1409 = arith.index_cast %get3A_1407 : i32 to index
      %get3A_1410 = arith.index_cast %get3A_1408 : i32 to index
      %get3A_1411 = arith.index_cast %scan3A_1297 : i32 to index
      %get3A_1412 = arith.constant 0 : index
      %get3A_1413 = tpu.vector_load %arg8[%get3A_1409, %get3A_1410, %get3A_1411, %get3A_1412] {strides = array<i32>} : memref<2x13x16x128xf32, #tpu.memory_space<vmem>>, vector<16xf32>,
      %add3A_1414 = arith.addf %add3A_1404, %get3A_1413 : vector<16xf32>
      %mul3A_1415 = arith.mulf %get3A_1413, %get3A_1413 : vector<16xf32>
      %add3A_1416 = arith.addf %add3A_1406, %mul3A_1415 : vector<16xf32>
      %get3A_1417 = arith.constant 1 : i32
      %get3A_1418 = arith.constant 12 : i32
      %get3A_1419 = arith.index_cast %get3A_1417 : i32 to index
      %get3A_1420 = arith.index_cast %get3A_1418 : i32 to index
      %get3A_1421 = arith.index_cast %scan3A_1297 : i32 to index
      %get3A_1422 = arith.constant 0 : index
      %get3A_1423 = tpu.vector_load %arg8[%get3A_1419, %get3A_1420, %get3A_1421, %get3A_1422] {strides = array<i32>} : memref<2x13x16x128xf32, #tpu.memory_space<vmem>>, vector<16xf32>,
      %add3A_1424 = arith.addf %add3A_1414, %get3A_1423 : vector<16xf32>
      %mul3A_1425 = arith.mulf %get3A_1423, %get3A_1423 : vector<16xf32>
      %add3A_1426 = arith.addf %add3A_1416, %mul3A_1425 : vector<16xf32>
      %get3A_1427 = arith.constant 0 : i32
      %get3A_1428 = arith.index_cast %get3A_1427 : i32 to index
      %get3A_1429 = arith.index_cast %scan3A_1297 : i32 to index
      %get3A_1430 = arith.constant 0 : index
      %get3A_1431 = tpu.vector_load %arg9[%get3A_1428, %get3A_1429, %get3A_1430] {strides = array<i32>} : memref<8x16x16xf32, #tpu.memory_space<vmem>>, vector<16xf32>,
      %add3A_1432 = arith.addf %add3A_1424, %get3A_1431 : vector<16xf32>
      %get3A_1433 = arith.constant 0 : i32
      %get3A_1434 = arith.index_cast %get3A_1433 : i32 to index
      %get3A_1435 = arith.index_cast %scan3A_1297 : i32 to index
      %get3A_1436 = arith.constant 0 : index
      %get3A_1437 = tpu.vector_load %arg10[%get3A_1434, %get3A_1435, %get3A_1436] {strides = array<i32>} : memref<8x16x16xf32, #tpu.memory_space<vmem>>, vector<16xf32>,
      %add3A_1438 = arith.addf %add3A_1426, %get3A_1437 : vector<16xf32>
      %mul3A_1439 = arith.mulf %add3A_1432, %add3A_1432 : vector<16xf32>
      %sub3A = arith.subf %mul3A_1439, %add3A_1438 : vector<16xf32>
      %add3A_1440 = arith.addf %scan3A_1298, %sub3A : vector<16xf32>
      scf.yield %add3A_1440 : vector<16xf32>
    }
    %scan3A_338 = arith.constant 16 : i32
    %mul3A_339 = arith.constant 5.000000e-01 : f32
    %mul3A_340 = vector.broadcast %mul3A_339 : f32 to vector<16xf32>
    %mul3A_341 = arith.mulf %mul3A_340, %scan3A_337 : vector<16xf32>
    %swap3A = arith.constant 0 : index
    %swap3A_342 = tpu.vector_load %arg11[%swap3A] {strides = array<i32>} : memref<128xf32, #tpu.memory_space<vmem>>, vector<16xf32>,
    tpu.vector_store %arg11[%swap3A], %mul3A_341 {strides = array<i32>} : memref<128xf32, #tpu.memory_space<vmem>>, vector<16xf32>,
    %broadcast_in_dim3A_343 = arith.constant 0.000000e+00 : f32
    %broadcast_in_dim3A_344 = vector.broadcast %broadcast_in_dim3A_343 : f32 to vector<16xf32>
    %scan3A_345 = arith.constant 0 : i32
    %scan3A_346 = arith.constant 16 : i32
    %scan3A_347 = arith.addi %scan3A_345, %scan3A_346 : i32
    %scan3A_348 = arith.constant 1 : i32
    %scan3A_349 = scf.for %scan3A_1297 = %scan3A_345 to %scan3A_347 step %scan3A_348 iter_args(%scan3A_1298 = %broadcast_in_dim3A_344) -> (vector<16xf32>)  : i32 {
      %get3A_1299 = arith.constant 1 : i32
      %get3A_1300 = arith.constant 0 : i32
      %get3A_1301 = arith.index_cast %get3A_1299 : i32 to index
      %get3A_1302 = arith.index_cast %get3A_1300 : i32 to index
      %get3A_1303 = arith.index_cast %scan3A_1297 : i32 to index
      %get3A_1304 = arith.constant 16 : index
      %get3A_1305 = tpu.vector_load %arg8[%get3A_1301, %get3A_1302, %get3A_1303, %get3A_1304] {strides = array<i32>} : memref<2x13x16x128xf32, #tpu.memory_space<vmem>>, vector<16xf32>,
      %mul3A_1306 = arith.mulf %get3A_1305, %get3A_1305 : vector<16xf32>
      %get3A_1307 = arith.constant 1 : i32
      %get3A_1308 = arith.constant 1 : i32
      %get3A_1309 = arith.index_cast %get3A_1307 : i32 to index
      %get3A_1310 = arith.index_cast %get3A_1308 : i32 to index
      %get3A_1311 = arith.index_cast %scan3A_1297 : i32 to index
      %get3A_1312 = arith.constant 16 : index
      %get3A_1313 = tpu.vector_load %arg8[%get3A_1309, %get3A_1310, %get3A_1311, %get3A_1312] {strides = array<i32>} : memref<2x13x16x128xf32, #tpu.memory_space<vmem>>, vector<16xf32>,
      %add3A_1314 = arith.addf %get3A_1305, %get3A_1313 : vector<16xf32>
      %mul3A_1315 = arith.mulf %get3A_1313, %get3A_1313 : vector<16xf32>
      %add3A_1316 = arith.addf %mul3A_1306, %mul3A_1315 : vector<16xf32>
      %get3A_1317 = arith.constant 1 : i32
      %get3A_1318 = arith.constant 2 : i32
      %get3A_1319 = arith.index_cast %get3A_1317 : i32 to index
      %get3A_1320 = arith.index_cast %get3A_1318 : i32 to index
      %get3A_1321 = arith.index_cast %scan3A_1297 : i32 to index
      %get3A_1322 = arith.constant 16 : index
      %get3A_1323 = tpu.vector_load %arg8[%get3A_1319, %get3A_1320, %get3A_1321, %get3A_1322] {strides = array<i32>} : memref<2x13x16x128xf32, #tpu.memory_space<vmem>>, vector<16xf32>,
      %add3A_1324 = arith.addf %add3A_1314, %get3A_1323 : vector<16xf32>
      %mul3A_1325 = arith.mulf %get3A_1323, %get3A_1323 : vector<16xf32>
      %add3A_1326 = arith.addf %add3A_1316, %mul3A_1325 : vector<16xf32>
      %get3A_1327 = arith.constant 1 : i32
      %get3A_1328 = arith.constant 3 : i32
      %get3A_1329 = arith.index_cast %get3A_1327 : i32 to index
      %get3A_1330 = arith.index_cast %get3A_1328 : i32 to index
      %get3A_1331 = arith.index_cast %scan3A_1297 : i32 to index
      %get3A_1332 = arith.constant 16 : index
      %get3A_1333 = tpu.vector_load %arg8[%get3A_1329, %get3A_1330, %get3A_1331, %get3A_1332] {strides = array<i32>} : memref<2x13x16x128xf32, #tpu.memory_space<vmem>>, vector<16xf32>,
      %add3A_1334 = arith.addf %add3A_1324, %get3A_1333 : vector<16xf32>
      %mul3A_1335 = arith.mulf %get3A_1333, %get3A_1333 : vector<16xf32>
      %add3A_1336 = arith.addf %add3A_1326, %mul3A_1335 : vector<16xf32>
      %get3A_1337 = arith.constant 1 : i32
      %get3A_1338 = arith.constant 4 : i32
      %get3A_1339 = arith.index_cast %get3A_1337 : i32 to index
      %get3A_1340 = arith.index_cast %get3A_1338 : i32 to index
      %get3A_1341 = arith.index_cast %scan3A_1297 : i32 to index
      %get3A_1342 = arith.constant 16 : index
      %get3A_1343 = tpu.vector_load %arg8[%get3A_1339, %get3A_1340, %get3A_1341, %get3A_1342] {strides = array<i32>} : memref<2x13x16x128xf32, #tpu.memory_space<vmem>>, vector<16xf32>,
      %add3A_1344 = arith.addf %add3A_1334, %get3A_1343 : vector<16xf32>
      %mul3A_1345 = arith.mulf %get3A_1343, %get3A_1343 : vector<16xf32>
      %add3A_1346 = arith.addf %add3A_1336, %mul3A_1345 : vector<16xf32>
      %get3A_1347 = arith.constant 1 : i32
      %get3A_1348 = arith.constant 5 : i32
      %get3A_1349 = arith.index_cast %get3A_1347 : i32 to index
      %get3A_1350 = arith.index_cast %get3A_1348 : i32 to index
      %get3A_1351 = arith.index_cast %scan3A_1297 : i32 to index
      %get3A_1352 = arith.constant 16 : index
      %get3A_1353 = tpu.vector_load %arg8[%get3A_1349, %get3A_1350, %get3A_1351, %get3A_1352] {strides = array<i32>} : memref<2x13x16x128xf32, #tpu.memory_space<vmem>>, vector<16xf32>,
      %add3A_1354 = arith.addf %add3A_1344, %get3A_1353 : vector<16xf32>
      %mul3A_1355 = arith.mulf %get3A_1353, %get3A_1353 : vector<16xf32>
      %add3A_1356 = arith.addf %add3A_1346, %mul3A_1355 : vector<16xf32>
      %get3A_1357 = arith.constant 1 : i32
      %get3A_1358 = arith.constant 6 : i32
      %get3A_1359 = arith.index_cast %get3A_1357 : i32 to index
      %get3A_1360 = arith.index_cast %get3A_1358 : i32 to index
      %get3A_1361 = arith.index_cast %scan3A_1297 : i32 to index
      %get3A_1362 = arith.constant 16 : index
      %get3A_1363 = tpu.vector_load %arg8[%get3A_1359, %get3A_1360, %get3A_1361, %get3A_1362] {strides = array<i32>} : memref<2x13x16x128xf32, #tpu.memory_space<vmem>>, vector<16xf32>,
      %add3A_1364 = arith.addf %add3A_1354, %get3A_1363 : vector<16xf32>
      %mul3A_1365 = arith.mulf %get3A_1363, %get3A_1363 : vector<16xf32>
      %add3A_1366 = arith.addf %add3A_1356, %mul3A_1365 : vector<16xf32>
      %get3A_1367 = arith.constant 1 : i32
      %get3A_1368 = arith.constant 7 : i32
      %get3A_1369 = arith.index_cast %get3A_1367 : i32 to index
      %get3A_1370 = arith.index_cast %get3A_1368 : i32 to index
      %get3A_1371 = arith.index_cast %scan3A_1297 : i32 to index
      %get3A_1372 = arith.constant 16 : index
      %get3A_1373 = tpu.vector_load %arg8[%get3A_1369, %get3A_1370, %get3A_1371, %get3A_1372] {strides = array<i32>} : memref<2x13x16x128xf32, #tpu.memory_space<vmem>>, vector<16xf32>,
      %add3A_1374 = arith.addf %add3A_1364, %get3A_1373 : vector<16xf32>
      %mul3A_1375 = arith.mulf %get3A_1373, %get3A_1373 : vector<16xf32>
      %add3A_1376 = arith.addf %add3A_1366, %mul3A_1375 : vector<16xf32>
      %get3A_1377 = arith.constant 1 : i32
      %get3A_1378 = arith.constant 8 : i32
      %get3A_1379 = arith.index_cast %get3A_1377 : i32 to index
      %get3A_1380 = arith.index_cast %get3A_1378 : i32 to index
      %get3A_1381 = arith.index_cast %scan3A_1297 : i32 to index
      %get3A_1382 = arith.constant 16 : index
      %get3A_1383 = tpu.vector_load %arg8[%get3A_1379, %get3A_1380, %get3A_1381, %get3A_1382] {strides = array<i32>} : memref<2x13x16x128xf32, #tpu.memory_space<vmem>>, vector<16xf32>,
      %add3A_1384 = arith.addf %add3A_1374, %get3A_1383 : vector<16xf32>
      %mul3A_1385 = arith.mulf %get3A_1383, %get3A_1383 : vector<16xf32>
      %add3A_1386 = arith.addf %add3A_1376, %mul3A_1385 : vector<16xf32>
      %get3A_1387 = arith.constant 1 : i32
      %get3A_1388 = arith.constant 9 : i32
      %get3A_1389 = arith.index_cast %get3A_1387 : i32 to index
      %get3A_1390 = arith.index_cast %get3A_1388 : i32 to index
      %get3A_1391 = arith.index_cast %scan3A_1297 : i32 to index
      %get3A_1392 = arith.constant 16 : index
      %get3A_1393 = tpu.vector_load %arg8[%get3A_1389, %get3A_1390, %get3A_1391, %get3A_1392] {strides = array<i32>} : memref<2x13x16x128xf32, #tpu.memory_space<vmem>>, vector<16xf32>,
      %add3A_1394 = arith.addf %add3A_1384, %get3A_1393 : vector<16xf32>
      %mul3A_1395 = arith.mulf %get3A_1393, %get3A_1393 : vector<16xf32>
      %add3A_1396 = arith.addf %add3A_1386, %mul3A_1395 : vector<16xf32>
      %get3A_1397 = arith.constant 1 : i32
      %get3A_1398 = arith.constant 10 : i32
      %get3A_1399 = arith.index_cast %get3A_1397 : i32 to index
      %get3A_1400 = arith.index_cast %get3A_1398 : i32 to index
      %get3A_1401 = arith.index_cast %scan3A_1297 : i32 to index
      %get3A_1402 = arith.constant 16 : index
      %get3A_1403 = tpu.vector_load %arg8[%get3A_1399, %get3A_1400, %get3A_1401, %get3A_1402] {strides = array<i32>} : memref<2x13x16x128xf32, #tpu.memory_space<vmem>>, vector<16xf32>,
      %add3A_1404 = arith.addf %add3A_1394, %get3A_1403 : vector<16xf32>
      %mul3A_1405 = arith.mulf %get3A_1403, %get3A_1403 : vector<16xf32>
      %add3A_1406 = arith.addf %add3A_1396, %mul3A_1405 : vector<16xf32>
      %get3A_1407 = arith.constant 1 : i32
      %get3A_1408 = arith.constant 11 : i32
      %get3A_1409 = arith.index_cast %get3A_1407 : i32 to index
      %get3A_1410 = arith.index_cast %get3A_1408 : i32 to index
      %get3A_1411 = arith.index_cast %scan3A_1297 : i32 to index
      %get3A_1412 = arith.constant 16 : index
      %get3A_1413 = tpu.vector_load %arg8[%get3A_1409, %get3A_1410, %get3A_1411, %get3A_1412] {strides = array<i32>} : memref<2x13x16x128xf32, #tpu.memory_space<vmem>>, vector<16xf32>,
      %add3A_1414 = arith.addf %add3A_1404, %get3A_1413 : vector<16xf32>
      %mul3A_1415 = arith.mulf %get3A_1413, %get3A_1413 : vector<16xf32>
      %add3A_1416 = arith.addf %add3A_1406, %mul3A_1415 : vector<16xf32>
      %get3A_1417 = arith.constant 1 : i32
      %get3A_1418 = arith.constant 12 : i32
      %get3A_1419 = arith.index_cast %get3A_1417 : i32 to index
      %get3A_1420 = arith.index_cast %get3A_1418 : i32 to index
      %get3A_1421 = arith.index_cast %scan3A_1297 : i32 to index
      %get3A_1422 = arith.constant 16 : index
      %get3A_1423 = tpu.vector_load %arg8[%get3A_1419, %get3A_1420, %get3A_1421, %get3A_1422] {strides = array<i32>} : memref<2x13x16x128xf32, #tpu.memory_space<vmem>>, vector<16xf32>,
      %add3A_1424 = arith.addf %add3A_1414, %get3A_1423 : vector<16xf32>
      %mul3A_1425 = arith.mulf %get3A_1423, %get3A_1423 : vector<16xf32>
      %add3A_1426 = arith.addf %add3A_1416, %mul3A_1425 : vector<16xf32>
      %get3A_1427 = arith.constant 1 : i32
      %get3A_1428 = arith.index_cast %get3A_1427 : i32 to index
      %get3A_1429 = arith.index_cast %scan3A_1297 : i32 to index
      %get3A_1430 = arith.constant 0 : index
      %get3A_1431 = tpu.vector_load %arg9[%get3A_1428, %get3A_1429, %get3A_1430] {strides = array<i32>} : memref<8x16x16xf32, #tpu.memory_space<vmem>>, vector<16xf32>,
      %add3A_1432 = arith.addf %add3A_1424, %get3A_1431 : vector<16xf32>
      %get3A_1433 = arith.constant 1 : i32
      %get3A_1434 = arith.index_cast %get3A_1433 : i32 to index
      %get3A_1435 = arith.index_cast %scan3A_1297 : i32 to index
      %get3A_1436 = arith.constant 0 : index
      %get3A_1437 = tpu.vector_load %arg10[%get3A_1434, %get3A_1435, %get3A_1436] {strides = array<i32>} : memref<8x16x16xf32, #tpu.memory_space<vmem>>, vector<16xf32>,
      %add3A_1438 = arith.addf %add3A_1426, %get3A_1437 : vector<16xf32>
      %mul3A_1439 = arith.mulf %add3A_1432, %add3A_1432 : vector<16xf32>
      %sub3A = arith.subf %mul3A_1439, %add3A_1438 : vector<16xf32>
      %add3A_1440 = arith.addf %scan3A_1298, %sub3A : vector<16xf32>
      scf.yield %add3A_1440 : vector<16xf32>
    }
    %scan3A_350 = arith.constant 16 : i32
    %mul3A_351 = arith.constant 5.000000e-01 : f32
    %mul3A_352 = vector.broadcast %mul3A_351 : f32 to vector<16xf32>
    %mul3A_353 = arith.mulf %mul3A_352, %scan3A_349 : vector<16xf32>
    %swap3A_354 = arith.constant 16 : index
    %swap3A_355 = tpu.vector_load %arg11[%swap3A_354] {strides = array<i32>} : memref<128xf32, #tpu.memory_space<vmem>>, vector<16xf32>,
    tpu.vector_store %arg11[%swap3A_354], %mul3A_353 {strides = array<i32>} : memref<128xf32, #tpu.memory_space<vmem>>, vector<16xf32>,
    %broadcast_in_dim3A_356 = arith.constant 0.000000e+00 : f32
    %broadcast_in_dim3A_357 = vector.broadcast %broadcast_in_dim3A_356 : f32 to vector<16xf32>
    %scan3A_358 = arith.constant 0 : i32
    %scan3A_359 = arith.constant 16 : i32
    %scan3A_360 = arith.addi %scan3A_358, %scan3A_359 : i32
    %scan3A_361 = arith.constant 1 : i32
    %scan3A_362 = scf.for %scan3A_1297 = %scan3A_358 to %scan3A_360 step %scan3A_361 iter_args(%scan3A_1298 = %broadcast_in_dim3A_357) -> (vector<16xf32>)  : i32 {
      %get3A_1299 = arith.constant 1 : i32
      %get3A_1300 = arith.constant 0 : i32
      %get3A_1301 = arith.index_cast %get3A_1299 : i32 to index
      %get3A_1302 = arith.index_cast %get3A_1300 : i32 to index
      %get3A_1303 = arith.index_cast %scan3A_1297 : i32 to index
      %get3A_1304 = arith.constant 32 : index
      %get3A_1305 = tpu.vector_load %arg8[%get3A_1301, %get3A_1302, %get3A_1303, %get3A_1304] {strides = array<i32>} : memref<2x13x16x128xf32, #tpu.memory_space<vmem>>, vector<16xf32>,
      %mul3A_1306 = arith.mulf %get3A_1305, %get3A_1305 : vector<16xf32>
      %get3A_1307 = arith.constant 1 : i32
      %get3A_1308 = arith.constant 1 : i32
      %get3A_1309 = arith.index_cast %get3A_1307 : i32 to index
      %get3A_1310 = arith.index_cast %get3A_1308 : i32 to index
      %get3A_1311 = arith.index_cast %scan3A_1297 : i32 to index
      %get3A_1312 = arith.constant 32 : index
      %get3A_1313 = tpu.vector_load %arg8[%get3A_1309, %get3A_1310, %get3A_1311, %get3A_1312] {strides = array<i32>} : memref<2x13x16x128xf32, #tpu.memory_space<vmem>>, vector<16xf32>,
      %add3A_1314 = arith.addf %get3A_1305, %get3A_1313 : vector<16xf32>
      %mul3A_1315 = arith.mulf %get3A_1313, %get3A_1313 : vector<16xf32>
      %add3A_1316 = arith.addf %mul3A_1306, %mul3A_1315 : vector<16xf32>
      %get3A_1317 = arith.constant 1 : i32
      %get3A_1318 = arith.constant 2 : i32
      %get3A_1319 = arith.index_cast %get3A_1317 : i32 to index
      %get3A_1320 = arith.index_cast %get3A_1318 : i32 to index
      %get3A_1321 = arith.index_cast %scan3A_1297 : i32 to index
      %get3A_1322 = arith.constant 32 : index
      %get3A_1323 = tpu.vector_load %arg8[%get3A_1319, %get3A_1320, %get3A_1321, %get3A_1322] {strides = array<i32>} : memref<2x13x16x128xf32, #tpu.memory_space<vmem>>, vector<16xf32>,
      %add3A_1324 = arith.addf %add3A_1314, %get3A_1323 : vector<16xf32>
      %mul3A_1325 = arith.mulf %get3A_1323, %get3A_1323 : vector<16xf32>
      %add3A_1326 = arith.addf %add3A_1316, %mul3A_1325 : vector<16xf32>
      %get3A_1327 = arith.constant 1 : i32
      %get3A_1328 = arith.constant 3 : i32
      %get3A_1329 = arith.index_cast %get3A_1327 : i32 to index
      %get3A_1330 = arith.index_cast %get3A_1328 : i32 to index
      %get3A_1331 = arith.index_cast %scan3A_1297 : i32 to index
      %get3A_1332 = arith.constant 32 : index
      %get3A_1333 = tpu.vector_load %arg8[%get3A_1329, %get3A_1330, %get3A_1331, %get3A_1332] {strides = array<i32>} : memref<2x13x16x128xf32, #tpu.memory_space<vmem>>, vector<16xf32>,
      %add3A_1334 = arith.addf %add3A_1324, %get3A_1333 : vector<16xf32>
      %mul3A_1335 = arith.mulf %get3A_1333, %get3A_1333 : vector<16xf32>
      %add3A_1336 = arith.addf %add3A_1326, %mul3A_1335 : vector<16xf32>
      %get3A_1337 = arith.constant 1 : i32
      %get3A_1338 = arith.constant 4 : i32
      %get3A_1339 = arith.index_cast %get3A_1337 : i32 to index
      %get3A_1340 = arith.index_cast %get3A_1338 : i32 to index
      %get3A_1341 = arith.index_cast %scan3A_1297 : i32 to index
      %get3A_1342 = arith.constant 32 : index
      %get3A_1343 = tpu.vector_load %arg8[%get3A_1339, %get3A_1340, %get3A_1341, %get3A_1342] {strides = array<i32>} : memref<2x13x16x128xf32, #tpu.memory_space<vmem>>, vector<16xf32>,
      %add3A_1344 = arith.addf %add3A_1334, %get3A_1343 : vector<16xf32>
      %mul3A_1345 = arith.mulf %get3A_1343, %get3A_1343 : vector<16xf32>
      %add3A_1346 = arith.addf %add3A_1336, %mul3A_1345 : vector<16xf32>
      %get3A_1347 = arith.constant 1 : i32
      %get3A_1348 = arith.constant 5 : i32
      %get3A_1349 = arith.index_cast %get3A_1347 : i32 to index
      %get3A_1350 = arith.index_cast %get3A_1348 : i32 to index
      %get3A_1351 = arith.index_cast %scan3A_1297 : i32 to index
      %get3A_1352 = arith.constant 32 : index
      %get3A_1353 = tpu.vector_load %arg8[%get3A_1349, %get3A_1350, %get3A_1351, %get3A_1352] {strides = array<i32>} : memref<2x13x16x128xf32, #tpu.memory_space<vmem>>, vector<16xf32>,
      %add3A_1354 = arith.addf %add3A_1344, %get3A_1353 : vector<16xf32>
      %mul3A_1355 = arith.mulf %get3A_1353, %get3A_1353 : vector<16xf32>
      %add3A_1356 = arith.addf %add3A_1346, %mul3A_1355 : vector<16xf32>
      %get3A_1357 = arith.constant 1 : i32
      %get3A_1358 = arith.constant 6 : i32
      %get3A_1359 = arith.index_cast %get3A_1357 : i32 to index
      %get3A_1360 = arith.index_cast %get3A_1358 : i32 to index
      %get3A_1361 = arith.index_cast %scan3A_1297 : i32 to index
      %get3A_1362 = arith.constant 32 : index
      %get3A_1363 = tpu.vector_load %arg8[%get3A_1359, %get3A_1360, %get3A_1361, %get3A_1362] {strides = array<i32>} : memref<2x13x16x128xf32, #tpu.memory_space<vmem>>, vector<16xf32>,
      %add3A_1364 = arith.addf %add3A_1354, %get3A_1363 : vector<16xf32>
      %mul3A_1365 = arith.mulf %get3A_1363, %get3A_1363 : vector<16xf32>
      %add3A_1366 = arith.addf %add3A_1356, %mul3A_1365 : vector<16xf32>
      %get3A_1367 = arith.constant 1 : i32
      %get3A_1368 = arith.constant 7 : i32
      %get3A_1369 = arith.index_cast %get3A_1367 : i32 to index
      %get3A_1370 = arith.index_cast %get3A_1368 : i32 to index
      %get3A_1371 = arith.index_cast %scan3A_1297 : i32 to index
      %get3A_1372 = arith.constant 32 : index
      %get3A_1373 = tpu.vector_load %arg8[%get3A_1369, %get3A_1370, %get3A_1371, %get3A_1372] {strides = array<i32>} : memref<2x13x16x128xf32, #tpu.memory_space<vmem>>, vector<16xf32>,
      %add3A_1374 = arith.addf %add3A_1364, %get3A_1373 : vector<16xf32>
      %mul3A_1375 = arith.mulf %get3A_1373, %get3A_1373 : vector<16xf32>
      %add3A_1376 = arith.addf %add3A_1366, %mul3A_1375 : vector<16xf32>
      %get3A_1377 = arith.constant 1 : i32
      %get3A_1378 = arith.constant 8 : i32
      %get3A_1379 = arith.index_cast %get3A_1377 : i32 to index
      %get3A_1380 = arith.index_cast %get3A_1378 : i32 to index
      %get3A_1381 = arith.index_cast %scan3A_1297 : i32 to index
      %get3A_1382 = arith.constant 32 : index
      %get3A_1383 = tpu.vector_load %arg8[%get3A_1379, %get3A_1380, %get3A_1381, %get3A_1382] {strides = array<i32>} : memref<2x13x16x128xf32, #tpu.memory_space<vmem>>, vector<16xf32>,
      %add3A_1384 = arith.addf %add3A_1374, %get3A_1383 : vector<16xf32>
      %mul3A_1385 = arith.mulf %get3A_1383, %get3A_1383 : vector<16xf32>
      %add3A_1386 = arith.addf %add3A_1376, %mul3A_1385 : vector<16xf32>
      %get3A_1387 = arith.constant 1 : i32
      %get3A_1388 = arith.constant 9 : i32
      %get3A_1389 = arith.index_cast %get3A_1387 : i32 to index
      %get3A_1390 = arith.index_cast %get3A_1388 : i32 to index
      %get3A_1391 = arith.index_cast %scan3A_1297 : i32 to index
      %get3A_1392 = arith.constant 32 : index
      %get3A_1393 = tpu.vector_load %arg8[%get3A_1389, %get3A_1390, %get3A_1391, %get3A_1392] {strides = array<i32>} : memref<2x13x16x128xf32, #tpu.memory_space<vmem>>, vector<16xf32>,
      %add3A_1394 = arith.addf %add3A_1384, %get3A_1393 : vector<16xf32>
      %mul3A_1395 = arith.mulf %get3A_1393, %get3A_1393 : vector<16xf32>
      %add3A_1396 = arith.addf %add3A_1386, %mul3A_1395 : vector<16xf32>
      %get3A_1397 = arith.constant 1 : i32
      %get3A_1398 = arith.constant 10 : i32
      %get3A_1399 = arith.index_cast %get3A_1397 : i32 to index
      %get3A_1400 = arith.index_cast %get3A_1398 : i32 to index
      %get3A_1401 = arith.index_cast %scan3A_1297 : i32 to index
      %get3A_1402 = arith.constant 32 : index
      %get3A_1403 = tpu.vector_load %arg8[%get3A_1399, %get3A_1400, %get3A_1401, %get3A_1402] {strides = array<i32>} : memref<2x13x16x128xf32, #tpu.memory_space<vmem>>, vector<16xf32>,
      %add3A_1404 = arith.addf %add3A_1394, %get3A_1403 : vector<16xf32>
      %mul3A_1405 = arith.mulf %get3A_1403, %get3A_1403 : vector<16xf32>
      %add3A_1406 = arith.addf %add3A_1396, %mul3A_1405 : vector<16xf32>
      %get3A_1407 = arith.constant 1 : i32
      %get3A_1408 = arith.constant 11 : i32
      %get3A_1409 = arith.index_cast %get3A_1407 : i32 to index
      %get3A_1410 = arith.index_cast %get3A_1408 : i32 to index
      %get3A_1411 = arith.index_cast %scan3A_1297 : i32 to index
      %get3A_1412 = arith.constant 32 : index
      %get3A_1413 = tpu.vector_load %arg8[%get3A_1409, %get3A_1410, %get3A_1411, %get3A_1412] {strides = array<i32>} : memref<2x13x16x128xf32, #tpu.memory_space<vmem>>, vector<16xf32>,
      %add3A_1414 = arith.addf %add3A_1404, %get3A_1413 : vector<16xf32>
      %mul3A_1415 = arith.mulf %get3A_1413, %get3A_1413 : vector<16xf32>
      %add3A_1416 = arith.addf %add3A_1406, %mul3A_1415 : vector<16xf32>
      %get3A_1417 = arith.constant 1 : i32
      %get3A_1418 = arith.constant 12 : i32
      %get3A_1419 = arith.index_cast %get3A_1417 : i32 to index
      %get3A_1420 = arith.index_cast %get3A_1418 : i32 to index
      %get3A_1421 = arith.index_cast %scan3A_1297 : i32 to index
      %get3A_1422 = arith.constant 32 : index
      %get3A_1423 = tpu.vector_load %arg8[%get3A_1419, %get3A_1420, %get3A_1421, %get3A_1422] {strides = array<i32>} : memref<2x13x16x128xf32, #tpu.memory_space<vmem>>, vector<16xf32>,
      %add3A_1424 = arith.addf %add3A_1414, %get3A_1423 : vector<16xf32>
      %mul3A_1425 = arith.mulf %get3A_1423, %get3A_1423 : vector<16xf32>
      %add3A_1426 = arith.addf %add3A_1416, %mul3A_1425 : vector<16xf32>
      %get3A_1427 = arith.constant 2 : i32
      %get3A_1428 = arith.index_cast %get3A_1427 : i32 to index
      %get3A_1429 = arith.index_cast %scan3A_1297 : i32 to index
      %get3A_1430 = arith.constant 0 : index
      %get3A_1431 = tpu.vector_load %arg9[%get3A_1428, %get3A_1429, %get3A_1430] {strides = array<i32>} : memref<8x16x16xf32, #tpu.memory_space<vmem>>, vector<16xf32>,
      %add3A_1432 = arith.addf %add3A_1424, %get3A_1431 : vector<16xf32>
      %get3A_1433 = arith.constant 2 : i32
      %get3A_1434 = arith.index_cast %get3A_1433 : i32 to index
      %get3A_1435 = arith.index_cast %scan3A_1297 : i32 to index
      %get3A_1436 = arith.constant 0 : index
      %get3A_1437 = tpu.vector_load %arg10[%get3A_1434, %get3A_1435, %get3A_1436] {strides = array<i32>} : memref<8x16x16xf32, #tpu.memory_space<vmem>>, vector<16xf32>,
      %add3A_1438 = arith.addf %add3A_1426, %get3A_1437 : vector<16xf32>
      %mul3A_1439 = arith.mulf %add3A_1432, %add3A_1432 : vector<16xf32>
      %sub3A = arith.subf %mul3A_1439, %add3A_1438 : vector<16xf32>
      %add3A_1440 = arith.addf %scan3A_1298, %sub3A : vector<16xf32>
      scf.yield %add3A_1440 : vector<16xf32>
    }
    %scan3A_363 = arith.constant 16 : i32
    %mul3A_364 = arith.constant 5.000000e-01 : f32
    %mul3A_365 = vector.broadcast %mul3A_364 : f32 to vector<16xf32>
    %mul3A_366 = arith.mulf %mul3A_365, %scan3A_362 : vector<16xf32>
    %swap3A_367 = arith.constant 32 : index
    %swap3A_368 = tpu.vector_load %arg11[%swap3A_367] {strides = array<i32>} : memref<128xf32, #tpu.memory_space<vmem>>, vector<16xf32>,
    tpu.vector_store %arg11[%swap3A_367], %mul3A_366 {strides = array<i32>} : memref<128xf32, #tpu.memory_space<vmem>>, vector<16xf32>,
    %broadcast_in_dim3A_369 = arith.constant 0.000000e+00 : f32
    %broadcast_in_dim3A_370 = vector.broadcast %broadcast_in_dim3A_369 : f32 to vector<16xf32>
    %scan3A_371 = arith.constant 0 : i32
    %scan3A_372 = arith.constant 16 : i32
    %scan3A_373 = arith.addi %scan3A_371, %scan3A_372 : i32
    %scan3A_374 = arith.constant 1 : i32
    %scan3A_375 = scf.for %scan3A_1297 = %scan3A_371 to %scan3A_373 step %scan3A_374 iter_args(%scan3A_1298 = %broadcast_in_dim3A_370) -> (vector<16xf32>)  : i32 {
      %get3A_1299 = arith.constant 1 : i32
      %get3A_1300 = arith.constant 0 : i32
      %get3A_1301 = arith.index_cast %get3A_1299 : i32 to index
      %get3A_1302 = arith.index_cast %get3A_1300 : i32 to index
      %get3A_1303 = arith.index_cast %scan3A_1297 : i32 to index
      %get3A_1304 = arith.constant 48 : index
      %get3A_1305 = tpu.vector_load %arg8[%get3A_1301, %get3A_1302, %get3A_1303, %get3A_1304] {strides = array<i32>} : memref<2x13x16x128xf32, #tpu.memory_space<vmem>>, vector<16xf32>,
      %mul3A_1306 = arith.mulf %get3A_1305, %get3A_1305 : vector<16xf32>
      %get3A_1307 = arith.constant 1 : i32
      %get3A_1308 = arith.constant 1 : i32
      %get3A_1309 = arith.index_cast %get3A_1307 : i32 to index
      %get3A_1310 = arith.index_cast %get3A_1308 : i32 to index
      %get3A_1311 = arith.index_cast %scan3A_1297 : i32 to index
      %get3A_1312 = arith.constant 48 : index
      %get3A_1313 = tpu.vector_load %arg8[%get3A_1309, %get3A_1310, %get3A_1311, %get3A_1312] {strides = array<i32>} : memref<2x13x16x128xf32, #tpu.memory_space<vmem>>, vector<16xf32>,
      %add3A_1314 = arith.addf %get3A_1305, %get3A_1313 : vector<16xf32>
      %mul3A_1315 = arith.mulf %get3A_1313, %get3A_1313 : vector<16xf32>
      %add3A_1316 = arith.addf %mul3A_1306, %mul3A_1315 : vector<16xf32>
      %get3A_1317 = arith.constant 1 : i32
      %get3A_1318 = arith.constant 2 : i32
      %get3A_1319 = arith.index_cast %get3A_1317 : i32 to index
      %get3A_1320 = arith.index_cast %get3A_1318 : i32 to index
      %get3A_1321 = arith.index_cast %scan3A_1297 : i32 to index
      %get3A_1322 = arith.constant 48 : index
      %get3A_1323 = tpu.vector_load %arg8[%get3A_1319, %get3A_1320, %get3A_1321, %get3A_1322] {strides = array<i32>} : memref<2x13x16x128xf32, #tpu.memory_space<vmem>>, vector<16xf32>,
      %add3A_1324 = arith.addf %add3A_1314, %get3A_1323 : vector<16xf32>
      %mul3A_1325 = arith.mulf %get3A_1323, %get3A_1323 : vector<16xf32>
      %add3A_1326 = arith.addf %add3A_1316, %mul3A_1325 : vector<16xf32>
      %get3A_1327 = arith.constant 1 : i32
      %get3A_1328 = arith.constant 3 : i32
      %get3A_1329 = arith.index_cast %get3A_1327 : i32 to index
      %get3A_1330 = arith.index_cast %get3A_1328 : i32 to index
      %get3A_1331 = arith.index_cast %scan3A_1297 : i32 to index
      %get3A_1332 = arith.constant 48 : index
      %get3A_1333 = tpu.vector_load %arg8[%get3A_1329, %get3A_1330, %get3A_1331, %get3A_1332] {strides = array<i32>} : memref<2x13x16x128xf32, #tpu.memory_space<vmem>>, vector<16xf32>,
      %add3A_1334 = arith.addf %add3A_1324, %get3A_1333 : vector<16xf32>
      %mul3A_1335 = arith.mulf %get3A_1333, %get3A_1333 : vector<16xf32>
      %add3A_1336 = arith.addf %add3A_1326, %mul3A_1335 : vector<16xf32>
      %get3A_1337 = arith.constant 1 : i32
      %get3A_1338 = arith.constant 4 : i32
      %get3A_1339 = arith.index_cast %get3A_1337 : i32 to index
      %get3A_1340 = arith.index_cast %get3A_1338 : i32 to index
      %get3A_1341 = arith.index_cast %scan3A_1297 : i32 to index
      %get3A_1342 = arith.constant 48 : index
      %get3A_1343 = tpu.vector_load %arg8[%get3A_1339, %get3A_1340, %get3A_1341, %get3A_1342] {strides = array<i32>} : memref<2x13x16x128xf32, #tpu.memory_space<vmem>>, vector<16xf32>,
      %add3A_1344 = arith.addf %add3A_1334, %get3A_1343 : vector<16xf32>
      %mul3A_1345 = arith.mulf %get3A_1343, %get3A_1343 : vector<16xf32>
      %add3A_1346 = arith.addf %add3A_1336, %mul3A_1345 : vector<16xf32>
      %get3A_1347 = arith.constant 1 : i32
      %get3A_1348 = arith.constant 5 : i32
      %get3A_1349 = arith.index_cast %get3A_1347 : i32 to index
      %get3A_1350 = arith.index_cast %get3A_1348 : i32 to index
      %get3A_1351 = arith.index_cast %scan3A_1297 : i32 to index
      %get3A_1352 = arith.constant 48 : index
      %get3A_1353 = tpu.vector_load %arg8[%get3A_1349, %get3A_1350, %get3A_1351, %get3A_1352] {strides = array<i32>} : memref<2x13x16x128xf32, #tpu.memory_space<vmem>>, vector<16xf32>,
      %add3A_1354 = arith.addf %add3A_1344, %get3A_1353 : vector<16xf32>
      %mul3A_1355 = arith.mulf %get3A_1353, %get3A_1353 : vector<16xf32>
      %add3A_1356 = arith.addf %add3A_1346, %mul3A_1355 : vector<16xf32>
      %get3A_1357 = arith.constant 1 : i32
      %get3A_1358 = arith.constant 6 : i32
      %get3A_1359 = arith.index_cast %get3A_1357 : i32 to index
      %get3A_1360 = arith.index_cast %get3A_1358 : i32 to index
      %get3A_1361 = arith.index_cast %scan3A_1297 : i32 to index
      %get3A_1362 = arith.constant 48 : index
      %get3A_1363 = tpu.vector_load %arg8[%get3A_1359, %get3A_1360, %get3A_1361, %get3A_1362] {strides = array<i32>} : memref<2x13x16x128xf32, #tpu.memory_space<vmem>>, vector<16xf32>,
      %add3A_1364 = arith.addf %add3A_1354, %get3A_1363 : vector<16xf32>
      %mul3A_1365 = arith.mulf %get3A_1363, %get3A_1363 : vector<16xf32>
      %add3A_1366 = arith.addf %add3A_1356, %mul3A_1365 : vector<16xf32>
      %get3A_1367 = arith.constant 1 : i32
      %get3A_1368 = arith.constant 7 : i32
      %get3A_1369 = arith.index_cast %get3A_1367 : i32 to index
      %get3A_1370 = arith.index_cast %get3A_1368 : i32 to index
      %get3A_1371 = arith.index_cast %scan3A_1297 : i32 to index
      %get3A_1372 = arith.constant 48 : index
      %get3A_1373 = tpu.vector_load %arg8[%get3A_1369, %get3A_1370, %get3A_1371, %get3A_1372] {strides = array<i32>} : memref<2x13x16x128xf32, #tpu.memory_space<vmem>>, vector<16xf32>,
      %add3A_1374 = arith.addf %add3A_1364, %get3A_1373 : vector<16xf32>
      %mul3A_1375 = arith.mulf %get3A_1373, %get3A_1373 : vector<16xf32>
      %add3A_1376 = arith.addf %add3A_1366, %mul3A_1375 : vector<16xf32>
      %get3A_1377 = arith.constant 1 : i32
      %get3A_1378 = arith.constant 8 : i32
      %get3A_1379 = arith.index_cast %get3A_1377 : i32 to index
      %get3A_1380 = arith.index_cast %get3A_1378 : i32 to index
      %get3A_1381 = arith.index_cast %scan3A_1297 : i32 to index
      %get3A_1382 = arith.constant 48 : index
      %get3A_1383 = tpu.vector_load %arg8[%get3A_1379, %get3A_1380, %get3A_1381, %get3A_1382] {strides = array<i32>} : memref<2x13x16x128xf32, #tpu.memory_space<vmem>>, vector<16xf32>,
      %add3A_1384 = arith.addf %add3A_1374, %get3A_1383 : vector<16xf32>
      %mul3A_1385 = arith.mulf %get3A_1383, %get3A_1383 : vector<16xf32>
      %add3A_1386 = arith.addf %add3A_1376, %mul3A_1385 : vector<16xf32>
      %get3A_1387 = arith.constant 1 : i32
      %get3A_1388 = arith.constant 9 : i32
      %get3A_1389 = arith.index_cast %get3A_1387 : i32 to index
      %get3A_1390 = arith.index_cast %get3A_1388 : i32 to index
      %get3A_1391 = arith.index_cast %scan3A_1297 : i32 to index
      %get3A_1392 = arith.constant 48 : index
      %get3A_1393 = tpu.vector_load %arg8[%get3A_1389, %get3A_1390, %get3A_1391, %get3A_1392] {strides = array<i32>} : memref<2x13x16x128xf32, #tpu.memory_space<vmem>>, vector<16xf32>,
      %add3A_1394 = arith.addf %add3A_1384, %get3A_1393 : vector<16xf32>
      %mul3A_1395 = arith.mulf %get3A_1393, %get3A_1393 : vector<16xf32>
      %add3A_1396 = arith.addf %add3A_1386, %mul3A_1395 : vector<16xf32>
      %get3A_1397 = arith.constant 1 : i32
      %get3A_1398 = arith.constant 10 : i32
      %get3A_1399 = arith.index_cast %get3A_1397 : i32 to index
      %get3A_1400 = arith.index_cast %get3A_1398 : i32 to index
      %get3A_1401 = arith.index_cast %scan3A_1297 : i32 to index
      %get3A_1402 = arith.constant 48 : index
      %get3A_1403 = tpu.vector_load %arg8[%get3A_1399, %get3A_1400, %get3A_1401, %get3A_1402] {strides = array<i32>} : memref<2x13x16x128xf32, #tpu.memory_space<vmem>>, vector<16xf32>,
      %add3A_1404 = arith.addf %add3A_1394, %get3A_1403 : vector<16xf32>
      %mul3A_1405 = arith.mulf %get3A_1403, %get3A_1403 : vector<16xf32>
      %add3A_1406 = arith.addf %add3A_1396, %mul3A_1405 : vector<16xf32>
      %get3A_1407 = arith.constant 1 : i32
      %get3A_1408 = arith.constant 11 : i32
      %get3A_1409 = arith.index_cast %get3A_1407 : i32 to index
      %get3A_1410 = arith.index_cast %get3A_1408 : i32 to index
      %get3A_1411 = arith.index_cast %scan3A_1297 : i32 to index
      %get3A_1412 = arith.constant 48 : index
      %get3A_1413 = tpu.vector_load %arg8[%get3A_1409, %get3A_1410, %get3A_1411, %get3A_1412] {strides = array<i32>} : memref<2x13x16x128xf32, #tpu.memory_space<vmem>>, vector<16xf32>,
      %add3A_1414 = arith.addf %add3A_1404, %get3A_1413 : vector<16xf32>
      %mul3A_1415 = arith.mulf %get3A_1413, %get3A_1413 : vector<16xf32>
      %add3A_1416 = arith.addf %add3A_1406, %mul3A_1415 : vector<16xf32>
      %get3A_1417 = arith.constant 1 : i32
      %get3A_1418 = arith.constant 12 : i32
      %get3A_1419 = arith.index_cast %get3A_1417 : i32 to index
      %get3A_1420 = arith.index_cast %get3A_1418 : i32 to index
      %get3A_1421 = arith.index_cast %scan3A_1297 : i32 to index
      %get3A_1422 = arith.constant 48 : index
      %get3A_1423 = tpu.vector_load %arg8[%get3A_1419, %get3A_1420, %get3A_1421, %get3A_1422] {strides = array<i32>} : memref<2x13x16x128xf32, #tpu.memory_space<vmem>>, vector<16xf32>,
      %add3A_1424 = arith.addf %add3A_1414, %get3A_1423 : vector<16xf32>
      %mul3A_1425 = arith.mulf %get3A_1423, %get3A_1423 : vector<16xf32>
      %add3A_1426 = arith.addf %add3A_1416, %mul3A_1425 : vector<16xf32>
      %get3A_1427 = arith.constant 3 : i32
      %get3A_1428 = arith.index_cast %get3A_1427 : i32 to index
      %get3A_1429 = arith.index_cast %scan3A_1297 : i32 to index
      %get3A_1430 = arith.constant 0 : index
      %get3A_1431 = tpu.vector_load %arg9[%get3A_1428, %get3A_1429, %get3A_1430] {strides = array<i32>} : memref<8x16x16xf32, #tpu.memory_space<vmem>>, vector<16xf32>,
      %add3A_1432 = arith.addf %add3A_1424, %get3A_1431 : vector<16xf32>
      %get3A_1433 = arith.constant 3 : i32
      %get3A_1434 = arith.index_cast %get3A_1433 : i32 to index
      %get3A_1435 = arith.index_cast %scan3A_1297 : i32 to index
      %get3A_1436 = arith.constant 0 : index
      %get3A_1437 = tpu.vector_load %arg10[%get3A_1434, %get3A_1435, %get3A_1436] {strides = array<i32>} : memref<8x16x16xf32, #tpu.memory_space<vmem>>, vector<16xf32>,
      %add3A_1438 = arith.addf %add3A_1426, %get3A_1437 : vector<16xf32>
      %mul3A_1439 = arith.mulf %add3A_1432, %add3A_1432 : vector<16xf32>
      %sub3A = arith.subf %mul3A_1439, %add3A_1438 : vector<16xf32>
      %add3A_1440 = arith.addf %scan3A_1298, %sub3A : vector<16xf32>
      scf.yield %add3A_1440 : vector<16xf32>
    }
    %scan3A_376 = arith.constant 16 : i32
    %mul3A_377 = arith.constant 5.000000e-01 : f32
    %mul3A_378 = vector.broadcast %mul3A_377 : f32 to vector<16xf32>
    %mul3A_379 = arith.mulf %mul3A_378, %scan3A_375 : vector<16xf32>
    %swap3A_380 = arith.constant 48 : index
    %swap3A_381 = tpu.vector_load %arg11[%swap3A_380] {strides = array<i32>} : memref<128xf32, #tpu.memory_space<vmem>>, vector<16xf32>,
    tpu.vector_store %arg11[%swap3A_380], %mul3A_379 {strides = array<i32>} : memref<128xf32, #tpu.memory_space<vmem>>, vector<16xf32>,
    %broadcast_in_dim3A_382 = arith.constant 0.000000e+00 : f32
    %broadcast_in_dim3A_383 = vector.broadcast %broadcast_in_dim3A_382 : f32 to vector<16xf32>
    %scan3A_384 = arith.constant 0 : i32
    %scan3A_385 = arith.constant 16 : i32
    %scan3A_386 = arith.addi %scan3A_384, %scan3A_385 : i32
    %scan3A_387 = arith.constant 1 : i32
    %scan3A_388 = scf.for %scan3A_1297 = %scan3A_384 to %scan3A_386 step %scan3A_387 iter_args(%scan3A_1298 = %broadcast_in_dim3A_383) -> (vector<16xf32>)  : i32 {
      %get3A_1299 = arith.constant 1 : i32
      %get3A_1300 = arith.constant 0 : i32
      %get3A_1301 = arith.index_cast %get3A_1299 : i32 to index
      %get3A_1302 = arith.index_cast %get3A_1300 : i32 to index
      %get3A_1303 = arith.index_cast %scan3A_1297 : i32 to index
      %get3A_1304 = arith.constant 64 : index
      %get3A_1305 = tpu.vector_load %arg8[%get3A_1301, %get3A_1302, %get3A_1303, %get3A_1304] {strides = array<i32>} : memref<2x13x16x128xf32, #tpu.memory_space<vmem>>, vector<16xf32>,
      %mul3A_1306 = arith.mulf %get3A_1305, %get3A_1305 : vector<16xf32>
      %get3A_1307 = arith.constant 1 : i32
      %get3A_1308 = arith.constant 1 : i32
      %get3A_1309 = arith.index_cast %get3A_1307 : i32 to index
      %get3A_1310 = arith.index_cast %get3A_1308 : i32 to index
      %get3A_1311 = arith.index_cast %scan3A_1297 : i32 to index
      %get3A_1312 = arith.constant 64 : index
      %get3A_1313 = tpu.vector_load %arg8[%get3A_1309, %get3A_1310, %get3A_1311, %get3A_1312] {strides = array<i32>} : memref<2x13x16x128xf32, #tpu.memory_space<vmem>>, vector<16xf32>,
      %add3A_1314 = arith.addf %get3A_1305, %get3A_1313 : vector<16xf32>
      %mul3A_1315 = arith.mulf %get3A_1313, %get3A_1313 : vector<16xf32>
      %add3A_1316 = arith.addf %mul3A_1306, %mul3A_1315 : vector<16xf32>
      %get3A_1317 = arith.constant 1 : i32
      %get3A_1318 = arith.constant 2 : i32
      %get3A_1319 = arith.index_cast %get3A_1317 : i32 to index
      %get3A_1320 = arith.index_cast %get3A_1318 : i32 to index
      %get3A_1321 = arith.index_cast %scan3A_1297 : i32 to index
      %get3A_1322 = arith.constant 64 : index
      %get3A_1323 = tpu.vector_load %arg8[%get3A_1319, %get3A_1320, %get3A_1321, %get3A_1322] {strides = array<i32>} : memref<2x13x16x128xf32, #tpu.memory_space<vmem>>, vector<16xf32>,
      %add3A_1324 = arith.addf %add3A_1314, %get3A_1323 : vector<16xf32>
      %mul3A_1325 = arith.mulf %get3A_1323, %get3A_1323 : vector<16xf32>
      %add3A_1326 = arith.addf %add3A_1316, %mul3A_1325 : vector<16xf32>
      %get3A_1327 = arith.constant 1 : i32
      %get3A_1328 = arith.constant 3 : i32
      %get3A_1329 = arith.index_cast %get3A_1327 : i32 to index
      %get3A_1330 = arith.index_cast %get3A_1328 : i32 to index
      %get3A_1331 = arith.index_cast %scan3A_1297 : i32 to index
      %get3A_1332 = arith.constant 64 : index
      %get3A_1333 = tpu.vector_load %arg8[%get3A_1329, %get3A_1330, %get3A_1331, %get3A_1332] {strides = array<i32>} : memref<2x13x16x128xf32, #tpu.memory_space<vmem>>, vector<16xf32>,
      %add3A_1334 = arith.addf %add3A_1324, %get3A_1333 : vector<16xf32>
      %mul3A_1335 = arith.mulf %get3A_1333, %get3A_1333 : vector<16xf32>
      %add3A_1336 = arith.addf %add3A_1326, %mul3A_1335 : vector<16xf32>
      %get3A_1337 = arith.constant 1 : i32
      %get3A_1338 = arith.constant 4 : i32
      %get3A_1339 = arith.index_cast %get3A_1337 : i32 to index
      %get3A_1340 = arith.index_cast %get3A_1338 : i32 to index
      %get3A_1341 = arith.index_cast %scan3A_1297 : i32 to index
      %get3A_1342 = arith.constant 64 : index
      %get3A_1343 = tpu.vector_load %arg8[%get3A_1339, %get3A_1340, %get3A_1341, %get3A_1342] {strides = array<i32>} : memref<2x13x16x128xf32, #tpu.memory_space<vmem>>, vector<16xf32>,
      %add3A_1344 = arith.addf %add3A_1334, %get3A_1343 : vector<16xf32>
      %mul3A_1345 = arith.mulf %get3A_1343, %get3A_1343 : vector<16xf32>
      %add3A_1346 = arith.addf %add3A_1336, %mul3A_1345 : vector<16xf32>
      %get3A_1347 = arith.constant 1 : i32
      %get3A_1348 = arith.constant 5 : i32
      %get3A_1349 = arith.index_cast %get3A_1347 : i32 to index
      %get3A_1350 = arith.index_cast %get3A_1348 : i32 to index
      %get3A_1351 = arith.index_cast %scan3A_1297 : i32 to index
      %get3A_1352 = arith.constant 64 : index
      %get3A_1353 = tpu.vector_load %arg8[%get3A_1349, %get3A_1350, %get3A_1351, %get3A_1352] {strides = array<i32>} : memref<2x13x16x128xf32, #tpu.memory_space<vmem>>, vector<16xf32>,
      %add3A_1354 = arith.addf %add3A_1344, %get3A_1353 : vector<16xf32>
      %mul3A_1355 = arith.mulf %get3A_1353, %get3A_1353 : vector<16xf32>
      %add3A_1356 = arith.addf %add3A_1346, %mul3A_1355 : vector<16xf32>
      %get3A_1357 = arith.constant 1 : i32
      %get3A_1358 = arith.constant 6 : i32
      %get3A_1359 = arith.index_cast %get3A_1357 : i32 to index
      %get3A_1360 = arith.index_cast %get3A_1358 : i32 to index
      %get3A_1361 = arith.index_cast %scan3A_1297 : i32 to index
      %get3A_1362 = arith.constant 64 : index
      %get3A_1363 = tpu.vector_load %arg8[%get3A_1359, %get3A_1360, %get3A_1361, %get3A_1362] {strides = array<i32>} : memref<2x13x16x128xf32, #tpu.memory_space<vmem>>, vector<16xf32>,
      %add3A_1364 = arith.addf %add3A_1354, %get3A_1363 : vector<16xf32>
      %mul3A_1365 = arith.mulf %get3A_1363, %get3A_1363 : vector<16xf32>
      %add3A_1366 = arith.addf %add3A_1356, %mul3A_1365 : vector<16xf32>
      %get3A_1367 = arith.constant 1 : i32
      %get3A_1368 = arith.constant 7 : i32
      %get3A_1369 = arith.index_cast %get3A_1367 : i32 to index
      %get3A_1370 = arith.index_cast %get3A_1368 : i32 to index
      %get3A_1371 = arith.index_cast %scan3A_1297 : i32 to index
      %get3A_1372 = arith.constant 64 : index
      %get3A_1373 = tpu.vector_load %arg8[%get3A_1369, %get3A_1370, %get3A_1371, %get3A_1372] {strides = array<i32>} : memref<2x13x16x128xf32, #tpu.memory_space<vmem>>, vector<16xf32>,
      %add3A_1374 = arith.addf %add3A_1364, %get3A_1373 : vector<16xf32>
      %mul3A_1375 = arith.mulf %get3A_1373, %get3A_1373 : vector<16xf32>
      %add3A_1376 = arith.addf %add3A_1366, %mul3A_1375 : vector<16xf32>
      %get3A_1377 = arith.constant 1 : i32
      %get3A_1378 = arith.constant 8 : i32
      %get3A_1379 = arith.index_cast %get3A_1377 : i32 to index
      %get3A_1380 = arith.index_cast %get3A_1378 : i32 to index
      %get3A_1381 = arith.index_cast %scan3A_1297 : i32 to index
      %get3A_1382 = arith.constant 64 : index
      %get3A_1383 = tpu.vector_load %arg8[%get3A_1379, %get3A_1380, %get3A_1381, %get3A_1382] {strides = array<i32>} : memref<2x13x16x128xf32, #tpu.memory_space<vmem>>, vector<16xf32>,
      %add3A_1384 = arith.addf %add3A_1374, %get3A_1383 : vector<16xf32>
      %mul3A_1385 = arith.mulf %get3A_1383, %get3A_1383 : vector<16xf32>
      %add3A_1386 = arith.addf %add3A_1376, %mul3A_1385 : vector<16xf32>
      %get3A_1387 = arith.constant 1 : i32
      %get3A_1388 = arith.constant 9 : i32
      %get3A_1389 = arith.index_cast %get3A_1387 : i32 to index
      %get3A_1390 = arith.index_cast %get3A_1388 : i32 to index
      %get3A_1391 = arith.index_cast %scan3A_1297 : i32 to index
      %get3A_1392 = arith.constant 64 : index
      %get3A_1393 = tpu.vector_load %arg8[%get3A_1389, %get3A_1390, %get3A_1391, %get3A_1392] {strides = array<i32>} : memref<2x13x16x128xf32, #tpu.memory_space<vmem>>, vector<16xf32>,
      %add3A_1394 = arith.addf %add3A_1384, %get3A_1393 : vector<16xf32>
      %mul3A_1395 = arith.mulf %get3A_1393, %get3A_1393 : vector<16xf32>
      %add3A_1396 = arith.addf %add3A_1386, %mul3A_1395 : vector<16xf32>
      %get3A_1397 = arith.constant 1 : i32
      %get3A_1398 = arith.constant 10 : i32
      %get3A_1399 = arith.index_cast %get3A_1397 : i32 to index
      %get3A_1400 = arith.index_cast %get3A_1398 : i32 to index
      %get3A_1401 = arith.index_cast %scan3A_1297 : i32 to index
      %get3A_1402 = arith.constant 64 : index
      %get3A_1403 = tpu.vector_load %arg8[%get3A_1399, %get3A_1400, %get3A_1401, %get3A_1402] {strides = array<i32>} : memref<2x13x16x128xf32, #tpu.memory_space<vmem>>, vector<16xf32>,
      %add3A_1404 = arith.addf %add3A_1394, %get3A_1403 : vector<16xf32>
      %mul3A_1405 = arith.mulf %get3A_1403, %get3A_1403 : vector<16xf32>
      %add3A_1406 = arith.addf %add3A_1396, %mul3A_1405 : vector<16xf32>
      %get3A_1407 = arith.constant 1 : i32
      %get3A_1408 = arith.constant 11 : i32
      %get3A_1409 = arith.index_cast %get3A_1407 : i32 to index
      %get3A_1410 = arith.index_cast %get3A_1408 : i32 to index
      %get3A_1411 = arith.index_cast %scan3A_1297 : i32 to index
      %get3A_1412 = arith.constant 64 : index
      %get3A_1413 = tpu.vector_load %arg8[%get3A_1409, %get3A_1410, %get3A_1411, %get3A_1412] {strides = array<i32>} : memref<2x13x16x128xf32, #tpu.memory_space<vmem>>, vector<16xf32>,
      %add3A_1414 = arith.addf %add3A_1404, %get3A_1413 : vector<16xf32>
      %mul3A_1415 = arith.mulf %get3A_1413, %get3A_1413 : vector<16xf32>
      %add3A_1416 = arith.addf %add3A_1406, %mul3A_1415 : vector<16xf32>
      %get3A_1417 = arith.constant 1 : i32
      %get3A_1418 = arith.constant 12 : i32
      %get3A_1419 = arith.index_cast %get3A_1417 : i32 to index
      %get3A_1420 = arith.index_cast %get3A_1418 : i32 to index
      %get3A_1421 = arith.index_cast %scan3A_1297 : i32 to index
      %get3A_1422 = arith.constant 64 : index
      %get3A_1423 = tpu.vector_load %arg8[%get3A_1419, %get3A_1420, %get3A_1421, %get3A_1422] {strides = array<i32>} : memref<2x13x16x128xf32, #tpu.memory_space<vmem>>, vector<16xf32>,
      %add3A_1424 = arith.addf %add3A_1414, %get3A_1423 : vector<16xf32>
      %mul3A_1425 = arith.mulf %get3A_1423, %get3A_1423 : vector<16xf32>
      %add3A_1426 = arith.addf %add3A_1416, %mul3A_1425 : vector<16xf32>
      %get3A_1427 = arith.constant 4 : i32
      %get3A_1428 = arith.index_cast %get3A_1427 : i32 to index
      %get3A_1429 = arith.index_cast %scan3A_1297 : i32 to index
      %get3A_1430 = arith.constant 0 : index
      %get3A_1431 = tpu.vector_load %arg9[%get3A_1428, %get3A_1429, %get3A_1430] {strides = array<i32>} : memref<8x16x16xf32, #tpu.memory_space<vmem>>, vector<16xf32>,
      %add3A_1432 = arith.addf %add3A_1424, %get3A_1431 : vector<16xf32>
      %get3A_1433 = arith.constant 4 : i32
      %get3A_1434 = arith.index_cast %get3A_1433 : i32 to index
      %get3A_1435 = arith.index_cast %scan3A_1297 : i32 to index
      %get3A_1436 = arith.constant 0 : index
      %get3A_1437 = tpu.vector_load %arg10[%get3A_1434, %get3A_1435, %get3A_1436] {strides = array<i32>} : memref<8x16x16xf32, #tpu.memory_space<vmem>>, vector<16xf32>,
      %add3A_1438 = arith.addf %add3A_1426, %get3A_1437 : vector<16xf32>
      %mul3A_1439 = arith.mulf %add3A_1432, %add3A_1432 : vector<16xf32>
      %sub3A = arith.subf %mul3A_1439, %add3A_1438 : vector<16xf32>
      %add3A_1440 = arith.addf %scan3A_1298, %sub3A : vector<16xf32>
      scf.yield %add3A_1440 : vector<16xf32>
    }
    %scan3A_389 = arith.constant 16 : i32
    %mul3A_390 = arith.constant 5.000000e-01 : f32
    %mul3A_391 = vector.broadcast %mul3A_390 : f32 to vector<16xf32>
    %mul3A_392 = arith.mulf %mul3A_391, %scan3A_388 : vector<16xf32>
    %swap3A_393 = arith.constant 64 : index
    %swap3A_394 = tpu.vector_load %arg11[%swap3A_393] {strides = array<i32>} : memref<128xf32, #tpu.memory_space<vmem>>, vector<16xf32>,
    tpu.vector_store %arg11[%swap3A_393], %mul3A_392 {strides = array<i32>} : memref<128xf32, #tpu.memory_space<vmem>>, vector<16xf32>,
    %broadcast_in_dim3A_395 = arith.constant 0.000000e+00 : f32
    %broadcast_in_dim3A_396 = vector.broadcast %broadcast_in_dim3A_395 : f32 to vector<16xf32>
    %scan3A_397 = arith.constant 0 : i32
    %scan3A_398 = arith.constant 16 : i32
    %scan3A_399 = arith.addi %scan3A_397, %scan3A_398 : i32
    %scan3A_400 = arith.constant 1 : i32
    %scan3A_401 = scf.for %scan3A_1297 = %scan3A_397 to %scan3A_399 step %scan3A_400 iter_args(%scan3A_1298 = %broadcast_in_dim3A_396) -> (vector<16xf32>)  : i32 {
      %get3A_1299 = arith.constant 1 : i32
      %get3A_1300 = arith.constant 0 : i32
      %get3A_1301 = arith.index_cast %get3A_1299 : i32 to index
      %get3A_1302 = arith.index_cast %get3A_1300 : i32 to index
      %get3A_1303 = arith.index_cast %scan3A_1297 : i32 to index
      %get3A_1304 = arith.constant 80 : index
      %get3A_1305 = tpu.vector_load %arg8[%get3A_1301, %get3A_1302, %get3A_1303, %get3A_1304] {strides = array<i32>} : memref<2x13x16x128xf32, #tpu.memory_space<vmem>>, vector<16xf32>,
      %mul3A_1306 = arith.mulf %get3A_1305, %get3A_1305 : vector<16xf32>
      %get3A_1307 = arith.constant 1 : i32
      %get3A_1308 = arith.constant 1 : i32
      %get3A_1309 = arith.index_cast %get3A_1307 : i32 to index
      %get3A_1310 = arith.index_cast %get3A_1308 : i32 to index
      %get3A_1311 = arith.index_cast %scan3A_1297 : i32 to index
      %get3A_1312 = arith.constant 80 : index
      %get3A_1313 = tpu.vector_load %arg8[%get3A_1309, %get3A_1310, %get3A_1311, %get3A_1312] {strides = array<i32>} : memref<2x13x16x128xf32, #tpu.memory_space<vmem>>, vector<16xf32>,
      %add3A_1314 = arith.addf %get3A_1305, %get3A_1313 : vector<16xf32>
      %mul3A_1315 = arith.mulf %get3A_1313, %get3A_1313 : vector<16xf32>
      %add3A_1316 = arith.addf %mul3A_1306, %mul3A_1315 : vector<16xf32>
      %get3A_1317 = arith.constant 1 : i32
      %get3A_1318 = arith.constant 2 : i32
      %get3A_1319 = arith.index_cast %get3A_1317 : i32 to index
      %get3A_1320 = arith.index_cast %get3A_1318 : i32 to index
      %get3A_1321 = arith.index_cast %scan3A_1297 : i32 to index
      %get3A_1322 = arith.constant 80 : index
      %get3A_1323 = tpu.vector_load %arg8[%get3A_1319, %get3A_1320, %get3A_1321, %get3A_1322] {strides = array<i32>} : memref<2x13x16x128xf32, #tpu.memory_space<vmem>>, vector<16xf32>,
      %add3A_1324 = arith.addf %add3A_1314, %get3A_1323 : vector<16xf32>
      %mul3A_1325 = arith.mulf %get3A_1323, %get3A_1323 : vector<16xf32>
      %add3A_1326 = arith.addf %add3A_1316, %mul3A_1325 : vector<16xf32>
      %get3A_1327 = arith.constant 1 : i32
      %get3A_1328 = arith.constant 3 : i32
      %get3A_1329 = arith.index_cast %get3A_1327 : i32 to index
      %get3A_1330 = arith.index_cast %get3A_1328 : i32 to index
      %get3A_1331 = arith.index_cast %scan3A_1297 : i32 to index
      %get3A_1332 = arith.constant 80 : index
      %get3A_1333 = tpu.vector_load %arg8[%get3A_1329, %get3A_1330, %get3A_1331, %get3A_1332] {strides = array<i32>} : memref<2x13x16x128xf32, #tpu.memory_space<vmem>>, vector<16xf32>,
      %add3A_1334 = arith.addf %add3A_1324, %get3A_1333 : vector<16xf32>
      %mul3A_1335 = arith.mulf %get3A_1333, %get3A_1333 : vector<16xf32>
      %add3A_1336 = arith.addf %add3A_1326, %mul3A_1335 : vector<16xf32>
      %get3A_1337 = arith.constant 1 : i32
      %get3A_1338 = arith.constant 4 : i32
      %get3A_1339 = arith.index_cast %get3A_1337 : i32 to index
      %get3A_1340 = arith.index_cast %get3A_1338 : i32 to index
      %get3A_1341 = arith.index_cast %scan3A_1297 : i32 to index
      %get3A_1342 = arith.constant 80 : index
      %get3A_1343 = tpu.vector_load %arg8[%get3A_1339, %get3A_1340, %get3A_1341, %get3A_1342] {strides = array<i32>} : memref<2x13x16x128xf32, #tpu.memory_space<vmem>>, vector<16xf32>,
      %add3A_1344 = arith.addf %add3A_1334, %get3A_1343 : vector<16xf32>
      %mul3A_1345 = arith.mulf %get3A_1343, %get3A_1343 : vector<16xf32>
      %add3A_1346 = arith.addf %add3A_1336, %mul3A_1345 : vector<16xf32>
      %get3A_1347 = arith.constant 1 : i32
      %get3A_1348 = arith.constant 5 : i32
      %get3A_1349 = arith.index_cast %get3A_1347 : i32 to index
      %get3A_1350 = arith.index_cast %get3A_1348 : i32 to index
      %get3A_1351 = arith.index_cast %scan3A_1297 : i32 to index
      %get3A_1352 = arith.constant 80 : index
      %get3A_1353 = tpu.vector_load %arg8[%get3A_1349, %get3A_1350, %get3A_1351, %get3A_1352] {strides = array<i32>} : memref<2x13x16x128xf32, #tpu.memory_space<vmem>>, vector<16xf32>,
      %add3A_1354 = arith.addf %add3A_1344, %get3A_1353 : vector<16xf32>
      %mul3A_1355 = arith.mulf %get3A_1353, %get3A_1353 : vector<16xf32>
      %add3A_1356 = arith.addf %add3A_1346, %mul3A_1355 : vector<16xf32>
      %get3A_1357 = arith.constant 1 : i32
      %get3A_1358 = arith.constant 6 : i32
      %get3A_1359 = arith.index_cast %get3A_1357 : i32 to index
      %get3A_1360 = arith.index_cast %get3A_1358 : i32 to index
      %get3A_1361 = arith.index_cast %scan3A_1297 : i32 to index
      %get3A_1362 = arith.constant 80 : index
      %get3A_1363 = tpu.vector_load %arg8[%get3A_1359, %get3A_1360, %get3A_1361, %get3A_1362] {strides = array<i32>} : memref<2x13x16x128xf32, #tpu.memory_space<vmem>>, vector<16xf32>,
      %add3A_1364 = arith.addf %add3A_1354, %get3A_1363 : vector<16xf32>
      %mul3A_1365 = arith.mulf %get3A_1363, %get3A_1363 : vector<16xf32>
      %add3A_1366 = arith.addf %add3A_1356, %mul3A_1365 : vector<16xf32>
      %get3A_1367 = arith.constant 1 : i32
      %get3A_1368 = arith.constant 7 : i32
      %get3A_1369 = arith.index_cast %get3A_1367 : i32 to index
      %get3A_1370 = arith.index_cast %get3A_1368 : i32 to index
      %get3A_1371 = arith.index_cast %scan3A_1297 : i32 to index
      %get3A_1372 = arith.constant 80 : index
      %get3A_1373 = tpu.vector_load %arg8[%get3A_1369, %get3A_1370, %get3A_1371, %get3A_1372] {strides = array<i32>} : memref<2x13x16x128xf32, #tpu.memory_space<vmem>>, vector<16xf32>,
      %add3A_1374 = arith.addf %add3A_1364, %get3A_1373 : vector<16xf32>
      %mul3A_1375 = arith.mulf %get3A_1373, %get3A_1373 : vector<16xf32>
      %add3A_1376 = arith.addf %add3A_1366, %mul3A_1375 : vector<16xf32>
      %get3A_1377 = arith.constant 1 : i32
      %get3A_1378 = arith.constant 8 : i32
      %get3A_1379 = arith.index_cast %get3A_1377 : i32 to index
      %get3A_1380 = arith.index_cast %get3A_1378 : i32 to index
      %get3A_1381 = arith.index_cast %scan3A_1297 : i32 to index
      %get3A_1382 = arith.constant 80 : index
      %get3A_1383 = tpu.vector_load %arg8[%get3A_1379, %get3A_1380, %get3A_1381, %get3A_1382] {strides = array<i32>} : memref<2x13x16x128xf32, #tpu.memory_space<vmem>>, vector<16xf32>,
      %add3A_1384 = arith.addf %add3A_1374, %get3A_1383 : vector<16xf32>
      %mul3A_1385 = arith.mulf %get3A_1383, %get3A_1383 : vector<16xf32>
      %add3A_1386 = arith.addf %add3A_1376, %mul3A_1385 : vector<16xf32>
      %get3A_1387 = arith.constant 1 : i32
      %get3A_1388 = arith.constant 9 : i32
      %get3A_1389 = arith.index_cast %get3A_1387 : i32 to index
      %get3A_1390 = arith.index_cast %get3A_1388 : i32 to index
      %get3A_1391 = arith.index_cast %scan3A_1297 : i32 to index
      %get3A_1392 = arith.constant 80 : index
      %get3A_1393 = tpu.vector_load %arg8[%get3A_1389, %get3A_1390, %get3A_1391, %get3A_1392] {strides = array<i32>} : memref<2x13x16x128xf32, #tpu.memory_space<vmem>>, vector<16xf32>,
      %add3A_1394 = arith.addf %add3A_1384, %get3A_1393 : vector<16xf32>
      %mul3A_1395 = arith.mulf %get3A_1393, %get3A_1393 : vector<16xf32>
      %add3A_1396 = arith.addf %add3A_1386, %mul3A_1395 : vector<16xf32>
      %get3A_1397 = arith.constant 1 : i32
      %get3A_1398 = arith.constant 10 : i32
      %get3A_1399 = arith.index_cast %get3A_1397 : i32 to index
      %get3A_1400 = arith.index_cast %get3A_1398 : i32 to index
      %get3A_1401 = arith.index_cast %scan3A_1297 : i32 to index
      %get3A_1402 = arith.constant 80 : index
      %get3A_1403 = tpu.vector_load %arg8[%get3A_1399, %get3A_1400, %get3A_1401, %get3A_1402] {strides = array<i32>} : memref<2x13x16x128xf32, #tpu.memory_space<vmem>>, vector<16xf32>,
      %add3A_1404 = arith.addf %add3A_1394, %get3A_1403 : vector<16xf32>
      %mul3A_1405 = arith.mulf %get3A_1403, %get3A_1403 : vector<16xf32>
      %add3A_1406 = arith.addf %add3A_1396, %mul3A_1405 : vector<16xf32>
      %get3A_1407 = arith.constant 1 : i32
      %get3A_1408 = arith.constant 11 : i32
      %get3A_1409 = arith.index_cast %get3A_1407 : i32 to index
      %get3A_1410 = arith.index_cast %get3A_1408 : i32 to index
      %get3A_1411 = arith.index_cast %scan3A_1297 : i32 to index
      %get3A_1412 = arith.constant 80 : index
      %get3A_1413 = tpu.vector_load %arg8[%get3A_1409, %get3A_1410, %get3A_1411, %get3A_1412] {strides = array<i32>} : memref<2x13x16x128xf32, #tpu.memory_space<vmem>>, vector<16xf32>,
      %add3A_1414 = arith.addf %add3A_1404, %get3A_1413 : vector<16xf32>
      %mul3A_1415 = arith.mulf %get3A_1413, %get3A_1413 : vector<16xf32>
      %add3A_1416 = arith.addf %add3A_1406, %mul3A_1415 : vector<16xf32>
      %get3A_1417 = arith.constant 1 : i32
      %get3A_1418 = arith.constant 12 : i32
      %get3A_1419 = arith.index_cast %get3A_1417 : i32 to index
      %get3A_1420 = arith.index_cast %get3A_1418 : i32 to index
      %get3A_1421 = arith.index_cast %scan3A_1297 : i32 to index
      %get3A_1422 = arith.constant 80 : index
      %get3A_1423 = tpu.vector_load %arg8[%get3A_1419, %get3A_1420, %get3A_1421, %get3A_1422] {strides = array<i32>} : memref<2x13x16x128xf32, #tpu.memory_space<vmem>>, vector<16xf32>,
      %add3A_1424 = arith.addf %add3A_1414, %get3A_1423 : vector<16xf32>
      %mul3A_1425 = arith.mulf %get3A_1423, %get3A_1423 : vector<16xf32>
      %add3A_1426 = arith.addf %add3A_1416, %mul3A_1425 : vector<16xf32>
      %get3A_1427 = arith.constant 5 : i32
      %get3A_1428 = arith.index_cast %get3A_1427 : i32 to index
      %get3A_1429 = arith.index_cast %scan3A_1297 : i32 to index
      %get3A_1430 = arith.constant 0 : index
      %get3A_1431 = tpu.vector_load %arg9[%get3A_1428, %get3A_1429, %get3A_1430] {strides = array<i32>} : memref<8x16x16xf32, #tpu.memory_space<vmem>>, vector<16xf32>,
      %add3A_1432 = arith.addf %add3A_1424, %get3A_1431 : vector<16xf32>
      %get3A_1433 = arith.constant 5 : i32
      %get3A_1434 = arith.index_cast %get3A_1433 : i32 to index
      %get3A_1435 = arith.index_cast %scan3A_1297 : i32 to index
      %get3A_1436 = arith.constant 0 : index
      %get3A_1437 = tpu.vector_load %arg10[%get3A_1434, %get3A_1435, %get3A_1436] {strides = array<i32>} : memref<8x16x16xf32, #tpu.memory_space<vmem>>, vector<16xf32>,
      %add3A_1438 = arith.addf %add3A_1426, %get3A_1437 : vector<16xf32>
      %mul3A_1439 = arith.mulf %add3A_1432, %add3A_1432 : vector<16xf32>
      %sub3A = arith.subf %mul3A_1439, %add3A_1438 : vector<16xf32>
      %add3A_1440 = arith.addf %scan3A_1298, %sub3A : vector<16xf32>
      scf.yield %add3A_1440 : vector<16xf32>
    }
    %scan3A_402 = arith.constant 16 : i32
    %mul3A_403 = arith.constant 5.000000e-01 : f32
    %mul3A_404 = vector.broadcast %mul3A_403 : f32 to vector<16xf32>
    %mul3A_405 = arith.mulf %mul3A_404, %scan3A_401 : vector<16xf32>
    %swap3A_406 = arith.constant 80 : index
    %swap3A_407 = tpu.vector_load %arg11[%swap3A_406] {strides = array<i32>} : memref<128xf32, #tpu.memory_space<vmem>>, vector<16xf32>,
    tpu.vector_store %arg11[%swap3A_406], %mul3A_405 {strides = array<i32>} : memref<128xf32, #tpu.memory_space<vmem>>, vector<16xf32>,
    %broadcast_in_dim3A_408 = arith.constant 0.000000e+00 : f32
    %broadcast_in_dim3A_409 = vector.broadcast %broadcast_in_dim3A_408 : f32 to vector<16xf32>
    %scan3A_410 = arith.constant 0 : i32
    %scan3A_411 = arith.constant 16 : i32
    %scan3A_412 = arith.addi %scan3A_410, %scan3A_411 : i32
    %scan3A_413 = arith.constant 1 : i32
    %scan3A_414 = scf.for %scan3A_1297 = %scan3A_410 to %scan3A_412 step %scan3A_413 iter_args(%scan3A_1298 = %broadcast_in_dim3A_409) -> (vector<16xf32>)  : i32 {
      %get3A_1299 = arith.constant 1 : i32
      %get3A_1300 = arith.constant 0 : i32
      %get3A_1301 = arith.index_cast %get3A_1299 : i32 to index
      %get3A_1302 = arith.index_cast %get3A_1300 : i32 to index
      %get3A_1303 = arith.index_cast %scan3A_1297 : i32 to index
      %get3A_1304 = arith.constant 96 : index
      %get3A_1305 = tpu.vector_load %arg8[%get3A_1301, %get3A_1302, %get3A_1303, %get3A_1304] {strides = array<i32>} : memref<2x13x16x128xf32, #tpu.memory_space<vmem>>, vector<16xf32>,
      %mul3A_1306 = arith.mulf %get3A_1305, %get3A_1305 : vector<16xf32>
      %get3A_1307 = arith.constant 1 : i32
      %get3A_1308 = arith.constant 1 : i32
      %get3A_1309 = arith.index_cast %get3A_1307 : i32 to index
      %get3A_1310 = arith.index_cast %get3A_1308 : i32 to index
      %get3A_1311 = arith.index_cast %scan3A_1297 : i32 to index
      %get3A_1312 = arith.constant 96 : index
      %get3A_1313 = tpu.vector_load %arg8[%get3A_1309, %get3A_1310, %get3A_1311, %get3A_1312] {strides = array<i32>} : memref<2x13x16x128xf32, #tpu.memory_space<vmem>>, vector<16xf32>,
      %add3A_1314 = arith.addf %get3A_1305, %get3A_1313 : vector<16xf32>
      %mul3A_1315 = arith.mulf %get3A_1313, %get3A_1313 : vector<16xf32>
      %add3A_1316 = arith.addf %mul3A_1306, %mul3A_1315 : vector<16xf32>
      %get3A_1317 = arith.constant 1 : i32
      %get3A_1318 = arith.constant 2 : i32
      %get3A_1319 = arith.index_cast %get3A_1317 : i32 to index
      %get3A_1320 = arith.index_cast %get3A_1318 : i32 to index
      %get3A_1321 = arith.index_cast %scan3A_1297 : i32 to index
      %get3A_1322 = arith.constant 96 : index
      %get3A_1323 = tpu.vector_load %arg8[%get3A_1319, %get3A_1320, %get3A_1321, %get3A_1322] {strides = array<i32>} : memref<2x13x16x128xf32, #tpu.memory_space<vmem>>, vector<16xf32>,
      %add3A_1324 = arith.addf %add3A_1314, %get3A_1323 : vector<16xf32>
      %mul3A_1325 = arith.mulf %get3A_1323, %get3A_1323 : vector<16xf32>
      %add3A_1326 = arith.addf %add3A_1316, %mul3A_1325 : vector<16xf32>
      %get3A_1327 = arith.constant 1 : i32
      %get3A_1328 = arith.constant 3 : i32
      %get3A_1329 = arith.index_cast %get3A_1327 : i32 to index
      %get3A_1330 = arith.index_cast %get3A_1328 : i32 to index
      %get3A_1331 = arith.index_cast %scan3A_1297 : i32 to index
      %get3A_1332 = arith.constant 96 : index
      %get3A_1333 = tpu.vector_load %arg8[%get3A_1329, %get3A_1330, %get3A_1331, %get3A_1332] {strides = array<i32>} : memref<2x13x16x128xf32, #tpu.memory_space<vmem>>, vector<16xf32>,
      %add3A_1334 = arith.addf %add3A_1324, %get3A_1333 : vector<16xf32>
      %mul3A_1335 = arith.mulf %get3A_1333, %get3A_1333 : vector<16xf32>
      %add3A_1336 = arith.addf %add3A_1326, %mul3A_1335 : vector<16xf32>
      %get3A_1337 = arith.constant 1 : i32
      %get3A_1338 = arith.constant 4 : i32
      %get3A_1339 = arith.index_cast %get3A_1337 : i32 to index
      %get3A_1340 = arith.index_cast %get3A_1338 : i32 to index
      %get3A_1341 = arith.index_cast %scan3A_1297 : i32 to index
      %get3A_1342 = arith.constant 96 : index
      %get3A_1343 = tpu.vector_load %arg8[%get3A_1339, %get3A_1340, %get3A_1341, %get3A_1342] {strides = array<i32>} : memref<2x13x16x128xf32, #tpu.memory_space<vmem>>, vector<16xf32>,
      %add3A_1344 = arith.addf %add3A_1334, %get3A_1343 : vector<16xf32>
      %mul3A_1345 = arith.mulf %get3A_1343, %get3A_1343 : vector<16xf32>
      %add3A_1346 = arith.addf %add3A_1336, %mul3A_1345 : vector<16xf32>
      %get3A_1347 = arith.constant 1 : i32
      %get3A_1348 = arith.constant 5 : i32
      %get3A_1349 = arith.index_cast %get3A_1347 : i32 to index
      %get3A_1350 = arith.index_cast %get3A_1348 : i32 to index
      %get3A_1351 = arith.index_cast %scan3A_1297 : i32 to index
      %get3A_1352 = arith.constant 96 : index
      %get3A_1353 = tpu.vector_load %arg8[%get3A_1349, %get3A_1350, %get3A_1351, %get3A_1352] {strides = array<i32>} : memref<2x13x16x128xf32, #tpu.memory_space<vmem>>, vector<16xf32>,
      %add3A_1354 = arith.addf %add3A_1344, %get3A_1353 : vector<16xf32>
      %mul3A_1355 = arith.mulf %get3A_1353, %get3A_1353 : vector<16xf32>
      %add3A_1356 = arith.addf %add3A_1346, %mul3A_1355 : vector<16xf32>
      %get3A_1357 = arith.constant 1 : i32
      %get3A_1358 = arith.constant 6 : i32
      %get3A_1359 = arith.index_cast %get3A_1357 : i32 to index
      %get3A_1360 = arith.index_cast %get3A_1358 : i32 to index
      %get3A_1361 = arith.index_cast %scan3A_1297 : i32 to index
      %get3A_1362 = arith.constant 96 : index
      %get3A_1363 = tpu.vector_load %arg8[%get3A_1359, %get3A_1360, %get3A_1361, %get3A_1362] {strides = array<i32>} : memref<2x13x16x128xf32, #tpu.memory_space<vmem>>, vector<16xf32>,
      %add3A_1364 = arith.addf %add3A_1354, %get3A_1363 : vector<16xf32>
      %mul3A_1365 = arith.mulf %get3A_1363, %get3A_1363 : vector<16xf32>
      %add3A_1366 = arith.addf %add3A_1356, %mul3A_1365 : vector<16xf32>
      %get3A_1367 = arith.constant 1 : i32
      %get3A_1368 = arith.constant 7 : i32
      %get3A_1369 = arith.index_cast %get3A_1367 : i32 to index
      %get3A_1370 = arith.index_cast %get3A_1368 : i32 to index
      %get3A_1371 = arith.index_cast %scan3A_1297 : i32 to index
      %get3A_1372 = arith.constant 96 : index
      %get3A_1373 = tpu.vector_load %arg8[%get3A_1369, %get3A_1370, %get3A_1371, %get3A_1372] {strides = array<i32>} : memref<2x13x16x128xf32, #tpu.memory_space<vmem>>, vector<16xf32>,
      %add3A_1374 = arith.addf %add3A_1364, %get3A_1373 : vector<16xf32>
      %mul3A_1375 = arith.mulf %get3A_1373, %get3A_1373 : vector<16xf32>
      %add3A_1376 = arith.addf %add3A_1366, %mul3A_1375 : vector<16xf32>
      %get3A_1377 = arith.constant 1 : i32
      %get3A_1378 = arith.constant 8 : i32
      %get3A_1379 = arith.index_cast %get3A_1377 : i32 to index
      %get3A_1380 = arith.index_cast %get3A_1378 : i32 to index
      %get3A_1381 = arith.index_cast %scan3A_1297 : i32 to index
      %get3A_1382 = arith.constant 96 : index
      %get3A_1383 = tpu.vector_load %arg8[%get3A_1379, %get3A_1380, %get3A_1381, %get3A_1382] {strides = array<i32>} : memref<2x13x16x128xf32, #tpu.memory_space<vmem>>, vector<16xf32>,
      %add3A_1384 = arith.addf %add3A_1374, %get3A_1383 : vector<16xf32>
      %mul3A_1385 = arith.mulf %get3A_1383, %get3A_1383 : vector<16xf32>
      %add3A_1386 = arith.addf %add3A_1376, %mul3A_1385 : vector<16xf32>
      %get3A_1387 = arith.constant 1 : i32
      %get3A_1388 = arith.constant 9 : i32
      %get3A_1389 = arith.index_cast %get3A_1387 : i32 to index
      %get3A_1390 = arith.index_cast %get3A_1388 : i32 to index
      %get3A_1391 = arith.index_cast %scan3A_1297 : i32 to index
      %get3A_1392 = arith.constant 96 : index
      %get3A_1393 = tpu.vector_load %arg8[%get3A_1389, %get3A_1390, %get3A_1391, %get3A_1392] {strides = array<i32>} : memref<2x13x16x128xf32, #tpu.memory_space<vmem>>, vector<16xf32>,
      %add3A_1394 = arith.addf %add3A_1384, %get3A_1393 : vector<16xf32>
      %mul3A_1395 = arith.mulf %get3A_1393, %get3A_1393 : vector<16xf32>
      %add3A_1396 = arith.addf %add3A_1386, %mul3A_1395 : vector<16xf32>
      %get3A_1397 = arith.constant 1 : i32
      %get3A_1398 = arith.constant 10 : i32
      %get3A_1399 = arith.index_cast %get3A_1397 : i32 to index
      %get3A_1400 = arith.index_cast %get3A_1398 : i32 to index
      %get3A_1401 = arith.index_cast %scan3A_1297 : i32 to index
      %get3A_1402 = arith.constant 96 : index
      %get3A_1403 = tpu.vector_load %arg8[%get3A_1399, %get3A_1400, %get3A_1401, %get3A_1402] {strides = array<i32>} : memref<2x13x16x128xf32, #tpu.memory_space<vmem>>, vector<16xf32>,
      %add3A_1404 = arith.addf %add3A_1394, %get3A_1403 : vector<16xf32>
      %mul3A_1405 = arith.mulf %get3A_1403, %get3A_1403 : vector<16xf32>
      %add3A_1406 = arith.addf %add3A_1396, %mul3A_1405 : vector<16xf32>
      %get3A_1407 = arith.constant 1 : i32
      %get3A_1408 = arith.constant 11 : i32
      %get3A_1409 = arith.index_cast %get3A_1407 : i32 to index
      %get3A_1410 = arith.index_cast %get3A_1408 : i32 to index
      %get3A_1411 = arith.index_cast %scan3A_1297 : i32 to index
      %get3A_1412 = arith.constant 96 : index
      %get3A_1413 = tpu.vector_load %arg8[%get3A_1409, %get3A_1410, %get3A_1411, %get3A_1412] {strides = array<i32>} : memref<2x13x16x128xf32, #tpu.memory_space<vmem>>, vector<16xf32>,
      %add3A_1414 = arith.addf %add3A_1404, %get3A_1413 : vector<16xf32>
      %mul3A_1415 = arith.mulf %get3A_1413, %get3A_1413 : vector<16xf32>
      %add3A_1416 = arith.addf %add3A_1406, %mul3A_1415 : vector<16xf32>
      %get3A_1417 = arith.constant 1 : i32
      %get3A_1418 = arith.constant 12 : i32
      %get3A_1419 = arith.index_cast %get3A_1417 : i32 to index
      %get3A_1420 = arith.index_cast %get3A_1418 : i32 to index
      %get3A_1421 = arith.index_cast %scan3A_1297 : i32 to index
      %get3A_1422 = arith.constant 96 : index
      %get3A_1423 = tpu.vector_load %arg8[%get3A_1419, %get3A_1420, %get3A_1421, %get3A_1422] {strides = array<i32>} : memref<2x13x16x128xf32, #tpu.memory_space<vmem>>, vector<16xf32>,
      %add3A_1424 = arith.addf %add3A_1414, %get3A_1423 : vector<16xf32>
      %mul3A_1425 = arith.mulf %get3A_1423, %get3A_1423 : vector<16xf32>
      %add3A_1426 = arith.addf %add3A_1416, %mul3A_1425 : vector<16xf32>
      %get3A_1427 = arith.constant 6 : i32
      %get3A_1428 = arith.index_cast %get3A_1427 : i32 to index
      %get3A_1429 = arith.index_cast %scan3A_1297 : i32 to index
      %get3A_1430 = arith.constant 0 : index
      %get3A_1431 = tpu.vector_load %arg9[%get3A_1428, %get3A_1429, %get3A_1430] {strides = array<i32>} : memref<8x16x16xf32, #tpu.memory_space<vmem>>, vector<16xf32>,
      %add3A_1432 = arith.addf %add3A_1424, %get3A_1431 : vector<16xf32>
      %get3A_1433 = arith.constant 6 : i32
      %get3A_1434 = arith.index_cast %get3A_1433 : i32 to index
      %get3A_1435 = arith.index_cast %scan3A_1297 : i32 to index
      %get3A_1436 = arith.constant 0 : index
      %get3A_1437 = tpu.vector_load %arg10[%get3A_1434, %get3A_1435, %get3A_1436] {strides = array<i32>} : memref<8x16x16xf32, #tpu.memory_space<vmem>>, vector<16xf32>,
      %add3A_1438 = arith.addf %add3A_1426, %get3A_1437 : vector<16xf32>
      %mul3A_1439 = arith.mulf %add3A_1432, %add3A_1432 : vector<16xf32>
      %sub3A = arith.subf %mul3A_1439, %add3A_1438 : vector<16xf32>
      %add3A_1440 = arith.addf %scan3A_1298, %sub3A : vector<16xf32>
      scf.yield %add3A_1440 : vector<16xf32>
    }
    %scan3A_415 = arith.constant 16 : i32
    %mul3A_416 = arith.constant 5.000000e-01 : f32
    %mul3A_417 = vector.broadcast %mul3A_416 : f32 to vector<16xf32>
    %mul3A_418 = arith.mulf %mul3A_417, %scan3A_414 : vector<16xf32>
    %swap3A_419 = arith.constant 96 : index
    %swap3A_420 = tpu.vector_load %arg11[%swap3A_419] {strides = array<i32>} : memref<128xf32, #tpu.memory_space<vmem>>, vector<16xf32>,
    tpu.vector_store %arg11[%swap3A_419], %mul3A_418 {strides = array<i32>} : memref<128xf32, #tpu.memory_space<vmem>>, vector<16xf32>,
    %broadcast_in_dim3A_421 = arith.constant 0.000000e+00 : f32
    %broadcast_in_dim3A_422 = vector.broadcast %broadcast_in_dim3A_421 : f32 to vector<16xf32>
    %scan3A_423 = arith.constant 0 : i32
    %scan3A_424 = arith.constant 16 : i32
    %scan3A_425 = arith.addi %scan3A_423, %scan3A_424 : i32
    %scan3A_426 = arith.constant 1 : i32
    %scan3A_427 = scf.for %scan3A_1297 = %scan3A_423 to %scan3A_425 step %scan3A_426 iter_args(%scan3A_1298 = %broadcast_in_dim3A_422) -> (vector<16xf32>)  : i32 {
      %get3A_1299 = arith.constant 1 : i32
      %get3A_1300 = arith.constant 0 : i32
      %get3A_1301 = arith.index_cast %get3A_1299 : i32 to index
      %get3A_1302 = arith.index_cast %get3A_1300 : i32 to index
      %get3A_1303 = arith.index_cast %scan3A_1297 : i32 to index
      %get3A_1304 = arith.constant 112 : index
      %get3A_1305 = tpu.vector_load %arg8[%get3A_1301, %get3A_1302, %get3A_1303, %get3A_1304] {strides = array<i32>} : memref<2x13x16x128xf32, #tpu.memory_space<vmem>>, vector<16xf32>,
      %mul3A_1306 = arith.mulf %get3A_1305, %get3A_1305 : vector<16xf32>
      %get3A_1307 = arith.constant 1 : i32
      %get3A_1308 = arith.constant 1 : i32
      %get3A_1309 = arith.index_cast %get3A_1307 : i32 to index
      %get3A_1310 = arith.index_cast %get3A_1308 : i32 to index
      %get3A_1311 = arith.index_cast %scan3A_1297 : i32 to index
      %get3A_1312 = arith.constant 112 : index
      %get3A_1313 = tpu.vector_load %arg8[%get3A_1309, %get3A_1310, %get3A_1311, %get3A_1312] {strides = array<i32>} : memref<2x13x16x128xf32, #tpu.memory_space<vmem>>, vector<16xf32>,
      %add3A_1314 = arith.addf %get3A_1305, %get3A_1313 : vector<16xf32>
      %mul3A_1315 = arith.mulf %get3A_1313, %get3A_1313 : vector<16xf32>
      %add3A_1316 = arith.addf %mul3A_1306, %mul3A_1315 : vector<16xf32>
      %get3A_1317 = arith.constant 1 : i32
      %get3A_1318 = arith.constant 2 : i32
      %get3A_1319 = arith.index_cast %get3A_1317 : i32 to index
      %get3A_1320 = arith.index_cast %get3A_1318 : i32 to index
      %get3A_1321 = arith.index_cast %scan3A_1297 : i32 to index
      %get3A_1322 = arith.constant 112 : index
      %get3A_1323 = tpu.vector_load %arg8[%get3A_1319, %get3A_1320, %get3A_1321, %get3A_1322] {strides = array<i32>} : memref<2x13x16x128xf32, #tpu.memory_space<vmem>>, vector<16xf32>,
      %add3A_1324 = arith.addf %add3A_1314, %get3A_1323 : vector<16xf32>
      %mul3A_1325 = arith.mulf %get3A_1323, %get3A_1323 : vector<16xf32>
      %add3A_1326 = arith.addf %add3A_1316, %mul3A_1325 : vector<16xf32>
      %get3A_1327 = arith.constant 1 : i32
      %get3A_1328 = arith.constant 3 : i32
      %get3A_1329 = arith.index_cast %get3A_1327 : i32 to index
      %get3A_1330 = arith.index_cast %get3A_1328 : i32 to index
      %get3A_1331 = arith.index_cast %scan3A_1297 : i32 to index
      %get3A_1332 = arith.constant 112 : index
      %get3A_1333 = tpu.vector_load %arg8[%get3A_1329, %get3A_1330, %get3A_1331, %get3A_1332] {strides = array<i32>} : memref<2x13x16x128xf32, #tpu.memory_space<vmem>>, vector<16xf32>,
      %add3A_1334 = arith.addf %add3A_1324, %get3A_1333 : vector<16xf32>
      %mul3A_1335 = arith.mulf %get3A_1333, %get3A_1333 : vector<16xf32>
      %add3A_1336 = arith.addf %add3A_1326, %mul3A_1335 : vector<16xf32>
      %get3A_1337 = arith.constant 1 : i32
      %get3A_1338 = arith.constant 4 : i32
      %get3A_1339 = arith.index_cast %get3A_1337 : i32 to index
      %get3A_1340 = arith.index_cast %get3A_1338 : i32 to index
      %get3A_1341 = arith.index_cast %scan3A_1297 : i32 to index
      %get3A_1342 = arith.constant 112 : index
      %get3A_1343 = tpu.vector_load %arg8[%get3A_1339, %get3A_1340, %get3A_1341, %get3A_1342] {strides = array<i32>} : memref<2x13x16x128xf32, #tpu.memory_space<vmem>>, vector<16xf32>,
      %add3A_1344 = arith.addf %add3A_1334, %get3A_1343 : vector<16xf32>
      %mul3A_1345 = arith.mulf %get3A_1343, %get3A_1343 : vector<16xf32>
      %add3A_1346 = arith.addf %add3A_1336, %mul3A_1345 : vector<16xf32>
      %get3A_1347 = arith.constant 1 : i32
      %get3A_1348 = arith.constant 5 : i32
      %get3A_1349 = arith.index_cast %get3A_1347 : i32 to index
      %get3A_1350 = arith.index_cast %get3A_1348 : i32 to index
      %get3A_1351 = arith.index_cast %scan3A_1297 : i32 to index
      %get3A_1352 = arith.constant 112 : index
      %get3A_1353 = tpu.vector_load %arg8[%get3A_1349, %get3A_1350, %get3A_1351, %get3A_1352] {strides = array<i32>} : memref<2x13x16x128xf32, #tpu.memory_space<vmem>>, vector<16xf32>,
      %add3A_1354 = arith.addf %add3A_1344, %get3A_1353 : vector<16xf32>
      %mul3A_1355 = arith.mulf %get3A_1353, %get3A_1353 : vector<16xf32>
      %add3A_1356 = arith.addf %add3A_1346, %mul3A_1355 : vector<16xf32>
      %get3A_1357 = arith.constant 1 : i32
      %get3A_1358 = arith.constant 6 : i32
      %get3A_1359 = arith.index_cast %get3A_1357 : i32 to index
      %get3A_1360 = arith.index_cast %get3A_1358 : i32 to index
      %get3A_1361 = arith.index_cast %scan3A_1297 : i32 to index
      %get3A_1362 = arith.constant 112 : index
      %get3A_1363 = tpu.vector_load %arg8[%get3A_1359, %get3A_1360, %get3A_1361, %get3A_1362] {strides = array<i32>} : memref<2x13x16x128xf32, #tpu.memory_space<vmem>>, vector<16xf32>,
      %add3A_1364 = arith.addf %add3A_1354, %get3A_1363 : vector<16xf32>
      %mul3A_1365 = arith.mulf %get3A_1363, %get3A_1363 : vector<16xf32>
      %add3A_1366 = arith.addf %add3A_1356, %mul3A_1365 : vector<16xf32>
      %get3A_1367 = arith.constant 1 : i32
      %get3A_1368 = arith.constant 7 : i32
      %get3A_1369 = arith.index_cast %get3A_1367 : i32 to index
      %get3A_1370 = arith.index_cast %get3A_1368 : i32 to index
      %get3A_1371 = arith.index_cast %scan3A_1297 : i32 to index
      %get3A_1372 = arith.constant 112 : index
      %get3A_1373 = tpu.vector_load %arg8[%get3A_1369, %get3A_1370, %get3A_1371, %get3A_1372] {strides = array<i32>} : memref<2x13x16x128xf32, #tpu.memory_space<vmem>>, vector<16xf32>,
      %add3A_1374 = arith.addf %add3A_1364, %get3A_1373 : vector<16xf32>
      %mul3A_1375 = arith.mulf %get3A_1373, %get3A_1373 : vector<16xf32>
      %add3A_1376 = arith.addf %add3A_1366, %mul3A_1375 : vector<16xf32>
      %get3A_1377 = arith.constant 1 : i32
      %get3A_1378 = arith.constant 8 : i32
      %get3A_1379 = arith.index_cast %get3A_1377 : i32 to index
      %get3A_1380 = arith.index_cast %get3A_1378 : i32 to index
      %get3A_1381 = arith.index_cast %scan3A_1297 : i32 to index
      %get3A_1382 = arith.constant 112 : index
      %get3A_1383 = tpu.vector_load %arg8[%get3A_1379, %get3A_1380, %get3A_1381, %get3A_1382] {strides = array<i32>} : memref<2x13x16x128xf32, #tpu.memory_space<vmem>>, vector<16xf32>,
      %add3A_1384 = arith.addf %add3A_1374, %get3A_1383 : vector<16xf32>
      %mul3A_1385 = arith.mulf %get3A_1383, %get3A_1383 : vector<16xf32>
      %add3A_1386 = arith.addf %add3A_1376, %mul3A_1385 : vector<16xf32>
      %get3A_1387 = arith.constant 1 : i32
      %get3A_1388 = arith.constant 9 : i32
      %get3A_1389 = arith.index_cast %get3A_1387 : i32 to index
      %get3A_1390 = arith.index_cast %get3A_1388 : i32 to index
      %get3A_1391 = arith.index_cast %scan3A_1297 : i32 to index
      %get3A_1392 = arith.constant 112 : index
      %get3A_1393 = tpu.vector_load %arg8[%get3A_1389, %get3A_1390, %get3A_1391, %get3A_1392] {strides = array<i32>} : memref<2x13x16x128xf32, #tpu.memory_space<vmem>>, vector<16xf32>,
      %add3A_1394 = arith.addf %add3A_1384, %get3A_1393 : vector<16xf32>
      %mul3A_1395 = arith.mulf %get3A_1393, %get3A_1393 : vector<16xf32>
      %add3A_1396 = arith.addf %add3A_1386, %mul3A_1395 : vector<16xf32>
      %get3A_1397 = arith.constant 1 : i32
      %get3A_1398 = arith.constant 10 : i32
      %get3A_1399 = arith.index_cast %get3A_1397 : i32 to index
      %get3A_1400 = arith.index_cast %get3A_1398 : i32 to index
      %get3A_1401 = arith.index_cast %scan3A_1297 : i32 to index
      %get3A_1402 = arith.constant 112 : index
      %get3A_1403 = tpu.vector_load %arg8[%get3A_1399, %get3A_1400, %get3A_1401, %get3A_1402] {strides = array<i32>} : memref<2x13x16x128xf32, #tpu.memory_space<vmem>>, vector<16xf32>,
      %add3A_1404 = arith.addf %add3A_1394, %get3A_1403 : vector<16xf32>
      %mul3A_1405 = arith.mulf %get3A_1403, %get3A_1403 : vector<16xf32>
      %add3A_1406 = arith.addf %add3A_1396, %mul3A_1405 : vector<16xf32>
      %get3A_1407 = arith.constant 1 : i32
      %get3A_1408 = arith.constant 11 : i32
      %get3A_1409 = arith.index_cast %get3A_1407 : i32 to index
      %get3A_1410 = arith.index_cast %get3A_1408 : i32 to index
      %get3A_1411 = arith.index_cast %scan3A_1297 : i32 to index
      %get3A_1412 = arith.constant 112 : index
      %get3A_1413 = tpu.vector_load %arg8[%get3A_1409, %get3A_1410, %get3A_1411, %get3A_1412] {strides = array<i32>} : memref<2x13x16x128xf32, #tpu.memory_space<vmem>>, vector<16xf32>,
      %add3A_1414 = arith.addf %add3A_1404, %get3A_1413 : vector<16xf32>
      %mul3A_1415 = arith.mulf %get3A_1413, %get3A_1413 : vector<16xf32>
      %add3A_1416 = arith.addf %add3A_1406, %mul3A_1415 : vector<16xf32>
      %get3A_1417 = arith.constant 1 : i32
      %get3A_1418 = arith.constant 12 : i32
      %get3A_1419 = arith.index_cast %get3A_1417 : i32 to index
      %get3A_1420 = arith.index_cast %get3A_1418 : i32 to index
      %get3A_1421 = arith.index_cast %scan3A_1297 : i32 to index
      %get3A_1422 = arith.constant 112 : index
      %get3A_1423 = tpu.vector_load %arg8[%get3A_1419, %get3A_1420, %get3A_1421, %get3A_1422] {strides = array<i32>} : memref<2x13x16x128xf32, #tpu.memory_space<vmem>>, vector<16xf32>,
      %add3A_1424 = arith.addf %add3A_1414, %get3A_1423 : vector<16xf32>
      %mul3A_1425 = arith.mulf %get3A_1423, %get3A_1423 : vector<16xf32>
      %add3A_1426 = arith.addf %add3A_1416, %mul3A_1425 : vector<16xf32>
      %get3A_1427 = arith.constant 7 : i32
      %get3A_1428 = arith.index_cast %get3A_1427 : i32 to index
      %get3A_1429 = arith.index_cast %scan3A_1297 : i32 to index
      %get3A_1430 = arith.constant 0 : index
      %get3A_1431 = tpu.vector_load %arg9[%get3A_1428, %get3A_1429, %get3A_1430] {strides = array<i32>} : memref<8x16x16xf32, #tpu.memory_space<vmem>>, vector<16xf32>,
      %add3A_1432 = arith.addf %add3A_1424, %get3A_1431 : vector<16xf32>
      %get3A_1433 = arith.constant 7 : i32
      %get3A_1434 = arith.index_cast %get3A_1433 : i32 to index
      %get3A_1435 = arith.index_cast %scan3A_1297 : i32 to index
      %get3A_1436 = arith.constant 0 : index
      %get3A_1437 = tpu.vector_load %arg10[%get3A_1434, %get3A_1435, %get3A_1436] {strides = array<i32>} : memref<8x16x16xf32, #tpu.memory_space<vmem>>, vector<16xf32>,
      %add3A_1438 = arith.addf %add3A_1426, %get3A_1437 : vector<16xf32>
      %mul3A_1439 = arith.mulf %add3A_1432, %add3A_1432 : vector<16xf32>
      %sub3A = arith.subf %mul3A_1439, %add3A_1438 : vector<16xf32>
      %add3A_1440 = arith.addf %scan3A_1298, %sub3A : vector<16xf32>
      scf.yield %add3A_1440 : vector<16xf32>
    }
    %scan3A_428 = arith.constant 16 : i32
    %mul3A_429 = arith.constant 5.000000e-01 : f32
    %mul3A_430 = vector.broadcast %mul3A_429 : f32 to vector<16xf32>
    %mul3A_431 = arith.mulf %mul3A_430, %scan3A_427 : vector<16xf32>
    %swap3A_432 = arith.constant 112 : index
    %swap3A_433 = tpu.vector_load %arg11[%swap3A_432] {strides = array<i32>} : memref<128xf32, #tpu.memory_space<vmem>>, vector<16xf32>,
    tpu.vector_store %arg11[%swap3A_432], %mul3A_431 {strides = array<i32>} : memref<128xf32, #tpu.memory_space<vmem>>, vector<16xf32>,
    %dma_wait3A_434 = arith.constant 0 : i32
    %dma_wait3A_435 = arith.constant 0 : i32
    %dma_wait3A_436 = tpu.memref_slice %arg7[%dma_wait3A_435] : memref<3328xf32, #tpu.memory_space<vmem>> -> memref<128xf32, #tpu.memory_space<vmem>>
    %dma_wait3A_437 = arith.constant 0 : i32
    %dma_wait3A_438 = tpu.memref_slice %arg6[%dma_wait3A_434, %dma_wait3A_437] : memref<26x128xi32, #tpu.memory_space<vmem>> -> memref<1x128xi32, #tpu.memory_space<vmem>>
    %dma_wait3A_439 = tpu.memref_squeeze %dma_wait3A_438 : memref<1x128xi32, #tpu.memory_space<vmem>> -> memref<128xi32, #tpu.memory_space<vmem>>
    %dma_wait3A_440 = arith.constant 0 : i32
    %dma_wait3A_441 = tpu.memref_slice %arg4[%dma_wait3A_440] : memref<1000448xf32, #tpu.memory_space<hbm>> -> memref<1000448xf32, #tpu.memory_space<hbm>>
    tpu.wait_indirect_dma semaphore(%arg12 : memref<!tpu.dma_semaphore, #tpu.memory_space<semaphore_mem>>) src(%dma_wait3A_441 : memref<1000448xf32, #tpu.memory_space<hbm>>) dst(%dma_wait3A_436 : memref<128xf32, #tpu.memory_space<vmem>>)
    %dma_wait3A_442 = arith.constant 1 : i32
    %dma_wait3A_443 = arith.constant 128 : i32
    %dma_wait3A_444 = tpu.memref_slice %arg7[%dma_wait3A_443] : memref<3328xf32, #tpu.memory_space<vmem>> -> memref<128xf32, #tpu.memory_space<vmem>>
    %dma_wait3A_445 = arith.constant 0 : i32
    %dma_wait3A_446 = tpu.memref_slice %arg6[%dma_wait3A_442, %dma_wait3A_445] : memref<26x128xi32, #tpu.memory_space<vmem>> -> memref<1x128xi32, #tpu.memory_space<vmem>>
    %dma_wait3A_447 = tpu.memref_squeeze %dma_wait3A_446 : memref<1x128xi32, #tpu.memory_space<vmem>> -> memref<128xi32, #tpu.memory_space<vmem>>
    %dma_wait3A_448 = arith.constant 0 : i32
    %dma_wait3A_449 = tpu.memref_slice %arg4[%dma_wait3A_448] : memref<1000448xf32, #tpu.memory_space<hbm>> -> memref<1000448xf32, #tpu.memory_space<hbm>>
    tpu.wait_indirect_dma semaphore(%arg12 : memref<!tpu.dma_semaphore, #tpu.memory_space<semaphore_mem>>) src(%dma_wait3A_449 : memref<1000448xf32, #tpu.memory_space<hbm>>) dst(%dma_wait3A_444 : memref<128xf32, #tpu.memory_space<vmem>>)
    %dma_wait3A_450 = arith.constant 2 : i32
    %dma_wait3A_451 = arith.constant 256 : i32
    %dma_wait3A_452 = tpu.memref_slice %arg7[%dma_wait3A_451] : memref<3328xf32, #tpu.memory_space<vmem>> -> memref<128xf32, #tpu.memory_space<vmem>>
    %dma_wait3A_453 = arith.constant 0 : i32
    %dma_wait3A_454 = tpu.memref_slice %arg6[%dma_wait3A_450, %dma_wait3A_453] : memref<26x128xi32, #tpu.memory_space<vmem>> -> memref<1x128xi32, #tpu.memory_space<vmem>>
    %dma_wait3A_455 = tpu.memref_squeeze %dma_wait3A_454 : memref<1x128xi32, #tpu.memory_space<vmem>> -> memref<128xi32, #tpu.memory_space<vmem>>
    %dma_wait3A_456 = arith.constant 0 : i32
    %dma_wait3A_457 = tpu.memref_slice %arg4[%dma_wait3A_456] : memref<1000448xf32, #tpu.memory_space<hbm>> -> memref<1000448xf32, #tpu.memory_space<hbm>>
    tpu.wait_indirect_dma semaphore(%arg12 : memref<!tpu.dma_semaphore, #tpu.memory_space<semaphore_mem>>) src(%dma_wait3A_457 : memref<1000448xf32, #tpu.memory_space<hbm>>) dst(%dma_wait3A_452 : memref<128xf32, #tpu.memory_space<vmem>>)
    %dma_wait3A_458 = arith.constant 3 : i32
    %dma_wait3A_459 = arith.constant 384 : i32
    %dma_wait3A_460 = tpu.memref_slice %arg7[%dma_wait3A_459] : memref<3328xf32, #tpu.memory_space<vmem>> -> memref<128xf32, #tpu.memory_space<vmem>>
    %dma_wait3A_461 = arith.constant 0 : i32
    %dma_wait3A_462 = tpu.memref_slice %arg6[%dma_wait3A_458, %dma_wait3A_461] : memref<26x128xi32, #tpu.memory_space<vmem>> -> memref<1x128xi32, #tpu.memory_space<vmem>>
    %dma_wait3A_463 = tpu.memref_squeeze %dma_wait3A_462 : memref<1x128xi32, #tpu.memory_space<vmem>> -> memref<128xi32, #tpu.memory_space<vmem>>
    %dma_wait3A_464 = arith.constant 0 : i32
    %dma_wait3A_465 = tpu.memref_slice %arg4[%dma_wait3A_464] : memref<1000448xf32, #tpu.memory_space<hbm>> -> memref<1000448xf32, #tpu.memory_space<hbm>>
    tpu.wait_indirect_dma semaphore(%arg12 : memref<!tpu.dma_semaphore, #tpu.memory_space<semaphore_mem>>) src(%dma_wait3A_465 : memref<1000448xf32, #tpu.memory_space<hbm>>) dst(%dma_wait3A_460 : memref<128xf32, #tpu.memory_space<vmem>>)
    %dma_wait3A_466 = arith.constant 4 : i32
    %dma_wait3A_467 = arith.constant 512 : i32
    %dma_wait3A_468 = tpu.memref_slice %arg7[%dma_wait3A_467] : memref<3328xf32, #tpu.memory_space<vmem>> -> memref<128xf32, #tpu.memory_space<vmem>>
    %dma_wait3A_469 = arith.constant 0 : i32
    %dma_wait3A_470 = tpu.memref_slice %arg6[%dma_wait3A_466, %dma_wait3A_469] : memref<26x128xi32, #tpu.memory_space<vmem>> -> memref<1x128xi32, #tpu.memory_space<vmem>>
    %dma_wait3A_471 = tpu.memref_squeeze %dma_wait3A_470 : memref<1x128xi32, #tpu.memory_space<vmem>> -> memref<128xi32, #tpu.memory_space<vmem>>
    %dma_wait3A_472 = arith.constant 0 : i32
    %dma_wait3A_473 = tpu.memref_slice %arg4[%dma_wait3A_472] : memref<1000448xf32, #tpu.memory_space<hbm>> -> memref<1000448xf32, #tpu.memory_space<hbm>>
    tpu.wait_indirect_dma semaphore(%arg12 : memref<!tpu.dma_semaphore, #tpu.memory_space<semaphore_mem>>) src(%dma_wait3A_473 : memref<1000448xf32, #tpu.memory_space<hbm>>) dst(%dma_wait3A_468 : memref<128xf32, #tpu.memory_space<vmem>>)
    %dma_wait3A_474 = arith.constant 5 : i32
    %dma_wait3A_475 = arith.constant 640 : i32
    %dma_wait3A_476 = tpu.memref_slice %arg7[%dma_wait3A_475] : memref<3328xf32, #tpu.memory_space<vmem>> -> memref<128xf32, #tpu.memory_space<vmem>>
    %dma_wait3A_477 = arith.constant 0 : i32
    %dma_wait3A_478 = tpu.memref_slice %arg6[%dma_wait3A_474, %dma_wait3A_477] : memref<26x128xi32, #tpu.memory_space<vmem>> -> memref<1x128xi32, #tpu.memory_space<vmem>>
    %dma_wait3A_479 = tpu.memref_squeeze %dma_wait3A_478 : memref<1x128xi32, #tpu.memory_space<vmem>> -> memref<128xi32, #tpu.memory_space<vmem>>
    %dma_wait3A_480 = arith.constant 0 : i32
    %dma_wait3A_481 = tpu.memref_slice %arg4[%dma_wait3A_480] : memref<1000448xf32, #tpu.memory_space<hbm>> -> memref<1000448xf32, #tpu.memory_space<hbm>>
    tpu.wait_indirect_dma semaphore(%arg12 : memref<!tpu.dma_semaphore, #tpu.memory_space<semaphore_mem>>) src(%dma_wait3A_481 : memref<1000448xf32, #tpu.memory_space<hbm>>) dst(%dma_wait3A_476 : memref<128xf32, #tpu.memory_space<vmem>>)
    %dma_wait3A_482 = arith.constant 6 : i32
    %dma_wait3A_483 = arith.constant 768 : i32
    %dma_wait3A_484 = tpu.memref_slice %arg7[%dma_wait3A_483] : memref<3328xf32, #tpu.memory_space<vmem>> -> memref<128xf32, #tpu.memory_space<vmem>>
    %dma_wait3A_485 = arith.constant 0 : i32
    %dma_wait3A_486 = tpu.memref_slice %arg6[%dma_wait3A_482, %dma_wait3A_485] : memref<26x128xi32, #tpu.memory_space<vmem>> -> memref<1x128xi32, #tpu.memory_space<vmem>>
    %dma_wait3A_487 = tpu.memref_squeeze %dma_wait3A_486 : memref<1x128xi32, #tpu.memory_space<vmem>> -> memref<128xi32, #tpu.memory_space<vmem>>
    %dma_wait3A_488 = arith.constant 0 : i32
    %dma_wait3A_489 = tpu.memref_slice %arg4[%dma_wait3A_488] : memref<1000448xf32, #tpu.memory_space<hbm>> -> memref<1000448xf32, #tpu.memory_space<hbm>>
    tpu.wait_indirect_dma semaphore(%arg12 : memref<!tpu.dma_semaphore, #tpu.memory_space<semaphore_mem>>) src(%dma_wait3A_489 : memref<1000448xf32, #tpu.memory_space<hbm>>) dst(%dma_wait3A_484 : memref<128xf32, #tpu.memory_space<vmem>>)
    %dma_wait3A_490 = arith.constant 7 : i32
    %dma_wait3A_491 = arith.constant 896 : i32
    %dma_wait3A_492 = tpu.memref_slice %arg7[%dma_wait3A_491] : memref<3328xf32, #tpu.memory_space<vmem>> -> memref<128xf32, #tpu.memory_space<vmem>>
    %dma_wait3A_493 = arith.constant 0 : i32
    %dma_wait3A_494 = tpu.memref_slice %arg6[%dma_wait3A_490, %dma_wait3A_493] : memref<26x128xi32, #tpu.memory_space<vmem>> -> memref<1x128xi32, #tpu.memory_space<vmem>>
    %dma_wait3A_495 = tpu.memref_squeeze %dma_wait3A_494 : memref<1x128xi32, #tpu.memory_space<vmem>> -> memref<128xi32, #tpu.memory_space<vmem>>
    %dma_wait3A_496 = arith.constant 0 : i32
    %dma_wait3A_497 = tpu.memref_slice %arg4[%dma_wait3A_496] : memref<1000448xf32, #tpu.memory_space<hbm>> -> memref<1000448xf32, #tpu.memory_space<hbm>>
    tpu.wait_indirect_dma semaphore(%arg12 : memref<!tpu.dma_semaphore, #tpu.memory_space<semaphore_mem>>) src(%dma_wait3A_497 : memref<1000448xf32, #tpu.memory_space<hbm>>) dst(%dma_wait3A_492 : memref<128xf32, #tpu.memory_space<vmem>>)
    %dma_wait3A_498 = arith.constant 8 : i32
    %dma_wait3A_499 = arith.constant 1024 : i32
    %dma_wait3A_500 = tpu.memref_slice %arg7[%dma_wait3A_499] : memref<3328xf32, #tpu.memory_space<vmem>> -> memref<128xf32, #tpu.memory_space<vmem>>
    %dma_wait3A_501 = arith.constant 0 : i32
    %dma_wait3A_502 = tpu.memref_slice %arg6[%dma_wait3A_498, %dma_wait3A_501] : memref<26x128xi32, #tpu.memory_space<vmem>> -> memref<1x128xi32, #tpu.memory_space<vmem>>
    %dma_wait3A_503 = tpu.memref_squeeze %dma_wait3A_502 : memref<1x128xi32, #tpu.memory_space<vmem>> -> memref<128xi32, #tpu.memory_space<vmem>>
    %dma_wait3A_504 = arith.constant 0 : i32
    %dma_wait3A_505 = tpu.memref_slice %arg4[%dma_wait3A_504] : memref<1000448xf32, #tpu.memory_space<hbm>> -> memref<1000448xf32, #tpu.memory_space<hbm>>
    tpu.wait_indirect_dma semaphore(%arg12 : memref<!tpu.dma_semaphore, #tpu.memory_space<semaphore_mem>>) src(%dma_wait3A_505 : memref<1000448xf32, #tpu.memory_space<hbm>>) dst(%dma_wait3A_500 : memref<128xf32, #tpu.memory_space<vmem>>)
    %dma_wait3A_506 = arith.constant 9 : i32
    %dma_wait3A_507 = arith.constant 1152 : i32
    %dma_wait3A_508 = tpu.memref_slice %arg7[%dma_wait3A_507] : memref<3328xf32, #tpu.memory_space<vmem>> -> memref<128xf32, #tpu.memory_space<vmem>>
    %dma_wait3A_509 = arith.constant 0 : i32
    %dma_wait3A_510 = tpu.memref_slice %arg6[%dma_wait3A_506, %dma_wait3A_509] : memref<26x128xi32, #tpu.memory_space<vmem>> -> memref<1x128xi32, #tpu.memory_space<vmem>>
    %dma_wait3A_511 = tpu.memref_squeeze %dma_wait3A_510 : memref<1x128xi32, #tpu.memory_space<vmem>> -> memref<128xi32, #tpu.memory_space<vmem>>
    %dma_wait3A_512 = arith.constant 0 : i32
    %dma_wait3A_513 = tpu.memref_slice %arg4[%dma_wait3A_512] : memref<1000448xf32, #tpu.memory_space<hbm>> -> memref<1000448xf32, #tpu.memory_space<hbm>>
    tpu.wait_indirect_dma semaphore(%arg12 : memref<!tpu.dma_semaphore, #tpu.memory_space<semaphore_mem>>) src(%dma_wait3A_513 : memref<1000448xf32, #tpu.memory_space<hbm>>) dst(%dma_wait3A_508 : memref<128xf32, #tpu.memory_space<vmem>>)
    %dma_wait3A_514 = arith.constant 10 : i32
    %dma_wait3A_515 = arith.constant 1280 : i32
    %dma_wait3A_516 = tpu.memref_slice %arg7[%dma_wait3A_515] : memref<3328xf32, #tpu.memory_space<vmem>> -> memref<128xf32, #tpu.memory_space<vmem>>
    %dma_wait3A_517 = arith.constant 0 : i32
    %dma_wait3A_518 = tpu.memref_slice %arg6[%dma_wait3A_514, %dma_wait3A_517] : memref<26x128xi32, #tpu.memory_space<vmem>> -> memref<1x128xi32, #tpu.memory_space<vmem>>
    %dma_wait3A_519 = tpu.memref_squeeze %dma_wait3A_518 : memref<1x128xi32, #tpu.memory_space<vmem>> -> memref<128xi32, #tpu.memory_space<vmem>>
    %dma_wait3A_520 = arith.constant 0 : i32
    %dma_wait3A_521 = tpu.memref_slice %arg4[%dma_wait3A_520] : memref<1000448xf32, #tpu.memory_space<hbm>> -> memref<1000448xf32, #tpu.memory_space<hbm>>
    tpu.wait_indirect_dma semaphore(%arg12 : memref<!tpu.dma_semaphore, #tpu.memory_space<semaphore_mem>>) src(%dma_wait3A_521 : memref<1000448xf32, #tpu.memory_space<hbm>>) dst(%dma_wait3A_516 : memref<128xf32, #tpu.memory_space<vmem>>)
    %dma_wait3A_522 = arith.constant 11 : i32
    %dma_wait3A_523 = arith.constant 1408 : i32
    %dma_wait3A_524 = tpu.memref_slice %arg7[%dma_wait3A_523] : memref<3328xf32, #tpu.memory_space<vmem>> -> memref<128xf32, #tpu.memory_space<vmem>>
    %dma_wait3A_525 = arith.constant 0 : i32
    %dma_wait3A_526 = tpu.memref_slice %arg6[%dma_wait3A_522, %dma_wait3A_525] : memref<26x128xi32, #tpu.memory_space<vmem>> -> memref<1x128xi32, #tpu.memory_space<vmem>>
    %dma_wait3A_527 = tpu.memref_squeeze %dma_wait3A_526 : memref<1x128xi32, #tpu.memory_space<vmem>> -> memref<128xi32, #tpu.memory_space<vmem>>
    %dma_wait3A_528 = arith.constant 0 : i32
    %dma_wait3A_529 = tpu.memref_slice %arg4[%dma_wait3A_528] : memref<1000448xf32, #tpu.memory_space<hbm>> -> memref<1000448xf32, #tpu.memory_space<hbm>>
    tpu.wait_indirect_dma semaphore(%arg12 : memref<!tpu.dma_semaphore, #tpu.memory_space<semaphore_mem>>) src(%dma_wait3A_529 : memref<1000448xf32, #tpu.memory_space<hbm>>) dst(%dma_wait3A_524 : memref<128xf32, #tpu.memory_space<vmem>>)
    %dma_wait3A_530 = arith.constant 12 : i32
    %dma_wait3A_531 = arith.constant 1536 : i32
    %dma_wait3A_532 = tpu.memref_slice %arg7[%dma_wait3A_531] : memref<3328xf32, #tpu.memory_space<vmem>> -> memref<128xf32, #tpu.memory_space<vmem>>
    %dma_wait3A_533 = arith.constant 0 : i32
    %dma_wait3A_534 = tpu.memref_slice %arg6[%dma_wait3A_530, %dma_wait3A_533] : memref<26x128xi32, #tpu.memory_space<vmem>> -> memref<1x128xi32, #tpu.memory_space<vmem>>
    %dma_wait3A_535 = tpu.memref_squeeze %dma_wait3A_534 : memref<1x128xi32, #tpu.memory_space<vmem>> -> memref<128xi32, #tpu.memory_space<vmem>>
    %dma_wait3A_536 = arith.constant 0 : i32
    %dma_wait3A_537 = tpu.memref_slice %arg4[%dma_wait3A_536] : memref<1000448xf32, #tpu.memory_space<hbm>> -> memref<1000448xf32, #tpu.memory_space<hbm>>
    tpu.wait_indirect_dma semaphore(%arg12 : memref<!tpu.dma_semaphore, #tpu.memory_space<semaphore_mem>>) src(%dma_wait3A_537 : memref<1000448xf32, #tpu.memory_space<hbm>>) dst(%dma_wait3A_532 : memref<128xf32, #tpu.memory_space<vmem>>)
    %dma_wait3A_538 = arith.constant 13 : i32
    %dma_wait3A_539 = arith.constant 1664 : i32
    %dma_wait3A_540 = tpu.memref_slice %arg7[%dma_wait3A_539] : memref<3328xf32, #tpu.memory_space<vmem>> -> memref<128xf32, #tpu.memory_space<vmem>>
    %dma_wait3A_541 = arith.constant 0 : i32
    %dma_wait3A_542 = tpu.memref_slice %arg6[%dma_wait3A_538, %dma_wait3A_541] : memref<26x128xi32, #tpu.memory_space<vmem>> -> memref<1x128xi32, #tpu.memory_space<vmem>>
    %dma_wait3A_543 = tpu.memref_squeeze %dma_wait3A_542 : memref<1x128xi32, #tpu.memory_space<vmem>> -> memref<128xi32, #tpu.memory_space<vmem>>
    %dma_wait3A_544 = arith.constant 0 : i32
    %dma_wait3A_545 = tpu.memref_slice %arg4[%dma_wait3A_544] : memref<1000448xf32, #tpu.memory_space<hbm>> -> memref<1000448xf32, #tpu.memory_space<hbm>>
    tpu.wait_indirect_dma semaphore(%arg12 : memref<!tpu.dma_semaphore, #tpu.memory_space<semaphore_mem>>) src(%dma_wait3A_545 : memref<1000448xf32, #tpu.memory_space<hbm>>) dst(%dma_wait3A_540 : memref<128xf32, #tpu.memory_space<vmem>>)
    %dma_wait3A_546 = arith.constant 14 : i32
    %dma_wait3A_547 = arith.constant 1792 : i32
    %dma_wait3A_548 = tpu.memref_slice %arg7[%dma_wait3A_547] : memref<3328xf32, #tpu.memory_space<vmem>> -> memref<128xf32, #tpu.memory_space<vmem>>
    %dma_wait3A_549 = arith.constant 0 : i32
    %dma_wait3A_550 = tpu.memref_slice %arg6[%dma_wait3A_546, %dma_wait3A_549] : memref<26x128xi32, #tpu.memory_space<vmem>> -> memref<1x128xi32, #tpu.memory_space<vmem>>
    %dma_wait3A_551 = tpu.memref_squeeze %dma_wait3A_550 : memref<1x128xi32, #tpu.memory_space<vmem>> -> memref<128xi32, #tpu.memory_space<vmem>>
    %dma_wait3A_552 = arith.constant 0 : i32
    %dma_wait3A_553 = tpu.memref_slice %arg4[%dma_wait3A_552] : memref<1000448xf32, #tpu.memory_space<hbm>> -> memref<1000448xf32, #tpu.memory_space<hbm>>
    tpu.wait_indirect_dma semaphore(%arg12 : memref<!tpu.dma_semaphore, #tpu.memory_space<semaphore_mem>>) src(%dma_wait3A_553 : memref<1000448xf32, #tpu.memory_space<hbm>>) dst(%dma_wait3A_548 : memref<128xf32, #tpu.memory_space<vmem>>)
    %dma_wait3A_554 = arith.constant 15 : i32
    %dma_wait3A_555 = arith.constant 1920 : i32
    %dma_wait3A_556 = tpu.memref_slice %arg7[%dma_wait3A_555] : memref<3328xf32, #tpu.memory_space<vmem>> -> memref<128xf32, #tpu.memory_space<vmem>>
    %dma_wait3A_557 = arith.constant 0 : i32
    %dma_wait3A_558 = tpu.memref_slice %arg6[%dma_wait3A_554, %dma_wait3A_557] : memref<26x128xi32, #tpu.memory_space<vmem>> -> memref<1x128xi32, #tpu.memory_space<vmem>>
    %dma_wait3A_559 = tpu.memref_squeeze %dma_wait3A_558 : memref<1x128xi32, #tpu.memory_space<vmem>> -> memref<128xi32, #tpu.memory_space<vmem>>
    %dma_wait3A_560 = arith.constant 0 : i32
    %dma_wait3A_561 = tpu.memref_slice %arg4[%dma_wait3A_560] : memref<1000448xf32, #tpu.memory_space<hbm>> -> memref<1000448xf32, #tpu.memory_space<hbm>>
    tpu.wait_indirect_dma semaphore(%arg12 : memref<!tpu.dma_semaphore, #tpu.memory_space<semaphore_mem>>) src(%dma_wait3A_561 : memref<1000448xf32, #tpu.memory_space<hbm>>) dst(%dma_wait3A_556 : memref<128xf32, #tpu.memory_space<vmem>>)
    %dma_wait3A_562 = arith.constant 16 : i32
    %dma_wait3A_563 = arith.constant 2048 : i32
    %dma_wait3A_564 = tpu.memref_slice %arg7[%dma_wait3A_563] : memref<3328xf32, #tpu.memory_space<vmem>> -> memref<128xf32, #tpu.memory_space<vmem>>
    %dma_wait3A_565 = arith.constant 0 : i32
    %dma_wait3A_566 = tpu.memref_slice %arg6[%dma_wait3A_562, %dma_wait3A_565] : memref<26x128xi32, #tpu.memory_space<vmem>> -> memref<1x128xi32, #tpu.memory_space<vmem>>
    %dma_wait3A_567 = tpu.memref_squeeze %dma_wait3A_566 : memref<1x128xi32, #tpu.memory_space<vmem>> -> memref<128xi32, #tpu.memory_space<vmem>>
    %dma_wait3A_568 = arith.constant 0 : i32
    %dma_wait3A_569 = tpu.memref_slice %arg4[%dma_wait3A_568] : memref<1000448xf32, #tpu.memory_space<hbm>> -> memref<1000448xf32, #tpu.memory_space<hbm>>
    tpu.wait_indirect_dma semaphore(%arg12 : memref<!tpu.dma_semaphore, #tpu.memory_space<semaphore_mem>>) src(%dma_wait3A_569 : memref<1000448xf32, #tpu.memory_space<hbm>>) dst(%dma_wait3A_564 : memref<128xf32, #tpu.memory_space<vmem>>)
    %dma_wait3A_570 = arith.constant 17 : i32
    %dma_wait3A_571 = arith.constant 2176 : i32
    %dma_wait3A_572 = tpu.memref_slice %arg7[%dma_wait3A_571] : memref<3328xf32, #tpu.memory_space<vmem>> -> memref<128xf32, #tpu.memory_space<vmem>>
    %dma_wait3A_573 = arith.constant 0 : i32
    %dma_wait3A_574 = tpu.memref_slice %arg6[%dma_wait3A_570, %dma_wait3A_573] : memref<26x128xi32, #tpu.memory_space<vmem>> -> memref<1x128xi32, #tpu.memory_space<vmem>>
    %dma_wait3A_575 = tpu.memref_squeeze %dma_wait3A_574 : memref<1x128xi32, #tpu.memory_space<vmem>> -> memref<128xi32, #tpu.memory_space<vmem>>
    %dma_wait3A_576 = arith.constant 0 : i32
    %dma_wait3A_577 = tpu.memref_slice %arg4[%dma_wait3A_576] : memref<1000448xf32, #tpu.memory_space<hbm>> -> memref<1000448xf32, #tpu.memory_space<hbm>>
    tpu.wait_indirect_dma semaphore(%arg12 : memref<!tpu.dma_semaphore, #tpu.memory_space<semaphore_mem>>) src(%dma_wait3A_577 : memref<1000448xf32, #tpu.memory_space<hbm>>) dst(%dma_wait3A_572 : memref<128xf32, #tpu.memory_space<vmem>>)
    %dma_wait3A_578 = arith.constant 18 : i32
    %dma_wait3A_579 = arith.constant 2304 : i32
    %dma_wait3A_580 = tpu.memref_slice %arg7[%dma_wait3A_579] : memref<3328xf32, #tpu.memory_space<vmem>> -> memref<128xf32, #tpu.memory_space<vmem>>
    %dma_wait3A_581 = arith.constant 0 : i32
    %dma_wait3A_582 = tpu.memref_slice %arg6[%dma_wait3A_578, %dma_wait3A_581] : memref<26x128xi32, #tpu.memory_space<vmem>> -> memref<1x128xi32, #tpu.memory_space<vmem>>
    %dma_wait3A_583 = tpu.memref_squeeze %dma_wait3A_582 : memref<1x128xi32, #tpu.memory_space<vmem>> -> memref<128xi32, #tpu.memory_space<vmem>>
    %dma_wait3A_584 = arith.constant 0 : i32
    %dma_wait3A_585 = tpu.memref_slice %arg4[%dma_wait3A_584] : memref<1000448xf32, #tpu.memory_space<hbm>> -> memref<1000448xf32, #tpu.memory_space<hbm>>
    tpu.wait_indirect_dma semaphore(%arg12 : memref<!tpu.dma_semaphore, #tpu.memory_space<semaphore_mem>>) src(%dma_wait3A_585 : memref<1000448xf32, #tpu.memory_space<hbm>>) dst(%dma_wait3A_580 : memref<128xf32, #tpu.memory_space<vmem>>)
    %dma_wait3A_586 = arith.constant 19 : i32
    %dma_wait3A_587 = arith.constant 2432 : i32
    %dma_wait3A_588 = tpu.memref_slice %arg7[%dma_wait3A_587] : memref<3328xf32, #tpu.memory_space<vmem>> -> memref<128xf32, #tpu.memory_space<vmem>>
    %dma_wait3A_589 = arith.constant 0 : i32
    %dma_wait3A_590 = tpu.memref_slice %arg6[%dma_wait3A_586, %dma_wait3A_589] : memref<26x128xi32, #tpu.memory_space<vmem>> -> memref<1x128xi32, #tpu.memory_space<vmem>>
    %dma_wait3A_591 = tpu.memref_squeeze %dma_wait3A_590 : memref<1x128xi32, #tpu.memory_space<vmem>> -> memref<128xi32, #tpu.memory_space<vmem>>
    %dma_wait3A_592 = arith.constant 0 : i32
    %dma_wait3A_593 = tpu.memref_slice %arg4[%dma_wait3A_592] : memref<1000448xf32, #tpu.memory_space<hbm>> -> memref<1000448xf32, #tpu.memory_space<hbm>>
    tpu.wait_indirect_dma semaphore(%arg12 : memref<!tpu.dma_semaphore, #tpu.memory_space<semaphore_mem>>) src(%dma_wait3A_593 : memref<1000448xf32, #tpu.memory_space<hbm>>) dst(%dma_wait3A_588 : memref<128xf32, #tpu.memory_space<vmem>>)
    %dma_wait3A_594 = arith.constant 20 : i32
    %dma_wait3A_595 = arith.constant 2560 : i32
    %dma_wait3A_596 = tpu.memref_slice %arg7[%dma_wait3A_595] : memref<3328xf32, #tpu.memory_space<vmem>> -> memref<128xf32, #tpu.memory_space<vmem>>
    %dma_wait3A_597 = arith.constant 0 : i32
    %dma_wait3A_598 = tpu.memref_slice %arg6[%dma_wait3A_594, %dma_wait3A_597] : memref<26x128xi32, #tpu.memory_space<vmem>> -> memref<1x128xi32, #tpu.memory_space<vmem>>
    %dma_wait3A_599 = tpu.memref_squeeze %dma_wait3A_598 : memref<1x128xi32, #tpu.memory_space<vmem>> -> memref<128xi32, #tpu.memory_space<vmem>>
    %dma_wait3A_600 = arith.constant 0 : i32
    %dma_wait3A_601 = tpu.memref_slice %arg4[%dma_wait3A_600] : memref<1000448xf32, #tpu.memory_space<hbm>> -> memref<1000448xf32, #tpu.memory_space<hbm>>
    tpu.wait_indirect_dma semaphore(%arg12 : memref<!tpu.dma_semaphore, #tpu.memory_space<semaphore_mem>>) src(%dma_wait3A_601 : memref<1000448xf32, #tpu.memory_space<hbm>>) dst(%dma_wait3A_596 : memref<128xf32, #tpu.memory_space<vmem>>)
    %dma_wait3A_602 = arith.constant 21 : i32
    %dma_wait3A_603 = arith.constant 2688 : i32
    %dma_wait3A_604 = tpu.memref_slice %arg7[%dma_wait3A_603] : memref<3328xf32, #tpu.memory_space<vmem>> -> memref<128xf32, #tpu.memory_space<vmem>>
    %dma_wait3A_605 = arith.constant 0 : i32
    %dma_wait3A_606 = tpu.memref_slice %arg6[%dma_wait3A_602, %dma_wait3A_605] : memref<26x128xi32, #tpu.memory_space<vmem>> -> memref<1x128xi32, #tpu.memory_space<vmem>>
    %dma_wait3A_607 = tpu.memref_squeeze %dma_wait3A_606 : memref<1x128xi32, #tpu.memory_space<vmem>> -> memref<128xi32, #tpu.memory_space<vmem>>
    %dma_wait3A_608 = arith.constant 0 : i32
    %dma_wait3A_609 = tpu.memref_slice %arg4[%dma_wait3A_608] : memref<1000448xf32, #tpu.memory_space<hbm>> -> memref<1000448xf32, #tpu.memory_space<hbm>>
    tpu.wait_indirect_dma semaphore(%arg12 : memref<!tpu.dma_semaphore, #tpu.memory_space<semaphore_mem>>) src(%dma_wait3A_609 : memref<1000448xf32, #tpu.memory_space<hbm>>) dst(%dma_wait3A_604 : memref<128xf32, #tpu.memory_space<vmem>>)
    %dma_wait3A_610 = arith.constant 22 : i32
    %dma_wait3A_611 = arith.constant 2816 : i32
    %dma_wait3A_612 = tpu.memref_slice %arg7[%dma_wait3A_611] : memref<3328xf32, #tpu.memory_space<vmem>> -> memref<128xf32, #tpu.memory_space<vmem>>
    %dma_wait3A_613 = arith.constant 0 : i32
    %dma_wait3A_614 = tpu.memref_slice %arg6[%dma_wait3A_610, %dma_wait3A_613] : memref<26x128xi32, #tpu.memory_space<vmem>> -> memref<1x128xi32, #tpu.memory_space<vmem>>
    %dma_wait3A_615 = tpu.memref_squeeze %dma_wait3A_614 : memref<1x128xi32, #tpu.memory_space<vmem>> -> memref<128xi32, #tpu.memory_space<vmem>>
    %dma_wait3A_616 = arith.constant 0 : i32
    %dma_wait3A_617 = tpu.memref_slice %arg4[%dma_wait3A_616] : memref<1000448xf32, #tpu.memory_space<hbm>> -> memref<1000448xf32, #tpu.memory_space<hbm>>
    tpu.wait_indirect_dma semaphore(%arg12 : memref<!tpu.dma_semaphore, #tpu.memory_space<semaphore_mem>>) src(%dma_wait3A_617 : memref<1000448xf32, #tpu.memory_space<hbm>>) dst(%dma_wait3A_612 : memref<128xf32, #tpu.memory_space<vmem>>)
    %dma_wait3A_618 = arith.constant 23 : i32
    %dma_wait3A_619 = arith.constant 2944 : i32
    %dma_wait3A_620 = tpu.memref_slice %arg7[%dma_wait3A_619] : memref<3328xf32, #tpu.memory_space<vmem>> -> memref<128xf32, #tpu.memory_space<vmem>>
    %dma_wait3A_621 = arith.constant 0 : i32
    %dma_wait3A_622 = tpu.memref_slice %arg6[%dma_wait3A_618, %dma_wait3A_621] : memref<26x128xi32, #tpu.memory_space<vmem>> -> memref<1x128xi32, #tpu.memory_space<vmem>>
    %dma_wait3A_623 = tpu.memref_squeeze %dma_wait3A_622 : memref<1x128xi32, #tpu.memory_space<vmem>> -> memref<128xi32, #tpu.memory_space<vmem>>
    %dma_wait3A_624 = arith.constant 0 : i32
    %dma_wait3A_625 = tpu.memref_slice %arg4[%dma_wait3A_624] : memref<1000448xf32, #tpu.memory_space<hbm>> -> memref<1000448xf32, #tpu.memory_space<hbm>>
    tpu.wait_indirect_dma semaphore(%arg12 : memref<!tpu.dma_semaphore, #tpu.memory_space<semaphore_mem>>) src(%dma_wait3A_625 : memref<1000448xf32, #tpu.memory_space<hbm>>) dst(%dma_wait3A_620 : memref<128xf32, #tpu.memory_space<vmem>>)
    %dma_wait3A_626 = arith.constant 24 : i32
    %dma_wait3A_627 = arith.constant 3072 : i32
    %dma_wait3A_628 = tpu.memref_slice %arg7[%dma_wait3A_627] : memref<3328xf32, #tpu.memory_space<vmem>> -> memref<128xf32, #tpu.memory_space<vmem>>
    %dma_wait3A_629 = arith.constant 0 : i32
    %dma_wait3A_630 = tpu.memref_slice %arg6[%dma_wait3A_626, %dma_wait3A_629] : memref<26x128xi32, #tpu.memory_space<vmem>> -> memref<1x128xi32, #tpu.memory_space<vmem>>
    %dma_wait3A_631 = tpu.memref_squeeze %dma_wait3A_630 : memref<1x128xi32, #tpu.memory_space<vmem>> -> memref<128xi32, #tpu.memory_space<vmem>>
    %dma_wait3A_632 = arith.constant 0 : i32
    %dma_wait3A_633 = tpu.memref_slice %arg4[%dma_wait3A_632] : memref<1000448xf32, #tpu.memory_space<hbm>> -> memref<1000448xf32, #tpu.memory_space<hbm>>
    tpu.wait_indirect_dma semaphore(%arg12 : memref<!tpu.dma_semaphore, #tpu.memory_space<semaphore_mem>>) src(%dma_wait3A_633 : memref<1000448xf32, #tpu.memory_space<hbm>>) dst(%dma_wait3A_628 : memref<128xf32, #tpu.memory_space<vmem>>)
    %dma_wait3A_634 = arith.constant 25 : i32
    %dma_wait3A_635 = arith.constant 3200 : i32
    %dma_wait3A_636 = tpu.memref_slice %arg7[%dma_wait3A_635] : memref<3328xf32, #tpu.memory_space<vmem>> -> memref<128xf32, #tpu.memory_space<vmem>>
    %dma_wait3A_637 = arith.constant 0 : i32
    %dma_wait3A_638 = tpu.memref_slice %arg6[%dma_wait3A_634, %dma_wait3A_637] : memref<26x128xi32, #tpu.memory_space<vmem>> -> memref<1x128xi32, #tpu.memory_space<vmem>>
    %dma_wait3A_639 = tpu.memref_squeeze %dma_wait3A_638 : memref<1x128xi32, #tpu.memory_space<vmem>> -> memref<128xi32, #tpu.memory_space<vmem>>
    %dma_wait3A_640 = arith.constant 0 : i32
    %dma_wait3A_641 = tpu.memref_slice %arg4[%dma_wait3A_640] : memref<1000448xf32, #tpu.memory_space<hbm>> -> memref<1000448xf32, #tpu.memory_space<hbm>>
    tpu.wait_indirect_dma semaphore(%arg12 : memref<!tpu.dma_semaphore, #tpu.memory_space<semaphore_mem>>) src(%dma_wait3A_641 : memref<1000448xf32, #tpu.memory_space<hbm>>) dst(%dma_wait3A_636 : memref<128xf32, #tpu.memory_space<vmem>>)
    %get3A = arith.constant 0 : index
    %get3A_642 = tpu.vector_load %arg7[%get3A] {strides = array<i32>} : memref<3328xf32, #tpu.memory_space<vmem>>, vector<16xf32>,
    %get3A_643 = arith.constant 128 : index
    %get3A_644 = tpu.vector_load %arg7[%get3A_643] {strides = array<i32>} : memref<3328xf32, #tpu.memory_space<vmem>>, vector<16xf32>,
    %add3A_645 = arith.addf %get3A_642, %get3A_644 : vector<16xf32>
    %get3A_646 = arith.constant 256 : index
    %get3A_647 = tpu.vector_load %arg7[%get3A_646] {strides = array<i32>} : memref<3328xf32, #tpu.memory_space<vmem>>, vector<16xf32>,
    %add3A_648 = arith.addf %add3A_645, %get3A_647 : vector<16xf32>
    %get3A_649 = arith.constant 384 : index
    %get3A_650 = tpu.vector_load %arg7[%get3A_649] {strides = array<i32>} : memref<3328xf32, #tpu.memory_space<vmem>>, vector<16xf32>,
    %add3A_651 = arith.addf %add3A_648, %get3A_650 : vector<16xf32>
    %get3A_652 = arith.constant 512 : index
    %get3A_653 = tpu.vector_load %arg7[%get3A_652] {strides = array<i32>} : memref<3328xf32, #tpu.memory_space<vmem>>, vector<16xf32>,
    %add3A_654 = arith.addf %add3A_651, %get3A_653 : vector<16xf32>
    %get3A_655 = arith.constant 640 : index
    %get3A_656 = tpu.vector_load %arg7[%get3A_655] {strides = array<i32>} : memref<3328xf32, #tpu.memory_space<vmem>>, vector<16xf32>,
    %add3A_657 = arith.addf %add3A_654, %get3A_656 : vector<16xf32>
    %get3A_658 = arith.constant 768 : index
    %get3A_659 = tpu.vector_load %arg7[%get3A_658] {strides = array<i32>} : memref<3328xf32, #tpu.memory_space<vmem>>, vector<16xf32>,
    %add3A_660 = arith.addf %add3A_657, %get3A_659 : vector<16xf32>
    %get3A_661 = arith.constant 896 : index
    %get3A_662 = tpu.vector_load %arg7[%get3A_661] {strides = array<i32>} : memref<3328xf32, #tpu.memory_space<vmem>>, vector<16xf32>,
    %add3A_663 = arith.addf %add3A_660, %get3A_662 : vector<16xf32>
    %get3A_664 = arith.constant 1024 : index
    %get3A_665 = tpu.vector_load %arg7[%get3A_664] {strides = array<i32>} : memref<3328xf32, #tpu.memory_space<vmem>>, vector<16xf32>,
    %add3A_666 = arith.addf %add3A_663, %get3A_665 : vector<16xf32>
    %get3A_667 = arith.constant 1152 : index
    %get3A_668 = tpu.vector_load %arg7[%get3A_667] {strides = array<i32>} : memref<3328xf32, #tpu.memory_space<vmem>>, vector<16xf32>,
    %add3A_669 = arith.addf %add3A_666, %get3A_668 : vector<16xf32>
    %get3A_670 = arith.constant 1280 : index
    %get3A_671 = tpu.vector_load %arg7[%get3A_670] {strides = array<i32>} : memref<3328xf32, #tpu.memory_space<vmem>>, vector<16xf32>,
    %add3A_672 = arith.addf %add3A_669, %get3A_671 : vector<16xf32>
    %get3A_673 = arith.constant 1408 : index
    %get3A_674 = tpu.vector_load %arg7[%get3A_673] {strides = array<i32>} : memref<3328xf32, #tpu.memory_space<vmem>>, vector<16xf32>,
    %add3A_675 = arith.addf %add3A_672, %get3A_674 : vector<16xf32>
    %get3A_676 = arith.constant 1536 : index
    %get3A_677 = tpu.vector_load %arg7[%get3A_676] {strides = array<i32>} : memref<3328xf32, #tpu.memory_space<vmem>>, vector<16xf32>,
    %add3A_678 = arith.addf %add3A_675, %get3A_677 : vector<16xf32>
    %get3A_679 = arith.constant 1664 : index
    %get3A_680 = tpu.vector_load %arg7[%get3A_679] {strides = array<i32>} : memref<3328xf32, #tpu.memory_space<vmem>>, vector<16xf32>,
    %add3A_681 = arith.addf %add3A_678, %get3A_680 : vector<16xf32>
    %get3A_682 = arith.constant 1792 : index
    %get3A_683 = tpu.vector_load %arg7[%get3A_682] {strides = array<i32>} : memref<3328xf32, #tpu.memory_space<vmem>>, vector<16xf32>,
    %add3A_684 = arith.addf %add3A_681, %get3A_683 : vector<16xf32>
    %get3A_685 = arith.constant 1920 : index
    %get3A_686 = tpu.vector_load %arg7[%get3A_685] {strides = array<i32>} : memref<3328xf32, #tpu.memory_space<vmem>>, vector<16xf32>,
    %add3A_687 = arith.addf %add3A_684, %get3A_686 : vector<16xf32>
    %get3A_688 = arith.constant 2048 : index
    %get3A_689 = tpu.vector_load %arg7[%get3A_688] {strides = array<i32>} : memref<3328xf32, #tpu.memory_space<vmem>>, vector<16xf32>,
    %add3A_690 = arith.addf %add3A_687, %get3A_689 : vector<16xf32>
    %get3A_691 = arith.constant 2176 : index
    %get3A_692 = tpu.vector_load %arg7[%get3A_691] {strides = array<i32>} : memref<3328xf32, #tpu.memory_space<vmem>>, vector<16xf32>,
    %add3A_693 = arith.addf %add3A_690, %get3A_692 : vector<16xf32>
    %get3A_694 = arith.constant 2304 : index
    %get3A_695 = tpu.vector_load %arg7[%get3A_694] {strides = array<i32>} : memref<3328xf32, #tpu.memory_space<vmem>>, vector<16xf32>,
    %add3A_696 = arith.addf %add3A_693, %get3A_695 : vector<16xf32>
    %get3A_697 = arith.constant 2432 : index
    %get3A_698 = tpu.vector_load %arg7[%get3A_697] {strides = array<i32>} : memref<3328xf32, #tpu.memory_space<vmem>>, vector<16xf32>,
    %add3A_699 = arith.addf %add3A_696, %get3A_698 : vector<16xf32>
    %get3A_700 = arith.constant 2560 : index
    %get3A_701 = tpu.vector_load %arg7[%get3A_700] {strides = array<i32>} : memref<3328xf32, #tpu.memory_space<vmem>>, vector<16xf32>,
    %add3A_702 = arith.addf %add3A_699, %get3A_701 : vector<16xf32>
    %get3A_703 = arith.constant 2688 : index
    %get3A_704 = tpu.vector_load %arg7[%get3A_703] {strides = array<i32>} : memref<3328xf32, #tpu.memory_space<vmem>>, vector<16xf32>,
    %add3A_705 = arith.addf %add3A_702, %get3A_704 : vector<16xf32>
    %get3A_706 = arith.constant 2816 : index
    %get3A_707 = tpu.vector_load %arg7[%get3A_706] {strides = array<i32>} : memref<3328xf32, #tpu.memory_space<vmem>>, vector<16xf32>,
    %add3A_708 = arith.addf %add3A_705, %get3A_707 : vector<16xf32>
    %get3A_709 = arith.constant 2944 : index
    %get3A_710 = tpu.vector_load %arg7[%get3A_709] {strides = array<i32>} : memref<3328xf32, #tpu.memory_space<vmem>>, vector<16xf32>,
    %add3A_711 = arith.addf %add3A_708, %get3A_710 : vector<16xf32>
    %get3A_712 = arith.constant 3072 : index
    %get3A_713 = tpu.vector_load %arg7[%get3A_712] {strides = array<i32>} : memref<3328xf32, #tpu.memory_space<vmem>>, vector<16xf32>,
    %add3A_714 = arith.addf %add3A_711, %get3A_713 : vector<16xf32>
    %get3A_715 = arith.constant 3200 : index
    %get3A_716 = tpu.vector_load %arg7[%get3A_715] {strides = array<i32>} : memref<3328xf32, #tpu.memory_space<vmem>>, vector<16xf32>,
    %add3A_717 = arith.addf %add3A_714, %get3A_716 : vector<16xf32>
    %get3A_718 = arith.constant 0 : index
    %get3A_719 = tpu.vector_load %arg11[%get3A_718] {strides = array<i32>} : memref<128xf32, #tpu.memory_space<vmem>>, vector<16xf32>,
    %add3A_720 = arith.addf %get3A_719, %add3A_717 : vector<16xf32>
    %swap3A_721 = arith.constant 0 : index
    %swap3A_722 = tpu.vector_load %arg11[%swap3A_721] {strides = array<i32>} : memref<128xf32, #tpu.memory_space<vmem>>, vector<16xf32>,
    tpu.vector_store %arg11[%swap3A_721], %add3A_720 {strides = array<i32>} : memref<128xf32, #tpu.memory_space<vmem>>, vector<16xf32>,
    %get3A_723 = arith.constant 16 : index
    %get3A_724 = tpu.vector_load %arg7[%get3A_723] {strides = array<i32>} : memref<3328xf32, #tpu.memory_space<vmem>>, vector<16xf32>,
    %get3A_725 = arith.constant 144 : index
    %get3A_726 = tpu.vector_load %arg7[%get3A_725] {strides = array<i32>} : memref<3328xf32, #tpu.memory_space<vmem>>, vector<16xf32>,
    %add3A_727 = arith.addf %get3A_724, %get3A_726 : vector<16xf32>
    %get3A_728 = arith.constant 272 : index
    %get3A_729 = tpu.vector_load %arg7[%get3A_728] {strides = array<i32>} : memref<3328xf32, #tpu.memory_space<vmem>>, vector<16xf32>,
    %add3A_730 = arith.addf %add3A_727, %get3A_729 : vector<16xf32>
    %get3A_731 = arith.constant 400 : index
    %get3A_732 = tpu.vector_load %arg7[%get3A_731] {strides = array<i32>} : memref<3328xf32, #tpu.memory_space<vmem>>, vector<16xf32>,
    %add3A_733 = arith.addf %add3A_730, %get3A_732 : vector<16xf32>
    %get3A_734 = arith.constant 528 : index
    %get3A_735 = tpu.vector_load %arg7[%get3A_734] {strides = array<i32>} : memref<3328xf32, #tpu.memory_space<vmem>>, vector<16xf32>,
    %add3A_736 = arith.addf %add3A_733, %get3A_735 : vector<16xf32>
    %get3A_737 = arith.constant 656 : index
    %get3A_738 = tpu.vector_load %arg7[%get3A_737] {strides = array<i32>} : memref<3328xf32, #tpu.memory_space<vmem>>, vector<16xf32>,
    %add3A_739 = arith.addf %add3A_736, %get3A_738 : vector<16xf32>
    %get3A_740 = arith.constant 784 : index
    %get3A_741 = tpu.vector_load %arg7[%get3A_740] {strides = array<i32>} : memref<3328xf32, #tpu.memory_space<vmem>>, vector<16xf32>,
    %add3A_742 = arith.addf %add3A_739, %get3A_741 : vector<16xf32>
    %get3A_743 = arith.constant 912 : index
    %get3A_744 = tpu.vector_load %arg7[%get3A_743] {strides = array<i32>} : memref<3328xf32, #tpu.memory_space<vmem>>, vector<16xf32>,
    %add3A_745 = arith.addf %add3A_742, %get3A_744 : vector<16xf32>
    %get3A_746 = arith.constant 1040 : index
    %get3A_747 = tpu.vector_load %arg7[%get3A_746] {strides = array<i32>} : memref<3328xf32, #tpu.memory_space<vmem>>, vector<16xf32>,
    %add3A_748 = arith.addf %add3A_745, %get3A_747 : vector<16xf32>
    %get3A_749 = arith.constant 1168 : index
    %get3A_750 = tpu.vector_load %arg7[%get3A_749] {strides = array<i32>} : memref<3328xf32, #tpu.memory_space<vmem>>, vector<16xf32>,
    %add3A_751 = arith.addf %add3A_748, %get3A_750 : vector<16xf32>
    %get3A_752 = arith.constant 1296 : index
    %get3A_753 = tpu.vector_load %arg7[%get3A_752] {strides = array<i32>} : memref<3328xf32, #tpu.memory_space<vmem>>, vector<16xf32>,
    %add3A_754 = arith.addf %add3A_751, %get3A_753 : vector<16xf32>
    %get3A_755 = arith.constant 1424 : index
    %get3A_756 = tpu.vector_load %arg7[%get3A_755] {strides = array<i32>} : memref<3328xf32, #tpu.memory_space<vmem>>, vector<16xf32>,
    %add3A_757 = arith.addf %add3A_754, %get3A_756 : vector<16xf32>
    %get3A_758 = arith.constant 1552 : index
    %get3A_759 = tpu.vector_load %arg7[%get3A_758] {strides = array<i32>} : memref<3328xf32, #tpu.memory_space<vmem>>, vector<16xf32>,
    %add3A_760 = arith.addf %add3A_757, %get3A_759 : vector<16xf32>
    %get3A_761 = arith.constant 1680 : index
    %get3A_762 = tpu.vector_load %arg7[%get3A_761] {strides = array<i32>} : memref<3328xf32, #tpu.memory_space<vmem>>, vector<16xf32>,
    %add3A_763 = arith.addf %add3A_760, %get3A_762 : vector<16xf32>
    %get3A_764 = arith.constant 1808 : index
    %get3A_765 = tpu.vector_load %arg7[%get3A_764] {strides = array<i32>} : memref<3328xf32, #tpu.memory_space<vmem>>, vector<16xf32>,
    %add3A_766 = arith.addf %add3A_763, %get3A_765 : vector<16xf32>
    %get3A_767 = arith.constant 1936 : index
    %get3A_768 = tpu.vector_load %arg7[%get3A_767] {strides = array<i32>} : memref<3328xf32, #tpu.memory_space<vmem>>, vector<16xf32>,
    %add3A_769 = arith.addf %add3A_766, %get3A_768 : vector<16xf32>
    %get3A_770 = arith.constant 2064 : index
    %get3A_771 = tpu.vector_load %arg7[%get3A_770] {strides = array<i32>} : memref<3328xf32, #tpu.memory_space<vmem>>, vector<16xf32>,
    %add3A_772 = arith.addf %add3A_769, %get3A_771 : vector<16xf32>
    %get3A_773 = arith.constant 2192 : index
    %get3A_774 = tpu.vector_load %arg7[%get3A_773] {strides = array<i32>} : memref<3328xf32, #tpu.memory_space<vmem>>, vector<16xf32>,
    %add3A_775 = arith.addf %add3A_772, %get3A_774 : vector<16xf32>
    %get3A_776 = arith.constant 2320 : index
    %get3A_777 = tpu.vector_load %arg7[%get3A_776] {strides = array<i32>} : memref<3328xf32, #tpu.memory_space<vmem>>, vector<16xf32>,
    %add3A_778 = arith.addf %add3A_775, %get3A_777 : vector<16xf32>
    %get3A_779 = arith.constant 2448 : index
    %get3A_780 = tpu.vector_load %arg7[%get3A_779] {strides = array<i32>} : memref<3328xf32, #tpu.memory_space<vmem>>, vector<16xf32>,
    %add3A_781 = arith.addf %add3A_778, %get3A_780 : vector<16xf32>
    %get3A_782 = arith.constant 2576 : index
    %get3A_783 = tpu.vector_load %arg7[%get3A_782] {strides = array<i32>} : memref<3328xf32, #tpu.memory_space<vmem>>, vector<16xf32>,
    %add3A_784 = arith.addf %add3A_781, %get3A_783 : vector<16xf32>
    %get3A_785 = arith.constant 2704 : index
    %get3A_786 = tpu.vector_load %arg7[%get3A_785] {strides = array<i32>} : memref<3328xf32, #tpu.memory_space<vmem>>, vector<16xf32>,
    %add3A_787 = arith.addf %add3A_784, %get3A_786 : vector<16xf32>
    %get3A_788 = arith.constant 2832 : index
    %get3A_789 = tpu.vector_load %arg7[%get3A_788] {strides = array<i32>} : memref<3328xf32, #tpu.memory_space<vmem>>, vector<16xf32>,
    %add3A_790 = arith.addf %add3A_787, %get3A_789 : vector<16xf32>
    %get3A_791 = arith.constant 2960 : index
    %get3A_792 = tpu.vector_load %arg7[%get3A_791] {strides = array<i32>} : memref<3328xf32, #tpu.memory_space<vmem>>, vector<16xf32>,
    %add3A_793 = arith.addf %add3A_790, %get3A_792 : vector<16xf32>
    %get3A_794 = arith.constant 3088 : index
    %get3A_795 = tpu.vector_load %arg7[%get3A_794] {strides = array<i32>} : memref<3328xf32, #tpu.memory_space<vmem>>, vector<16xf32>,
    %add3A_796 = arith.addf %add3A_793, %get3A_795 : vector<16xf32>
    %get3A_797 = arith.constant 3216 : index
    %get3A_798 = tpu.vector_load %arg7[%get3A_797] {strides = array<i32>} : memref<3328xf32, #tpu.memory_space<vmem>>, vector<16xf32>,
    %add3A_799 = arith.addf %add3A_796, %get3A_798 : vector<16xf32>
    %get3A_800 = arith.constant 16 : index
    %get3A_801 = tpu.vector_load %arg11[%get3A_800] {strides = array<i32>} : memref<128xf32, #tpu.memory_space<vmem>>, vector<16xf32>,
    %add3A_802 = arith.addf %get3A_801, %add3A_799 : vector<16xf32>
    %swap3A_803 = arith.constant 16 : index
    %swap3A_804 = tpu.vector_load %arg11[%swap3A_803] {strides = array<i32>} : memref<128xf32, #tpu.memory_space<vmem>>, vector<16xf32>,
    tpu.vector_store %arg11[%swap3A_803], %add3A_802 {strides = array<i32>} : memref<128xf32, #tpu.memory_space<vmem>>, vector<16xf32>,
    %get3A_805 = arith.constant 32 : index
    %get3A_806 = tpu.vector_load %arg7[%get3A_805] {strides = array<i32>} : memref<3328xf32, #tpu.memory_space<vmem>>, vector<16xf32>,
    %get3A_807 = arith.constant 160 : index
    %get3A_808 = tpu.vector_load %arg7[%get3A_807] {strides = array<i32>} : memref<3328xf32, #tpu.memory_space<vmem>>, vector<16xf32>,
    %add3A_809 = arith.addf %get3A_806, %get3A_808 : vector<16xf32>
    %get3A_810 = arith.constant 288 : index
    %get3A_811 = tpu.vector_load %arg7[%get3A_810] {strides = array<i32>} : memref<3328xf32, #tpu.memory_space<vmem>>, vector<16xf32>,
    %add3A_812 = arith.addf %add3A_809, %get3A_811 : vector<16xf32>
    %get3A_813 = arith.constant 416 : index
    %get3A_814 = tpu.vector_load %arg7[%get3A_813] {strides = array<i32>} : memref<3328xf32, #tpu.memory_space<vmem>>, vector<16xf32>,
    %add3A_815 = arith.addf %add3A_812, %get3A_814 : vector<16xf32>
    %get3A_816 = arith.constant 544 : index
    %get3A_817 = tpu.vector_load %arg7[%get3A_816] {strides = array<i32>} : memref<3328xf32, #tpu.memory_space<vmem>>, vector<16xf32>,
    %add3A_818 = arith.addf %add3A_815, %get3A_817 : vector<16xf32>
    %get3A_819 = arith.constant 672 : index
    %get3A_820 = tpu.vector_load %arg7[%get3A_819] {strides = array<i32>} : memref<3328xf32, #tpu.memory_space<vmem>>, vector<16xf32>,
    %add3A_821 = arith.addf %add3A_818, %get3A_820 : vector<16xf32>
    %get3A_822 = arith.constant 800 : index
    %get3A_823 = tpu.vector_load %arg7[%get3A_822] {strides = array<i32>} : memref<3328xf32, #tpu.memory_space<vmem>>, vector<16xf32>,
    %add3A_824 = arith.addf %add3A_821, %get3A_823 : vector<16xf32>
    %get3A_825 = arith.constant 928 : index
    %get3A_826 = tpu.vector_load %arg7[%get3A_825] {strides = array<i32>} : memref<3328xf32, #tpu.memory_space<vmem>>, vector<16xf32>,
    %add3A_827 = arith.addf %add3A_824, %get3A_826 : vector<16xf32>
    %get3A_828 = arith.constant 1056 : index
    %get3A_829 = tpu.vector_load %arg7[%get3A_828] {strides = array<i32>} : memref<3328xf32, #tpu.memory_space<vmem>>, vector<16xf32>,
    %add3A_830 = arith.addf %add3A_827, %get3A_829 : vector<16xf32>
    %get3A_831 = arith.constant 1184 : index
    %get3A_832 = tpu.vector_load %arg7[%get3A_831] {strides = array<i32>} : memref<3328xf32, #tpu.memory_space<vmem>>, vector<16xf32>,
    %add3A_833 = arith.addf %add3A_830, %get3A_832 : vector<16xf32>
    %get3A_834 = arith.constant 1312 : index
    %get3A_835 = tpu.vector_load %arg7[%get3A_834] {strides = array<i32>} : memref<3328xf32, #tpu.memory_space<vmem>>, vector<16xf32>,
    %add3A_836 = arith.addf %add3A_833, %get3A_835 : vector<16xf32>
    %get3A_837 = arith.constant 1440 : index
    %get3A_838 = tpu.vector_load %arg7[%get3A_837] {strides = array<i32>} : memref<3328xf32, #tpu.memory_space<vmem>>, vector<16xf32>,
    %add3A_839 = arith.addf %add3A_836, %get3A_838 : vector<16xf32>
    %get3A_840 = arith.constant 1568 : index
    %get3A_841 = tpu.vector_load %arg7[%get3A_840] {strides = array<i32>} : memref<3328xf32, #tpu.memory_space<vmem>>, vector<16xf32>,
    %add3A_842 = arith.addf %add3A_839, %get3A_841 : vector<16xf32>
    %get3A_843 = arith.constant 1696 : index
    %get3A_844 = tpu.vector_load %arg7[%get3A_843] {strides = array<i32>} : memref<3328xf32, #tpu.memory_space<vmem>>, vector<16xf32>,
    %add3A_845 = arith.addf %add3A_842, %get3A_844 : vector<16xf32>
    %get3A_846 = arith.constant 1824 : index
    %get3A_847 = tpu.vector_load %arg7[%get3A_846] {strides = array<i32>} : memref<3328xf32, #tpu.memory_space<vmem>>, vector<16xf32>,
    %add3A_848 = arith.addf %add3A_845, %get3A_847 : vector<16xf32>
    %get3A_849 = arith.constant 1952 : index
    %get3A_850 = tpu.vector_load %arg7[%get3A_849] {strides = array<i32>} : memref<3328xf32, #tpu.memory_space<vmem>>, vector<16xf32>,
    %add3A_851 = arith.addf %add3A_848, %get3A_850 : vector<16xf32>
    %get3A_852 = arith.constant 2080 : index
    %get3A_853 = tpu.vector_load %arg7[%get3A_852] {strides = array<i32>} : memref<3328xf32, #tpu.memory_space<vmem>>, vector<16xf32>,
    %add3A_854 = arith.addf %add3A_851, %get3A_853 : vector<16xf32>
    %get3A_855 = arith.constant 2208 : index
    %get3A_856 = tpu.vector_load %arg7[%get3A_855] {strides = array<i32>} : memref<3328xf32, #tpu.memory_space<vmem>>, vector<16xf32>,
    %add3A_857 = arith.addf %add3A_854, %get3A_856 : vector<16xf32>
    %get3A_858 = arith.constant 2336 : index
    %get3A_859 = tpu.vector_load %arg7[%get3A_858] {strides = array<i32>} : memref<3328xf32, #tpu.memory_space<vmem>>, vector<16xf32>,
    %add3A_860 = arith.addf %add3A_857, %get3A_859 : vector<16xf32>
    %get3A_861 = arith.constant 2464 : index
    %get3A_862 = tpu.vector_load %arg7[%get3A_861] {strides = array<i32>} : memref<3328xf32, #tpu.memory_space<vmem>>, vector<16xf32>,
    %add3A_863 = arith.addf %add3A_860, %get3A_862 : vector<16xf32>
    %get3A_864 = arith.constant 2592 : index
    %get3A_865 = tpu.vector_load %arg7[%get3A_864] {strides = array<i32>} : memref<3328xf32, #tpu.memory_space<vmem>>, vector<16xf32>,
    %add3A_866 = arith.addf %add3A_863, %get3A_865 : vector<16xf32>
    %get3A_867 = arith.constant 2720 : index
    %get3A_868 = tpu.vector_load %arg7[%get3A_867] {strides = array<i32>} : memref<3328xf32, #tpu.memory_space<vmem>>, vector<16xf32>,
    %add3A_869 = arith.addf %add3A_866, %get3A_868 : vector<16xf32>
    %get3A_870 = arith.constant 2848 : index
    %get3A_871 = tpu.vector_load %arg7[%get3A_870] {strides = array<i32>} : memref<3328xf32, #tpu.memory_space<vmem>>, vector<16xf32>,
    %add3A_872 = arith.addf %add3A_869, %get3A_871 : vector<16xf32>
    %get3A_873 = arith.constant 2976 : index
    %get3A_874 = tpu.vector_load %arg7[%get3A_873] {strides = array<i32>} : memref<3328xf32, #tpu.memory_space<vmem>>, vector<16xf32>,
    %add3A_875 = arith.addf %add3A_872, %get3A_874 : vector<16xf32>
    %get3A_876 = arith.constant 3104 : index
    %get3A_877 = tpu.vector_load %arg7[%get3A_876] {strides = array<i32>} : memref<3328xf32, #tpu.memory_space<vmem>>, vector<16xf32>,
    %add3A_878 = arith.addf %add3A_875, %get3A_877 : vector<16xf32>
    %get3A_879 = arith.constant 3232 : index
    %get3A_880 = tpu.vector_load %arg7[%get3A_879] {strides = array<i32>} : memref<3328xf32, #tpu.memory_space<vmem>>, vector<16xf32>,
    %add3A_881 = arith.addf %add3A_878, %get3A_880 : vector<16xf32>
    %get3A_882 = arith.constant 32 : index
    %get3A_883 = tpu.vector_load %arg11[%get3A_882] {strides = array<i32>} : memref<128xf32, #tpu.memory_space<vmem>>, vector<16xf32>,
    %add3A_884 = arith.addf %get3A_883, %add3A_881 : vector<16xf32>
    %swap3A_885 = arith.constant 32 : index
    %swap3A_886 = tpu.vector_load %arg11[%swap3A_885] {strides = array<i32>} : memref<128xf32, #tpu.memory_space<vmem>>, vector<16xf32>,
    tpu.vector_store %arg11[%swap3A_885], %add3A_884 {strides = array<i32>} : memref<128xf32, #tpu.memory_space<vmem>>, vector<16xf32>,
    %get3A_887 = arith.constant 48 : index
    %get3A_888 = tpu.vector_load %arg7[%get3A_887] {strides = array<i32>} : memref<3328xf32, #tpu.memory_space<vmem>>, vector<16xf32>,
    %get3A_889 = arith.constant 176 : index
    %get3A_890 = tpu.vector_load %arg7[%get3A_889] {strides = array<i32>} : memref<3328xf32, #tpu.memory_space<vmem>>, vector<16xf32>,
    %add3A_891 = arith.addf %get3A_888, %get3A_890 : vector<16xf32>
    %get3A_892 = arith.constant 304 : index
    %get3A_893 = tpu.vector_load %arg7[%get3A_892] {strides = array<i32>} : memref<3328xf32, #tpu.memory_space<vmem>>, vector<16xf32>,
    %add3A_894 = arith.addf %add3A_891, %get3A_893 : vector<16xf32>
    %get3A_895 = arith.constant 432 : index
    %get3A_896 = tpu.vector_load %arg7[%get3A_895] {strides = array<i32>} : memref<3328xf32, #tpu.memory_space<vmem>>, vector<16xf32>,
    %add3A_897 = arith.addf %add3A_894, %get3A_896 : vector<16xf32>
    %get3A_898 = arith.constant 560 : index
    %get3A_899 = tpu.vector_load %arg7[%get3A_898] {strides = array<i32>} : memref<3328xf32, #tpu.memory_space<vmem>>, vector<16xf32>,
    %add3A_900 = arith.addf %add3A_897, %get3A_899 : vector<16xf32>
    %get3A_901 = arith.constant 688 : index
    %get3A_902 = tpu.vector_load %arg7[%get3A_901] {strides = array<i32>} : memref<3328xf32, #tpu.memory_space<vmem>>, vector<16xf32>,
    %add3A_903 = arith.addf %add3A_900, %get3A_902 : vector<16xf32>
    %get3A_904 = arith.constant 816 : index
    %get3A_905 = tpu.vector_load %arg7[%get3A_904] {strides = array<i32>} : memref<3328xf32, #tpu.memory_space<vmem>>, vector<16xf32>,
    %add3A_906 = arith.addf %add3A_903, %get3A_905 : vector<16xf32>
    %get3A_907 = arith.constant 944 : index
    %get3A_908 = tpu.vector_load %arg7[%get3A_907] {strides = array<i32>} : memref<3328xf32, #tpu.memory_space<vmem>>, vector<16xf32>,
    %add3A_909 = arith.addf %add3A_906, %get3A_908 : vector<16xf32>
    %get3A_910 = arith.constant 1072 : index
    %get3A_911 = tpu.vector_load %arg7[%get3A_910] {strides = array<i32>} : memref<3328xf32, #tpu.memory_space<vmem>>, vector<16xf32>,
    %add3A_912 = arith.addf %add3A_909, %get3A_911 : vector<16xf32>
    %get3A_913 = arith.constant 1200 : index
    %get3A_914 = tpu.vector_load %arg7[%get3A_913] {strides = array<i32>} : memref<3328xf32, #tpu.memory_space<vmem>>, vector<16xf32>,
    %add3A_915 = arith.addf %add3A_912, %get3A_914 : vector<16xf32>
    %get3A_916 = arith.constant 1328 : index
    %get3A_917 = tpu.vector_load %arg7[%get3A_916] {strides = array<i32>} : memref<3328xf32, #tpu.memory_space<vmem>>, vector<16xf32>,
    %add3A_918 = arith.addf %add3A_915, %get3A_917 : vector<16xf32>
    %get3A_919 = arith.constant 1456 : index
    %get3A_920 = tpu.vector_load %arg7[%get3A_919] {strides = array<i32>} : memref<3328xf32, #tpu.memory_space<vmem>>, vector<16xf32>,
    %add3A_921 = arith.addf %add3A_918, %get3A_920 : vector<16xf32>
    %get3A_922 = arith.constant 1584 : index
    %get3A_923 = tpu.vector_load %arg7[%get3A_922] {strides = array<i32>} : memref<3328xf32, #tpu.memory_space<vmem>>, vector<16xf32>,
    %add3A_924 = arith.addf %add3A_921, %get3A_923 : vector<16xf32>
    %get3A_925 = arith.constant 1712 : index
    %get3A_926 = tpu.vector_load %arg7[%get3A_925] {strides = array<i32>} : memref<3328xf32, #tpu.memory_space<vmem>>, vector<16xf32>,
    %add3A_927 = arith.addf %add3A_924, %get3A_926 : vector<16xf32>
    %get3A_928 = arith.constant 1840 : index
    %get3A_929 = tpu.vector_load %arg7[%get3A_928] {strides = array<i32>} : memref<3328xf32, #tpu.memory_space<vmem>>, vector<16xf32>,
    %add3A_930 = arith.addf %add3A_927, %get3A_929 : vector<16xf32>
    %get3A_931 = arith.constant 1968 : index
    %get3A_932 = tpu.vector_load %arg7[%get3A_931] {strides = array<i32>} : memref<3328xf32, #tpu.memory_space<vmem>>, vector<16xf32>,
    %add3A_933 = arith.addf %add3A_930, %get3A_932 : vector<16xf32>
    %get3A_934 = arith.constant 2096 : index
    %get3A_935 = tpu.vector_load %arg7[%get3A_934] {strides = array<i32>} : memref<3328xf32, #tpu.memory_space<vmem>>, vector<16xf32>,
    %add3A_936 = arith.addf %add3A_933, %get3A_935 : vector<16xf32>
    %get3A_937 = arith.constant 2224 : index
    %get3A_938 = tpu.vector_load %arg7[%get3A_937] {strides = array<i32>} : memref<3328xf32, #tpu.memory_space<vmem>>, vector<16xf32>,
    %add3A_939 = arith.addf %add3A_936, %get3A_938 : vector<16xf32>
    %get3A_940 = arith.constant 2352 : index
    %get3A_941 = tpu.vector_load %arg7[%get3A_940] {strides = array<i32>} : memref<3328xf32, #tpu.memory_space<vmem>>, vector<16xf32>,
    %add3A_942 = arith.addf %add3A_939, %get3A_941 : vector<16xf32>
    %get3A_943 = arith.constant 2480 : index
    %get3A_944 = tpu.vector_load %arg7[%get3A_943] {strides = array<i32>} : memref<3328xf32, #tpu.memory_space<vmem>>, vector<16xf32>,
    %add3A_945 = arith.addf %add3A_942, %get3A_944 : vector<16xf32>
    %get3A_946 = arith.constant 2608 : index
    %get3A_947 = tpu.vector_load %arg7[%get3A_946] {strides = array<i32>} : memref<3328xf32, #tpu.memory_space<vmem>>, vector<16xf32>,
    %add3A_948 = arith.addf %add3A_945, %get3A_947 : vector<16xf32>
    %get3A_949 = arith.constant 2736 : index
    %get3A_950 = tpu.vector_load %arg7[%get3A_949] {strides = array<i32>} : memref<3328xf32, #tpu.memory_space<vmem>>, vector<16xf32>,
    %add3A_951 = arith.addf %add3A_948, %get3A_950 : vector<16xf32>
    %get3A_952 = arith.constant 2864 : index
    %get3A_953 = tpu.vector_load %arg7[%get3A_952] {strides = array<i32>} : memref<3328xf32, #tpu.memory_space<vmem>>, vector<16xf32>,
    %add3A_954 = arith.addf %add3A_951, %get3A_953 : vector<16xf32>
    %get3A_955 = arith.constant 2992 : index
    %get3A_956 = tpu.vector_load %arg7[%get3A_955] {strides = array<i32>} : memref<3328xf32, #tpu.memory_space<vmem>>, vector<16xf32>,
    %add3A_957 = arith.addf %add3A_954, %get3A_956 : vector<16xf32>
    %get3A_958 = arith.constant 3120 : index
    %get3A_959 = tpu.vector_load %arg7[%get3A_958] {strides = array<i32>} : memref<3328xf32, #tpu.memory_space<vmem>>, vector<16xf32>,
    %add3A_960 = arith.addf %add3A_957, %get3A_959 : vector<16xf32>
    %get3A_961 = arith.constant 3248 : index
    %get3A_962 = tpu.vector_load %arg7[%get3A_961] {strides = array<i32>} : memref<3328xf32, #tpu.memory_space<vmem>>, vector<16xf32>,
    %add3A_963 = arith.addf %add3A_960, %get3A_962 : vector<16xf32>
    %get3A_964 = arith.constant 48 : index
    %get3A_965 = tpu.vector_load %arg11[%get3A_964] {strides = array<i32>} : memref<128xf32, #tpu.memory_space<vmem>>, vector<16xf32>,
    %add3A_966 = arith.addf %get3A_965, %add3A_963 : vector<16xf32>
    %swap3A_967 = arith.constant 48 : index
    %swap3A_968 = tpu.vector_load %arg11[%swap3A_967] {strides = array<i32>} : memref<128xf32, #tpu.memory_space<vmem>>, vector<16xf32>,
    tpu.vector_store %arg11[%swap3A_967], %add3A_966 {strides = array<i32>} : memref<128xf32, #tpu.memory_space<vmem>>, vector<16xf32>,
    %get3A_969 = arith.constant 64 : index
    %get3A_970 = tpu.vector_load %arg7[%get3A_969] {strides = array<i32>} : memref<3328xf32, #tpu.memory_space<vmem>>, vector<16xf32>,
    %get3A_971 = arith.constant 192 : index
    %get3A_972 = tpu.vector_load %arg7[%get3A_971] {strides = array<i32>} : memref<3328xf32, #tpu.memory_space<vmem>>, vector<16xf32>,
    %add3A_973 = arith.addf %get3A_970, %get3A_972 : vector<16xf32>
    %get3A_974 = arith.constant 320 : index
    %get3A_975 = tpu.vector_load %arg7[%get3A_974] {strides = array<i32>} : memref<3328xf32, #tpu.memory_space<vmem>>, vector<16xf32>,
    %add3A_976 = arith.addf %add3A_973, %get3A_975 : vector<16xf32>
    %get3A_977 = arith.constant 448 : index
    %get3A_978 = tpu.vector_load %arg7[%get3A_977] {strides = array<i32>} : memref<3328xf32, #tpu.memory_space<vmem>>, vector<16xf32>,
    %add3A_979 = arith.addf %add3A_976, %get3A_978 : vector<16xf32>
    %get3A_980 = arith.constant 576 : index
    %get3A_981 = tpu.vector_load %arg7[%get3A_980] {strides = array<i32>} : memref<3328xf32, #tpu.memory_space<vmem>>, vector<16xf32>,
    %add3A_982 = arith.addf %add3A_979, %get3A_981 : vector<16xf32>
    %get3A_983 = arith.constant 704 : index
    %get3A_984 = tpu.vector_load %arg7[%get3A_983] {strides = array<i32>} : memref<3328xf32, #tpu.memory_space<vmem>>, vector<16xf32>,
    %add3A_985 = arith.addf %add3A_982, %get3A_984 : vector<16xf32>
    %get3A_986 = arith.constant 832 : index
    %get3A_987 = tpu.vector_load %arg7[%get3A_986] {strides = array<i32>} : memref<3328xf32, #tpu.memory_space<vmem>>, vector<16xf32>,
    %add3A_988 = arith.addf %add3A_985, %get3A_987 : vector<16xf32>
    %get3A_989 = arith.constant 960 : index
    %get3A_990 = tpu.vector_load %arg7[%get3A_989] {strides = array<i32>} : memref<3328xf32, #tpu.memory_space<vmem>>, vector<16xf32>,
    %add3A_991 = arith.addf %add3A_988, %get3A_990 : vector<16xf32>
    %get3A_992 = arith.constant 1088 : index
    %get3A_993 = tpu.vector_load %arg7[%get3A_992] {strides = array<i32>} : memref<3328xf32, #tpu.memory_space<vmem>>, vector<16xf32>,
    %add3A_994 = arith.addf %add3A_991, %get3A_993 : vector<16xf32>
    %get3A_995 = arith.constant 1216 : index
    %get3A_996 = tpu.vector_load %arg7[%get3A_995] {strides = array<i32>} : memref<3328xf32, #tpu.memory_space<vmem>>, vector<16xf32>,
    %add3A_997 = arith.addf %add3A_994, %get3A_996 : vector<16xf32>
    %get3A_998 = arith.constant 1344 : index
    %get3A_999 = tpu.vector_load %arg7[%get3A_998] {strides = array<i32>} : memref<3328xf32, #tpu.memory_space<vmem>>, vector<16xf32>,
    %add3A_1000 = arith.addf %add3A_997, %get3A_999 : vector<16xf32>
    %get3A_1001 = arith.constant 1472 : index
    %get3A_1002 = tpu.vector_load %arg7[%get3A_1001] {strides = array<i32>} : memref<3328xf32, #tpu.memory_space<vmem>>, vector<16xf32>,
    %add3A_1003 = arith.addf %add3A_1000, %get3A_1002 : vector<16xf32>
    %get3A_1004 = arith.constant 1600 : index
    %get3A_1005 = tpu.vector_load %arg7[%get3A_1004] {strides = array<i32>} : memref<3328xf32, #tpu.memory_space<vmem>>, vector<16xf32>,
    %add3A_1006 = arith.addf %add3A_1003, %get3A_1005 : vector<16xf32>
    %get3A_1007 = arith.constant 1728 : index
    %get3A_1008 = tpu.vector_load %arg7[%get3A_1007] {strides = array<i32>} : memref<3328xf32, #tpu.memory_space<vmem>>, vector<16xf32>,
    %add3A_1009 = arith.addf %add3A_1006, %get3A_1008 : vector<16xf32>
    %get3A_1010 = arith.constant 1856 : index
    %get3A_1011 = tpu.vector_load %arg7[%get3A_1010] {strides = array<i32>} : memref<3328xf32, #tpu.memory_space<vmem>>, vector<16xf32>,
    %add3A_1012 = arith.addf %add3A_1009, %get3A_1011 : vector<16xf32>
    %get3A_1013 = arith.constant 1984 : index
    %get3A_1014 = tpu.vector_load %arg7[%get3A_1013] {strides = array<i32>} : memref<3328xf32, #tpu.memory_space<vmem>>, vector<16xf32>,
    %add3A_1015 = arith.addf %add3A_1012, %get3A_1014 : vector<16xf32>
    %get3A_1016 = arith.constant 2112 : index
    %get3A_1017 = tpu.vector_load %arg7[%get3A_1016] {strides = array<i32>} : memref<3328xf32, #tpu.memory_space<vmem>>, vector<16xf32>,
    %add3A_1018 = arith.addf %add3A_1015, %get3A_1017 : vector<16xf32>
    %get3A_1019 = arith.constant 2240 : index
    %get3A_1020 = tpu.vector_load %arg7[%get3A_1019] {strides = array<i32>} : memref<3328xf32, #tpu.memory_space<vmem>>, vector<16xf32>,
    %add3A_1021 = arith.addf %add3A_1018, %get3A_1020 : vector<16xf32>
    %get3A_1022 = arith.constant 2368 : index
    %get3A_1023 = tpu.vector_load %arg7[%get3A_1022] {strides = array<i32>} : memref<3328xf32, #tpu.memory_space<vmem>>, vector<16xf32>,
    %add3A_1024 = arith.addf %add3A_1021, %get3A_1023 : vector<16xf32>
    %get3A_1025 = arith.constant 2496 : index
    %get3A_1026 = tpu.vector_load %arg7[%get3A_1025] {strides = array<i32>} : memref<3328xf32, #tpu.memory_space<vmem>>, vector<16xf32>,
    %add3A_1027 = arith.addf %add3A_1024, %get3A_1026 : vector<16xf32>
    %get3A_1028 = arith.constant 2624 : index
    %get3A_1029 = tpu.vector_load %arg7[%get3A_1028] {strides = array<i32>} : memref<3328xf32, #tpu.memory_space<vmem>>, vector<16xf32>,
    %add3A_1030 = arith.addf %add3A_1027, %get3A_1029 : vector<16xf32>
    %get3A_1031 = arith.constant 2752 : index
    %get3A_1032 = tpu.vector_load %arg7[%get3A_1031] {strides = array<i32>} : memref<3328xf32, #tpu.memory_space<vmem>>, vector<16xf32>,
    %add3A_1033 = arith.addf %add3A_1030, %get3A_1032 : vector<16xf32>
    %get3A_1034 = arith.constant 2880 : index
    %get3A_1035 = tpu.vector_load %arg7[%get3A_1034] {strides = array<i32>} : memref<3328xf32, #tpu.memory_space<vmem>>, vector<16xf32>,
    %add3A_1036 = arith.addf %add3A_1033, %get3A_1035 : vector<16xf32>
    %get3A_1037 = arith.constant 3008 : index
    %get3A_1038 = tpu.vector_load %arg7[%get3A_1037] {strides = array<i32>} : memref<3328xf32, #tpu.memory_space<vmem>>, vector<16xf32>,
    %add3A_1039 = arith.addf %add3A_1036, %get3A_1038 : vector<16xf32>
    %get3A_1040 = arith.constant 3136 : index
    %get3A_1041 = tpu.vector_load %arg7[%get3A_1040] {strides = array<i32>} : memref<3328xf32, #tpu.memory_space<vmem>>, vector<16xf32>,
    %add3A_1042 = arith.addf %add3A_1039, %get3A_1041 : vector<16xf32>
    %get3A_1043 = arith.constant 3264 : index
    %get3A_1044 = tpu.vector_load %arg7[%get3A_1043] {strides = array<i32>} : memref<3328xf32, #tpu.memory_space<vmem>>, vector<16xf32>,
    %add3A_1045 = arith.addf %add3A_1042, %get3A_1044 : vector<16xf32>
    %get3A_1046 = arith.constant 64 : index
    %get3A_1047 = tpu.vector_load %arg11[%get3A_1046] {strides = array<i32>} : memref<128xf32, #tpu.memory_space<vmem>>, vector<16xf32>,
    %add3A_1048 = arith.addf %get3A_1047, %add3A_1045 : vector<16xf32>
    %swap3A_1049 = arith.constant 64 : index
    %swap3A_1050 = tpu.vector_load %arg11[%swap3A_1049] {strides = array<i32>} : memref<128xf32, #tpu.memory_space<vmem>>, vector<16xf32>,
    tpu.vector_store %arg11[%swap3A_1049], %add3A_1048 {strides = array<i32>} : memref<128xf32, #tpu.memory_space<vmem>>, vector<16xf32>,
    %get3A_1051 = arith.constant 80 : index
    %get3A_1052 = tpu.vector_load %arg7[%get3A_1051] {strides = array<i32>} : memref<3328xf32, #tpu.memory_space<vmem>>, vector<16xf32>,
    %get3A_1053 = arith.constant 208 : index
    %get3A_1054 = tpu.vector_load %arg7[%get3A_1053] {strides = array<i32>} : memref<3328xf32, #tpu.memory_space<vmem>>, vector<16xf32>,
    %add3A_1055 = arith.addf %get3A_1052, %get3A_1054 : vector<16xf32>
    %get3A_1056 = arith.constant 336 : index
    %get3A_1057 = tpu.vector_load %arg7[%get3A_1056] {strides = array<i32>} : memref<3328xf32, #tpu.memory_space<vmem>>, vector<16xf32>,
    %add3A_1058 = arith.addf %add3A_1055, %get3A_1057 : vector<16xf32>
    %get3A_1059 = arith.constant 464 : index
    %get3A_1060 = tpu.vector_load %arg7[%get3A_1059] {strides = array<i32>} : memref<3328xf32, #tpu.memory_space<vmem>>, vector<16xf32>,
    %add3A_1061 = arith.addf %add3A_1058, %get3A_1060 : vector<16xf32>
    %get3A_1062 = arith.constant 592 : index
    %get3A_1063 = tpu.vector_load %arg7[%get3A_1062] {strides = array<i32>} : memref<3328xf32, #tpu.memory_space<vmem>>, vector<16xf32>,
    %add3A_1064 = arith.addf %add3A_1061, %get3A_1063 : vector<16xf32>
    %get3A_1065 = arith.constant 720 : index
    %get3A_1066 = tpu.vector_load %arg7[%get3A_1065] {strides = array<i32>} : memref<3328xf32, #tpu.memory_space<vmem>>, vector<16xf32>,
    %add3A_1067 = arith.addf %add3A_1064, %get3A_1066 : vector<16xf32>
    %get3A_1068 = arith.constant 848 : index
    %get3A_1069 = tpu.vector_load %arg7[%get3A_1068] {strides = array<i32>} : memref<3328xf32, #tpu.memory_space<vmem>>, vector<16xf32>,
    %add3A_1070 = arith.addf %add3A_1067, %get3A_1069 : vector<16xf32>
    %get3A_1071 = arith.constant 976 : index
    %get3A_1072 = tpu.vector_load %arg7[%get3A_1071] {strides = array<i32>} : memref<3328xf32, #tpu.memory_space<vmem>>, vector<16xf32>,
    %add3A_1073 = arith.addf %add3A_1070, %get3A_1072 : vector<16xf32>
    %get3A_1074 = arith.constant 1104 : index
    %get3A_1075 = tpu.vector_load %arg7[%get3A_1074] {strides = array<i32>} : memref<3328xf32, #tpu.memory_space<vmem>>, vector<16xf32>,
    %add3A_1076 = arith.addf %add3A_1073, %get3A_1075 : vector<16xf32>
    %get3A_1077 = arith.constant 1232 : index
    %get3A_1078 = tpu.vector_load %arg7[%get3A_1077] {strides = array<i32>} : memref<3328xf32, #tpu.memory_space<vmem>>, vector<16xf32>,
    %add3A_1079 = arith.addf %add3A_1076, %get3A_1078 : vector<16xf32>
    %get3A_1080 = arith.constant 1360 : index
    %get3A_1081 = tpu.vector_load %arg7[%get3A_1080] {strides = array<i32>} : memref<3328xf32, #tpu.memory_space<vmem>>, vector<16xf32>,
    %add3A_1082 = arith.addf %add3A_1079, %get3A_1081 : vector<16xf32>
    %get3A_1083 = arith.constant 1488 : index
    %get3A_1084 = tpu.vector_load %arg7[%get3A_1083] {strides = array<i32>} : memref<3328xf32, #tpu.memory_space<vmem>>, vector<16xf32>,
    %add3A_1085 = arith.addf %add3A_1082, %get3A_1084 : vector<16xf32>
    %get3A_1086 = arith.constant 1616 : index
    %get3A_1087 = tpu.vector_load %arg7[%get3A_1086] {strides = array<i32>} : memref<3328xf32, #tpu.memory_space<vmem>>, vector<16xf32>,
    %add3A_1088 = arith.addf %add3A_1085, %get3A_1087 : vector<16xf32>
    %get3A_1089 = arith.constant 1744 : index
    %get3A_1090 = tpu.vector_load %arg7[%get3A_1089] {strides = array<i32>} : memref<3328xf32, #tpu.memory_space<vmem>>, vector<16xf32>,
    %add3A_1091 = arith.addf %add3A_1088, %get3A_1090 : vector<16xf32>
    %get3A_1092 = arith.constant 1872 : index
    %get3A_1093 = tpu.vector_load %arg7[%get3A_1092] {strides = array<i32>} : memref<3328xf32, #tpu.memory_space<vmem>>, vector<16xf32>,
    %add3A_1094 = arith.addf %add3A_1091, %get3A_1093 : vector<16xf32>
    %get3A_1095 = arith.constant 2000 : index
    %get3A_1096 = tpu.vector_load %arg7[%get3A_1095] {strides = array<i32>} : memref<3328xf32, #tpu.memory_space<vmem>>, vector<16xf32>,
    %add3A_1097 = arith.addf %add3A_1094, %get3A_1096 : vector<16xf32>
    %get3A_1098 = arith.constant 2128 : index
    %get3A_1099 = tpu.vector_load %arg7[%get3A_1098] {strides = array<i32>} : memref<3328xf32, #tpu.memory_space<vmem>>, vector<16xf32>,
    %add3A_1100 = arith.addf %add3A_1097, %get3A_1099 : vector<16xf32>
    %get3A_1101 = arith.constant 2256 : index
    %get3A_1102 = tpu.vector_load %arg7[%get3A_1101] {strides = array<i32>} : memref<3328xf32, #tpu.memory_space<vmem>>, vector<16xf32>,
    %add3A_1103 = arith.addf %add3A_1100, %get3A_1102 : vector<16xf32>
    %get3A_1104 = arith.constant 2384 : index
    %get3A_1105 = tpu.vector_load %arg7[%get3A_1104] {strides = array<i32>} : memref<3328xf32, #tpu.memory_space<vmem>>, vector<16xf32>,
    %add3A_1106 = arith.addf %add3A_1103, %get3A_1105 : vector<16xf32>
    %get3A_1107 = arith.constant 2512 : index
    %get3A_1108 = tpu.vector_load %arg7[%get3A_1107] {strides = array<i32>} : memref<3328xf32, #tpu.memory_space<vmem>>, vector<16xf32>,
    %add3A_1109 = arith.addf %add3A_1106, %get3A_1108 : vector<16xf32>
    %get3A_1110 = arith.constant 2640 : index
    %get3A_1111 = tpu.vector_load %arg7[%get3A_1110] {strides = array<i32>} : memref<3328xf32, #tpu.memory_space<vmem>>, vector<16xf32>,
    %add3A_1112 = arith.addf %add3A_1109, %get3A_1111 : vector<16xf32>
    %get3A_1113 = arith.constant 2768 : index
    %get3A_1114 = tpu.vector_load %arg7[%get3A_1113] {strides = array<i32>} : memref<3328xf32, #tpu.memory_space<vmem>>, vector<16xf32>,
    %add3A_1115 = arith.addf %add3A_1112, %get3A_1114 : vector<16xf32>
    %get3A_1116 = arith.constant 2896 : index
    %get3A_1117 = tpu.vector_load %arg7[%get3A_1116] {strides = array<i32>} : memref<3328xf32, #tpu.memory_space<vmem>>, vector<16xf32>,
    %add3A_1118 = arith.addf %add3A_1115, %get3A_1117 : vector<16xf32>
    %get3A_1119 = arith.constant 3024 : index
    %get3A_1120 = tpu.vector_load %arg7[%get3A_1119] {strides = array<i32>} : memref<3328xf32, #tpu.memory_space<vmem>>, vector<16xf32>,
    %add3A_1121 = arith.addf %add3A_1118, %get3A_1120 : vector<16xf32>
    %get3A_1122 = arith.constant 3152 : index
    %get3A_1123 = tpu.vector_load %arg7[%get3A_1122] {strides = array<i32>} : memref<3328xf32, #tpu.memory_space<vmem>>, vector<16xf32>,
    %add3A_1124 = arith.addf %add3A_1121, %get3A_1123 : vector<16xf32>
    %get3A_1125 = arith.constant 3280 : index
    %get3A_1126 = tpu.vector_load %arg7[%get3A_1125] {strides = array<i32>} : memref<3328xf32, #tpu.memory_space<vmem>>, vector<16xf32>,
    %add3A_1127 = arith.addf %add3A_1124, %get3A_1126 : vector<16xf32>
    %get3A_1128 = arith.constant 80 : index
    %get3A_1129 = tpu.vector_load %arg11[%get3A_1128] {strides = array<i32>} : memref<128xf32, #tpu.memory_space<vmem>>, vector<16xf32>,
    %add3A_1130 = arith.addf %get3A_1129, %add3A_1127 : vector<16xf32>
    %swap3A_1131 = arith.constant 80 : index
    %swap3A_1132 = tpu.vector_load %arg11[%swap3A_1131] {strides = array<i32>} : memref<128xf32, #tpu.memory_space<vmem>>, vector<16xf32>,
    tpu.vector_store %arg11[%swap3A_1131], %add3A_1130 {strides = array<i32>} : memref<128xf32, #tpu.memory_space<vmem>>, vector<16xf32>,
    %get3A_1133 = arith.constant 96 : index
    %get3A_1134 = tpu.vector_load %arg7[%get3A_1133] {strides = array<i32>} : memref<3328xf32, #tpu.memory_space<vmem>>, vector<16xf32>,
    %get3A_1135 = arith.constant 224 : index
    %get3A_1136 = tpu.vector_load %arg7[%get3A_1135] {strides = array<i32>} : memref<3328xf32, #tpu.memory_space<vmem>>, vector<16xf32>,
    %add3A_1137 = arith.addf %get3A_1134, %get3A_1136 : vector<16xf32>
    %get3A_1138 = arith.constant 352 : index
    %get3A_1139 = tpu.vector_load %arg7[%get3A_1138] {strides = array<i32>} : memref<3328xf32, #tpu.memory_space<vmem>>, vector<16xf32>,
    %add3A_1140 = arith.addf %add3A_1137, %get3A_1139 : vector<16xf32>
    %get3A_1141 = arith.constant 480 : index
    %get3A_1142 = tpu.vector_load %arg7[%get3A_1141] {strides = array<i32>} : memref<3328xf32, #tpu.memory_space<vmem>>, vector<16xf32>,
    %add3A_1143 = arith.addf %add3A_1140, %get3A_1142 : vector<16xf32>
    %get3A_1144 = arith.constant 608 : index
    %get3A_1145 = tpu.vector_load %arg7[%get3A_1144] {strides = array<i32>} : memref<3328xf32, #tpu.memory_space<vmem>>, vector<16xf32>,
    %add3A_1146 = arith.addf %add3A_1143, %get3A_1145 : vector<16xf32>
    %get3A_1147 = arith.constant 736 : index
    %get3A_1148 = tpu.vector_load %arg7[%get3A_1147] {strides = array<i32>} : memref<3328xf32, #tpu.memory_space<vmem>>, vector<16xf32>,
    %add3A_1149 = arith.addf %add3A_1146, %get3A_1148 : vector<16xf32>
    %get3A_1150 = arith.constant 864 : index
    %get3A_1151 = tpu.vector_load %arg7[%get3A_1150] {strides = array<i32>} : memref<3328xf32, #tpu.memory_space<vmem>>, vector<16xf32>,
    %add3A_1152 = arith.addf %add3A_1149, %get3A_1151 : vector<16xf32>
    %get3A_1153 = arith.constant 992 : index
    %get3A_1154 = tpu.vector_load %arg7[%get3A_1153] {strides = array<i32>} : memref<3328xf32, #tpu.memory_space<vmem>>, vector<16xf32>,
    %add3A_1155 = arith.addf %add3A_1152, %get3A_1154 : vector<16xf32>
    %get3A_1156 = arith.constant 1120 : index
    %get3A_1157 = tpu.vector_load %arg7[%get3A_1156] {strides = array<i32>} : memref<3328xf32, #tpu.memory_space<vmem>>, vector<16xf32>,
    %add3A_1158 = arith.addf %add3A_1155, %get3A_1157 : vector<16xf32>
    %get3A_1159 = arith.constant 1248 : index
    %get3A_1160 = tpu.vector_load %arg7[%get3A_1159] {strides = array<i32>} : memref<3328xf32, #tpu.memory_space<vmem>>, vector<16xf32>,
    %add3A_1161 = arith.addf %add3A_1158, %get3A_1160 : vector<16xf32>
    %get3A_1162 = arith.constant 1376 : index
    %get3A_1163 = tpu.vector_load %arg7[%get3A_1162] {strides = array<i32>} : memref<3328xf32, #tpu.memory_space<vmem>>, vector<16xf32>,
    %add3A_1164 = arith.addf %add3A_1161, %get3A_1163 : vector<16xf32>
    %get3A_1165 = arith.constant 1504 : index
    %get3A_1166 = tpu.vector_load %arg7[%get3A_1165] {strides = array<i32>} : memref<3328xf32, #tpu.memory_space<vmem>>, vector<16xf32>,
    %add3A_1167 = arith.addf %add3A_1164, %get3A_1166 : vector<16xf32>
    %get3A_1168 = arith.constant 1632 : index
    %get3A_1169 = tpu.vector_load %arg7[%get3A_1168] {strides = array<i32>} : memref<3328xf32, #tpu.memory_space<vmem>>, vector<16xf32>,
    %add3A_1170 = arith.addf %add3A_1167, %get3A_1169 : vector<16xf32>
    %get3A_1171 = arith.constant 1760 : index
    %get3A_1172 = tpu.vector_load %arg7[%get3A_1171] {strides = array<i32>} : memref<3328xf32, #tpu.memory_space<vmem>>, vector<16xf32>,
    %add3A_1173 = arith.addf %add3A_1170, %get3A_1172 : vector<16xf32>
    %get3A_1174 = arith.constant 1888 : index
    %get3A_1175 = tpu.vector_load %arg7[%get3A_1174] {strides = array<i32>} : memref<3328xf32, #tpu.memory_space<vmem>>, vector<16xf32>,
    %add3A_1176 = arith.addf %add3A_1173, %get3A_1175 : vector<16xf32>
    %get3A_1177 = arith.constant 2016 : index
    %get3A_1178 = tpu.vector_load %arg7[%get3A_1177] {strides = array<i32>} : memref<3328xf32, #tpu.memory_space<vmem>>, vector<16xf32>,
    %add3A_1179 = arith.addf %add3A_1176, %get3A_1178 : vector<16xf32>
    %get3A_1180 = arith.constant 2144 : index
    %get3A_1181 = tpu.vector_load %arg7[%get3A_1180] {strides = array<i32>} : memref<3328xf32, #tpu.memory_space<vmem>>, vector<16xf32>,
    %add3A_1182 = arith.addf %add3A_1179, %get3A_1181 : vector<16xf32>
    %get3A_1183 = arith.constant 2272 : index
    %get3A_1184 = tpu.vector_load %arg7[%get3A_1183] {strides = array<i32>} : memref<3328xf32, #tpu.memory_space<vmem>>, vector<16xf32>,
    %add3A_1185 = arith.addf %add3A_1182, %get3A_1184 : vector<16xf32>
    %get3A_1186 = arith.constant 2400 : index
    %get3A_1187 = tpu.vector_load %arg7[%get3A_1186] {strides = array<i32>} : memref<3328xf32, #tpu.memory_space<vmem>>, vector<16xf32>,
    %add3A_1188 = arith.addf %add3A_1185, %get3A_1187 : vector<16xf32>
    %get3A_1189 = arith.constant 2528 : index
    %get3A_1190 = tpu.vector_load %arg7[%get3A_1189] {strides = array<i32>} : memref<3328xf32, #tpu.memory_space<vmem>>, vector<16xf32>,
    %add3A_1191 = arith.addf %add3A_1188, %get3A_1190 : vector<16xf32>
    %get3A_1192 = arith.constant 2656 : index
    %get3A_1193 = tpu.vector_load %arg7[%get3A_1192] {strides = array<i32>} : memref<3328xf32, #tpu.memory_space<vmem>>, vector<16xf32>,
    %add3A_1194 = arith.addf %add3A_1191, %get3A_1193 : vector<16xf32>
    %get3A_1195 = arith.constant 2784 : index
    %get3A_1196 = tpu.vector_load %arg7[%get3A_1195] {strides = array<i32>} : memref<3328xf32, #tpu.memory_space<vmem>>, vector<16xf32>,
    %add3A_1197 = arith.addf %add3A_1194, %get3A_1196 : vector<16xf32>
    %get3A_1198 = arith.constant 2912 : index
    %get3A_1199 = tpu.vector_load %arg7[%get3A_1198] {strides = array<i32>} : memref<3328xf32, #tpu.memory_space<vmem>>, vector<16xf32>,
    %add3A_1200 = arith.addf %add3A_1197, %get3A_1199 : vector<16xf32>
    %get3A_1201 = arith.constant 3040 : index
    %get3A_1202 = tpu.vector_load %arg7[%get3A_1201] {strides = array<i32>} : memref<3328xf32, #tpu.memory_space<vmem>>, vector<16xf32>,
    %add3A_1203 = arith.addf %add3A_1200, %get3A_1202 : vector<16xf32>
    %get3A_1204 = arith.constant 3168 : index
    %get3A_1205 = tpu.vector_load %arg7[%get3A_1204] {strides = array<i32>} : memref<3328xf32, #tpu.memory_space<vmem>>, vector<16xf32>,
    %add3A_1206 = arith.addf %add3A_1203, %get3A_1205 : vector<16xf32>
    %get3A_1207 = arith.constant 3296 : index
    %get3A_1208 = tpu.vector_load %arg7[%get3A_1207] {strides = array<i32>} : memref<3328xf32, #tpu.memory_space<vmem>>, vector<16xf32>,
    %add3A_1209 = arith.addf %add3A_1206, %get3A_1208 : vector<16xf32>
    %get3A_1210 = arith.constant 96 : index
    %get3A_1211 = tpu.vector_load %arg11[%get3A_1210] {strides = array<i32>} : memref<128xf32, #tpu.memory_space<vmem>>, vector<16xf32>,
    %add3A_1212 = arith.addf %get3A_1211, %add3A_1209 : vector<16xf32>
    %swap3A_1213 = arith.constant 96 : index
    %swap3A_1214 = tpu.vector_load %arg11[%swap3A_1213] {strides = array<i32>} : memref<128xf32, #tpu.memory_space<vmem>>, vector<16xf32>,
    tpu.vector_store %arg11[%swap3A_1213], %add3A_1212 {strides = array<i32>} : memref<128xf32, #tpu.memory_space<vmem>>, vector<16xf32>,
    %get3A_1215 = arith.constant 112 : index
    %get3A_1216 = tpu.vector_load %arg7[%get3A_1215] {strides = array<i32>} : memref<3328xf32, #tpu.memory_space<vmem>>, vector<16xf32>,
    %get3A_1217 = arith.constant 240 : index
    %get3A_1218 = tpu.vector_load %arg7[%get3A_1217] {strides = array<i32>} : memref<3328xf32, #tpu.memory_space<vmem>>, vector<16xf32>,
    %add3A_1219 = arith.addf %get3A_1216, %get3A_1218 : vector<16xf32>
    %get3A_1220 = arith.constant 368 : index
    %get3A_1221 = tpu.vector_load %arg7[%get3A_1220] {strides = array<i32>} : memref<3328xf32, #tpu.memory_space<vmem>>, vector<16xf32>,
    %add3A_1222 = arith.addf %add3A_1219, %get3A_1221 : vector<16xf32>
    %get3A_1223 = arith.constant 496 : index
    %get3A_1224 = tpu.vector_load %arg7[%get3A_1223] {strides = array<i32>} : memref<3328xf32, #tpu.memory_space<vmem>>, vector<16xf32>,
    %add3A_1225 = arith.addf %add3A_1222, %get3A_1224 : vector<16xf32>
    %get3A_1226 = arith.constant 624 : index
    %get3A_1227 = tpu.vector_load %arg7[%get3A_1226] {strides = array<i32>} : memref<3328xf32, #tpu.memory_space<vmem>>, vector<16xf32>,
    %add3A_1228 = arith.addf %add3A_1225, %get3A_1227 : vector<16xf32>
    %get3A_1229 = arith.constant 752 : index
    %get3A_1230 = tpu.vector_load %arg7[%get3A_1229] {strides = array<i32>} : memref<3328xf32, #tpu.memory_space<vmem>>, vector<16xf32>,
    %add3A_1231 = arith.addf %add3A_1228, %get3A_1230 : vector<16xf32>
    %get3A_1232 = arith.constant 880 : index
    %get3A_1233 = tpu.vector_load %arg7[%get3A_1232] {strides = array<i32>} : memref<3328xf32, #tpu.memory_space<vmem>>, vector<16xf32>,
    %add3A_1234 = arith.addf %add3A_1231, %get3A_1233 : vector<16xf32>
    %get3A_1235 = arith.constant 1008 : index
    %get3A_1236 = tpu.vector_load %arg7[%get3A_1235] {strides = array<i32>} : memref<3328xf32, #tpu.memory_space<vmem>>, vector<16xf32>,
    %add3A_1237 = arith.addf %add3A_1234, %get3A_1236 : vector<16xf32>
    %get3A_1238 = arith.constant 1136 : index
    %get3A_1239 = tpu.vector_load %arg7[%get3A_1238] {strides = array<i32>} : memref<3328xf32, #tpu.memory_space<vmem>>, vector<16xf32>,
    %add3A_1240 = arith.addf %add3A_1237, %get3A_1239 : vector<16xf32>
    %get3A_1241 = arith.constant 1264 : index
    %get3A_1242 = tpu.vector_load %arg7[%get3A_1241] {strides = array<i32>} : memref<3328xf32, #tpu.memory_space<vmem>>, vector<16xf32>,
    %add3A_1243 = arith.addf %add3A_1240, %get3A_1242 : vector<16xf32>
    %get3A_1244 = arith.constant 1392 : index
    %get3A_1245 = tpu.vector_load %arg7[%get3A_1244] {strides = array<i32>} : memref<3328xf32, #tpu.memory_space<vmem>>, vector<16xf32>,
    %add3A_1246 = arith.addf %add3A_1243, %get3A_1245 : vector<16xf32>
    %get3A_1247 = arith.constant 1520 : index
    %get3A_1248 = tpu.vector_load %arg7[%get3A_1247] {strides = array<i32>} : memref<3328xf32, #tpu.memory_space<vmem>>, vector<16xf32>,
    %add3A_1249 = arith.addf %add3A_1246, %get3A_1248 : vector<16xf32>
    %get3A_1250 = arith.constant 1648 : index
    %get3A_1251 = tpu.vector_load %arg7[%get3A_1250] {strides = array<i32>} : memref<3328xf32, #tpu.memory_space<vmem>>, vector<16xf32>,
    %add3A_1252 = arith.addf %add3A_1249, %get3A_1251 : vector<16xf32>
    %get3A_1253 = arith.constant 1776 : index
    %get3A_1254 = tpu.vector_load %arg7[%get3A_1253] {strides = array<i32>} : memref<3328xf32, #tpu.memory_space<vmem>>, vector<16xf32>,
    %add3A_1255 = arith.addf %add3A_1252, %get3A_1254 : vector<16xf32>
    %get3A_1256 = arith.constant 1904 : index
    %get3A_1257 = tpu.vector_load %arg7[%get3A_1256] {strides = array<i32>} : memref<3328xf32, #tpu.memory_space<vmem>>, vector<16xf32>,
    %add3A_1258 = arith.addf %add3A_1255, %get3A_1257 : vector<16xf32>
    %get3A_1259 = arith.constant 2032 : index
    %get3A_1260 = tpu.vector_load %arg7[%get3A_1259] {strides = array<i32>} : memref<3328xf32, #tpu.memory_space<vmem>>, vector<16xf32>,
    %add3A_1261 = arith.addf %add3A_1258, %get3A_1260 : vector<16xf32>
    %get3A_1262 = arith.constant 2160 : index
    %get3A_1263 = tpu.vector_load %arg7[%get3A_1262] {strides = array<i32>} : memref<3328xf32, #tpu.memory_space<vmem>>, vector<16xf32>,
    %add3A_1264 = arith.addf %add3A_1261, %get3A_1263 : vector<16xf32>
    %get3A_1265 = arith.constant 2288 : index
    %get3A_1266 = tpu.vector_load %arg7[%get3A_1265] {strides = array<i32>} : memref<3328xf32, #tpu.memory_space<vmem>>, vector<16xf32>,
    %add3A_1267 = arith.addf %add3A_1264, %get3A_1266 : vector<16xf32>
    %get3A_1268 = arith.constant 2416 : index
    %get3A_1269 = tpu.vector_load %arg7[%get3A_1268] {strides = array<i32>} : memref<3328xf32, #tpu.memory_space<vmem>>, vector<16xf32>,
    %add3A_1270 = arith.addf %add3A_1267, %get3A_1269 : vector<16xf32>
    %get3A_1271 = arith.constant 2544 : index
    %get3A_1272 = tpu.vector_load %arg7[%get3A_1271] {strides = array<i32>} : memref<3328xf32, #tpu.memory_space<vmem>>, vector<16xf32>,
    %add3A_1273 = arith.addf %add3A_1270, %get3A_1272 : vector<16xf32>
    %get3A_1274 = arith.constant 2672 : index
    %get3A_1275 = tpu.vector_load %arg7[%get3A_1274] {strides = array<i32>} : memref<3328xf32, #tpu.memory_space<vmem>>, vector<16xf32>,
    %add3A_1276 = arith.addf %add3A_1273, %get3A_1275 : vector<16xf32>
    %get3A_1277 = arith.constant 2800 : index
    %get3A_1278 = tpu.vector_load %arg7[%get3A_1277] {strides = array<i32>} : memref<3328xf32, #tpu.memory_space<vmem>>, vector<16xf32>,
    %add3A_1279 = arith.addf %add3A_1276, %get3A_1278 : vector<16xf32>
    %get3A_1280 = arith.constant 2928 : index
    %get3A_1281 = tpu.vector_load %arg7[%get3A_1280] {strides = array<i32>} : memref<3328xf32, #tpu.memory_space<vmem>>, vector<16xf32>,
    %add3A_1282 = arith.addf %add3A_1279, %get3A_1281 : vector<16xf32>
    %get3A_1283 = arith.constant 3056 : index
    %get3A_1284 = tpu.vector_load %arg7[%get3A_1283] {strides = array<i32>} : memref<3328xf32, #tpu.memory_space<vmem>>, vector<16xf32>,
    %add3A_1285 = arith.addf %add3A_1282, %get3A_1284 : vector<16xf32>
    %get3A_1286 = arith.constant 3184 : index
    %get3A_1287 = tpu.vector_load %arg7[%get3A_1286] {strides = array<i32>} : memref<3328xf32, #tpu.memory_space<vmem>>, vector<16xf32>,
    %add3A_1288 = arith.addf %add3A_1285, %get3A_1287 : vector<16xf32>
    %get3A_1289 = arith.constant 3312 : index
    %get3A_1290 = tpu.vector_load %arg7[%get3A_1289] {strides = array<i32>} : memref<3328xf32, #tpu.memory_space<vmem>>, vector<16xf32>,
    %add3A_1291 = arith.addf %add3A_1288, %get3A_1290 : vector<16xf32>
    %get3A_1292 = arith.constant 112 : index
    %get3A_1293 = tpu.vector_load %arg11[%get3A_1292] {strides = array<i32>} : memref<128xf32, #tpu.memory_space<vmem>>, vector<16xf32>,
    %add3A_1294 = arith.addf %get3A_1293, %add3A_1291 : vector<16xf32>
    %swap3A_1295 = arith.constant 112 : index
    %swap3A_1296 = tpu.vector_load %arg11[%swap3A_1295] {strides = array<i32>} : memref<128xf32, #tpu.memory_space<vmem>>, vector<16xf32>,
    tpu.vector_store %arg11[%swap3A_1295], %add3A_1294 {strides = array<i32>} : memref<128xf32, #tpu.memory_space<vmem>>, vector<16xf32>,
    "tpu.region"() ({
      %run_scoped3A = tpu.sem_alloc : memref<!tpu.dma_semaphore, #tpu.memory_space<semaphore_mem>>
      %dma_start3A_1297 = tpu.memref_slice %arg5[%mul3A_2] : memref<4096xf32, #tpu.memory_space<hbm>> -> memref<128xf32, #tpu.memory_space<hbm>>
      %dma_start3A_1298 = tpu.memref_slice %arg5[%mul3A_2] : memref<4096xf32, #tpu.memory_space<hbm>> -> memref<128xf32, #tpu.memory_space<hbm>>
      tpu.enqueue_dma source(%arg11 : memref<128xf32, #tpu.memory_space<vmem>>) target(%dma_start3A_1298 : memref<128xf32, #tpu.memory_space<hbm>>) target_semaphore(%run_scoped3A : memref<!tpu.dma_semaphore, #tpu.memory_space<semaphore_mem>>)
      %dma_wait3A_1299 = tpu.memref_slice %arg5[%mul3A_2] : memref<4096xf32, #tpu.memory_space<hbm>> -> memref<128xf32, #tpu.memory_space<hbm>>
      %dma_wait3A_1300 = tpu.memref_slice %arg5[%mul3A_2] : memref<4096xf32, #tpu.memory_space<hbm>> -> memref<128xf32, #tpu.memory_space<hbm>>
      tpu.wait_dma2 semaphore(%run_scoped3A : memref<!tpu.dma_semaphore, #tpu.memory_space<semaphore_mem>>) src(%arg11 : memref<128xf32, #tpu.memory_space<vmem>>) dst(%dma_wait3A_1300 : memref<128xf32, #tpu.memory_space<hbm>>)
      tpu.yield
    }) : () -> ()
    return
  }
}

</mosaic_0001>

<sc_bundles>
// kernel: kernel.3.cloned.1.call-start
scs
__scs_entry_jumppad:
0x0: {  	(pc) =	sbr.rel $0x88, $3  }
0x1: {  	(tag) =	ssettag $0x0;
	lr =	simm.s32 $0x1  }
0x2: {  	[smem:$0x3F9E] =	sst lr;
	_ =	strace $0xD0000000  }
0x3: {  	_ = 	snop  }
0x4: {  	_ = 	snop  }
0x5: {  	_ = 	snop  }
0x6: {  	_ = 	snop  }
0x7: {  	_ = 	snop  }
__scs_overlays_trampoline_lowered:
0x8: {  	[smem:$0x3FAD] =	sst s0  }
0x9: {  	[smem:$0x3FAE] =	sst s1  }
0xa: {  	[smem:$0x3FAF] =	sst s2  }
0xb: {  	[smem:$0x3FB0] =	sst s3  }
0xc: {  	[smem:$0x3FB1] =	sst s4  }
0xd: {  	[smem:$0x3FB2] =	sst s5  }
0xe: {  	[smem:$0x3FB3] =	sst s6  }
0xf: {  	[smem:$0x3FB4] =	sst s7  }
0x10: {  	[smem:$0x3FB5] =	sst s8  }
0x11: {  	[smem:$0x3FB6] =	sst s9;
	s0 =	simm.s32 @!p0 $0x0  }
0x12: {  	s1 =	sld [smem:$0x3F9C];
	s0 =	simm.s32 @p0 $0x1  }
0x13: {  	[smem:$0x3FB7] =	sst s0;
	s0 =	simm.s32 @!p1 $0x0  }
0x14: {  	s2 =	sld [smem:$0x3F9B];
	s0 =	simm.s32 @p1 $0x1  }
0x15: {  	[smem:$0x3FB8] =	sst s0;
	s0 =	simm.s32 @!p2 $0x0  }
0x16: {  	s3 =	sld [smem:$0x3FDB];
	s0 =	simm.s32 @p2 $0x1  }
0x17: {  	s4 =	simm.s32 $0x1BF5;
	[smem:$0x3FBA] =	sst s0  }
0x18: {  	s0 =	sld [smem:$0x3F9D];
	_ =	swait.ge [sflag:s4], $0x0  }
0x19: {  	s7 =	sld [smem:$0x3F9E]  }
0x1a: {  	s8 =	sadd.s32 $0xFFFFE003, lr  }
0x1b: {  	s9 =	sadd.s32 $0xFFFFFEF7, lr;
	s5 =	simm.s32 $0xFFFFFFFF;
	p2 =	slt.u32 s8, $0xFFFFF086  }
0x1c: {  	p1 =	slt.u32 s9, $0xF7A;
	s5 =	simm.s32 @!p2 $0x0  }
0x1d: {  	s5 =	simm.s32 @p1 $0x1;
	p0 =	seq.s32 s7, s2  }
0x1e: {  	s7 =	smul.u32 @!p0 $0xF7A, s2;
	p2 =	seq.s32 @!p0 s5, $0x0  }
0x1f: {  	s9 =	smul.u32 $0xF7A, s1;
	s8 =	simm.s32 @!p0 $0x1BF5;
	p2 =	por !p2, p0  }
0x20: {  	[sflag:s8] =	ssyncset.s32 @!p0 $0xFFFFF086;
	s6 =	sadd.s32 @!p0 s3, s7;
	s7 =	simm.s32 @!p0 $0x108  }
0x21: {  	s3 =	sadd.s32 s3, s9;
	s6 =	sadd.s32 @!p0 $0x88, s6;
	s7 =	simm.s32 @p2 $0x1082  }
0x22: {  	[simem:s7], [sflag:s8] =	dma.local @!p0 [hbm:s6], $0xF7A  }
0x23: {  	s9 =	sor.u32 $0xD0000000, s2;
	s6 =	simm.s32 $0x108;
	_ =	swait.ge @!p0 [sflag:s8], $0x0  }
0x24: {  	s3 =	sadd.s32 $0x88, s3;
	s6 =	simm.s32 @!p1 $0x1082;
	[sflag:s4] =	ssyncset.s32 $0xFFFFF086  }
0x25: {  	[simem:s6], [sflag:s4] =	dma.local [hbm:s3], $0xF7A  }
0x26: {  	[smem:$0x3F9E] =	sst s1;
	(tag) =	ssettag s2;
	_ =	strace s9  }
0x27: {  	s1 =	sld [smem:$0x3FAE]  }
0x28: {  	s2 =	sld [smem:$0x3FAF]  }
0x29: {  	s4 =	sld [smem:$0x3FB1]  }
0x2a: {  	p0 =	seq.s32 s5, $0x0;
	s5 =	sld [smem:$0x3FB2]  }
0x2b: {  	s6 =	sld [smem:$0x3FB3]  }
0x2c: {  	s7 =	sld [smem:$0x3FB4]  }
0x2d: {  	s3 =	simm.s32 $0x108;
	s8 =	sld [smem:$0x3FB5]  }
0x2e: {  	s3 =	simm.s32 @!p0 $0x1082;
	s9 =	sld [smem:$0x3FB6]  }
0x2f: {  	lr =	sadd.s32 s0, s3;
	s0 =	sld [smem:$0x3FAD]  }
0x30: {  	s3 =	sld [smem:$0x3FB0]  }
0x31: {  	[smem:$0x3FB9] =	sst s10  }
0x32: {  	s10 =	sld [smem:$0x3FB7];
	_ =	sdelay $0x3  }
0x33: {  	p0 =	seq.s32 s10, $0x1;
	s10 =	sld [smem:$0x3FB9];
	_ =	sdelay $0x3  }
0x34: {  	[smem:$0x3FB9] =	sst s10  }
0x35: {  	s10 =	sld [smem:$0x3FB8];
	_ =	sdelay $0x3  }
0x36: {  	p1 =	seq.s32 s10, $0x1;
	s10 =	sld [smem:$0x3FB9];
	_ =	sdelay $0x3  }
0x37: {  	[smem:$0x3FB9] =	sst s10  }
0x38: {  	s10 =	sld [smem:$0x3FBA]  }
0x39: {  	_ = 	snop;
	(pc) =	sbr.ind lr, $3  }
0x3a: {  	_ = 	snop  }
0x3b: {  	_ = 	snop  }
0x3c: {  	p2 =	seq.s32 s10, $0x1;
	s10 =	sld [smem:$0x3FB9]  }
0x3d: {  	_ =	shalt  }
0x3e: {  	_ =	shalt  }
0x3f: {  	_ =	shalt  }
0x40: {  	_ =	shalt  }
0x41: {  	_ =	shalt  }
0x42: {  	_ =	shalt  }
0x43: {  	_ =	shalt  }
0x44: {  	_ =	shalt  }
0x45: {  	_ =	shalt  }
0x46: {  	_ =	shalt  }
0x47: {  	_ =	shalt  }
0x48: {  	_ =	shalt  }
0x49: {  	_ =	shalt  }
0x4a: {  	_ =	shalt  }
0x4b: {  	_ =	shalt  }
0x4c: {  	_ =	shalt  }
0x4d: {  	_ =	shalt  }
0x4e: {  	_ =	shalt  }
0x4f: {  	_ =	shalt  }
0x50: {  	_ =	shalt  }
0x51: {  	_ =	shalt  }
0x52: {  	_ =	shalt  }
0x53: {  	_ =	shalt  }
0x54: {  	_ =	shalt  }
0x55: {  	_ =	shalt  }
0x56: {  	_ =	shalt  }
0x57: {  	_ =	shalt  }
0x58: {  	_ =	shalt  }
0x59: {  	_ =	shalt  }
0x5a: {  	_ =	shalt  }
0x5b: {  	_ =	shalt  }
0x5c: {  	_ =	shalt  }
0x5d: {  	_ =	shalt  }
0x5e: {  	_ =	shalt  }
0x5f: {  	_ =	shalt  }
0x60: {  	_ =	shalt  }
0x61: {  	_ =	shalt  }
0x62: {  	_ =	shalt  }
0x63: {  	_ =	shalt  }
0x64: {  	_ =	shalt  }
0x65: {  	_ =	shalt  }
0x66: {  	_ =	shalt  }
0x67: {  	_ =	shalt  }
0x68: {  	_ =	shalt  }
0x69: {  	_ =	shalt  }
0x6a: {  	_ =	shalt  }
0x6b: {  	_ =	shalt  }
0x6c: {  	_ =	shalt  }
0x6d: {  	_ =	shalt  }
0x6e: {  	_ =	shalt  }
0x6f: {  	_ =	shalt  }
0x70: {  	_ =	shalt  }
0x71: {  	_ =	shalt  }
0x72: {  	_ =	shalt  }
0x73: {  	_ =	shalt  }
0x74: {  	_ =	shalt  }
0x75: {  	_ =	shalt  }
0x76: {  	_ =	shalt  }
0x77: {  	_ =	shalt  }
0x78: {  	_ =	shalt  }
0x79: {  	_ =	shalt  }
0x7a: {  	_ =	shalt  }
0x7b: {  	_ =	shalt  }
0x7c: {  	_ =	shalt  }
0x7d: {  	_ =	shalt  }
0x7e: {  	_ =	shalt  }
0x7f: {  	_ =	shalt  }
0x80: {  	_ =	shalt  }
0x81: {  	_ =	shalt  }
0x82: {  	_ =	shalt  }
0x83: {  	_ =	shalt  }
0x84: {  	_ =	shalt  }
0x85: {  	_ =	shalt  }
0x86: {  	_ =	shalt  }
0x87: {  	_ =	shalt  }
.Lfunc_end0:
.L_simem_size_0:
called_computation_lowered:
.L_overlay_start_0:
0x88: {  	s2 =	sld [smem:$0x3FD9]  }
0x89: {  	s3 =	sld [smem:$0x3FFE];
	_ =	sdelay $0x1  }
0x8a: {  	s1 =	srdreg.scid  }
0x8b: {  	s0 =	sand.u32 $0x1, s1  }
0x8c: {  	s17 =	sshll.u32 s0, $0xA;
	s2 =	sadd.s32 s3, s2  }
0x8d: {  	s2 =	sadd.s32 s2, s17  }
0x8e: {  	[smem:$0x3FC5] =	sst s2  }
0x8f: {  	_ = 	snop  }
0x90: {  	s2 =	sld [smem:$0x3FC9]  }
0x91: {  	s18 =	sld [smem:$0x3FC8]  }
0x92: {  	s4 =	sld [smem:$0x3FD0];
	(tm) =	ssettm $0x1  }
0x93: {  	s5 =	sld [smem:$0x3FFB];
	_ =	sdelay $0x3  }
0x94: {  	_ =	strace s5  }
0x95: {  	s5 =	sld [smem:$0x3FFC];
	_ =	sdelay $0x3  }
0x96: {  	_ =	strace s5  }
0x97: {  	s5 =	sld [smem:$0x3FFD];
	_ =	sdelay $0x3  }
0x98: {  	_ =	strace s5  }
0x99: {  	_ =	strace $0x8FFFFFFF  }
0x9a: {  	s19 =	sld [smem:$0x3FDB];
	_ =	sdelay $0x1  }
0x9b: {  	s6 =	simm.s32 $_scs_section_size  }
0x9c: {  	s7 =	simm.s32 $_size__tile_overlayer_lowered;
	s8 =	simm.s32 $_tile_overlayer_lowered  }
0x9d: {  	s22 =	simm.s32 $0x1BFF;
	s21 =	sshll.u32 s8, $0x1;
	s5 =	sadd.s32 s6, s19  }
0x9e: {  	s9 =	simm.s32 $0x0;
	s20 =	sshll.u32 s7, $0x1;
	s7 =	sadd.s32 s21, s5  }
0x9f: {  	[timem:s9], [sflag:s22] =	dma.local [hbm:s7], s20  }
0xa0: {  	_ =	swait.ge [sflag:s22], s20  }
0xa1: {  	s6 =	ssub.s32 $0x0, s20;
	[sflag:s22] =	ssyncset.done $0x0  }
0xa2: {  	[sflag:s22] =	ssyncadd.s32 s6;
	_ =	sdelay $0x1  }
0xa3: {  	s23 =	simm.s32 $0x1B8B  }
0xa4: {  	_ =	swait.ge [sflag:s23], $0x1  }
0xa5: {  	[sflag:s23] =	ssyncset.done $0x0  }
0xa6: {  	s25 =	simm.s32 $0x1B8E;
	s24 =	sld [smem:$0x3FFE];
	[sflag:s23] =	ssyncadd.s32 $0xFFFFFFFF  }
0xa7: {  	s26 =	simm.s32 $execute0_lowered;
	[smem:$0x3FD2] =	sst s25  }
0xa8: {  	s7 =	sshll.u32 s26, $0x1;
	_ =	strace $0x80000046;
	[dreg:$0x1] =	wrdreg $0xFFFFFFFF  }
0xa9: {  	s28 =	simm.s32 $_size_execute0_lowered;
	s5 =	sadd.s32 s5, s7;
	[dreg:$0x0] =	wrdreg $0x0  }
0xaa: {  	s7 =	sshll.u32 s28, $0x1;
	[dreg:$0x2] =	wrdreg s5  }
0xab: {  	[dreg:$0x3] =	wrdreg s7  }
0xac: {  	[dreg:$0x4] =	wrdreg $0xC0  }
0xad: {  	_ =	task [dreg:s9], $0x5FFFF  }
0xae: {  	[dreg:$0x1] =	wrdreg $0xFFFFFFFF  }
0xaf: {  	[dreg:$0x0] =	wrdreg $0x60  }
0xb0: {  	[dreg:$0x2] =	wrdreg s2  }
0xb1: {  	[dreg:$0x3] =	wrdreg s18  }
0xb2: {  	[dreg:$0x4] =	wrdreg s24  }
0xb3: {  	[dreg:$0x5] =	wrdreg s4  }
0xb4: {  	[dreg:$0x6] =	wrdreg $0x9  }
0xb5: {  	_ =	task.clear_ibuf [dreg:s9], $0x7FFFF;
	_ =	strace $0x90000046  }
0xb6: {  	s29 =	simm.s32 $0x9;
	_ =	strace $0x80000048  }
0xb7: {  	_ =	swait.ge [sflag:s29], $0x1  }
0xb8: {  	[sflag:s29] =	ssyncadd.s32 $0xFFFFFFFF  }
0xb9: {  	_ =	strace $0x90000048  }
0xba: {  	_ =	sfence  }
0xbb: {  	s30 =	sld [smem:$0x0];
	_ =	sdelay $0x2  }
0xbc: {  	s31 =	sshll.u32 s1, $0xD;
	s1 =	sshrl.u32 s1, $0x2  }
0xbd: {  	s3 =	sand.u32 $0x4000, s31;
	s1 =	sadd.s32 s1, s30  }
0xbe: {  	s0 =	sor.u32 s3, s0;
	s1 =	sshll.u32 s1, $0x11  }
0xbf: {  	s0 =	sor.u32 s1, s0  }
0xc0: {  	s0 =	sadd.s32 $0x8F2B, s0  }
0xc1: {  	[sflag:s0] =	ssyncadd.remote.s32 $0x1  }
0xc2: {  	_ =	sfence.sel $0xFFFF  }
0xc3: {  	[dreg:$0x0] =	wrdreg $0xFFFFFFFF;
	(pc) =	sbr.abs _section_cstart, $3  }
0xc4: {  	[dreg:$0x1] =	wrdreg $0xFFFFFFFF  }
0xc5: {  	_ =	task.clear_ibuf [dreg:s9], $0x2FFFF;
	_ =	strace $0x9FFFFFFF  }
0xc6: {  	(tm) =	ssettm $0x7FFFFFFF  }
0xc7: {  	_ =	shalt  }
tec
execute0_lowered:
.L_overlay_start_1:
0x0: {  	(tag) =	ssettag $0x1  }
0x1: {  	s0 =	rddreg [dreg:$0x0]  }
0x2: {  	s1 =	rddreg [dreg:$0x1]  }
0x3: {  	s3 =	rddreg [dreg:$0x2]  }
0x4: {  	s8 =	rddreg [dreg:$0x3];
	s4 =	srdreg.scid  }
0x5: {  	s5 =	stileid.u32;
	s2 =	simm.s32 $0x0;
	s11 =	simm.s32 $0x8000  }
0x6: {  	s14 =	simm.s32 $0xC00;
	s15 =	simm.s32 $0x4;
	s16 =	simm.s32 $0x80  }
0x7: {  	s22 =	simm.s32 $0xB00;
	s23 =	simm.s32 $0x1B00;
	s24 =	simm.s32 $0xB80  }
0x8: {  	s28 =	simm.s32 $0xC80;
	s29 =	simm.s32 $0x1C80;
	s30 =	simm.s32 $0x2  }
0x9: {  	s31 =	simm.s32 $0x3;
	s12 =	simm.s32 $0x0;
	s4 =	sand.u32 $0x1, s4  }
0xa: {  	s5 =	sshll.u32 s5, $0x1;
	[smem:$0x7FF] =	sst s2;
	s3 =	sadd.s32 $0x400, s3  }
0xb: {  	s6 =	ssub.s32 $0x2, s4;
	s7 =	sor.u32 s4, s5;
	_ =	strace $0x80000047  }
0xc: {  	s25 =	sshrl.u32 s6, $0x1;
	s9 =	sshll.u32 s7, $0x7;
	s26 =	sshll.u32 s7, $0x4  }
0xd: {  	s10 =	ssub.s32 s6, s25;
	s4 =	sadd.s32 s1, s9;
	s6 =	sadd.s32 s0, s9  }
0xe: {  	s8 =	sadd.s32 s8, s26;
	s25 =	simm.s32 $0x1B80;
	s26 =	simm.s32 $0x1C00  }
0xf: {  	s0 =	simm.s32 $0x1;
	s1 =	simm.s32 $0x16D00;
	s5 =	sadd.s32 $0x1A000, s4  }
0x10: {  	s7 =	sadd.s32 $0x3000, s6;
	s9 =	smax.u32 s10, $0x1;
	s10 =	simm.s32 $0x400  }
.LBB2_1:
0x11: {  	s13 =	simm.s32 $0x1D00  }
0x12: {  	[tilespmem:s13], [sflag:$0x2] =	stream.strided.gather [hbm4b:s4+s10], $0x6800, s11, s10, $0x38;
	[tilespmem:$0x16D80] =	vst v63  }
0x13: {  	s18 =	simm.s32 $0x8500  }
0x14: {  	[tilespmem:s18], [sflag:$0x3] =	stream.strided.gather [hbm4b:s5+s10], $0x6800, s11, s10, $0x38;
	[tilespmem:$0x16D80] =	vst v63  }
0x15: {  	_ = 	snop  }
0x16: {  	[tilespmem:s2], [sflag:$0x4] =	stream.strided.gather [hbm4b:s6+s10], $0xC00, s11, s10, $0x38;
	[tilespmem:$0x16D80] =	vst v63  }
0x17: {  	_ = 	snop  }
0x18: {  	[tilespmem:s14], [sflag:$0x4] =	stream.linear.gather [hbm4b:s7+s2], $0x100, $0x38;
	[tilespmem:$0x16D80] =	vst v63  }
0x19: {  	_ =	swait.ge [sflag:s15], $0xD00  }
0x1a: {  	[sflag:s15] =	ssyncset.done $0x0  }
0x1b: {  	s19 =	simm.s32 $0x1000;
	[sflag:s15] =	ssyncadd.s32 $0xFFFFF300  }
0x1c: {  	[tilespmem:s19], [sflag:$0x1] =	stream.indirect.gather [hbm4b:s3+s16], $0x1, s2, s16, $0xb8;
	[tilespmem:$0x16D80] =	vst v63  }
0x1d: {  	s20 =	simm.s32 $0x1080  }
0x1e: {  	[tilespmem:s20], [sflag:$0x1] =	stream.indirect.gather [hbm4b:s3+s16], $0x1, s16, s16, $0xb8;
	[tilespmem:$0x16D80] =	vst v63  }
0x1f: {  	s21 =	simm.s32 $0x100;
	s17 =	simm.s32 $0x1100  }
0x20: {  	[tilespmem:s17], [sflag:$0x1] =	stream.indirect.gather [hbm4b:s3+s16], $0x1, s21, s16, $0xb8;
	[tilespmem:$0x16D80] =	vst v63  }
0x21: {  	s18 =	simm.s32 $0x180;
	s19 =	simm.s32 $0x1180  }
0x22: {  	[tilespmem:s19], [sflag:$0x1] =	stream.indirect.gather [hbm4b:s3+s16], $0x1, s18, s16, $0xb8;
	[tilespmem:$0x16D80] =	vst v63  }
0x23: {  	s20 =	simm.s32 $0x200;
	s21 =	simm.s32 $0x1200  }
0x24: {  	[tilespmem:s21], [sflag:$0x1] =	stream.indirect.gather [hbm4b:s3+s16], $0x1, s20, s16, $0xb8;
	[tilespmem:$0x16D80] =	vst v63  }
0x25: {  	s18 =	simm.s32 $0x280;
	s19 =	simm.s32 $0x1280  }
0x26: {  	[tilespmem:s19], [sflag:$0x1] =	stream.indirect.gather [hbm4b:s3+s16], $0x1, s18, s16, $0xb8;
	[tilespmem:$0x16D80] =	vst v63  }
0x27: {  	s20 =	simm.s32 $0x300;
	s21 =	simm.s32 $0x1300  }
0x28: {  	[tilespmem:s21], [sflag:$0x1] =	stream.indirect.gather [hbm4b:s3+s16], $0x1, s20, s16, $0xb8;
	[tilespmem:$0x16D80] =	vst v63  }
0x29: {  	s17 =	simm.s32 $0x380;
	s18 =	simm.s32 $0x1380  }
0x2a: {  	[tilespmem:s18], [sflag:$0x1] =	stream.indirect.gather [hbm4b:s3+s16], $0x1, s17, s16, $0xb8;
	[tilespmem:$0x16D80] =	vst v63  }
0x2b: {  	s19 =	simm.s32 $0x1400  }
0x2c: {  	[tilespmem:s19], [sflag:$0x1] =	stream.indirect.gather [hbm4b:s3+s16], $0x1, s10, s16, $0xb8;
	[tilespmem:$0x16D80] =	vst v63  }
0x2d: {  	s20 =	simm.s32 $0x480;
	s21 =	simm.s32 $0x1480  }
0x2e: {  	[tilespmem:s21], [sflag:$0x1] =	stream.indirect.gather [hbm4b:s3+s16], $0x1, s20, s16, $0xb8;
	[tilespmem:$0x16D80] =	vst v63  }
0x2f: {  	s18 =	simm.s32 $0x500;
	s19 =	simm.s32 $0x1500  }
0x30: {  	[tilespmem:s19], [sflag:$0x1] =	stream.indirect.gather [hbm4b:s3+s16], $0x1, s18, s16, $0xb8;
	[tilespmem:$0x16D80] =	vst v63  }
0x31: {  	s20 =	simm.s32 $0x580;
	s21 =	simm.s32 $0x1580  }
0x32: {  	[tilespmem:s21], [sflag:$0x1] =	stream.indirect.gather [hbm4b:s3+s16], $0x1, s20, s16, $0xb8;
	[tilespmem:$0x16D80] =	vst v63  }
0x33: {  	s18 =	simm.s32 $0x600;
	s19 =	simm.s32 $0x1600  }
0x34: {  	[tilespmem:s19], [sflag:$0x1] =	stream.indirect.gather [hbm4b:s3+s16], $0x1, s18, s16, $0xb8;
	[tilespmem:$0x16D80] =	vst v63  }
0x35: {  	s20 =	simm.s32 $0x680;
	s21 =	simm.s32 $0x1680  }
0x36: {  	[tilespmem:s21], [sflag:$0x1] =	stream.indirect.gather [hbm4b:s3+s16], $0x1, s20, s16, $0xb8;
	[tilespmem:$0x16D80] =	vst v63  }
0x37: {  	s18 =	simm.s32 $0x700;
	s19 =	simm.s32 $0x1700  }
0x38: {  	[tilespmem:s19], [sflag:$0x1] =	stream.indirect.gather [hbm4b:s3+s16], $0x1, s18, s16, $0xb8;
	[tilespmem:$0x16D80] =	vst v63  }
0x39: {  	s20 =	simm.s32 $0x780;
	s21 =	simm.s32 $0x1780  }
0x3a: {  	[tilespmem:s21], [sflag:$0x1] =	stream.indirect.gather [hbm4b:s3+s16], $0x1, s20, s16, $0xb8;
	[tilespmem:$0x16D80] =	vst v63  }
0x3b: {  	s18 =	simm.s32 $0x800;
	s19 =	simm.s32 $0x1800  }
0x3c: {  	[tilespmem:s19], [sflag:$0x1] =	stream.indirect.gather [hbm4b:s3+s16], $0x1, s18, s16, $0xb8;
	[tilespmem:$0x16D80] =	vst v63  }
0x3d: {  	s20 =	simm.s32 $0x880;
	s21 =	simm.s32 $0x1880  }
0x3e: {  	[tilespmem:s21], [sflag:$0x1] =	stream.indirect.gather [hbm4b:s3+s16], $0x1, s20, s16, $0xb8;
	[tilespmem:$0x16D80] =	vst v63  }
0x3f: {  	s18 =	simm.s32 $0x900;
	s19 =	simm.s32 $0x1900  }
0x40: {  	[tilespmem:s19], [sflag:$0x1] =	stream.indirect.gather [hbm4b:s3+s16], $0x1, s18, s16, $0xb8;
	[tilespmem:$0x16D80] =	vst v63  }
0x41: {  	s20 =	simm.s32 $0x980;
	s21 =	simm.s32 $0x1980  }
0x42: {  	[tilespmem:s21], [sflag:$0x1] =	stream.indirect.gather [hbm4b:s3+s16], $0x1, s20, s16, $0xb8;
	[tilespmem:$0x16D80] =	vst v63  }
0x43: {  	s18 =	simm.s32 $0xA00;
	s19 =	simm.s32 $0x1A00  }
0x44: {  	[tilespmem:s19], [sflag:$0x1] =	stream.indirect.gather [hbm4b:s3+s16], $0x1, s18, s16, $0xb8;
	[tilespmem:$0x16D80] =	vst v63  }
0x45: {  	s20 =	simm.s32 $0xA80;
	s21 =	simm.s32 $0x1A80  }
0x46: {  	[tilespmem:s21], [sflag:$0x1] =	stream.indirect.gather [hbm4b:s3+s16], $0x1, s20, s16, $0xb8;
	[tilespmem:$0x16D80] =	vst v63  }
0x47: {  	_ = 	snop  }
0x48: {  	[tilespmem:s23], [sflag:$0x1] =	stream.indirect.gather [hbm4b:s3+s16], $0x1, s22, s16, $0xb8;
	[tilespmem:$0x16D80] =	vst v63  }
0x49: {  	_ = 	snop  }
0x4a: {  	[tilespmem:s25], [sflag:$0x1] =	stream.indirect.gather [hbm4b:s3+s16], $0x1, s24, s16, $0xb8;
	[tilespmem:$0x16D80] =	vst v63  }
0x4b: {  	_ = 	snop  }
0x4c: {  	[tilespmem:s26], [sflag:$0x1] =	stream.indirect.gather [hbm4b:s3+s16], $0x1, s14, s16, $0xb8;
	[tilespmem:$0x16D80] =	vst v63  }
0x4d: {  	_ = 	snop  }
0x4e: {  	[tilespmem:s29], [sflag:$0x1] =	stream.indirect.gather [hbm4b:s3+s16], $0x1, s28, s16, $0xb8;
	[tilespmem:$0x16D80] =	vst v63  }
0x4f: {  	_ =	swait.ge [sflag:s30], $0x6800  }
0x50: {  	[sflag:s30] =	ssyncset.done $0x0  }
0x51: {  	s17 =	simm.s32 $0x0;
	[sflag:s30] =	ssyncadd.s32 $0xFFFF9800  }
0x52: {  	v0 =	vld [tilespmem:s17+$0x1D00]  }
0x53: {  	v1 =	vld [tilespmem:s17+$0x2500];
	_ =	sdelay $0x1  }
0x54: {  	v2 =	vld [tilespmem:s17+$0x2D00];
	_ =	sdelay $0x1  }
0x55: {  	v3 =	vld [tilespmem:s17+$0x3500]  }
0x56: {  	v4 =	vmul.f32 v0, v0;
	v0 =	vadd.f32 v1, v0;
	v1 =	vmul.f32 v1, v1  }
0x57: {  	v5 =	vld [tilespmem:s17+$0x3D00]  }
0x58: {  	v1 =	vadd.f32 v1, v4;
	v0 =	vadd.f32 v2, v0;
	v2 =	vmul.f32 v2, v2  }
0x59: {  	v4 =	vld [tilespmem:s17+$0x4500]  }
0x5a: {  	v1 =	vadd.f32 v2, v1;
	v0 =	vadd.f32 v3, v0;
	v2 =	vmul.f32 v3, v3  }
0x5b: {  	s13 =	simm.s32 $0x80;
	v3 =	vld [tilespmem:s17+$0x4D00]  }
0x5c: {  	v6 =	vld [tilespmem:s13+$0x1D00];
	v1 =	vadd.f32 v2, v1;
	v0 =	vadd.f32 v5, v0;
	v2 =	vmul.f32 v5, v5  }
0x5d: {  	v5 =	vld [tilespmem:s17+$0x5500]  }
0x5e: {  	v7 =	vld [tilespmem:s13+$0x2500];
	v1 =	vadd.f32 v2, v1;
	v0 =	vadd.f32 v4, v0;
	v2 =	vmul.f32 v4, v4  }
0x5f: {  	v4 =	vld [tilespmem:s17+$0x5D00]  }
0x60: {  	v8 =	vld [tilespmem:s13+$0x2D00];
	v1 =	vadd.f32 v2, v1;
	v0 =	vadd.f32 v3, v0;
	v2 =	vmul.f32 v3, v3  }
0x61: {  	v3 =	vld [tilespmem:s17+$0x6500]  }
0x62: {  	v9 =	vld [tilespmem:s13+$0x3500];
	v1 =	vadd.f32 v2, v1;
	v0 =	vadd.f32 v5, v0;
	v2 =	vmul.f32 v5, v5  }
0x63: {  	v10 =	vld [tilespmem:s17+$0x6D00];
	v5 =	vmul.f32 v6, v6;
	v6 =	vadd.f32 v7, v6;
	v7 =	vmul.f32 v7, v7  }
0x64: {  	v11 =	vld [tilespmem:s13+$0x3D00];
	v2 =	vadd.f32 v2, v1;
	v0 =	vadd.f32 v4, v0;
	v4 =	vmul.f32 v4, v4  }
0x65: {  	v12 =	vld [tilespmem:s17+$0x7500];
	v5 =	vadd.f32 v7, v5;
	v6 =	vadd.f32 v8, v6;
	v7 =	vmul.f32 v8, v8  }
0x66: {  	v1 =	vld [tilespmem:s13+$0x4500];
	v8 =	vadd.f32 v4, v2;
	v0 =	vadd.f32 v3, v0;
	v3 =	vmul.f32 v3, v3  }
0x67: {  	v5 =	vadd.f32 v7, v5;
	v7 =	vadd.f32 v9, v6;
	v6 =	vmul.f32 v9, v9;
	v4 =	vld [tilespmem:s17+$0x7D00]  }
0x68: {  	v2 =	vld [tilespmem:s13+$0x4D00];
	v9 =	vadd.f32 v3, v8;
	v13 =	vadd.f32 v10, v0;
	v10 =	vmul.f32 v10, v10  }
0x69: {  	s18 =	simm.s32 $0x100;
	v6 =	vadd.f32 v6, v5;
	v5 =	vadd.f32 v11, v7;
	v8 =	vmul.f32 v11, v11;
	v3 =	vld [tilespmem:s13+$0x5500]  }
0x6a: {  	s19 =	simm.s32 $0x600;
	v0 =	vld [tilespmem:s18+$0x1D00];
	v7 =	vadd.f32 v10, v9;
	v9 =	vadd.f32 v12, v13;
	v10 =	vmul.f32 v12, v12  }
.LBB2_2:
0x6b: {  	p0 =	sne.s32 s19, $0x1E00;
	v11 =	vld [tilespmem:s18+$0x2500];
	v6 =	vadd.f32 v8, v6;
	v5 =	vadd.f32 v1, v5;
	v1 =	vmul.f32 v1, v1  }
0x6c: {  	v8 =	vld [tilespmem:s13+$0x5D00];
	v7 =	vadd.f32 v10, v7;
	v9 =	vadd.f32 v4, v9;
	v4 =	vmul.f32 v4, v4  }
0x6d: {  	v10 =	vld [tilespmem:s18+$0x2D00];
	v1 =	vadd.f32 v1, v6;
	v5 =	vadd.f32 v2, v5;
	v2 =	vmul.f32 v2, v2  }
0x6e: {  	v6 =	vld [tilespmem:s13+$0x6500];
	v4 =	vadd.f32 v4, v7;
	[tilespmem:s17+$0xED00] =	vst v9  }
0x6f: {  	v7 =	vld [tilespmem:s18+$0x3500];
	v1 =	vadd.f32 v2, v1;
	v2 =	vadd.f32 v3, v5;
	v3 =	vmul.f32 v3, v3  }
0x70: {  	v5 =	vmul.f32 v0, v0;
	v0 =	vadd.f32 v11, v0;
	v9 =	vmul.f32 v11, v11;
	v11 =	vld [tilespmem:s13+$0x6D00];
	[tilespmem:s17+$0x12D00] =	vst v4;
	s17 =	smov.u32 s13;
	s13 =	smov.u32 s18  }
0x71: {  	v12 =	vld [tilespmem:s13+$0x3D00];
	v3 =	vadd.f32 v3, v1;
	v2 =	vadd.f32 v8, v2;
	v4 =	vmul.f32 v8, v8  }
0x72: {  	v5 =	vadd.f32 v9, v5;
	v0 =	vadd.f32 v10, v0;
	v8 =	vmul.f32 v10, v10;
	v10 =	vld [tilespmem:s17+$0x7500]  }
.Ltmp0:
0x73: {  	v1 =	vld [tilespmem:s13+$0x4500];
	v3 =	vadd.f32 v4, v3;
	v9 =	vadd.f32 v6, v2;
	v6 =	vmul.f32 v6, v6;
	(pc) =	sbr.rel @p0 .LBB2_2-.Ltmp0, $4  }
0x74: {  	v5 =	vadd.f32 v8, v5;
	v0 =	vadd.f32 v7, v0;
	v7 =	vmul.f32 v7, v7;
	v4 =	vld [tilespmem:s17+$0x7D00]  }
0x75: {  	v2 =	vld [tilespmem:s13+$0x4D00];
	v13 =	vadd.f32 v6, v3;
	v9 =	vadd.f32 v11, v9;
	v11 =	vmul.f32 v11, v11  }
0x76: {  	s18 =	sshra.s32 s19, $0x2;
	v6 =	vadd.f32 v7, v5;
	v5 =	vadd.f32 v12, v0;
	v8 =	vmul.f32 v12, v12;
	v3 =	vld [tilespmem:s13+$0x5500]  }
0x77: {  	s19 =	sadd.s32 $0x200, s19;
	v0 =	vld [tilespmem:s18+$0x1D00];
	v7 =	vadd.f32 v11, v13;
	v9 =	vadd.f32 v10, v9;
	v10 =	vmul.f32 v10, v10  }
0x78: {  	v11 =	vld [tilespmem:s18+$0x2500];
	v6 =	vadd.f32 v8, v6;
	v5 =	vadd.f32 v1, v5;
	v1 =	vmul.f32 v1, v1  }
0x79: {  	v8 =	vld [tilespmem:s13+$0x5D00];
	v9 =	vadd.f32 v4, v9;
	v7 =	vadd.f32 v10, v7;
	v4 =	vmul.f32 v4, v4  }
0x7a: {  	v12 =	vld [tilespmem:s18+$0x2D00];
	v1 =	vadd.f32 v1, v6;
	v5 =	vadd.f32 v2, v5;
	v2 =	vmul.f32 v2, v2  }
0x7b: {  	v10 =	vld [tilespmem:s13+$0x6500];
	[tilespmem:s17+$0xED00] =	vst v9;
	v4 =	vadd.f32 v4, v7  }
0x7c: {  	v6 =	vld [tilespmem:s18+$0x3500];
	v1 =	vadd.f32 v2, v1;
	v2 =	vadd.f32 v3, v5;
	v3 =	vmul.f32 v3, v3  }
0x7d: {  	v5 =	vld [tilespmem:s13+$0x6D00];
	v7 =	vmul.f32 v0, v0;
	v0 =	vadd.f32 v11, v0;
	v9 =	vmul.f32 v11, v11;
	[tilespmem:s17+$0x12D00] =	vst v4  }
0x7e: {  	v4 =	vld [tilespmem:s18+$0x3D00];
	v1 =	vadd.f32 v3, v1;
	v2 =	vadd.f32 v8, v2;
	v3 =	vmul.f32 v8, v8  }
0x7f: {  	v8 =	vmul.f32 v12, v12;
	v7 =	vadd.f32 v9, v7;
	v0 =	vadd.f32 v12, v0;
	v9 =	vld [tilespmem:s13+$0x7500]  }
0x80: {  	v11 =	vld [tilespmem:s18+$0x4500];
	v1 =	vadd.f32 v3, v1;
	v2 =	vadd.f32 v10, v2;
	v3 =	vmul.f32 v10, v10  }
0x81: {  	v7 =	vadd.f32 v8, v7;
	v0 =	vadd.f32 v6, v0;
	v6 =	vmul.f32 v6, v6;
	v8 =	vld [tilespmem:s13+$0x7D00]  }
0x82: {  	v10 =	vld [tilespmem:s18+$0x4D00];
	v1 =	vadd.f32 v3, v1;
	v2 =	vadd.f32 v5, v2;
	v3 =	vmul.f32 v5, v5  }
0x83: {  	v5 =	vadd.f32 v6, v7;
	v0 =	vadd.f32 v4, v0;
	v4 =	vmul.f32 v4, v4  }
0x84: {  	v6 =	vld [tilespmem:s18+$0x5500];
	v1 =	vadd.f32 v3, v1;
	v2 =	vadd.f32 v9, v2;
	v3 =	vmul.f32 v9, v9  }
0x85: {  	v4 =	vadd.f32 v4, v5;
	v0 =	vadd.f32 v11, v0;
	v5 =	vmul.f32 v11, v11  }
0x86: {  	v7 =	vld [tilespmem:s18+$0x5D00];
	v1 =	vadd.f32 v3, v1;
	v2 =	vadd.f32 v8, v2  }
0x87: {  	v3 =	vmul.f32 v8, v8;
	v4 =	vadd.f32 v5, v4;
	v5 =	vmul.f32 v10, v10  }
0x88: {  	v8 =	vld [tilespmem:s18+$0x6500];
	v0 =	vadd.f32 v10, v0  }
0x89: {  	v1 =	vadd.f32 v3, v1;
	[tilespmem:s13+$0xED00] =	vst v2;
	v3 =	vmul.f32 v6, v6;
	v2 =	vadd.f32 v5, v4  }
0x8a: {  	v0 =	vadd.f32 v6, v0;
	v4 =	vld [tilespmem:s18+$0x6D00]  }
0x8b: {  	[tilespmem:s13+$0x12D00] =	vst v1;
	v1 =	vadd.f32 v3, v2;
	v2 =	vmul.f32 v7, v7  }
0x8c: {  	v0 =	vadd.f32 v7, v0;
	v3 =	vld [tilespmem:s18+$0x7500]  }
0x8d: {  	v1 =	vadd.f32 v2, v1;
	v2 =	vmul.f32 v8, v8  }
0x8e: {  	v5 =	vld [tilespmem:s18+$0x7D00];
	v0 =	vadd.f32 v8, v0  }
0x8f: {  	v1 =	vadd.f32 v2, v1;
	v2 =	vmul.f32 v4, v4  }
0x90: {  	v0 =	vadd.f32 v4, v0  }
0x91: {  	v1 =	vadd.f32 v2, v1;
	v2 =	vmul.f32 v3, v3  }
0x92: {  	v0 =	vadd.f32 v3, v0  }
0x93: {  	v1 =	vadd.f32 v2, v1;
	v2 =	vmul.f32 v5, v5  }
0x94: {  	v0 =	vadd.f32 v5, v0  }
0x95: {  	v1 =	vadd.f32 v2, v1  }
0x96: {  	[tilespmem:s18+$0xED00] =	vst v0  }
0x97: {  	s17 =	simm.s32 $0x0;
	[tilespmem:s18+$0x12D00] =	vst v1  }
0x98: {  	v0 =	vld [tilespmem:s17+$0x1D10]  }
0x99: {  	v1 =	vld [tilespmem:s17+$0x2510];
	_ =	sdelay $0x1  }
0x9a: {  	v2 =	vld [tilespmem:s17+$0x2D10];
	_ =	sdelay $0x1  }
0x9b: {  	v3 =	vld [tilespmem:s17+$0x3510]  }
0x9c: {  	v4 =	vmul.f32 v0, v0;
	v0 =	vadd.f32 v1, v0;
	v1 =	vmul.f32 v1, v1  }
0x9d: {  	v5 =	vld [tilespmem:s17+$0x3D10]  }
0x9e: {  	v1 =	vadd.f32 v1, v4;
	v0 =	vadd.f32 v2, v0;
	v2 =	vmul.f32 v2, v2  }
0x9f: {  	v4 =	vld [tilespmem:s17+$0x4510]  }
0xa0: {  	v1 =	vadd.f32 v2, v1;
	v0 =	vadd.f32 v3, v0;
	v2 =	vmul.f32 v3, v3  }
0xa1: {  	s13 =	simm.s32 $0x80;
	v3 =	vld [tilespmem:s17+$0x4D10]  }
0xa2: {  	v6 =	vld [tilespmem:s13+$0x1D10];
	v1 =	vadd.f32 v2, v1;
	v0 =	vadd.f32 v5, v0;
	v2 =	vmul.f32 v5, v5  }
0xa3: {  	v5 =	vld [tilespmem:s17+$0x5510]  }
0xa4: {  	v7 =	vld [tilespmem:s13+$0x2510];
	v1 =	vadd.f32 v2, v1;
	v0 =	vadd.f32 v4, v0;
	v2 =	vmul.f32 v4, v4  }
0xa5: {  	v4 =	vld [tilespmem:s17+$0x5D10]  }
0xa6: {  	v8 =	vld [tilespmem:s13+$0x2D10];
	v1 =	vadd.f32 v2, v1;
	v0 =	vadd.f32 v3, v0;
	v2 =	vmul.f32 v3, v3  }
0xa7: {  	v3 =	vld [tilespmem:s17+$0x6510]  }
0xa8: {  	v9 =	vld [tilespmem:s13+$0x3510];
	v1 =	vadd.f32 v2, v1;
	v0 =	vadd.f32 v5, v0;
	v2 =	vmul.f32 v5, v5  }
0xa9: {  	v10 =	vld [tilespmem:s17+$0x6D10];
	v5 =	vmul.f32 v6, v6;
	v6 =	vadd.f32 v7, v6;
	v7 =	vmul.f32 v7, v7  }
0xaa: {  	v11 =	vld [tilespmem:s13+$0x3D10];
	v2 =	vadd.f32 v2, v1;
	v0 =	vadd.f32 v4, v0;
	v4 =	vmul.f32 v4, v4  }
0xab: {  	v63 =	vld [tilespmem:s17+$0x7510];
	v5 =	vadd.f32 v7, v5;
	v6 =	vadd.f32 v8, v6;
	v7 =	vmul.f32 v8, v8  }
0xac: {  	v1 =	vld [tilespmem:s13+$0x4510];
	v8 =	vadd.f32 v4, v2;
	v0 =	vadd.f32 v3, v0;
	v3 =	vmul.f32 v3, v3  }
0xad: {  	v5 =	vadd.f32 v7, v5;
	v7 =	vadd.f32 v9, v6;
	v6 =	vmul.f32 v9, v9;
	v4 =	vld [tilespmem:s17+$0x7D10]  }
0xae: {  	v2 =	vld [tilespmem:s13+$0x4D10];
	v9 =	vadd.f32 v3, v8;
	v13 =	vadd.f32 v10, v0;
	v10 =	vmul.f32 v10, v10  }
0xaf: {  	s18 =	simm.s32 $0x100;
	v6 =	vadd.f32 v6, v5;
	v5 =	vadd.f32 v11, v7;
	v8 =	vmul.f32 v11, v11;
	v3 =	vld [tilespmem:s13+$0x5510]  }
0xb0: {  	s21 =	simm.s32 $0x600;
	s19 =	simm.s32 $0x80;
	s20 =	simm.s32 $0x0;
	v0 =	vld [tilespmem:s18+$0x1D10];
	v7 =	vadd.f32 v10, v9;
	v9 =	vadd.f32 v63, v13;
	v10 =	vmul.f32 v63, v63  }
.LBB2_4:
0xb1: {  	p0 =	sne.s32 s21, $0x1E00;
	v11 =	vld [tilespmem:s18+$0x2510];
	v6 =	vadd.f32 v8, v6;
	v5 =	vadd.f32 v1, v5;
	v1 =	vmul.f32 v1, v1  }
0xb2: {  	v8 =	vld [tilespmem:s19+$0x5D10];
	v7 =	vadd.f32 v10, v7;
	v9 =	vadd.f32 v4, v9;
	v4 =	vmul.f32 v4, v4  }
0xb3: {  	v10 =	vld [tilespmem:s18+$0x2D10];
	v1 =	vadd.f32 v1, v6;
	v5 =	vadd.f32 v2, v5;
	v2 =	vmul.f32 v2, v2  }
0xb4: {  	v6 =	vld [tilespmem:s19+$0x6510];
	v4 =	vadd.f32 v4, v7;
	[tilespmem:s20+$0xF500] =	vst v9  }
0xb5: {  	v7 =	vld [tilespmem:s18+$0x3510];
	v1 =	vadd.f32 v2, v1;
	v2 =	vadd.f32 v3, v5;
	v3 =	vmul.f32 v3, v3  }
0xb6: {  	v5 =	vmul.f32 v0, v0;
	v0 =	vadd.f32 v11, v0;
	v9 =	vmul.f32 v11, v11;
	v11 =	vld [tilespmem:s19+$0x6D10];
	[tilespmem:s20+$0x13500] =	vst v4;
	s20 =	smov.u32 s19;
	s19 =	smov.u32 s18  }
0xb7: {  	v12 =	vld [tilespmem:s19+$0x3D10];
	v3 =	vadd.f32 v3, v1;
	v2 =	vadd.f32 v8, v2;
	v4 =	vmul.f32 v8, v8  }
0xb8: {  	v5 =	vadd.f32 v9, v5;
	v0 =	vadd.f32 v10, v0;
	v8 =	vmul.f32 v10, v10;
	v10 =	vld [tilespmem:s20+$0x7510]  }
.Ltmp1:
0xb9: {  	v1 =	vld [tilespmem:s19+$0x4510];
	v3 =	vadd.f32 v4, v3;
	v9 =	vadd.f32 v6, v2;
	v6 =	vmul.f32 v6, v6;
	(pc) =	sbr.rel @p0 .LBB2_4-.Ltmp1, $4  }
0xba: {  	v5 =	vadd.f32 v8, v5;
	v0 =	vadd.f32 v7, v0;
	v7 =	vmul.f32 v7, v7;
	v4 =	vld [tilespmem:s20+$0x7D10]  }
0xbb: {  	v2 =	vld [tilespmem:s19+$0x4D10];
	v13 =	vadd.f32 v6, v3;
	v9 =	vadd.f32 v11, v9;
	v11 =	vmul.f32 v11, v11  }
0xbc: {  	s18 =	sshra.s32 s21, $0x2;
	v6 =	vadd.f32 v7, v5;
	v5 =	vadd.f32 v12, v0;
	v8 =	vmul.f32 v12, v12;
	v3 =	vld [tilespmem:s19+$0x5510]  }
0xbd: {  	s21 =	sadd.s32 $0x200, s21;
	v0 =	vld [tilespmem:s18+$0x1D10];
	v7 =	vadd.f32 v11, v13;
	v9 =	vadd.f32 v10, v9;
	v10 =	vmul.f32 v10, v10  }
0xbe: {  	v11 =	vld [tilespmem:s18+$0x2510];
	v6 =	vadd.f32 v8, v6;
	v5 =	vadd.f32 v1, v5;
	v1 =	vmul.f32 v1, v1  }
0xbf: {  	v8 =	vld [tilespmem:s19+$0x5D10];
	v9 =	vadd.f32 v4, v9;
	v7 =	vadd.f32 v10, v7;
	v4 =	vmul.f32 v4, v4  }
0xc0: {  	v12 =	vld [tilespmem:s18+$0x2D10];
	v1 =	vadd.f32 v1, v6;
	v5 =	vadd.f32 v2, v5;
	v2 =	vmul.f32 v2, v2  }
0xc1: {  	v10 =	vld [tilespmem:s19+$0x6510];
	[tilespmem:s20+$0xF500] =	vst v9;
	v4 =	vadd.f32 v4, v7  }
0xc2: {  	v6 =	vld [tilespmem:s18+$0x3510];
	v1 =	vadd.f32 v2, v1;
	v2 =	vadd.f32 v3, v5;
	v3 =	vmul.f32 v3, v3  }
0xc3: {  	v5 =	vld [tilespmem:s19+$0x6D10];
	v7 =	vmul.f32 v0, v0;
	v0 =	vadd.f32 v11, v0;
	v9 =	vmul.f32 v11, v11;
	[tilespmem:s20+$0x13500] =	vst v4  }
0xc4: {  	v4 =	vld [tilespmem:s18+$0x3D10];
	v1 =	vadd.f32 v3, v1;
	v2 =	vadd.f32 v8, v2;
	v3 =	vmul.f32 v8, v8  }
0xc5: {  	v8 =	vmul.f32 v12, v12;
	v7 =	vadd.f32 v9, v7;
	v0 =	vadd.f32 v12, v0;
	v9 =	vld [tilespmem:s19+$0x7510]  }
0xc6: {  	v11 =	vld [tilespmem:s18+$0x4510];
	v1 =	vadd.f32 v3, v1;
	v2 =	vadd.f32 v10, v2;
	v3 =	vmul.f32 v10, v10  }
0xc7: {  	v7 =	vadd.f32 v8, v7;
	v0 =	vadd.f32 v6, v0;
	v6 =	vmul.f32 v6, v6;
	v8 =	vld [tilespmem:s19+$0x7D10]  }
0xc8: {  	v10 =	vld [tilespmem:s18+$0x4D10];
	v1 =	vadd.f32 v3, v1;
	v2 =	vadd.f32 v5, v2;
	v3 =	vmul.f32 v5, v5  }
0xc9: {  	v5 =	vadd.f32 v6, v7;
	v0 =	vadd.f32 v4, v0;
	v4 =	vmul.f32 v4, v4  }
0xca: {  	v6 =	vld [tilespmem:s18+$0x5510];
	v1 =	vadd.f32 v3, v1;
	v2 =	vadd.f32 v9, v2;
	v3 =	vmul.f32 v9, v9  }
0xcb: {  	v4 =	vadd.f32 v4, v5;
	v0 =	vadd.f32 v11, v0;
	v5 =	vmul.f32 v11, v11  }
0xcc: {  	v7 =	vld [tilespmem:s18+$0x5D10];
	v1 =	vadd.f32 v3, v1;
	v2 =	vadd.f32 v8, v2  }
0xcd: {  	v3 =	vmul.f32 v8, v8;
	v4 =	vadd.f32 v5, v4;
	v5 =	vmul.f32 v10, v10  }
0xce: {  	v8 =	vld [tilespmem:s18+$0x6510];
	v0 =	vadd.f32 v10, v0  }
0xcf: {  	v1 =	vadd.f32 v3, v1;
	[tilespmem:s19+$0xF500] =	vst v2;
	v3 =	vmul.f32 v6, v6;
	v2 =	vadd.f32 v5, v4  }
0xd0: {  	v0 =	vadd.f32 v6, v0;
	v4 =	vld [tilespmem:s18+$0x6D10]  }
0xd1: {  	[tilespmem:s19+$0x13500] =	vst v1;
	v1 =	vadd.f32 v3, v2;
	v2 =	vmul.f32 v7, v7  }
0xd2: {  	v0 =	vadd.f32 v7, v0;
	v3 =	vld [tilespmem:s18+$0x7510]  }
0xd3: {  	v1 =	vadd.f32 v2, v1;
	v2 =	vmul.f32 v8, v8  }
0xd4: {  	v5 =	vld [tilespmem:s18+$0x7D10];
	v0 =	vadd.f32 v8, v0  }
0xd5: {  	v1 =	vadd.f32 v2, v1;
	v2 =	vmul.f32 v4, v4  }
0xd6: {  	v0 =	vadd.f32 v4, v0  }
0xd7: {  	v1 =	vadd.f32 v2, v1;
	v2 =	vmul.f32 v3, v3  }
0xd8: {  	v0 =	vadd.f32 v3, v0  }
0xd9: {  	v1 =	vadd.f32 v2, v1;
	v2 =	vmul.f32 v5, v5  }
0xda: {  	v0 =	vadd.f32 v5, v0  }
0xdb: {  	v1 =	vadd.f32 v2, v1  }
0xdc: {  	[tilespmem:s18+$0xF500] =	vst v0  }
0xdd: {  	[tilespmem:s18+$0x13500] =	vst v1  }
0xde: {  	v0 =	vld [tilespmem:s17+$0x1D20]  }
0xdf: {  	v1 =	vld [tilespmem:s17+$0x2520];
	_ =	sdelay $0x1  }
0xe0: {  	v2 =	vld [tilespmem:s17+$0x2D20];
	_ =	sdelay $0x1  }
0xe1: {  	v3 =	vld [tilespmem:s17+$0x3520]  }
0xe2: {  	v4 =	vmul.f32 v0, v0;
	v0 =	vadd.f32 v1, v0;
	v1 =	vmul.f32 v1, v1  }
0xe3: {  	v5 =	vld [tilespmem:s17+$0x3D20]  }
0xe4: {  	v1 =	vadd.f32 v1, v4;
	v0 =	vadd.f32 v2, v0;
	v2 =	vmul.f32 v2, v2  }
0xe5: {  	v4 =	vld [tilespmem:s17+$0x4520]  }
0xe6: {  	v1 =	vadd.f32 v2, v1;
	v0 =	vadd.f32 v3, v0;
	v2 =	vmul.f32 v3, v3  }
0xe7: {  	v3 =	vld [tilespmem:s17+$0x4D20]  }
0xe8: {  	v6 =	vld [tilespmem:s13+$0x1D20];
	v1 =	vadd.f32 v2, v1;
	v0 =	vadd.f32 v5, v0;
	v2 =	vmul.f32 v5, v5  }
0xe9: {  	v5 =	vld [tilespmem:s17+$0x5520]  }
0xea: {  	v7 =	vld [tilespmem:s13+$0x2520];
	v1 =	vadd.f32 v2, v1;
	v0 =	vadd.f32 v4, v0;
	v2 =	vmul.f32 v4, v4  }
0xeb: {  	v4 =	vld [tilespmem:s17+$0x5D20]  }
0xec: {  	v8 =	vld [tilespmem:s13+$0x2D20];
	v1 =	vadd.f32 v2, v1;
	v0 =	vadd.f32 v3, v0;
	v2 =	vmul.f32 v3, v3  }
0xed: {  	v3 =	vld [tilespmem:s17+$0x6520]  }
0xee: {  	v9 =	vld [tilespmem:s13+$0x3520];
	v1 =	vadd.f32 v2, v1;
	v0 =	vadd.f32 v5, v0;
	v2 =	vmul.f32 v5, v5  }
0xef: {  	v10 =	vld [tilespmem:s17+$0x6D20];
	v5 =	vmul.f32 v6, v6;
	v6 =	vadd.f32 v7, v6;
	v7 =	vmul.f32 v7, v7  }
0xf0: {  	v11 =	vld [tilespmem:s13+$0x3D20];
	v2 =	vadd.f32 v2, v1;
	v0 =	vadd.f32 v4, v0;
	v4 =	vmul.f32 v4, v4  }
0xf1: {  	v63 =	vld [tilespmem:s17+$0x7520];
	v5 =	vadd.f32 v7, v5;
	v6 =	vadd.f32 v8, v6;
	v7 =	vmul.f32 v8, v8  }
0xf2: {  	v1 =	vld [tilespmem:s13+$0x4520];
	v8 =	vadd.f32 v4, v2;
	v0 =	vadd.f32 v3, v0;
	v3 =	vmul.f32 v3, v3  }
0xf3: {  	v5 =	vadd.f32 v7, v5;
	v7 =	vadd.f32 v9, v6;
	v6 =	vmul.f32 v9, v9;
	v4 =	vld [tilespmem:s17+$0x7D20]  }
0xf4: {  	v2 =	vld [tilespmem:s13+$0x4D20];
	v9 =	vadd.f32 v3, v8;
	v13 =	vadd.f32 v10, v0;
	v10 =	vmul.f32 v10, v10  }
0xf5: {  	s18 =	simm.s32 $0x100;
	v6 =	vadd.f32 v6, v5;
	v5 =	vadd.f32 v11, v7;
	v8 =	vmul.f32 v11, v11;
	v3 =	vld [tilespmem:s13+$0x5520]  }
0xf6: {  	s19 =	simm.s32 $0x600;
	v0 =	vld [tilespmem:s18+$0x1D20];
	v7 =	vadd.f32 v10, v9;
	v9 =	vadd.f32 v63, v13;
	v10 =	vmul.f32 v63, v63  }
.LBB2_6:
0xf7: {  	p0 =	sne.s32 s19, $0x1E00;
	v11 =	vld [tilespmem:s18+$0x2520];
	v6 =	vadd.f32 v8, v6;
	v5 =	vadd.f32 v1, v5;
	v1 =	vmul.f32 v1, v1  }
0xf8: {  	v8 =	vld [tilespmem:s13+$0x5D20];
	v7 =	vadd.f32 v10, v7;
	v9 =	vadd.f32 v4, v9;
	v4 =	vmul.f32 v4, v4  }
0xf9: {  	v10 =	vld [tilespmem:s18+$0x2D20];
	v1 =	vadd.f32 v1, v6;
	v5 =	vadd.f32 v2, v5;
	v2 =	vmul.f32 v2, v2  }
0xfa: {  	v6 =	vld [tilespmem:s13+$0x6520];
	v4 =	vadd.f32 v4, v7;
	[tilespmem:s17+$0xFD00] =	vst v9  }
0xfb: {  	v7 =	vld [tilespmem:s18+$0x3520];
	v1 =	vadd.f32 v2, v1;
	v2 =	vadd.f32 v3, v5;
	v3 =	vmul.f32 v3, v3  }
0xfc: {  	v5 =	vmul.f32 v0, v0;
	v0 =	vadd.f32 v11, v0;
	v9 =	vmul.f32 v11, v11;
	v11 =	vld [tilespmem:s13+$0x6D20];
	[tilespmem:s17+$0x13D00] =	vst v4;
	s17 =	smov.u32 s13;
	s13 =	smov.u32 s18  }
0xfd: {  	v12 =	vld [tilespmem:s13+$0x3D20];
	v3 =	vadd.f32 v3, v1;
	v2 =	vadd.f32 v8, v2;
	v4 =	vmul.f32 v8, v8  }
0xfe: {  	v5 =	vadd.f32 v9, v5;
	v0 =	vadd.f32 v10, v0;
	v8 =	vmul.f32 v10, v10;
	v10 =	vld [tilespmem:s17+$0x7520]  }
.Ltmp2:
0xff: {  	v1 =	vld [tilespmem:s13+$0x4520];
	v3 =	vadd.f32 v4, v3;
	v9 =	vadd.f32 v6, v2;
	v6 =	vmul.f32 v6, v6;
	(pc) =	sbr.rel @p0 .LBB2_6-.Ltmp2, $4  }
0x100: {  	v5 =	vadd.f32 v8, v5;
	v0 =	vadd.f32 v7, v0;
	v7 =	vmul.f32 v7, v7;
	v4 =	vld [tilespmem:s17+$0x7D20]  }
0x101: {  	v2 =	vld [tilespmem:s13+$0x4D20];
	v13 =	vadd.f32 v6, v3;
	v9 =	vadd.f32 v11, v9;
	v11 =	vmul.f32 v11, v11  }
0x102: {  	s18 =	sshra.s32 s19, $0x2;
	v6 =	vadd.f32 v7, v5;
	v5 =	vadd.f32 v12, v0;
	v8 =	vmul.f32 v12, v12;
	v3 =	vld [tilespmem:s13+$0x5520]  }
0x103: {  	s19 =	sadd.s32 $0x200, s19;
	v0 =	vld [tilespmem:s18+$0x1D20];
	v7 =	vadd.f32 v11, v13;
	v9 =	vadd.f32 v10, v9;
	v10 =	vmul.f32 v10, v10  }
0x104: {  	v11 =	vld [tilespmem:s18+$0x2520];
	v6 =	vadd.f32 v8, v6;
	v5 =	vadd.f32 v1, v5;
	v1 =	vmul.f32 v1, v1  }
0x105: {  	v8 =	vld [tilespmem:s13+$0x5D20];
	v9 =	vadd.f32 v4, v9;
	v7 =	vadd.f32 v10, v7;
	v4 =	vmul.f32 v4, v4  }
0x106: {  	v12 =	vld [tilespmem:s18+$0x2D20];
	v1 =	vadd.f32 v1, v6;
	v5 =	vadd.f32 v2, v5;
	v2 =	vmul.f32 v2, v2  }
0x107: {  	v10 =	vld [tilespmem:s13+$0x6520];
	[tilespmem:s17+$0xFD00] =	vst v9;
	v4 =	vadd.f32 v4, v7  }
0x108: {  	v6 =	vld [tilespmem:s18+$0x3520];
	v1 =	vadd.f32 v2, v1;
	v2 =	vadd.f32 v3, v5;
	v3 =	vmul.f32 v3, v3  }
0x109: {  	v5 =	vld [tilespmem:s13+$0x6D20];
	v7 =	vmul.f32 v0, v0;
	v0 =	vadd.f32 v11, v0;
	v9 =	vmul.f32 v11, v11;
	[tilespmem:s17+$0x13D00] =	vst v4  }
0x10a: {  	v4 =	vld [tilespmem:s18+$0x3D20];
	v1 =	vadd.f32 v3, v1;
	v2 =	vadd.f32 v8, v2;
	v3 =	vmul.f32 v8, v8  }
0x10b: {  	v8 =	vmul.f32 v12, v12;
	v7 =	vadd.f32 v9, v7;
	v0 =	vadd.f32 v12, v0;
	v9 =	vld [tilespmem:s13+$0x7520]  }
0x10c: {  	v11 =	vld [tilespmem:s18+$0x4520];
	v1 =	vadd.f32 v3, v1;
	v2 =	vadd.f32 v10, v2;
	v3 =	vmul.f32 v10, v10  }
0x10d: {  	v7 =	vadd.f32 v8, v7;
	v0 =	vadd.f32 v6, v0;
	v6 =	vmul.f32 v6, v6;
	v8 =	vld [tilespmem:s13+$0x7D20]  }
0x10e: {  	v10 =	vld [tilespmem:s18+$0x4D20];
	v1 =	vadd.f32 v3, v1;
	v2 =	vadd.f32 v5, v2;
	v3 =	vmul.f32 v5, v5  }
0x10f: {  	v5 =	vadd.f32 v6, v7;
	v0 =	vadd.f32 v4, v0;
	v4 =	vmul.f32 v4, v4  }
0x110: {  	v6 =	vld [tilespmem:s18+$0x5520];
	v1 =	vadd.f32 v3, v1;
	v2 =	vadd.f32 v9, v2;
	v3 =	vmul.f32 v9, v9  }
0x111: {  	v4 =	vadd.f32 v4, v5;
	v0 =	vadd.f32 v11, v0;
	v5 =	vmul.f32 v11, v11  }
0x112: {  	v7 =	vld [tilespmem:s18+$0x5D20];
	v1 =	vadd.f32 v3, v1;
	v2 =	vadd.f32 v8, v2  }
0x113: {  	v3 =	vmul.f32 v8, v8;
	v4 =	vadd.f32 v5, v4;
	v5 =	vmul.f32 v10, v10  }
0x114: {  	v8 =	vld [tilespmem:s18+$0x6520];
	v0 =	vadd.f32 v10, v0  }
0x115: {  	v1 =	vadd.f32 v3, v1;
	[tilespmem:s13+$0xFD00] =	vst v2;
	v3 =	vmul.f32 v6, v6;
	v2 =	vadd.f32 v5, v4  }
0x116: {  	v0 =	vadd.f32 v6, v0;
	v4 =	vld [tilespmem:s18+$0x6D20]  }
0x117: {  	[tilespmem:s13+$0x13D00] =	vst v1;
	v1 =	vadd.f32 v3, v2;
	v2 =	vmul.f32 v7, v7  }
0x118: {  	v0 =	vadd.f32 v7, v0;
	v3 =	vld [tilespmem:s18+$0x7520]  }
0x119: {  	v1 =	vadd.f32 v2, v1;
	v2 =	vmul.f32 v8, v8  }
0x11a: {  	v5 =	vld [tilespmem:s18+$0x7D20];
	v0 =	vadd.f32 v8, v0  }
0x11b: {  	v1 =	vadd.f32 v2, v1;
	v2 =	vmul.f32 v4, v4  }
0x11c: {  	v0 =	vadd.f32 v4, v0  }
0x11d: {  	v1 =	vadd.f32 v2, v1;
	v2 =	vmul.f32 v3, v3  }
0x11e: {  	v0 =	vadd.f32 v3, v0  }
0x11f: {  	v1 =	vadd.f32 v2, v1;
	v2 =	vmul.f32 v5, v5  }
0x120: {  	v0 =	vadd.f32 v5, v0  }
0x121: {  	v1 =	vadd.f32 v2, v1  }
0x122: {  	[tilespmem:s18+$0xFD00] =	vst v0  }
0x123: {  	s17 =	simm.s32 $0x0;
	[tilespmem:s18+$0x13D00] =	vst v1  }
0x124: {  	v0 =	vld [tilespmem:s17+$0x1D30]  }
0x125: {  	v1 =	vld [tilespmem:s17+$0x2530];
	_ =	sdelay $0x1  }
0x126: {  	v2 =	vld [tilespmem:s17+$0x2D30];
	_ =	sdelay $0x1  }
0x127: {  	v3 =	vld [tilespmem:s17+$0x3530]  }
0x128: {  	v4 =	vmul.f32 v0, v0;
	v0 =	vadd.f32 v1, v0;
	v1 =	vmul.f32 v1, v1  }
0x129: {  	v5 =	vld [tilespmem:s17+$0x3D30]  }
0x12a: {  	v1 =	vadd.f32 v1, v4;
	v0 =	vadd.f32 v2, v0;
	v2 =	vmul.f32 v2, v2  }
0x12b: {  	v4 =	vld [tilespmem:s17+$0x4530]  }
0x12c: {  	v1 =	vadd.f32 v2, v1;
	v0 =	vadd.f32 v3, v0;
	v2 =	vmul.f32 v3, v3  }
0x12d: {  	s13 =	simm.s32 $0x80;
	v3 =	vld [tilespmem:s17+$0x4D30]  }
0x12e: {  	v6 =	vld [tilespmem:s13+$0x1D30];
	v1 =	vadd.f32 v2, v1;
	v0 =	vadd.f32 v5, v0;
	v2 =	vmul.f32 v5, v5  }
0x12f: {  	v5 =	vld [tilespmem:s17+$0x5530]  }
0x130: {  	v7 =	vld [tilespmem:s13+$0x2530];
	v1 =	vadd.f32 v2, v1;
	v0 =	vadd.f32 v4, v0;
	v2 =	vmul.f32 v4, v4  }
0x131: {  	v4 =	vld [tilespmem:s17+$0x5D30]  }
0x132: {  	v8 =	vld [tilespmem:s13+$0x2D30];
	v1 =	vadd.f32 v2, v1;
	v0 =	vadd.f32 v3, v0;
	v2 =	vmul.f32 v3, v3  }
0x133: {  	v3 =	vld [tilespmem:s17+$0x6530]  }
0x134: {  	v9 =	vld [tilespmem:s13+$0x3530];
	v1 =	vadd.f32 v2, v1;
	v0 =	vadd.f32 v5, v0;
	v2 =	vmul.f32 v5, v5  }
0x135: {  	v10 =	vld [tilespmem:s17+$0x6D30];
	v5 =	vmul.f32 v6, v6;
	v6 =	vadd.f32 v7, v6;
	v7 =	vmul.f32 v7, v7  }
0x136: {  	v11 =	vld [tilespmem:s13+$0x3D30];
	v2 =	vadd.f32 v2, v1;
	v0 =	vadd.f32 v4, v0;
	v4 =	vmul.f32 v4, v4  }
0x137: {  	v63 =	vld [tilespmem:s17+$0x7530];
	v5 =	vadd.f32 v7, v5;
	v6 =	vadd.f32 v8, v6;
	v7 =	vmul.f32 v8, v8  }
0x138: {  	v1 =	vld [tilespmem:s13+$0x4530];
	v8 =	vadd.f32 v4, v2;
	v0 =	vadd.f32 v3, v0;
	v3 =	vmul.f32 v3, v3  }
0x139: {  	v5 =	vadd.f32 v7, v5;
	v7 =	vadd.f32 v9, v6;
	v6 =	vmul.f32 v9, v9;
	v4 =	vld [tilespmem:s17+$0x7D30]  }
0x13a: {  	v2 =	vld [tilespmem:s13+$0x4D30];
	v9 =	vadd.f32 v3, v8;
	v13 =	vadd.f32 v10, v0;
	v10 =	vmul.f32 v10, v10  }
0x13b: {  	s18 =	simm.s32 $0x100;
	v6 =	vadd.f32 v6, v5;
	v5 =	vadd.f32 v11, v7;
	v8 =	vmul.f32 v11, v11;
	v3 =	vld [tilespmem:s13+$0x5530]  }
0x13c: {  	s21 =	simm.s32 $0x600;
	s19 =	simm.s32 $0x80;
	s20 =	simm.s32 $0x0;
	v0 =	vld [tilespmem:s18+$0x1D30];
	v7 =	vadd.f32 v10, v9;
	v9 =	vadd.f32 v63, v13;
	v10 =	vmul.f32 v63, v63  }
.LBB2_8:
0x13d: {  	p0 =	sne.s32 s21, $0x1E00;
	v11 =	vld [tilespmem:s18+$0x2530];
	v6 =	vadd.f32 v8, v6;
	v5 =	vadd.f32 v1, v5;
	v1 =	vmul.f32 v1, v1  }
0x13e: {  	v8 =	vld [tilespmem:s19+$0x5D30];
	v7 =	vadd.f32 v10, v7;
	v9 =	vadd.f32 v4, v9;
	v4 =	vmul.f32 v4, v4  }
0x13f: {  	v10 =	vld [tilespmem:s18+$0x2D30];
	v1 =	vadd.f32 v1, v6;
	v5 =	vadd.f32 v2, v5;
	v2 =	vmul.f32 v2, v2  }
0x140: {  	v6 =	vld [tilespmem:s19+$0x6530];
	v4 =	vadd.f32 v4, v7;
	[tilespmem:s20+$0x10500] =	vst v9  }
0x141: {  	v7 =	vld [tilespmem:s18+$0x3530];
	v1 =	vadd.f32 v2, v1;
	v2 =	vadd.f32 v3, v5;
	v3 =	vmul.f32 v3, v3  }
0x142: {  	v5 =	vmul.f32 v0, v0;
	v0 =	vadd.f32 v11, v0;
	v9 =	vmul.f32 v11, v11;
	v11 =	vld [tilespmem:s19+$0x6D30];
	[tilespmem:s20+$0x14500] =	vst v4;
	s20 =	smov.u32 s19;
	s19 =	smov.u32 s18  }
0x143: {  	v12 =	vld [tilespmem:s19+$0x3D30];
	v3 =	vadd.f32 v3, v1;
	v2 =	vadd.f32 v8, v2;
	v4 =	vmul.f32 v8, v8  }
0x144: {  	v5 =	vadd.f32 v9, v5;
	v0 =	vadd.f32 v10, v0;
	v8 =	vmul.f32 v10, v10;
	v10 =	vld [tilespmem:s20+$0x7530]  }
.Ltmp3:
0x145: {  	v1 =	vld [tilespmem:s19+$0x4530];
	v3 =	vadd.f32 v4, v3;
	v9 =	vadd.f32 v6, v2;
	v6 =	vmul.f32 v6, v6;
	(pc) =	sbr.rel @p0 .LBB2_8-.Ltmp3, $4  }
0x146: {  	v5 =	vadd.f32 v8, v5;
	v0 =	vadd.f32 v7, v0;
	v7 =	vmul.f32 v7, v7;
	v4 =	vld [tilespmem:s20+$0x7D30]  }
0x147: {  	v2 =	vld [tilespmem:s19+$0x4D30];
	v13 =	vadd.f32 v6, v3;
	v9 =	vadd.f32 v11, v9;
	v11 =	vmul.f32 v11, v11  }
0x148: {  	s18 =	sshra.s32 s21, $0x2;
	v6 =	vadd.f32 v7, v5;
	v5 =	vadd.f32 v12, v0;
	v8 =	vmul.f32 v12, v12;
	v3 =	vld [tilespmem:s19+$0x5530]  }
0x149: {  	s21 =	sadd.s32 $0x200, s21;
	v0 =	vld [tilespmem:s18+$0x1D30];
	v7 =	vadd.f32 v11, v13;
	v9 =	vadd.f32 v10, v9;
	v10 =	vmul.f32 v10, v10  }
0x14a: {  	v11 =	vld [tilespmem:s18+$0x2530];
	v6 =	vadd.f32 v8, v6;
	v5 =	vadd.f32 v1, v5;
	v1 =	vmul.f32 v1, v1  }
0x14b: {  	v8 =	vld [tilespmem:s19+$0x5D30];
	v9 =	vadd.f32 v4, v9;
	v7 =	vadd.f32 v10, v7;
	v4 =	vmul.f32 v4, v4  }
0x14c: {  	v12 =	vld [tilespmem:s18+$0x2D30];
	v1 =	vadd.f32 v1, v6;
	v5 =	vadd.f32 v2, v5;
	v2 =	vmul.f32 v2, v2  }
0x14d: {  	v10 =	vld [tilespmem:s19+$0x6530];
	[tilespmem:s20+$0x10500] =	vst v9;
	v4 =	vadd.f32 v4, v7  }
0x14e: {  	v6 =	vld [tilespmem:s18+$0x3530];
	v1 =	vadd.f32 v2, v1;
	v2 =	vadd.f32 v3, v5;
	v3 =	vmul.f32 v3, v3  }
0x14f: {  	v5 =	vld [tilespmem:s19+$0x6D30];
	v7 =	vmul.f32 v0, v0;
	v0 =	vadd.f32 v11, v0;
	v9 =	vmul.f32 v11, v11;
	[tilespmem:s20+$0x14500] =	vst v4  }
0x150: {  	v4 =	vld [tilespmem:s18+$0x3D30];
	v1 =	vadd.f32 v3, v1;
	v2 =	vadd.f32 v8, v2;
	v3 =	vmul.f32 v8, v8  }
0x151: {  	v8 =	vmul.f32 v12, v12;
	v7 =	vadd.f32 v9, v7;
	v0 =	vadd.f32 v12, v0;
	v9 =	vld [tilespmem:s19+$0x7530]  }
0x152: {  	v11 =	vld [tilespmem:s18+$0x4530];
	v1 =	vadd.f32 v3, v1;
	v2 =	vadd.f32 v10, v2;
	v3 =	vmul.f32 v10, v10  }
0x153: {  	v7 =	vadd.f32 v8, v7;
	v0 =	vadd.f32 v6, v0;
	v6 =	vmul.f32 v6, v6;
	v8 =	vld [tilespmem:s19+$0x7D30]  }
0x154: {  	v10 =	vld [tilespmem:s18+$0x4D30];
	v1 =	vadd.f32 v3, v1;
	v2 =	vadd.f32 v5, v2;
	v3 =	vmul.f32 v5, v5  }
0x155: {  	v5 =	vadd.f32 v6, v7;
	v0 =	vadd.f32 v4, v0;
	v4 =	vmul.f32 v4, v4  }
0x156: {  	v6 =	vld [tilespmem:s18+$0x5530];
	v1 =	vadd.f32 v3, v1;
	v2 =	vadd.f32 v9, v2;
	v3 =	vmul.f32 v9, v9  }
0x157: {  	v4 =	vadd.f32 v4, v5;
	v0 =	vadd.f32 v11, v0;
	v5 =	vmul.f32 v11, v11  }
0x158: {  	v7 =	vld [tilespmem:s18+$0x5D30];
	v1 =	vadd.f32 v3, v1;
	v2 =	vadd.f32 v8, v2  }
0x159: {  	v3 =	vmul.f32 v8, v8;
	v4 =	vadd.f32 v5, v4;
	v5 =	vmul.f32 v10, v10  }
0x15a: {  	v8 =	vld [tilespmem:s18+$0x6530];
	v0 =	vadd.f32 v10, v0  }
0x15b: {  	v1 =	vadd.f32 v3, v1;
	[tilespmem:s19+$0x10500] =	vst v2;
	v3 =	vmul.f32 v6, v6;
	v2 =	vadd.f32 v5, v4  }
0x15c: {  	v0 =	vadd.f32 v6, v0;
	v4 =	vld [tilespmem:s18+$0x6D30]  }
0x15d: {  	[tilespmem:s19+$0x14500] =	vst v1;
	v1 =	vadd.f32 v3, v2;
	v2 =	vmul.f32 v7, v7  }
0x15e: {  	v0 =	vadd.f32 v7, v0;
	v3 =	vld [tilespmem:s18+$0x7530]  }
0x15f: {  	v1 =	vadd.f32 v2, v1;
	v2 =	vmul.f32 v8, v8  }
0x160: {  	v5 =	vld [tilespmem:s18+$0x7D30];
	v0 =	vadd.f32 v8, v0  }
0x161: {  	v1 =	vadd.f32 v2, v1;
	v2 =	vmul.f32 v4, v4  }
0x162: {  	v0 =	vadd.f32 v4, v0  }
0x163: {  	v1 =	vadd.f32 v2, v1;
	v2 =	vmul.f32 v3, v3  }
0x164: {  	v0 =	vadd.f32 v3, v0  }
0x165: {  	v1 =	vadd.f32 v2, v1;
	v2 =	vmul.f32 v5, v5  }
0x166: {  	v0 =	vadd.f32 v5, v0  }
0x167: {  	v1 =	vadd.f32 v2, v1  }
0x168: {  	[tilespmem:s18+$0x10500] =	vst v0  }
0x169: {  	[tilespmem:s18+$0x14500] =	vst v1  }
0x16a: {  	v0 =	vld [tilespmem:s17+$0x1D40]  }
0x16b: {  	v1 =	vld [tilespmem:s17+$0x2540];
	_ =	sdelay $0x1  }
0x16c: {  	v2 =	vld [tilespmem:s17+$0x2D40];
	_ =	sdelay $0x1  }
0x16d: {  	v3 =	vld [tilespmem:s17+$0x3540]  }
0x16e: {  	v4 =	vmul.f32 v0, v0;
	v0 =	vadd.f32 v1, v0;
	v1 =	vmul.f32 v1, v1  }
0x16f: {  	v5 =	vld [tilespmem:s17+$0x3D40]  }
0x170: {  	v1 =	vadd.f32 v1, v4;
	v0 =	vadd.f32 v2, v0;
	v2 =	vmul.f32 v2, v2  }
0x171: {  	v4 =	vld [tilespmem:s17+$0x4540]  }
0x172: {  	v1 =	vadd.f32 v2, v1;
	v0 =	vadd.f32 v3, v0;
	v2 =	vmul.f32 v3, v3  }
0x173: {  	v3 =	vld [tilespmem:s17+$0x4D40]  }
0x174: {  	v6 =	vld [tilespmem:s13+$0x1D40];
	v1 =	vadd.f32 v2, v1;
	v0 =	vadd.f32 v5, v0;
	v2 =	vmul.f32 v5, v5  }
0x175: {  	v5 =	vld [tilespmem:s17+$0x5540]  }
0x176: {  	v7 =	vld [tilespmem:s13+$0x2540];
	v1 =	vadd.f32 v2, v1;
	v0 =	vadd.f32 v4, v0;
	v2 =	vmul.f32 v4, v4  }
0x177: {  	v4 =	vld [tilespmem:s17+$0x5D40]  }
0x178: {  	v8 =	vld [tilespmem:s13+$0x2D40];
	v1 =	vadd.f32 v2, v1;
	v0 =	vadd.f32 v3, v0;
	v2 =	vmul.f32 v3, v3  }
0x179: {  	v3 =	vld [tilespmem:s17+$0x6540]  }
0x17a: {  	v9 =	vld [tilespmem:s13+$0x3540];
	v1 =	vadd.f32 v2, v1;
	v0 =	vadd.f32 v5, v0;
	v2 =	vmul.f32 v5, v5  }
0x17b: {  	v10 =	vld [tilespmem:s17+$0x6D40];
	v5 =	vmul.f32 v6, v6;
	v6 =	vadd.f32 v7, v6;
	v7 =	vmul.f32 v7, v7  }
0x17c: {  	v11 =	vld [tilespmem:s13+$0x3D40];
	v2 =	vadd.f32 v2, v1;
	v0 =	vadd.f32 v4, v0;
	v4 =	vmul.f32 v4, v4  }
0x17d: {  	v63 =	vld [tilespmem:s17+$0x7540];
	v5 =	vadd.f32 v7, v5;
	v6 =	vadd.f32 v8, v6;
	v7 =	vmul.f32 v8, v8  }
0x17e: {  	v1 =	vld [tilespmem:s13+$0x4540];
	v8 =	vadd.f32 v4, v2;
	v0 =	vadd.f32 v3, v0;
	v3 =	vmul.f32 v3, v3  }
0x17f: {  	v5 =	vadd.f32 v7, v5;
	v7 =	vadd.f32 v9, v6;
	v6 =	vmul.f32 v9, v9;
	v4 =	vld [tilespmem:s17+$0x7D40]  }
0x180: {  	v2 =	vld [tilespmem:s13+$0x4D40];
	v9 =	vadd.f32 v3, v8;
	v13 =	vadd.f32 v10, v0;
	v10 =	vmul.f32 v10, v10  }
0x181: {  	s18 =	simm.s32 $0x100;
	v6 =	vadd.f32 v6, v5;
	v5 =	vadd.f32 v11, v7;
	v8 =	vmul.f32 v11, v11;
	v3 =	vld [tilespmem:s13+$0x5540]  }
0x182: {  	s19 =	simm.s32 $0x600;
	v0 =	vld [tilespmem:s18+$0x1D40];
	v7 =	vadd.f32 v10, v9;
	v9 =	vadd.f32 v63, v13;
	v10 =	vmul.f32 v63, v63  }
.LBB2_10:
0x183: {  	p0 =	sne.s32 s19, $0x1E00;
	v11 =	vld [tilespmem:s18+$0x2540];
	v6 =	vadd.f32 v8, v6;
	v5 =	vadd.f32 v1, v5;
	v1 =	vmul.f32 v1, v1  }
0x184: {  	v8 =	vld [tilespmem:s13+$0x5D40];
	v7 =	vadd.f32 v10, v7;
	v9 =	vadd.f32 v4, v9;
	v4 =	vmul.f32 v4, v4  }
0x185: {  	v10 =	vld [tilespmem:s18+$0x2D40];
	v1 =	vadd.f32 v1, v6;
	v5 =	vadd.f32 v2, v5;
	v2 =	vmul.f32 v2, v2  }
0x186: {  	v6 =	vld [tilespmem:s13+$0x6540];
	v4 =	vadd.f32 v4, v7;
	[tilespmem:s17+$0x10D00] =	vst v9  }
0x187: {  	v7 =	vld [tilespmem:s18+$0x3540];
	v1 =	vadd.f32 v2, v1;
	v2 =	vadd.f32 v3, v5;
	v3 =	vmul.f32 v3, v3  }
0x188: {  	v5 =	vmul.f32 v0, v0;
	v0 =	vadd.f32 v11, v0;
	v9 =	vmul.f32 v11, v11;
	v11 =	vld [tilespmem:s13+$0x6D40];
	[tilespmem:s17+$0x14D00] =	vst v4;
	s17 =	smov.u32 s13;
	s13 =	smov.u32 s18  }
0x189: {  	v12 =	vld [tilespmem:s13+$0x3D40];
	v3 =	vadd.f32 v3, v1;
	v2 =	vadd.f32 v8, v2;
	v4 =	vmul.f32 v8, v8  }
0x18a: {  	v5 =	vadd.f32 v9, v5;
	v0 =	vadd.f32 v10, v0;
	v8 =	vmul.f32 v10, v10;
	v10 =	vld [tilespmem:s17+$0x7540]  }
.Ltmp4:
0x18b: {  	v1 =	vld [tilespmem:s13+$0x4540];
	v3 =	vadd.f32 v4, v3;
	v9 =	vadd.f32 v6, v2;
	v6 =	vmul.f32 v6, v6;
	(pc) =	sbr.rel @p0 .LBB2_10-.Ltmp4, $4  }
0x18c: {  	v5 =	vadd.f32 v8, v5;
	v0 =	vadd.f32 v7, v0;
	v7 =	vmul.f32 v7, v7;
	v4 =	vld [tilespmem:s17+$0x7D40]  }
0x18d: {  	v2 =	vld [tilespmem:s13+$0x4D40];
	v13 =	vadd.f32 v6, v3;
	v9 =	vadd.f32 v11, v9;
	v11 =	vmul.f32 v11, v11  }
0x18e: {  	s18 =	sshra.s32 s19, $0x2;
	v6 =	vadd.f32 v7, v5;
	v5 =	vadd.f32 v12, v0;
	v8 =	vmul.f32 v12, v12;
	v3 =	vld [tilespmem:s13+$0x5540]  }
0x18f: {  	s19 =	sadd.s32 $0x200, s19;
	v0 =	vld [tilespmem:s18+$0x1D40];
	v7 =	vadd.f32 v11, v13;
	v9 =	vadd.f32 v10, v9;
	v10 =	vmul.f32 v10, v10  }
0x190: {  	v11 =	vld [tilespmem:s18+$0x2540];
	v6 =	vadd.f32 v8, v6;
	v5 =	vadd.f32 v1, v5;
	v1 =	vmul.f32 v1, v1  }
0x191: {  	v8 =	vld [tilespmem:s13+$0x5D40];
	v9 =	vadd.f32 v4, v9;
	v7 =	vadd.f32 v10, v7;
	v4 =	vmul.f32 v4, v4  }
0x192: {  	v12 =	vld [tilespmem:s18+$0x2D40];
	v1 =	vadd.f32 v1, v6;
	v5 =	vadd.f32 v2, v5;
	v2 =	vmul.f32 v2, v2  }
0x193: {  	v10 =	vld [tilespmem:s13+$0x6540];
	[tilespmem:s17+$0x10D00] =	vst v9;
	v4 =	vadd.f32 v4, v7  }
0x194: {  	v6 =	vld [tilespmem:s18+$0x3540];
	v1 =	vadd.f32 v2, v1;
	v2 =	vadd.f32 v3, v5;
	v3 =	vmul.f32 v3, v3  }
0x195: {  	v5 =	vld [tilespmem:s13+$0x6D40];
	v7 =	vmul.f32 v0, v0;
	v0 =	vadd.f32 v11, v0;
	v9 =	vmul.f32 v11, v11;
	[tilespmem:s17+$0x14D00] =	vst v4  }
0x196: {  	v4 =	vld [tilespmem:s18+$0x3D40];
	v1 =	vadd.f32 v3, v1;
	v2 =	vadd.f32 v8, v2;
	v3 =	vmul.f32 v8, v8  }
0x197: {  	v8 =	vmul.f32 v12, v12;
	v7 =	vadd.f32 v9, v7;
	v0 =	vadd.f32 v12, v0;
	v9 =	vld [tilespmem:s13+$0x7540]  }
0x198: {  	v11 =	vld [tilespmem:s18+$0x4540];
	v1 =	vadd.f32 v3, v1;
	v2 =	vadd.f32 v10, v2;
	v3 =	vmul.f32 v10, v10  }
0x199: {  	v7 =	vadd.f32 v8, v7;
	v0 =	vadd.f32 v6, v0;
	v6 =	vmul.f32 v6, v6;
	v8 =	vld [tilespmem:s13+$0x7D40]  }
0x19a: {  	v10 =	vld [tilespmem:s18+$0x4D40];
	v1 =	vadd.f32 v3, v1;
	v2 =	vadd.f32 v5, v2;
	v3 =	vmul.f32 v5, v5  }
0x19b: {  	v5 =	vadd.f32 v6, v7;
	v0 =	vadd.f32 v4, v0;
	v4 =	vmul.f32 v4, v4  }
0x19c: {  	v6 =	vld [tilespmem:s18+$0x5540];
	v1 =	vadd.f32 v3, v1;
	v2 =	vadd.f32 v9, v2;
	v3 =	vmul.f32 v9, v9  }
0x19d: {  	v4 =	vadd.f32 v4, v5;
	v0 =	vadd.f32 v11, v0;
	v5 =	vmul.f32 v11, v11  }
0x19e: {  	v7 =	vld [tilespmem:s18+$0x5D40];
	v1 =	vadd.f32 v3, v1;
	v2 =	vadd.f32 v8, v2  }
0x19f: {  	v3 =	vmul.f32 v8, v8;
	v4 =	vadd.f32 v5, v4;
	v5 =	vmul.f32 v10, v10  }
0x1a0: {  	v8 =	vld [tilespmem:s18+$0x6540];
	v0 =	vadd.f32 v10, v0  }
0x1a1: {  	v1 =	vadd.f32 v3, v1;
	[tilespmem:s13+$0x10D00] =	vst v2;
	v3 =	vmul.f32 v6, v6;
	v2 =	vadd.f32 v5, v4  }
0x1a2: {  	v0 =	vadd.f32 v6, v0;
	v4 =	vld [tilespmem:s18+$0x6D40]  }
0x1a3: {  	[tilespmem:s13+$0x14D00] =	vst v1;
	v1 =	vadd.f32 v3, v2;
	v2 =	vmul.f32 v7, v7  }
0x1a4: {  	v0 =	vadd.f32 v7, v0;
	v3 =	vld [tilespmem:s18+$0x7540]  }
0x1a5: {  	v1 =	vadd.f32 v2, v1;
	v2 =	vmul.f32 v8, v8  }
0x1a6: {  	v5 =	vld [tilespmem:s18+$0x7D40];
	v0 =	vadd.f32 v8, v0  }
0x1a7: {  	v1 =	vadd.f32 v2, v1;
	v2 =	vmul.f32 v4, v4  }
0x1a8: {  	v0 =	vadd.f32 v4, v0  }
0x1a9: {  	v1 =	vadd.f32 v2, v1;
	v2 =	vmul.f32 v3, v3  }
0x1aa: {  	v0 =	vadd.f32 v3, v0  }
0x1ab: {  	v1 =	vadd.f32 v2, v1;
	v2 =	vmul.f32 v5, v5  }
0x1ac: {  	v0 =	vadd.f32 v5, v0  }
0x1ad: {  	v1 =	vadd.f32 v2, v1  }
0x1ae: {  	[tilespmem:s18+$0x10D00] =	vst v0  }
0x1af: {  	s17 =	simm.s32 $0x0;
	[tilespmem:s18+$0x14D00] =	vst v1  }
0x1b0: {  	v0 =	vld [tilespmem:s17+$0x1D50]  }
0x1b1: {  	v1 =	vld [tilespmem:s17+$0x2550];
	_ =	sdelay $0x1  }
0x1b2: {  	v2 =	vld [tilespmem:s17+$0x2D50];
	_ =	sdelay $0x1  }
0x1b3: {  	v3 =	vld [tilespmem:s17+$0x3550]  }
0x1b4: {  	v4 =	vmul.f32 v0, v0;
	v0 =	vadd.f32 v1, v0;
	v1 =	vmul.f32 v1, v1  }
0x1b5: {  	v5 =	vld [tilespmem:s17+$0x3D50]  }
0x1b6: {  	v1 =	vadd.f32 v1, v4;
	v0 =	vadd.f32 v2, v0;
	v2 =	vmul.f32 v2, v2  }
0x1b7: {  	v4 =	vld [tilespmem:s17+$0x4550]  }
0x1b8: {  	v1 =	vadd.f32 v2, v1;
	v0 =	vadd.f32 v3, v0;
	v2 =	vmul.f32 v3, v3  }
0x1b9: {  	s13 =	simm.s32 $0x80;
	v3 =	vld [tilespmem:s17+$0x4D50]  }
0x1ba: {  	v6 =	vld [tilespmem:s13+$0x1D50];
	v1 =	vadd.f32 v2, v1;
	v0 =	vadd.f32 v5, v0;
	v2 =	vmul.f32 v5, v5  }
0x1bb: {  	v5 =	vld [tilespmem:s17+$0x5550]  }
0x1bc: {  	v7 =	vld [tilespmem:s13+$0x2550];
	v1 =	vadd.f32 v2, v1;
	v0 =	vadd.f32 v4, v0;
	v2 =	vmul.f32 v4, v4  }
0x1bd: {  	v4 =	vld [tilespmem:s17+$0x5D50]  }
0x1be: {  	v8 =	vld [tilespmem:s13+$0x2D50];
	v1 =	vadd.f32 v2, v1;
	v0 =	vadd.f32 v3, v0;
	v2 =	vmul.f32 v3, v3  }
0x1bf: {  	v3 =	vld [tilespmem:s17+$0x6550]  }
0x1c0: {  	v9 =	vld [tilespmem:s13+$0x3550];
	v1 =	vadd.f32 v2, v1;
	v0 =	vadd.f32 v5, v0;
	v2 =	vmul.f32 v5, v5  }
0x1c1: {  	v10 =	vld [tilespmem:s17+$0x6D50];
	v5 =	vmul.f32 v6, v6;
	v6 =	vadd.f32 v7, v6;
	v7 =	vmul.f32 v7, v7  }
0x1c2: {  	v11 =	vld [tilespmem:s13+$0x3D50];
	v2 =	vadd.f32 v2, v1;
	v0 =	vadd.f32 v4, v0;
	v4 =	vmul.f32 v4, v4  }
0x1c3: {  	v63 =	vld [tilespmem:s17+$0x7550];
	v5 =	vadd.f32 v7, v5;
	v6 =	vadd.f32 v8, v6;
	v7 =	vmul.f32 v8, v8  }
0x1c4: {  	v1 =	vld [tilespmem:s13+$0x4550];
	v8 =	vadd.f32 v4, v2;
	v0 =	vadd.f32 v3, v0;
	v3 =	vmul.f32 v3, v3  }
0x1c5: {  	v5 =	vadd.f32 v7, v5;
	v7 =	vadd.f32 v9, v6;
	v6 =	vmul.f32 v9, v9;
	v4 =	vld [tilespmem:s17+$0x7D50]  }
0x1c6: {  	v2 =	vld [tilespmem:s13+$0x4D50];
	v9 =	vadd.f32 v3, v8;
	v13 =	vadd.f32 v10, v0;
	v10 =	vmul.f32 v10, v10  }
0x1c7: {  	s18 =	simm.s32 $0x100;
	v6 =	vadd.f32 v6, v5;
	v5 =	vadd.f32 v11, v7;
	v8 =	vmul.f32 v11, v11;
	v3 =	vld [tilespmem:s13+$0x5550]  }
0x1c8: {  	s21 =	simm.s32 $0x600;
	s19 =	simm.s32 $0x80;
	s20 =	simm.s32 $0x0;
	v0 =	vld [tilespmem:s18+$0x1D50];
	v7 =	vadd.f32 v10, v9;
	v9 =	vadd.f32 v63, v13;
	v10 =	vmul.f32 v63, v63  }
.LBB2_12:
0x1c9: {  	p0 =	sne.s32 s21, $0x1E00;
	v11 =	vld [tilespmem:s18+$0x2550];
	v6 =	vadd.f32 v8, v6;
	v5 =	vadd.f32 v1, v5;
	v1 =	vmul.f32 v1, v1  }
0x1ca: {  	v8 =	vld [tilespmem:s19+$0x5D50];
	v7 =	vadd.f32 v10, v7;
	v9 =	vadd.f32 v4, v9;
	v4 =	vmul.f32 v4, v4  }
0x1cb: {  	v10 =	vld [tilespmem:s18+$0x2D50];
	v1 =	vadd.f32 v1, v6;
	v5 =	vadd.f32 v2, v5;
	v2 =	vmul.f32 v2, v2  }
0x1cc: {  	v6 =	vld [tilespmem:s19+$0x6550];
	v4 =	vadd.f32 v4, v7;
	[tilespmem:s20+$0x11500] =	vst v9  }
0x1cd: {  	v7 =	vld [tilespmem:s18+$0x3550];
	v1 =	vadd.f32 v2, v1;
	v2 =	vadd.f32 v3, v5;
	v3 =	vmul.f32 v3, v3  }
0x1ce: {  	v5 =	vmul.f32 v0, v0;
	v0 =	vadd.f32 v11, v0;
	v9 =	vmul.f32 v11, v11;
	v11 =	vld [tilespmem:s19+$0x6D50];
	[tilespmem:s20+$0x15500] =	vst v4;
	s20 =	smov.u32 s19;
	s19 =	smov.u32 s18  }
0x1cf: {  	v12 =	vld [tilespmem:s19+$0x3D50];
	v3 =	vadd.f32 v3, v1;
	v2 =	vadd.f32 v8, v2;
	v4 =	vmul.f32 v8, v8  }
0x1d0: {  	v5 =	vadd.f32 v9, v5;
	v0 =	vadd.f32 v10, v0;
	v8 =	vmul.f32 v10, v10;
	v10 =	vld [tilespmem:s20+$0x7550]  }
.Ltmp5:
0x1d1: {  	v1 =	vld [tilespmem:s19+$0x4550];
	v3 =	vadd.f32 v4, v3;
	v9 =	vadd.f32 v6, v2;
	v6 =	vmul.f32 v6, v6;
	(pc) =	sbr.rel @p0 .LBB2_12-.Ltmp5, $4  }
0x1d2: {  	v5 =	vadd.f32 v8, v5;
	v0 =	vadd.f32 v7, v0;
	v7 =	vmul.f32 v7, v7;
	v4 =	vld [tilespmem:s20+$0x7D50]  }
0x1d3: {  	v2 =	vld [tilespmem:s19+$0x4D50];
	v13 =	vadd.f32 v6, v3;
	v9 =	vadd.f32 v11, v9;
	v11 =	vmul.f32 v11, v11  }
0x1d4: {  	s18 =	sshra.s32 s21, $0x2;
	v6 =	vadd.f32 v7, v5;
	v5 =	vadd.f32 v12, v0;
	v8 =	vmul.f32 v12, v12;
	v3 =	vld [tilespmem:s19+$0x5550]  }
0x1d5: {  	s21 =	sadd.s32 $0x200, s21;
	v0 =	vld [tilespmem:s18+$0x1D50];
	v7 =	vadd.f32 v11, v13;
	v9 =	vadd.f32 v10, v9;
	v10 =	vmul.f32 v10, v10  }
0x1d6: {  	v11 =	vld [tilespmem:s18+$0x2550];
	v6 =	vadd.f32 v8, v6;
	v5 =	vadd.f32 v1, v5;
	v1 =	vmul.f32 v1, v1  }
0x1d7: {  	v8 =	vld [tilespmem:s19+$0x5D50];
	v9 =	vadd.f32 v4, v9;
	v7 =	vadd.f32 v10, v7;
	v4 =	vmul.f32 v4, v4  }
0x1d8: {  	v12 =	vld [tilespmem:s18+$0x2D50];
	v1 =	vadd.f32 v1, v6;
	v5 =	vadd.f32 v2, v5;
	v2 =	vmul.f32 v2, v2  }
0x1d9: {  	v10 =	vld [tilespmem:s19+$0x6550];
	[tilespmem:s20+$0x11500] =	vst v9;
	v4 =	vadd.f32 v4, v7  }
0x1da: {  	v6 =	vld [tilespmem:s18+$0x3550];
	v1 =	vadd.f32 v2, v1;
	v2 =	vadd.f32 v3, v5;
	v3 =	vmul.f32 v3, v3  }
0x1db: {  	v5 =	vld [tilespmem:s19+$0x6D50];
	v7 =	vmul.f32 v0, v0;
	v0 =	vadd.f32 v11, v0;
	v9 =	vmul.f32 v11, v11;
	[tilespmem:s20+$0x15500] =	vst v4  }
0x1dc: {  	v4 =	vld [tilespmem:s18+$0x3D50];
	v1 =	vadd.f32 v3, v1;
	v2 =	vadd.f32 v8, v2;
	v3 =	vmul.f32 v8, v8  }
0x1dd: {  	v8 =	vmul.f32 v12, v12;
	v7 =	vadd.f32 v9, v7;
	v0 =	vadd.f32 v12, v0;
	v9 =	vld [tilespmem:s19+$0x7550]  }
0x1de: {  	v11 =	vld [tilespmem:s18+$0x4550];
	v1 =	vadd.f32 v3, v1;
	v2 =	vadd.f32 v10, v2;
	v3 =	vmul.f32 v10, v10  }
0x1df: {  	v7 =	vadd.f32 v8, v7;
	v0 =	vadd.f32 v6, v0;
	v6 =	vmul.f32 v6, v6;
	v8 =	vld [tilespmem:s19+$0x7D50]  }
0x1e0: {  	v10 =	vld [tilespmem:s18+$0x4D50];
	v1 =	vadd.f32 v3, v1;
	v2 =	vadd.f32 v5, v2;
	v3 =	vmul.f32 v5, v5  }
0x1e1: {  	v5 =	vadd.f32 v6, v7;
	v0 =	vadd.f32 v4, v0;
	v4 =	vmul.f32 v4, v4  }
0x1e2: {  	v6 =	vld [tilespmem:s18+$0x5550];
	v1 =	vadd.f32 v3, v1;
	v2 =	vadd.f32 v9, v2;
	v3 =	vmul.f32 v9, v9  }
0x1e3: {  	v4 =	vadd.f32 v4, v5;
	v0 =	vadd.f32 v11, v0;
	v5 =	vmul.f32 v11, v11  }
0x1e4: {  	v7 =	vld [tilespmem:s18+$0x5D50];
	v1 =	vadd.f32 v3, v1;
	v2 =	vadd.f32 v8, v2  }
0x1e5: {  	v3 =	vmul.f32 v8, v8;
	v4 =	vadd.f32 v5, v4;
	v5 =	vmul.f32 v10, v10  }
0x1e6: {  	v8 =	vld [tilespmem:s18+$0x6550];
	v0 =	vadd.f32 v10, v0  }
0x1e7: {  	v1 =	vadd.f32 v3, v1;
	[tilespmem:s19+$0x11500] =	vst v2;
	v3 =	vmul.f32 v6, v6;
	v2 =	vadd.f32 v5, v4  }
0x1e8: {  	v0 =	vadd.f32 v6, v0;
	v4 =	vld [tilespmem:s18+$0x6D50]  }
0x1e9: {  	[tilespmem:s19+$0x15500] =	vst v1;
	v1 =	vadd.f32 v3, v2;
	v2 =	vmul.f32 v7, v7  }
0x1ea: {  	v0 =	vadd.f32 v7, v0;
	v3 =	vld [tilespmem:s18+$0x7550]  }
0x1eb: {  	v1 =	vadd.f32 v2, v1;
	v2 =	vmul.f32 v8, v8  }
0x1ec: {  	v5 =	vld [tilespmem:s18+$0x7D50];
	v0 =	vadd.f32 v8, v0  }
0x1ed: {  	v1 =	vadd.f32 v2, v1;
	v2 =	vmul.f32 v4, v4  }
0x1ee: {  	v0 =	vadd.f32 v4, v0  }
0x1ef: {  	v1 =	vadd.f32 v2, v1;
	v2 =	vmul.f32 v3, v3  }
0x1f0: {  	v0 =	vadd.f32 v3, v0  }
0x1f1: {  	v1 =	vadd.f32 v2, v1;
	v2 =	vmul.f32 v5, v5  }
0x1f2: {  	v0 =	vadd.f32 v5, v0  }
0x1f3: {  	v1 =	vadd.f32 v2, v1  }
0x1f4: {  	[tilespmem:s18+$0x11500] =	vst v0  }
0x1f5: {  	[tilespmem:s18+$0x15500] =	vst v1  }
0x1f6: {  	v0 =	vld [tilespmem:s17+$0x1D60]  }
0x1f7: {  	v1 =	vld [tilespmem:s17+$0x2560];
	_ =	sdelay $0x1  }
0x1f8: {  	v2 =	vld [tilespmem:s17+$0x2D60];
	_ =	sdelay $0x1  }
0x1f9: {  	v3 =	vld [tilespmem:s17+$0x3560]  }
0x1fa: {  	v4 =	vmul.f32 v0, v0;
	v0 =	vadd.f32 v1, v0;
	v1 =	vmul.f32 v1, v1  }
0x1fb: {  	v5 =	vld [tilespmem:s17+$0x3D60]  }
0x1fc: {  	v1 =	vadd.f32 v1, v4;
	v0 =	vadd.f32 v2, v0;
	v2 =	vmul.f32 v2, v2  }
0x1fd: {  	v4 =	vld [tilespmem:s17+$0x4560]  }
0x1fe: {  	v1 =	vadd.f32 v2, v1;
	v0 =	vadd.f32 v3, v0;
	v2 =	vmul.f32 v3, v3  }
0x1ff: {  	v3 =	vld [tilespmem:s17+$0x4D60]  }
0x200: {  	v6 =	vld [tilespmem:s13+$0x1D60];
	v1 =	vadd.f32 v2, v1;
	v0 =	vadd.f32 v5, v0;
	v2 =	vmul.f32 v5, v5  }
0x201: {  	v5 =	vld [tilespmem:s17+$0x5560]  }
0x202: {  	v7 =	vld [tilespmem:s13+$0x2560];
	v1 =	vadd.f32 v2, v1;
	v0 =	vadd.f32 v4, v0;
	v2 =	vmul.f32 v4, v4  }
0x203: {  	v4 =	vld [tilespmem:s17+$0x5D60]  }
0x204: {  	v8 =	vld [tilespmem:s13+$0x2D60];
	v1 =	vadd.f32 v2, v1;
	v0 =	vadd.f32 v3, v0;
	v2 =	vmul.f32 v3, v3  }
0x205: {  	v3 =	vld [tilespmem:s17+$0x6560]  }
0x206: {  	v9 =	vld [tilespmem:s13+$0x3560];
	v1 =	vadd.f32 v2, v1;
	v0 =	vadd.f32 v5, v0;
	v2 =	vmul.f32 v5, v5  }
0x207: {  	v10 =	vld [tilespmem:s17+$0x6D60];
	v5 =	vmul.f32 v6, v6;
	v6 =	vadd.f32 v7, v6;
	v7 =	vmul.f32 v7, v7  }
0x208: {  	v11 =	vld [tilespmem:s13+$0x3D60];
	v2 =	vadd.f32 v2, v1;
	v0 =	vadd.f32 v4, v0;
	v4 =	vmul.f32 v4, v4  }
0x209: {  	v63 =	vld [tilespmem:s17+$0x7560];
	v5 =	vadd.f32 v7, v5;
	v6 =	vadd.f32 v8, v6;
	v7 =	vmul.f32 v8, v8  }
0x20a: {  	v1 =	vld [tilespmem:s13+$0x4560];
	v8 =	vadd.f32 v4, v2;
	v0 =	vadd.f32 v3, v0;
	v3 =	vmul.f32 v3, v3  }
0x20b: {  	v5 =	vadd.f32 v7, v5;
	v7 =	vadd.f32 v9, v6;
	v6 =	vmul.f32 v9, v9;
	v4 =	vld [tilespmem:s17+$0x7D60]  }
0x20c: {  	v2 =	vld [tilespmem:s13+$0x4D60];
	v9 =	vadd.f32 v3, v8;
	v13 =	vadd.f32 v10, v0;
	v10 =	vmul.f32 v10, v10  }
0x20d: {  	s18 =	simm.s32 $0x100;
	v6 =	vadd.f32 v6, v5;
	v5 =	vadd.f32 v11, v7;
	v8 =	vmul.f32 v11, v11;
	v3 =	vld [tilespmem:s13+$0x5560]  }
0x20e: {  	s19 =	simm.s32 $0x600;
	v0 =	vld [tilespmem:s18+$0x1D60];
	v7 =	vadd.f32 v10, v9;
	v9 =	vadd.f32 v63, v13;
	v10 =	vmul.f32 v63, v63  }
.LBB2_14:
0x20f: {  	p0 =	sne.s32 s19, $0x1E00;
	v11 =	vld [tilespmem:s18+$0x2560];
	v6 =	vadd.f32 v8, v6;
	v5 =	vadd.f32 v1, v5;
	v1 =	vmul.f32 v1, v1  }
0x210: {  	v8 =	vld [tilespmem:s13+$0x5D60];
	v7 =	vadd.f32 v10, v7;
	v9 =	vadd.f32 v4, v9;
	v4 =	vmul.f32 v4, v4  }
0x211: {  	v10 =	vld [tilespmem:s18+$0x2D60];
	v1 =	vadd.f32 v1, v6;
	v5 =	vadd.f32 v2, v5;
	v2 =	vmul.f32 v2, v2  }
0x212: {  	v6 =	vld [tilespmem:s13+$0x6560];
	v4 =	vadd.f32 v4, v7;
	[tilespmem:s17+$0x11D00] =	vst v9  }
0x213: {  	v7 =	vld [tilespmem:s18+$0x3560];
	v1 =	vadd.f32 v2, v1;
	v2 =	vadd.f32 v3, v5;
	v3 =	vmul.f32 v3, v3  }
0x214: {  	v5 =	vmul.f32 v0, v0;
	v0 =	vadd.f32 v11, v0;
	v9 =	vmul.f32 v11, v11;
	v11 =	vld [tilespmem:s13+$0x6D60];
	[tilespmem:s17+$0x15D00] =	vst v4;
	s17 =	smov.u32 s13;
	s13 =	smov.u32 s18  }
0x215: {  	v12 =	vld [tilespmem:s13+$0x3D60];
	v3 =	vadd.f32 v3, v1;
	v2 =	vadd.f32 v8, v2;
	v4 =	vmul.f32 v8, v8  }
0x216: {  	v5 =	vadd.f32 v9, v5;
	v0 =	vadd.f32 v10, v0;
	v8 =	vmul.f32 v10, v10;
	v10 =	vld [tilespmem:s17+$0x7560]  }
.Ltmp6:
0x217: {  	v1 =	vld [tilespmem:s13+$0x4560];
	v3 =	vadd.f32 v4, v3;
	v9 =	vadd.f32 v6, v2;
	v6 =	vmul.f32 v6, v6;
	(pc) =	sbr.rel @p0 .LBB2_14-.Ltmp6, $4  }
0x218: {  	v5 =	vadd.f32 v8, v5;
	v0 =	vadd.f32 v7, v0;
	v7 =	vmul.f32 v7, v7;
	v4 =	vld [tilespmem:s17+$0x7D60]  }
0x219: {  	v2 =	vld [tilespmem:s13+$0x4D60];
	v13 =	vadd.f32 v6, v3;
	v9 =	vadd.f32 v11, v9;
	v11 =	vmul.f32 v11, v11  }
0x21a: {  	s18 =	sshra.s32 s19, $0x2;
	v6 =	vadd.f32 v7, v5;
	v5 =	vadd.f32 v12, v0;
	v8 =	vmul.f32 v12, v12;
	v3 =	vld [tilespmem:s13+$0x5560]  }
0x21b: {  	s19 =	sadd.s32 $0x200, s19;
	v0 =	vld [tilespmem:s18+$0x1D60];
	v7 =	vadd.f32 v11, v13;
	v9 =	vadd.f32 v10, v9;
	v10 =	vmul.f32 v10, v10  }
0x21c: {  	v11 =	vld [tilespmem:s18+$0x2560];
	v6 =	vadd.f32 v8, v6;
	v5 =	vadd.f32 v1, v5;
	v1 =	vmul.f32 v1, v1  }
0x21d: {  	v8 =	vld [tilespmem:s13+$0x5D60];
	v9 =	vadd.f32 v4, v9;
	v7 =	vadd.f32 v10, v7;
	v4 =	vmul.f32 v4, v4  }
0x21e: {  	v12 =	vld [tilespmem:s18+$0x2D60];
	v1 =	vadd.f32 v1, v6;
	v5 =	vadd.f32 v2, v5;
	v2 =	vmul.f32 v2, v2  }
0x21f: {  	v10 =	vld [tilespmem:s13+$0x6560];
	[tilespmem:s17+$0x11D00] =	vst v9;
	v4 =	vadd.f32 v4, v7  }
0x220: {  	v6 =	vld [tilespmem:s18+$0x3560];
	v1 =	vadd.f32 v2, v1;
	v2 =	vadd.f32 v3, v5;
	v3 =	vmul.f32 v3, v3  }
0x221: {  	v5 =	vld [tilespmem:s13+$0x6D60];
	v7 =	vmul.f32 v0, v0;
	v0 =	vadd.f32 v11, v0;
	v9 =	vmul.f32 v11, v11;
	[tilespmem:s17+$0x15D00] =	vst v4  }
0x222: {  	v4 =	vld [tilespmem:s18+$0x3D60];
	v1 =	vadd.f32 v3, v1;
	v2 =	vadd.f32 v8, v2;
	v3 =	vmul.f32 v8, v8  }
0x223: {  	v8 =	vmul.f32 v12, v12;
	v7 =	vadd.f32 v9, v7;
	v0 =	vadd.f32 v12, v0;
	v9 =	vld [tilespmem:s13+$0x7560]  }
0x224: {  	v11 =	vld [tilespmem:s18+$0x4560];
	v1 =	vadd.f32 v3, v1;
	v2 =	vadd.f32 v10, v2;
	v3 =	vmul.f32 v10, v10  }
0x225: {  	v7 =	vadd.f32 v8, v7;
	v0 =	vadd.f32 v6, v0;
	v6 =	vmul.f32 v6, v6;
	v8 =	vld [tilespmem:s13+$0x7D60]  }
0x226: {  	v10 =	vld [tilespmem:s18+$0x4D60];
	v1 =	vadd.f32 v3, v1;
	v2 =	vadd.f32 v5, v2;
	v3 =	vmul.f32 v5, v5  }
0x227: {  	v5 =	vadd.f32 v6, v7;
	v0 =	vadd.f32 v4, v0;
	v4 =	vmul.f32 v4, v4  }
0x228: {  	v6 =	vld [tilespmem:s18+$0x5560];
	v1 =	vadd.f32 v3, v1;
	v2 =	vadd.f32 v9, v2;
	v3 =	vmul.f32 v9, v9  }
0x229: {  	v4 =	vadd.f32 v4, v5;
	v0 =	vadd.f32 v11, v0;
	v5 =	vmul.f32 v11, v11  }
0x22a: {  	v7 =	vld [tilespmem:s18+$0x5D60];
	v1 =	vadd.f32 v3, v1;
	v2 =	vadd.f32 v8, v2  }
0x22b: {  	v3 =	vmul.f32 v8, v8;
	v4 =	vadd.f32 v5, v4;
	v5 =	vmul.f32 v10, v10  }
0x22c: {  	v8 =	vld [tilespmem:s18+$0x6560];
	v0 =	vadd.f32 v10, v0  }
0x22d: {  	v1 =	vadd.f32 v3, v1;
	[tilespmem:s13+$0x11D00] =	vst v2;
	v3 =	vmul.f32 v6, v6;
	v2 =	vadd.f32 v5, v4  }
0x22e: {  	v0 =	vadd.f32 v6, v0;
	v4 =	vld [tilespmem:s18+$0x6D60]  }
0x22f: {  	[tilespmem:s13+$0x15D00] =	vst v1;
	v1 =	vadd.f32 v3, v2;
	v2 =	vmul.f32 v7, v7  }
0x230: {  	v0 =	vadd.f32 v7, v0;
	v3 =	vld [tilespmem:s18+$0x7560]  }
0x231: {  	v1 =	vadd.f32 v2, v1;
	v2 =	vmul.f32 v8, v8  }
0x232: {  	v5 =	vld [tilespmem:s18+$0x7D60];
	v0 =	vadd.f32 v8, v0  }
0x233: {  	v1 =	vadd.f32 v2, v1;
	v2 =	vmul.f32 v4, v4  }
0x234: {  	v0 =	vadd.f32 v4, v0  }
0x235: {  	v1 =	vadd.f32 v2, v1;
	v2 =	vmul.f32 v3, v3  }
0x236: {  	v0 =	vadd.f32 v3, v0  }
0x237: {  	v1 =	vadd.f32 v2, v1;
	v2 =	vmul.f32 v5, v5  }
0x238: {  	v0 =	vadd.f32 v5, v0  }
0x239: {  	v1 =	vadd.f32 v2, v1  }
0x23a: {  	[tilespmem:s18+$0x11D00] =	vst v0  }
0x23b: {  	s17 =	simm.s32 $0x0;
	[tilespmem:s18+$0x15D00] =	vst v1  }
0x23c: {  	v0 =	vld [tilespmem:s17+$0x1D70]  }
0x23d: {  	v1 =	vld [tilespmem:s17+$0x2570];
	_ =	sdelay $0x1  }
0x23e: {  	v2 =	vld [tilespmem:s17+$0x2D70];
	_ =	sdelay $0x1  }
0x23f: {  	v3 =	vld [tilespmem:s17+$0x3570]  }
0x240: {  	v4 =	vmul.f32 v0, v0;
	v0 =	vadd.f32 v1, v0;
	v1 =	vmul.f32 v1, v1  }
0x241: {  	v5 =	vld [tilespmem:s17+$0x3D70]  }
0x242: {  	v1 =	vadd.f32 v1, v4;
	v0 =	vadd.f32 v2, v0;
	v2 =	vmul.f32 v2, v2  }
0x243: {  	v4 =	vld [tilespmem:s17+$0x4570]  }
0x244: {  	v1 =	vadd.f32 v2, v1;
	v0 =	vadd.f32 v3, v0;
	v2 =	vmul.f32 v3, v3  }
0x245: {  	s13 =	simm.s32 $0x80;
	v3 =	vld [tilespmem:s17+$0x4D70]  }
0x246: {  	v6 =	vld [tilespmem:s13+$0x1D70];
	v1 =	vadd.f32 v2, v1;
	v0 =	vadd.f32 v5, v0;
	v2 =	vmul.f32 v5, v5  }
0x247: {  	v5 =	vld [tilespmem:s17+$0x5570]  }
0x248: {  	v7 =	vld [tilespmem:s13+$0x2570];
	v1 =	vadd.f32 v2, v1;
	v0 =	vadd.f32 v4, v0;
	v2 =	vmul.f32 v4, v4  }
0x249: {  	v4 =	vld [tilespmem:s17+$0x5D70]  }
0x24a: {  	v8 =	vld [tilespmem:s13+$0x2D70];
	v1 =	vadd.f32 v2, v1;
	v0 =	vadd.f32 v3, v0;
	v2 =	vmul.f32 v3, v3  }
0x24b: {  	v3 =	vld [tilespmem:s17+$0x6570]  }
0x24c: {  	v9 =	vld [tilespmem:s13+$0x3570];
	v1 =	vadd.f32 v2, v1;
	v0 =	vadd.f32 v5, v0;
	v2 =	vmul.f32 v5, v5  }
0x24d: {  	v10 =	vld [tilespmem:s17+$0x6D70];
	v5 =	vmul.f32 v6, v6;
	v6 =	vadd.f32 v7, v6;
	v7 =	vmul.f32 v7, v7  }
0x24e: {  	v11 =	vld [tilespmem:s13+$0x3D70];
	v2 =	vadd.f32 v2, v1;
	v0 =	vadd.f32 v4, v0;
	v4 =	vmul.f32 v4, v4  }
0x24f: {  	v63 =	vld [tilespmem:s17+$0x7570];
	v5 =	vadd.f32 v7, v5;
	v6 =	vadd.f32 v8, v6;
	v7 =	vmul.f32 v8, v8  }
0x250: {  	v1 =	vld [tilespmem:s13+$0x4570];
	v8 =	vadd.f32 v4, v2;
	v0 =	vadd.f32 v3, v0;
	v3 =	vmul.f32 v3, v3  }
0x251: {  	v5 =	vadd.f32 v7, v5;
	v7 =	vadd.f32 v9, v6;
	v6 =	vmul.f32 v9, v9;
	v4 =	vld [tilespmem:s17+$0x7D70]  }
0x252: {  	v2 =	vld [tilespmem:s13+$0x4D70];
	v9 =	vadd.f32 v3, v8;
	v13 =	vadd.f32 v10, v0;
	v10 =	vmul.f32 v10, v10  }
0x253: {  	s18 =	simm.s32 $0x100;
	v6 =	vadd.f32 v6, v5;
	v5 =	vadd.f32 v11, v7;
	v8 =	vmul.f32 v11, v11;
	v3 =	vld [tilespmem:s13+$0x5570]  }
0x254: {  	s19 =	simm.s32 $0x600;
	v0 =	vld [tilespmem:s18+$0x1D70];
	v7 =	vadd.f32 v10, v9;
	v9 =	vadd.f32 v63, v13;
	v10 =	vmul.f32 v63, v63  }
.LBB2_16:
0x255: {  	p0 =	sne.s32 s19, $0x1E00;
	v11 =	vld [tilespmem:s18+$0x2570];
	v6 =	vadd.f32 v8, v6;
	v5 =	vadd.f32 v1, v5;
	v1 =	vmul.f32 v1, v1  }
0x256: {  	v8 =	vld [tilespmem:s13+$0x5D70];
	v7 =	vadd.f32 v10, v7;
	v9 =	vadd.f32 v4, v9;
	v4 =	vmul.f32 v4, v4  }
0x257: {  	v10 =	vld [tilespmem:s18+$0x2D70];
	v1 =	vadd.f32 v1, v6;
	v5 =	vadd.f32 v2, v5;
	v2 =	vmul.f32 v2, v2  }
0x258: {  	v6 =	vld [tilespmem:s13+$0x6570];
	v4 =	vadd.f32 v4, v7;
	[tilespmem:s17+$0x12500] =	vst v9  }
0x259: {  	v7 =	vld [tilespmem:s18+$0x3570];
	v1 =	vadd.f32 v2, v1;
	v2 =	vadd.f32 v3, v5;
	v3 =	vmul.f32 v3, v3  }
0x25a: {  	v5 =	vmul.f32 v0, v0;
	v0 =	vadd.f32 v11, v0;
	v9 =	vmul.f32 v11, v11;
	v11 =	vld [tilespmem:s13+$0x6D70];
	[tilespmem:s17+$0x16500] =	vst v4;
	s17 =	smov.u32 s13;
	s13 =	smov.u32 s18  }
0x25b: {  	v12 =	vld [tilespmem:s13+$0x3D70];
	v3 =	vadd.f32 v3, v1;
	v2 =	vadd.f32 v8, v2;
	v4 =	vmul.f32 v8, v8  }
0x25c: {  	v5 =	vadd.f32 v9, v5;
	v0 =	vadd.f32 v10, v0;
	v8 =	vmul.f32 v10, v10;
	v10 =	vld [tilespmem:s17+$0x7570]  }
.Ltmp7:
0x25d: {  	v1 =	vld [tilespmem:s13+$0x4570];
	v3 =	vadd.f32 v4, v3;
	v9 =	vadd.f32 v6, v2;
	v6 =	vmul.f32 v6, v6;
	(pc) =	sbr.rel @p0 .LBB2_16-.Ltmp7, $4  }
0x25e: {  	v5 =	vadd.f32 v8, v5;
	v0 =	vadd.f32 v7, v0;
	v7 =	vmul.f32 v7, v7;
	v4 =	vld [tilespmem:s17+$0x7D70]  }
0x25f: {  	v2 =	vld [tilespmem:s13+$0x4D70];
	v13 =	vadd.f32 v6, v3;
	v9 =	vadd.f32 v11, v9;
	v11 =	vmul.f32 v11, v11  }
0x260: {  	s18 =	sshra.s32 s19, $0x2;
	v6 =	vadd.f32 v7, v5;
	v5 =	vadd.f32 v12, v0;
	v8 =	vmul.f32 v12, v12;
	v3 =	vld [tilespmem:s13+$0x5570]  }
0x261: {  	s19 =	sadd.s32 $0x200, s19;
	v0 =	vld [tilespmem:s18+$0x1D70];
	v7 =	vadd.f32 v11, v13;
	v9 =	vadd.f32 v10, v9;
	v10 =	vmul.f32 v10, v10  }
0x262: {  	v11 =	vld [tilespmem:s18+$0x2570];
	v6 =	vadd.f32 v8, v6;
	v5 =	vadd.f32 v1, v5;
	v1 =	vmul.f32 v1, v1  }
0x263: {  	v8 =	vld [tilespmem:s13+$0x5D70];
	v9 =	vadd.f32 v4, v9;
	v7 =	vadd.f32 v10, v7;
	v4 =	vmul.f32 v4, v4  }
0x264: {  	v12 =	vld [tilespmem:s18+$0x2D70];
	v1 =	vadd.f32 v1, v6;
	v5 =	vadd.f32 v2, v5;
	v2 =	vmul.f32 v2, v2  }
0x265: {  	v10 =	vld [tilespmem:s13+$0x6570];
	[tilespmem:s17+$0x12500] =	vst v9;
	v4 =	vadd.f32 v4, v7  }
0x266: {  	v6 =	vld [tilespmem:s18+$0x3570];
	v1 =	vadd.f32 v2, v1;
	v2 =	vadd.f32 v3, v5;
	v3 =	vmul.f32 v3, v3  }
0x267: {  	v5 =	vld [tilespmem:s13+$0x6D70];
	v7 =	vmul.f32 v0, v0;
	v0 =	vadd.f32 v11, v0;
	v9 =	vmul.f32 v11, v11;
	[tilespmem:s17+$0x16500] =	vst v4  }
0x268: {  	v4 =	vld [tilespmem:s18+$0x3D70];
	v1 =	vadd.f32 v3, v1;
	v2 =	vadd.f32 v8, v2;
	v3 =	vmul.f32 v8, v8  }
0x269: {  	v8 =	vmul.f32 v12, v12;
	v7 =	vadd.f32 v9, v7;
	v0 =	vadd.f32 v12, v0;
	v9 =	vld [tilespmem:s13+$0x7570]  }
0x26a: {  	v11 =	vld [tilespmem:s18+$0x4570];
	v1 =	vadd.f32 v3, v1;
	v2 =	vadd.f32 v10, v2;
	v3 =	vmul.f32 v10, v10  }
0x26b: {  	v7 =	vadd.f32 v8, v7;
	v0 =	vadd.f32 v6, v0;
	v6 =	vmul.f32 v6, v6;
	v8 =	vld [tilespmem:s13+$0x7D70]  }
0x26c: {  	v10 =	vld [tilespmem:s18+$0x4D70];
	v1 =	vadd.f32 v3, v1;
	v2 =	vadd.f32 v5, v2;
	v3 =	vmul.f32 v5, v5  }
0x26d: {  	v5 =	vadd.f32 v6, v7;
	v0 =	vadd.f32 v4, v0;
	v4 =	vmul.f32 v4, v4  }
0x26e: {  	v6 =	vld [tilespmem:s18+$0x5570];
	v1 =	vadd.f32 v3, v1;
	v2 =	vadd.f32 v9, v2;
	v3 =	vmul.f32 v9, v9  }
0x26f: {  	v4 =	vadd.f32 v4, v5;
	v0 =	vadd.f32 v11, v0;
	v5 =	vmul.f32 v11, v11  }
0x270: {  	v7 =	vld [tilespmem:s18+$0x5D70];
	v1 =	vadd.f32 v3, v1;
	v2 =	vadd.f32 v8, v2  }
0x271: {  	v3 =	vmul.f32 v8, v8;
	v4 =	vadd.f32 v5, v4;
	v5 =	vmul.f32 v10, v10  }
0x272: {  	v8 =	vld [tilespmem:s18+$0x6570];
	v0 =	vadd.f32 v10, v0  }
0x273: {  	v1 =	vadd.f32 v3, v1;
	[tilespmem:s13+$0x12500] =	vst v2;
	v3 =	vmul.f32 v6, v6;
	v2 =	vadd.f32 v5, v4  }
0x274: {  	v0 =	vadd.f32 v6, v0;
	v4 =	vld [tilespmem:s18+$0x6D70]  }
0x275: {  	[tilespmem:s13+$0x16500] =	vst v1;
	v1 =	vadd.f32 v3, v2;
	v2 =	vmul.f32 v7, v7  }
0x276: {  	v0 =	vadd.f32 v7, v0;
	v3 =	vld [tilespmem:s18+$0x7570]  }
0x277: {  	v1 =	vadd.f32 v2, v1;
	v2 =	vmul.f32 v8, v8  }
0x278: {  	v5 =	vld [tilespmem:s18+$0x7D70];
	v0 =	vadd.f32 v8, v0  }
0x279: {  	v1 =	vadd.f32 v2, v1;
	v2 =	vmul.f32 v4, v4  }
0x27a: {  	v0 =	vadd.f32 v4, v0  }
0x27b: {  	v1 =	vadd.f32 v2, v1;
	v2 =	vmul.f32 v3, v3  }
0x27c: {  	v0 =	vadd.f32 v3, v0  }
0x27d: {  	v1 =	vadd.f32 v2, v1;
	v2 =	vmul.f32 v5, v5  }
0x27e: {  	v0 =	vadd.f32 v5, v0  }
0x27f: {  	v1 =	vadd.f32 v2, v1  }
0x280: {  	[tilespmem:s18+$0x12500] =	vst v0  }
0x281: {  	[tilespmem:s18+$0x16500] =	vst v1  }
0x282: {  	_ =	swait.ge [sflag:s31], $0x6800  }
0x283: {  	[sflag:s31] =	ssyncset.done $0x0  }
0x284: {  	s21 =	simm.s32 $0x0;
	[sflag:s31] =	ssyncadd.s32 $0xFFFF9800  }
0x285: {  	v0 =	vld [tilespmem:s21+$0x8500]  }
0x286: {  	v1 =	vld [tilespmem:s21+$0x8D00];
	_ =	sdelay $0x1  }
0x287: {  	v2 =	vld [tilespmem:s21+$0x9500];
	_ =	sdelay $0x1  }
0x288: {  	v3 =	vld [tilespmem:s21+$0x9D00]  }
0x289: {  	v4 =	vmul.f32 v0, v0;
	v0 =	vadd.f32 v1, v0;
	v1 =	vmul.f32 v1, v1  }
0x28a: {  	v5 =	vld [tilespmem:s21+$0xA500]  }
0x28b: {  	v1 =	vadd.f32 v1, v4;
	v0 =	vadd.f32 v2, v0;
	v2 =	vmul.f32 v2, v2  }
0x28c: {  	v4 =	vld [tilespmem:s21+$0xAD00]  }
0x28d: {  	v1 =	vadd.f32 v2, v1;
	v0 =	vadd.f32 v3, v0;
	v2 =	vmul.f32 v3, v3  }
0x28e: {  	v3 =	vld [tilespmem:s21+$0xB500]  }
0x28f: {  	v1 =	vadd.f32 v2, v1;
	v0 =	vadd.f32 v5, v0;
	v2 =	vmul.f32 v5, v5  }
0x290: {  	s13 =	simm.s32 $0x80;
	v5 =	vld [tilespmem:s21+$0xBD00]  }
0x291: {  	v6 =	vld [tilespmem:s13+$0x8500];
	v1 =	vadd.f32 v2, v1;
	v0 =	vadd.f32 v4, v0;
	v2 =	vmul.f32 v4, v4  }
0x292: {  	v4 =	vld [tilespmem:s21+$0xC500]  }
0x293: {  	v7 =	vld [tilespmem:s13+$0x8D00];
	v1 =	vadd.f32 v2, v1;
	v0 =	vadd.f32 v3, v0;
	v2 =	vmul.f32 v3, v3  }
0x294: {  	v3 =	vld [tilespmem:s21+$0xCD00]  }
0x295: {  	v8 =	vld [tilespmem:s13+$0x9500];
	v1 =	vadd.f32 v2, v1;
	v0 =	vadd.f32 v5, v0;
	v2 =	vmul.f32 v5, v5  }
0x296: {  	v5 =	vld [tilespmem:s21+$0xD500]  }
0x297: {  	v10 =	vld [tilespmem:s13+$0x9D00];
	v9 =	vmul.f32 v4, v4;
	v1 =	vadd.f32 v2, v1;
	v0 =	vadd.f32 v4, v0  }
0x298: {  	v2 =	vmul.f32 v6, v6;
	v4 =	vadd.f32 v7, v6;
	v6 =	vmul.f32 v7, v7;
	v7 =	vld [tilespmem:s21+$0xDD00]  }
0x299: {  	v11 =	vld [tilespmem:s13+$0xA500];
	v1 =	vadd.f32 v9, v1;
	v0 =	vadd.f32 v3, v0;
	v3 =	vmul.f32 v3, v3  }
0x29a: {  	v2 =	vadd.f32 v6, v2;
	v4 =	vadd.f32 v8, v4;
	v6 =	vmul.f32 v8, v8;
	v8 =	vld [tilespmem:s21+$0xE500]  }
0x29b: {  	v9 =	vld [tilespmem:s13+$0xAD00];
	v1 =	vadd.f32 v3, v1;
	v0 =	vadd.f32 v5, v0;
	v3 =	vmul.f32 v5, v5  }
0x29c: {  	v63 =	vld [tilespmem:s21+$0xED00];
	v5 =	vadd.f32 v6, v2;
	v4 =	vadd.f32 v10, v4;
	v6 =	vmul.f32 v10, v10  }
0x29d: {  	v2 =	vld [tilespmem:s13+$0xB500];
	v1 =	vadd.f32 v3, v1;
	v0 =	vadd.f32 v7, v0;
	v7 =	vmul.f32 v7, v7  }
0x29e: {  	v10 =	vmul.f32 v11, v11;
	v6 =	vadd.f32 v6, v5;
	v4 =	vadd.f32 v11, v4;
	v5 =	vld [tilespmem:s21+$0x12D00]  }
0x29f: {  	v3 =	vld [tilespmem:s13+$0xBD00];
	v13 =	vmul.f32 v8, v8;
	v1 =	vadd.f32 v7, v1;
	v11 =	vadd.f32 v8, v0  }
0x2a0: {  	s17 =	simm.s32 $0x100;
	v8 =	vadd.f32 v10, v6;
	v6 =	vadd.f32 v9, v4;
	v4 =	vld [tilespmem:s13+$0xC500];
	v10 =	vmul.f32 v9, v9  }
0x2a1: {  	s18 =	simm.s32 $0x600;
	v0 =	vimm.f32 $0.0e+00;
	v7 =	vld [tilespmem:s17+$0x8500];
	v9 =	vadd.f32 v13, v1;
	v1 =	vadd.f32 v63, v11  }
.LBB2_18:
0x2a2: {  	p0 =	sne.s32 s18, $0x1E00;
	v11 =	vld [tilespmem:s17+$0x8D00];
	v8 =	vadd.f32 v10, v8;
	v6 =	vadd.f32 v2, v6;
	v2 =	vmul.f32 v2, v2  }
0x2a3: {  	v10 =	vld [tilespmem:s13+$0xCD00];
	v5 =	vadd.f32 v5, v9;
	v1 =	vmul.f32 v1, v1  }
0x2a4: {  	v9 =	vld [tilespmem:s17+$0x9500];
	v2 =	vadd.f32 v2, v8;
	v6 =	vadd.f32 v3, v6;
	v3 =	vmul.f32 v3, v3  }
0x2a5: {  	v8 =	vmul.f32 v4, v4;
	v12 =	vld [tilespmem:s13+$0xD500];
	v1 =	vsub.f32 v1, v5  }
0x2a6: {  	v5 =	vmul.f32 v7, v7;
	v13 =	vld [tilespmem:s17+$0x9D00];
	v2 =	vadd.f32 v3, v2;
	v3 =	vadd.f32 v4, v6  }
0x2a7: {  	v4 =	vadd.f32 v11, v7;
	v6 =	vmul.f32 v11, v11;
	v7 =	vld [tilespmem:s13+$0xDD00];
	v0 =	vadd.f32 v1, v0  }
0x2a8: {  	v1 =	vld [tilespmem:s17+$0xA500];
	v2 =	vadd.f32 v8, v2;
	v3 =	vadd.f32 v10, v3;
	v8 =	vmul.f32 v10, v10  }
0x2a9: {  	v5 =	vadd.f32 v6, v5;
	v4 =	vadd.f32 v9, v4;
	v6 =	vmul.f32 v9, v9;
	v9 =	vld [tilespmem:s13+$0xE500]  }
0x2aa: {  	v10 =	vld [tilespmem:s17+$0xAD00];
	v8 =	vadd.f32 v8, v2;
	v3 =	vadd.f32 v12, v3;
	v11 =	vmul.f32 v12, v12  }
0x2ab: {  	v5 =	vadd.f32 v6, v5;
	v4 =	vadd.f32 v13, v4;
	v6 =	vmul.f32 v13, v13;
	v12 =	vld [tilespmem:s13+$0xED00]  }
.Ltmp8:
0x2ac: {  	v2 =	vld [tilespmem:s17+$0xB500];
	v8 =	vadd.f32 v11, v8;
	v11 =	vadd.f32 v7, v3;
	v7 =	vmul.f32 v7, v7;
	(pc) =	sbr.rel @p0 .LBB2_18-.Ltmp8, $4  }
0x2ad: {  	v6 =	vadd.f32 v6, v5;
	v4 =	vadd.f32 v1, v4;
	v1 =	vmul.f32 v1, v1;
	v5 =	vld [tilespmem:s13+$0x12D00];
	s13 =	smov.u32 s17  }
0x2ae: {  	v3 =	vld [tilespmem:s13+$0xBD00];
	v13 =	vadd.f32 v7, v8;
	v11 =	vadd.f32 v9, v11;
	v9 =	vmul.f32 v9, v9  }
0x2af: {  	s17 =	sshra.s32 s18, $0x2;
	v8 =	vadd.f32 v1, v6;
	v6 =	vadd.f32 v10, v4;
	v10 =	vmul.f32 v10, v10;
	v4 =	vld [tilespmem:s13+$0xC500]  }
0x2b0: {  	s18 =	sadd.s32 $0x200, s18;
	v7 =	vld [tilespmem:s17+$0x8500];
	v9 =	vadd.f32 v9, v13;
	v1 =	vadd.f32 v12, v11  }
0x2b1: {  	v11 =	vld [tilespmem:s17+$0x8D00];
	_ =	sdelay $0x1  }
0x2b2: {  	v12 =	vld [tilespmem:s17+$0x9500];
	_ =	sdelay $0x1  }
0x2b3: {  	v13 =	vld [tilespmem:s17+$0x9D00]  }
0x2b4: {  	v14 =	vmul.f32 v7, v7;
	v7 =	vadd.f32 v11, v7;
	v11 =	vmul.f32 v11, v11  }
0x2b5: {  	v15 =	vld [tilespmem:s17+$0xA500]  }
0x2b6: {  	v11 =	vadd.f32 v11, v14;
	v7 =	vadd.f32 v12, v7;
	v12 =	vmul.f32 v12, v12  }
0x2b7: {  	v53 =	vld [tilespmem:s17+$0xAD00]  }
0x2b8: {  	v54 =	vmul.f32 v13, v13;
	v11 =	vadd.f32 v12, v11;
	v7 =	vadd.f32 v13, v7  }
0x2b9: {  	v8 =	vadd.f32 v10, v8;
	v10 =	vld [tilespmem:s17+$0xB500]  }
0x2ba: {  	v55 =	vmul.f32 v15, v15;
	v11 =	vadd.f32 v54, v11;
	v7 =	vadd.f32 v15, v7  }
0x2bb: {  	v6 =	vadd.f32 v2, v6;
	v2 =	vmul.f32 v2, v2;
	v5 =	vadd.f32 v5, v9;
	v9 =	vld [tilespmem:s17+$0xBD00]  }
0x2bc: {  	v56 =	vld [tilespmem:s13+$0xCD00];
	v57 =	vmul.f32 v53, v53;
	v11 =	vadd.f32 v55, v11;
	v7 =	vadd.f32 v53, v7  }
0x2bd: {  	v2 =	vadd.f32 v2, v8;
	v6 =	vadd.f32 v3, v6;
	v3 =	vmul.f32 v3, v3;
	v8 =	vld [tilespmem:s17+$0xC500]  }
0x2be: {  	v58 =	vld [tilespmem:s13+$0xD500];
	v11 =	vadd.f32 v57, v11;
	v7 =	vadd.f32 v10, v7;
	v10 =	vmul.f32 v10, v10  }
0x2bf: {  	v2 =	vadd.f32 v3, v2;
	v3 =	vmul.f32 v4, v4;
	v4 =	vadd.f32 v4, v6;
	v6 =	vld [tilespmem:s17+$0xCD00]  }
0x2c0: {  	v10 =	vadd.f32 v10, v11;
	v11 =	vld [tilespmem:s13+$0xDD00];
	v7 =	vadd.f32 v9, v7;
	v9 =	vmul.f32 v9, v9  }
0x2c1: {  	v59 =	vld [tilespmem:s17+$0xD500];
	v2 =	vadd.f32 v3, v2;
	v3 =	vadd.f32 v56, v4;
	v4 =	vmul.f32 v56, v56  }
0x2c2: {  	v9 =	vadd.f32 v9, v10;
	v10 =	vld [tilespmem:s13+$0xE500];
	v7 =	vadd.f32 v8, v7;
	v8 =	vmul.f32 v8, v8  }
0x2c3: {  	v60 =	vld [tilespmem:s17+$0xDD00];
	v2 =	vadd.f32 v4, v2;
	v3 =	vadd.f32 v58, v3;
	v4 =	vmul.f32 v58, v58  }
0x2c4: {  	v8 =	vadd.f32 v8, v9;
	v9 =	vld [tilespmem:s13+$0xED00];
	v7 =	vadd.f32 v6, v7;
	v6 =	vmul.f32 v6, v6  }
0x2c5: {  	v2 =	vadd.f32 v4, v2;
	v3 =	vadd.f32 v11, v3;
	v4 =	vmul.f32 v11, v11;
	v11 =	vld [tilespmem:s17+$0xE500]  }
0x2c6: {  	v12 =	vmul.f32 v59, v59;
	v6 =	vadd.f32 v6, v8;
	v8 =	vld [tilespmem:s13+$0x12D00];
	v7 =	vadd.f32 v59, v7  }
0x2c7: {  	v2 =	vadd.f32 v4, v2;
	v3 =	vadd.f32 v10, v3;
	v4 =	vmul.f32 v10, v10;
	v10 =	vld [tilespmem:s17+$0xED00]  }
0x2c8: {  	v61 =	vmul.f32 v60, v60;
	v6 =	vadd.f32 v12, v6;
	v7 =	vadd.f32 v60, v7  }
0x2c9: {  	v1 =	vmul.f32 v1, v1;
	v2 =	vadd.f32 v4, v2;
	v3 =	vadd.f32 v9, v3;
	v4 =	vld [tilespmem:s17+$0x12D00]  }
0x2ca: {  	v6 =	vadd.f32 v61, v6;
	v7 =	vadd.f32 v11, v7;
	v9 =	vmul.f32 v11, v11  }
0x2cb: {  	v1 =	vsub.f32 v1, v5;
	v2 =	vadd.f32 v8, v2  }
0x2cc: {  	v3 =	vmul.f32 v3, v3;
	v5 =	vadd.f32 v9, v6;
	v6 =	vadd.f32 v10, v7  }
0x2cd: {  	v0 =	vadd.f32 v1, v0  }
0x2ce: {  	v1 =	vsub.f32 v3, v2;
	v2 =	vadd.f32 v4, v5;
	v3 =	vmul.f32 v6, v6;
	_ =	sdelay $0x1  }
0x2cf: {  	v0 =	vadd.f32 v1, v0;
	v1 =	vsub.f32 v3, v2;
	_ =	sdelay $0x1  }
0x2d0: {  	v0 =	vadd.f32 v1, v0;
	_ =	sdelay $0x1  }
0x2d1: {  	v0 =	vmul.f32 $5.000000000e-01, v0;
	_ =	sdelay $0x1  }
0x2d2: {  	s21 =	simm.s32 $0x0;
	[tilespmem:$0x16D00] =	vst v0  }
0x2d3: {  	[tilespmem:$0x1FFF0] =	vst v0;
	v0 =	vld [tilespmem:s21+$0x8510]  }
0x2d4: {  	v1 =	vld [tilespmem:s21+$0x8D10];
	_ =	sdelay $0x1  }
0x2d5: {  	v2 =	vld [tilespmem:s21+$0x9510];
	_ =	sdelay $0x1  }
0x2d6: {  	v3 =	vld [tilespmem:s21+$0x9D10]  }
0x2d7: {  	v4 =	vmul.f32 v0, v0;
	v0 =	vadd.f32 v1, v0;
	v1 =	vmul.f32 v1, v1  }
0x2d8: {  	v5 =	vld [tilespmem:s21+$0xA510]  }
0x2d9: {  	v1 =	vadd.f32 v1, v4;
	v0 =	vadd.f32 v2, v0;
	v2 =	vmul.f32 v2, v2  }
0x2da: {  	v4 =	vld [tilespmem:s21+$0xAD10]  }
0x2db: {  	v1 =	vadd.f32 v2, v1;
	v0 =	vadd.f32 v3, v0;
	v2 =	vmul.f32 v3, v3  }
0x2dc: {  	v3 =	vld [tilespmem:s21+$0xB510]  }
0x2dd: {  	v1 =	vadd.f32 v2, v1;
	v0 =	vadd.f32 v5, v0;
	v2 =	vmul.f32 v5, v5  }
0x2de: {  	s13 =	simm.s32 $0x80;
	v5 =	vld [tilespmem:s21+$0xBD10]  }
0x2df: {  	v6 =	vld [tilespmem:s13+$0x8510];
	v1 =	vadd.f32 v2, v1;
	v0 =	vadd.f32 v4, v0;
	v2 =	vmul.f32 v4, v4  }
0x2e0: {  	v4 =	vld [tilespmem:s21+$0xC510]  }
0x2e1: {  	v7 =	vld [tilespmem:s13+$0x8D10];
	v1 =	vadd.f32 v2, v1;
	v0 =	vadd.f32 v3, v0;
	v2 =	vmul.f32 v3, v3  }
0x2e2: {  	v3 =	vld [tilespmem:s21+$0xCD10]  }
0x2e3: {  	v8 =	vld [tilespmem:s13+$0x9510];
	v1 =	vadd.f32 v2, v1;
	v0 =	vadd.f32 v5, v0;
	v2 =	vmul.f32 v5, v5  }
0x2e4: {  	v5 =	vld [tilespmem:s21+$0xD510]  }
0x2e5: {  	v10 =	vld [tilespmem:s13+$0x9D10];
	v9 =	vmul.f32 v4, v4;
	v1 =	vadd.f32 v2, v1;
	v0 =	vadd.f32 v4, v0  }
0x2e6: {  	v2 =	vmul.f32 v6, v6;
	v4 =	vadd.f32 v7, v6;
	v6 =	vmul.f32 v7, v7;
	v7 =	vld [tilespmem:s21+$0xDD10]  }
0x2e7: {  	v11 =	vld [tilespmem:s13+$0xA510];
	v1 =	vadd.f32 v9, v1;
	v0 =	vadd.f32 v3, v0;
	v3 =	vmul.f32 v3, v3  }
0x2e8: {  	v2 =	vadd.f32 v6, v2;
	v4 =	vadd.f32 v8, v4;
	v6 =	vmul.f32 v8, v8;
	v8 =	vld [tilespmem:s21+$0xE510]  }
0x2e9: {  	v9 =	vld [tilespmem:s13+$0xAD10];
	v1 =	vadd.f32 v3, v1;
	v0 =	vadd.f32 v5, v0;
	v3 =	vmul.f32 v5, v5  }
0x2ea: {  	v62 =	vld [tilespmem:s21+$0xF500];
	v5 =	vadd.f32 v6, v2;
	v4 =	vadd.f32 v10, v4;
	v6 =	vmul.f32 v10, v10  }
0x2eb: {  	v2 =	vld [tilespmem:s13+$0xB510];
	v1 =	vadd.f32 v3, v1;
	v0 =	vadd.f32 v7, v0;
	v7 =	vmul.f32 v7, v7  }
0x2ec: {  	v10 =	vmul.f32 v11, v11;
	v6 =	vadd.f32 v6, v5;
	v4 =	vadd.f32 v11, v4;
	v5 =	vld [tilespmem:s21+$0x13500]  }
0x2ed: {  	v3 =	vld [tilespmem:s13+$0xBD10];
	v63 =	vmul.f32 v8, v8;
	v11 =	vadd.f32 v7, v1;
	v0 =	vadd.f32 v8, v0  }
0x2ee: {  	s17 =	simm.s32 $0x100;
	v8 =	vadd.f32 v10, v6;
	v6 =	vadd.f32 v9, v4;
	v4 =	vld [tilespmem:s13+$0xC510];
	v10 =	vmul.f32 v9, v9  }
0x2ef: {  	s18 =	simm.s32 $0x600;
	v1 =	vimm.f32 $0.0e+00;
	v7 =	vld [tilespmem:s17+$0x8510];
	v9 =	vadd.f32 v63, v11;
	v0 =	vadd.f32 v62, v0  }
.LBB2_20:
0x2f0: {  	p0 =	sne.s32 s18, $0x1E00;
	v11 =	vld [tilespmem:s17+$0x8D10];
	v8 =	vadd.f32 v10, v8;
	v6 =	vadd.f32 v2, v6;
	v2 =	vmul.f32 v2, v2  }
0x2f1: {  	v10 =	vld [tilespmem:s13+$0xCD10];
	v5 =	vadd.f32 v5, v9;
	v0 =	vmul.f32 v0, v0  }
0x2f2: {  	v9 =	vld [tilespmem:s17+$0x9510];
	v2 =	vadd.f32 v2, v8;
	v6 =	vadd.f32 v3, v6;
	v3 =	vmul.f32 v3, v3  }
0x2f3: {  	v8 =	vmul.f32 v4, v4;
	v12 =	vld [tilespmem:s13+$0xD510];
	v0 =	vsub.f32 v0, v5  }
0x2f4: {  	v5 =	vmul.f32 v7, v7;
	v13 =	vld [tilespmem:s17+$0x9D10];
	v2 =	vadd.f32 v3, v2;
	v3 =	vadd.f32 v4, v6  }
0x2f5: {  	v4 =	vadd.f32 v11, v7;
	v6 =	vmul.f32 v11, v11;
	v7 =	vld [tilespmem:s13+$0xDD10];
	v1 =	vadd.f32 v0, v1  }
0x2f6: {  	v0 =	vld [tilespmem:s17+$0xA510];
	v2 =	vadd.f32 v8, v2;
	v3 =	vadd.f32 v10, v3;
	v8 =	vmul.f32 v10, v10  }
0x2f7: {  	v5 =	vadd.f32 v6, v5;
	v4 =	vadd.f32 v9, v4;
	v6 =	vmul.f32 v9, v9;
	v9 =	vld [tilespmem:s13+$0xE510]  }
0x2f8: {  	v10 =	vld [tilespmem:s17+$0xAD10];
	v8 =	vadd.f32 v8, v2;
	v3 =	vadd.f32 v12, v3;
	v11 =	vmul.f32 v12, v12  }
0x2f9: {  	v5 =	vadd.f32 v6, v5;
	v4 =	vadd.f32 v13, v4;
	v6 =	vmul.f32 v13, v13;
	v12 =	vld [tilespmem:s13+$0xF500]  }
.Ltmp9:
0x2fa: {  	v2 =	vld [tilespmem:s17+$0xB510];
	v8 =	vadd.f32 v11, v8;
	v11 =	vadd.f32 v7, v3;
	v7 =	vmul.f32 v7, v7;
	(pc) =	sbr.rel @p0 .LBB2_20-.Ltmp9, $4  }
0x2fb: {  	v6 =	vadd.f32 v6, v5;
	v4 =	vadd.f32 v0, v4;
	v0 =	vmul.f32 v0, v0;
	v5 =	vld [tilespmem:s13+$0x13500];
	s13 =	smov.u32 s17  }
0x2fc: {  	v3 =	vld [tilespmem:s13+$0xBD10];
	v13 =	vadd.f32 v7, v8;
	v11 =	vadd.f32 v9, v11;
	v9 =	vmul.f32 v9, v9  }
0x2fd: {  	s17 =	sshra.s32 s18, $0x2;
	v8 =	vadd.f32 v0, v6;
	v6 =	vadd.f32 v10, v4;
	v10 =	vmul.f32 v10, v10;
	v4 =	vld [tilespmem:s13+$0xC510]  }
0x2fe: {  	s18 =	sadd.s32 $0x200, s18;
	v7 =	vld [tilespmem:s17+$0x8510];
	v9 =	vadd.f32 v9, v13;
	v0 =	vadd.f32 v12, v11  }
0x2ff: {  	v11 =	vld [tilespmem:s17+$0x8D10];
	_ =	sdelay $0x1  }
0x300: {  	v12 =	vld [tilespmem:s17+$0x9510];
	_ =	sdelay $0x1  }
0x301: {  	v13 =	vld [tilespmem:s17+$0x9D10]  }
0x302: {  	v14 =	vmul.f32 v7, v7;
	v7 =	vadd.f32 v11, v7;
	v11 =	vmul.f32 v11, v11  }
0x303: {  	v15 =	vld [tilespmem:s17+$0xA510]  }
0x304: {  	v11 =	vadd.f32 v11, v14;
	v7 =	vadd.f32 v12, v7;
	v12 =	vmul.f32 v12, v12  }
0x305: {  	v52 =	vld [tilespmem:s17+$0xAD10]  }
0x306: {  	v53 =	vmul.f32 v13, v13;
	v11 =	vadd.f32 v12, v11;
	v7 =	vadd.f32 v13, v7  }
0x307: {  	v8 =	vadd.f32 v10, v8;
	v10 =	vld [tilespmem:s17+$0xB510]  }
0x308: {  	v54 =	vmul.f32 v15, v15;
	v11 =	vadd.f32 v53, v11;
	v7 =	vadd.f32 v15, v7  }
0x309: {  	v6 =	vadd.f32 v2, v6;
	v2 =	vmul.f32 v2, v2;
	v5 =	vadd.f32 v5, v9;
	v9 =	vld [tilespmem:s17+$0xBD10]  }
0x30a: {  	v55 =	vld [tilespmem:s13+$0xCD10];
	v56 =	vmul.f32 v52, v52;
	v11 =	vadd.f32 v54, v11;
	v7 =	vadd.f32 v52, v7  }
0x30b: {  	v2 =	vadd.f32 v2, v8;
	v6 =	vadd.f32 v3, v6;
	v3 =	vmul.f32 v3, v3;
	v8 =	vld [tilespmem:s17+$0xC510]  }
0x30c: {  	v57 =	vld [tilespmem:s13+$0xD510];
	v11 =	vadd.f32 v56, v11;
	v7 =	vadd.f32 v10, v7;
	v10 =	vmul.f32 v10, v10  }
0x30d: {  	v2 =	vadd.f32 v3, v2;
	v3 =	vmul.f32 v4, v4;
	v4 =	vadd.f32 v4, v6;
	v6 =	vld [tilespmem:s17+$0xCD10]  }
0x30e: {  	v10 =	vadd.f32 v10, v11;
	v11 =	vld [tilespmem:s13+$0xDD10];
	v7 =	vadd.f32 v9, v7;
	v9 =	vmul.f32 v9, v9  }
0x30f: {  	v58 =	vld [tilespmem:s17+$0xD510];
	v2 =	vadd.f32 v3, v2;
	v3 =	vadd.f32 v55, v4;
	v4 =	vmul.f32 v55, v55  }
0x310: {  	v9 =	vadd.f32 v9, v10;
	v10 =	vld [tilespmem:s13+$0xE510];
	v7 =	vadd.f32 v8, v7;
	v8 =	vmul.f32 v8, v8  }
0x311: {  	v59 =	vld [tilespmem:s17+$0xDD10];
	v2 =	vadd.f32 v4, v2;
	v3 =	vadd.f32 v57, v3;
	v4 =	vmul.f32 v57, v57  }
0x312: {  	v8 =	vadd.f32 v8, v9;
	v9 =	vld [tilespmem:s13+$0xF500];
	v7 =	vadd.f32 v6, v7;
	v6 =	vmul.f32 v6, v6  }
0x313: {  	v2 =	vadd.f32 v4, v2;
	v3 =	vadd.f32 v11, v3;
	v4 =	vmul.f32 v11, v11;
	v11 =	vld [tilespmem:s17+$0xE510]  }
0x314: {  	v12 =	vmul.f32 v58, v58;
	v6 =	vadd.f32 v6, v8;
	v8 =	vld [tilespmem:s13+$0x13500];
	v7 =	vadd.f32 v58, v7  }
0x315: {  	v2 =	vadd.f32 v4, v2;
	v3 =	vadd.f32 v10, v3;
	v4 =	vmul.f32 v10, v10;
	v10 =	vld [tilespmem:s17+$0xF500]  }
0x316: {  	v60 =	vmul.f32 v59, v59;
	v6 =	vadd.f32 v12, v6;
	v7 =	vadd.f32 v59, v7  }
0x317: {  	v0 =	vmul.f32 v0, v0;
	v2 =	vadd.f32 v4, v2;
	v3 =	vadd.f32 v9, v3;
	v4 =	vld [tilespmem:s17+$0x13500]  }
0x318: {  	v6 =	vadd.f32 v60, v6;
	v7 =	vadd.f32 v11, v7;
	v9 =	vmul.f32 v11, v11  }
0x319: {  	v0 =	vsub.f32 v0, v5;
	v2 =	vadd.f32 v8, v2  }
0x31a: {  	v3 =	vmul.f32 v3, v3;
	v5 =	vadd.f32 v9, v6;
	v6 =	vadd.f32 v10, v7  }
0x31b: {  	v0 =	vadd.f32 v0, v1  }
0x31c: {  	v1 =	vsub.f32 v3, v2;
	v2 =	vadd.f32 v4, v5;
	v3 =	vmul.f32 v6, v6;
	_ =	sdelay $0x1  }
0x31d: {  	v0 =	vadd.f32 v1, v0;
	v1 =	vsub.f32 v3, v2;
	_ =	sdelay $0x1  }
0x31e: {  	v0 =	vadd.f32 v1, v0;
	_ =	sdelay $0x1  }
0x31f: {  	v0 =	vmul.f32 $5.000000000e-01, v0;
	_ =	sdelay $0x1  }
0x320: {  	s21 =	simm.s32 $0x0;
	[tilespmem:$0x16D10] =	vst v0  }
0x321: {  	[tilespmem:$0x1FFE0] =	vst v0;
	v0 =	vld [tilespmem:s21+$0x8520]  }
0x322: {  	v1 =	vld [tilespmem:s21+$0x8D20];
	_ =	sdelay $0x1  }
0x323: {  	v2 =	vld [tilespmem:s21+$0x9520];
	_ =	sdelay $0x1  }
0x324: {  	v3 =	vld [tilespmem:s21+$0x9D20]  }
0x325: {  	v4 =	vmul.f32 v0, v0;
	v0 =	vadd.f32 v1, v0;
	v1 =	vmul.f32 v1, v1  }
0x326: {  	v5 =	vld [tilespmem:s21+$0xA520]  }
0x327: {  	v1 =	vadd.f32 v1, v4;
	v0 =	vadd.f32 v2, v0;
	v2 =	vmul.f32 v2, v2  }
0x328: {  	v4 =	vld [tilespmem:s21+$0xAD20]  }
0x329: {  	v1 =	vadd.f32 v2, v1;
	v0 =	vadd.f32 v3, v0;
	v2 =	vmul.f32 v3, v3  }
0x32a: {  	v3 =	vld [tilespmem:s21+$0xB520]  }
0x32b: {  	v1 =	vadd.f32 v2, v1;
	v0 =	vadd.f32 v5, v0;
	v2 =	vmul.f32 v5, v5  }
0x32c: {  	s13 =	simm.s32 $0x80;
	v5 =	vld [tilespmem:s21+$0xBD20]  }
0x32d: {  	v6 =	vld [tilespmem:s13+$0x8520];
	v1 =	vadd.f32 v2, v1;
	v0 =	vadd.f32 v4, v0;
	v2 =	vmul.f32 v4, v4  }
0x32e: {  	v4 =	vld [tilespmem:s21+$0xC520]  }
0x32f: {  	v7 =	vld [tilespmem:s13+$0x8D20];
	v1 =	vadd.f32 v2, v1;
	v0 =	vadd.f32 v3, v0;
	v2 =	vmul.f32 v3, v3  }
0x330: {  	v3 =	vld [tilespmem:s21+$0xCD20]  }
0x331: {  	v8 =	vld [tilespmem:s13+$0x9520];
	v1 =	vadd.f32 v2, v1;
	v0 =	vadd.f32 v5, v0;
	v2 =	vmul.f32 v5, v5  }
0x332: {  	v5 =	vld [tilespmem:s21+$0xD520]  }
0x333: {  	v10 =	vld [tilespmem:s13+$0x9D20];
	v9 =	vmul.f32 v4, v4;
	v1 =	vadd.f32 v2, v1;
	v0 =	vadd.f32 v4, v0  }
0x334: {  	v2 =	vmul.f32 v6, v6;
	v4 =	vadd.f32 v7, v6;
	v6 =	vmul.f32 v7, v7;
	v7 =	vld [tilespmem:s21+$0xDD20]  }
0x335: {  	v11 =	vld [tilespmem:s13+$0xA520];
	v1 =	vadd.f32 v9, v1;
	v0 =	vadd.f32 v3, v0;
	v3 =	vmul.f32 v3, v3  }
0x336: {  	v2 =	vadd.f32 v6, v2;
	v4 =	vadd.f32 v8, v4;
	v6 =	vmul.f32 v8, v8;
	v8 =	vld [tilespmem:s21+$0xE520]  }
0x337: {  	v9 =	vld [tilespmem:s13+$0xAD20];
	v3 =	vadd.f32 v3, v1;
	v0 =	vadd.f32 v5, v0;
	v5 =	vmul.f32 v5, v5  }
0x338: {  	v61 =	vld [tilespmem:s21+$0xFD00];
	v2 =	vadd.f32 v6, v2;
	v4 =	vadd.f32 v10, v4;
	v6 =	vmul.f32 v10, v10  }
0x339: {  	v1 =	vld [tilespmem:s13+$0xB520];
	v10 =	vadd.f32 v5, v3;
	v0 =	vadd.f32 v7, v0;
	v7 =	vmul.f32 v7, v7  }
0x33a: {  	v6 =	vadd.f32 v6, v2;
	v4 =	vadd.f32 v11, v4;
	v11 =	vmul.f32 v11, v11;
	v5 =	vld [tilespmem:s21+$0x13D00]  }
0x33b: {  	v3 =	vld [tilespmem:s13+$0xBD20];
	v63 =	vmul.f32 v8, v8;
	v62 =	vadd.f32 v7, v10;
	v0 =	vadd.f32 v8, v0  }
0x33c: {  	s17 =	simm.s32 $0x100;
	v8 =	vadd.f32 v11, v6;
	v6 =	vadd.f32 v9, v4;
	v4 =	vld [tilespmem:s13+$0xC520];
	v10 =	vmul.f32 v9, v9  }
0x33d: {  	s18 =	simm.s32 $0x600;
	v2 =	vimm.f32 $0.0e+00;
	v7 =	vld [tilespmem:s17+$0x8520];
	v9 =	vadd.f32 v63, v62;
	v0 =	vadd.f32 v61, v0  }
.LBB2_22:
0x33e: {  	p0 =	sne.s32 s18, $0x1E00;
	v11 =	vld [tilespmem:s17+$0x8D20];
	v8 =	vadd.f32 v10, v8;
	v6 =	vadd.f32 v1, v6;
	v1 =	vmul.f32 v1, v1  }
0x33f: {  	v10 =	vld [tilespmem:s13+$0xCD20];
	v5 =	vadd.f32 v5, v9;
	v0 =	vmul.f32 v0, v0  }
0x340: {  	v9 =	vld [tilespmem:s17+$0x9520];
	v1 =	vadd.f32 v1, v8;
	v6 =	vadd.f32 v3, v6;
	v3 =	vmul.f32 v3, v3  }
0x341: {  	v8 =	vmul.f32 v4, v4;
	v12 =	vld [tilespmem:s13+$0xD520];
	v0 =	vsub.f32 v0, v5  }
0x342: {  	v5 =	vmul.f32 v7, v7;
	v13 =	vld [tilespmem:s17+$0x9D20];
	v1 =	vadd.f32 v3, v1;
	v3 =	vadd.f32 v4, v6  }
0x343: {  	v4 =	vadd.f32 v11, v7;
	v6 =	vmul.f32 v11, v11;
	v7 =	vld [tilespmem:s13+$0xDD20];
	v2 =	vadd.f32 v0, v2  }
0x344: {  	v0 =	vld [tilespmem:s17+$0xA520];
	v1 =	vadd.f32 v8, v1;
	v3 =	vadd.f32 v10, v3;
	v8 =	vmul.f32 v10, v10  }
0x345: {  	v5 =	vadd.f32 v6, v5;
	v4 =	vadd.f32 v9, v4;
	v6 =	vmul.f32 v9, v9;
	v9 =	vld [tilespmem:s13+$0xE520]  }
0x346: {  	v10 =	vld [tilespmem:s17+$0xAD20];
	v8 =	vadd.f32 v8, v1;
	v3 =	vadd.f32 v12, v3;
	v11 =	vmul.f32 v12, v12  }
0x347: {  	v5 =	vadd.f32 v6, v5;
	v4 =	vadd.f32 v13, v4;
	v6 =	vmul.f32 v13, v13;
	v12 =	vld [tilespmem:s13+$0xFD00]  }
.Ltmp10:
0x348: {  	v1 =	vld [tilespmem:s17+$0xB520];
	v8 =	vadd.f32 v11, v8;
	v11 =	vadd.f32 v7, v3;
	v7 =	vmul.f32 v7, v7;
	(pc) =	sbr.rel @p0 .LBB2_22-.Ltmp10, $4  }
0x349: {  	v6 =	vadd.f32 v6, v5;
	v4 =	vadd.f32 v0, v4;
	v0 =	vmul.f32 v0, v0;
	v5 =	vld [tilespmem:s13+$0x13D00];
	s13 =	smov.u32 s17  }
0x34a: {  	v3 =	vld [tilespmem:s13+$0xBD20];
	v13 =	vadd.f32 v7, v8;
	v11 =	vadd.f32 v9, v11;
	v9 =	vmul.f32 v9, v9  }
0x34b: {  	s17 =	sshra.s32 s18, $0x2;
	v8 =	vadd.f32 v0, v6;
	v6 =	vadd.f32 v10, v4;
	v10 =	vmul.f32 v10, v10;
	v4 =	vld [tilespmem:s13+$0xC520]  }
0x34c: {  	s18 =	sadd.s32 $0x200, s18;
	v7 =	vld [tilespmem:s17+$0x8520];
	v9 =	vadd.f32 v9, v13;
	v0 =	vadd.f32 v12, v11  }
0x34d: {  	v11 =	vld [tilespmem:s17+$0x8D20];
	_ =	sdelay $0x1  }
0x34e: {  	v12 =	vld [tilespmem:s17+$0x9520];
	_ =	sdelay $0x1  }
0x34f: {  	v13 =	vld [tilespmem:s17+$0x9D20]  }
0x350: {  	v14 =	vmul.f32 v7, v7;
	v7 =	vadd.f32 v11, v7;
	v11 =	vmul.f32 v11, v11  }
0x351: {  	v15 =	vld [tilespmem:s17+$0xA520]  }
0x352: {  	v11 =	vadd.f32 v11, v14;
	v7 =	vadd.f32 v12, v7;
	v12 =	vmul.f32 v12, v12  }
0x353: {  	v53 =	vld [tilespmem:s17+$0xAD20]  }
0x354: {  	v54 =	vmul.f32 v13, v13;
	v11 =	vadd.f32 v12, v11;
	v7 =	vadd.f32 v13, v7  }
0x355: {  	v8 =	vadd.f32 v10, v8;
	v10 =	vld [tilespmem:s17+$0xB520]  }
0x356: {  	v55 =	vmul.f32 v15, v15;
	v11 =	vadd.f32 v54, v11;
	v7 =	vadd.f32 v15, v7  }
0x357: {  	v6 =	vadd.f32 v1, v6;
	v1 =	vmul.f32 v1, v1;
	v5 =	vadd.f32 v5, v9;
	v9 =	vld [tilespmem:s17+$0xBD20]  }
0x358: {  	v56 =	vld [tilespmem:s13+$0xCD20];
	v57 =	vmul.f32 v53, v53;
	v11 =	vadd.f32 v55, v11;
	v7 =	vadd.f32 v53, v7  }
0x359: {  	v1 =	vadd.f32 v1, v8;
	v6 =	vadd.f32 v3, v6;
	v3 =	vmul.f32 v3, v3;
	v8 =	vld [tilespmem:s17+$0xC520]  }
0x35a: {  	v58 =	vld [tilespmem:s13+$0xD520];
	v11 =	vadd.f32 v57, v11;
	v7 =	vadd.f32 v10, v7;
	v10 =	vmul.f32 v10, v10  }
0x35b: {  	v1 =	vadd.f32 v3, v1;
	v3 =	vmul.f32 v4, v4;
	v4 =	vadd.f32 v4, v6;
	v6 =	vld [tilespmem:s17+$0xCD20]  }
0x35c: {  	v10 =	vadd.f32 v10, v11;
	v11 =	vld [tilespmem:s13+$0xDD20];
	v7 =	vadd.f32 v9, v7;
	v9 =	vmul.f32 v9, v9  }
0x35d: {  	v59 =	vld [tilespmem:s17+$0xD520];
	v1 =	vadd.f32 v3, v1;
	v3 =	vadd.f32 v56, v4;
	v4 =	vmul.f32 v56, v56  }
0x35e: {  	v9 =	vadd.f32 v9, v10;
	v10 =	vld [tilespmem:s13+$0xE520];
	v7 =	vadd.f32 v8, v7;
	v8 =	vmul.f32 v8, v8  }
0x35f: {  	v60 =	vld [tilespmem:s17+$0xDD20];
	v1 =	vadd.f32 v4, v1;
	v3 =	vadd.f32 v58, v3;
	v4 =	vmul.f32 v58, v58  }
0x360: {  	v8 =	vadd.f32 v8, v9;
	v9 =	vld [tilespmem:s13+$0xFD00];
	v7 =	vadd.f32 v6, v7;
	v6 =	vmul.f32 v6, v6  }
0x361: {  	v1 =	vadd.f32 v4, v1;
	v3 =	vadd.f32 v11, v3;
	v4 =	vmul.f32 v11, v11;
	v11 =	vld [tilespmem:s17+$0xE520]  }
0x362: {  	v12 =	vmul.f32 v59, v59;
	v6 =	vadd.f32 v6, v8;
	v8 =	vld [tilespmem:s13+$0x13D00];
	v7 =	vadd.f32 v59, v7  }
0x363: {  	v1 =	vadd.f32 v4, v1;
	v3 =	vadd.f32 v10, v3;
	v4 =	vmul.f32 v10, v10;
	v10 =	vld [tilespmem:s17+$0xFD00]  }
0x364: {  	v61 =	vmul.f32 v60, v60;
	v6 =	vadd.f32 v12, v6;
	v7 =	vadd.f32 v60, v7  }
0x365: {  	v0 =	vmul.f32 v0, v0;
	v1 =	vadd.f32 v4, v1;
	v3 =	vadd.f32 v9, v3;
	v4 =	vld [tilespmem:s17+$0x13D00]  }
0x366: {  	v6 =	vadd.f32 v61, v6;
	v7 =	vadd.f32 v11, v7;
	v9 =	vmul.f32 v11, v11  }
0x367: {  	v0 =	vsub.f32 v0, v5;
	v1 =	vadd.f32 v8, v1  }
0x368: {  	v3 =	vmul.f32 v3, v3;
	v5 =	vadd.f32 v9, v6;
	v6 =	vadd.f32 v10, v7  }
0x369: {  	v0 =	vadd.f32 v0, v2  }
0x36a: {  	v1 =	vsub.f32 v3, v1;
	v2 =	vadd.f32 v4, v5;
	v3 =	vmul.f32 v6, v6;
	_ =	sdelay $0x1  }
0x36b: {  	v0 =	vadd.f32 v1, v0;
	v1 =	vsub.f32 v3, v2;
	_ =	sdelay $0x1  }
0x36c: {  	v0 =	vadd.f32 v1, v0;
	_ =	sdelay $0x1  }
0x36d: {  	v0 =	vmul.f32 $5.000000000e-01, v0;
	_ =	sdelay $0x1  }
0x36e: {  	s21 =	simm.s32 $0x0;
	[tilespmem:$0x16D20] =	vst v0  }
0x36f: {  	[tilespmem:$0x1FFD0] =	vst v0;
	v0 =	vld [tilespmem:s21+$0x8530]  }
0x370: {  	v1 =	vld [tilespmem:s21+$0x8D30];
	_ =	sdelay $0x1  }
0x371: {  	v2 =	vld [tilespmem:s21+$0x9530];
	_ =	sdelay $0x1  }
0x372: {  	v3 =	vld [tilespmem:s21+$0x9D30]  }
0x373: {  	v4 =	vmul.f32 v0, v0;
	v0 =	vadd.f32 v1, v0;
	v1 =	vmul.f32 v1, v1  }
0x374: {  	v5 =	vld [tilespmem:s21+$0xA530]  }
0x375: {  	v1 =	vadd.f32 v1, v4;
	v0 =	vadd.f32 v2, v0;
	v2 =	vmul.f32 v2, v2  }
0x376: {  	v4 =	vld [tilespmem:s21+$0xAD30]  }
0x377: {  	v1 =	vadd.f32 v2, v1;
	v0 =	vadd.f32 v3, v0;
	v2 =	vmul.f32 v3, v3  }
0x378: {  	v3 =	vld [tilespmem:s21+$0xB530]  }
0x379: {  	v1 =	vadd.f32 v2, v1;
	v0 =	vadd.f32 v5, v0;
	v2 =	vmul.f32 v5, v5  }
0x37a: {  	s13 =	simm.s32 $0x80;
	v5 =	vld [tilespmem:s21+$0xBD30]  }
0x37b: {  	v6 =	vld [tilespmem:s13+$0x8530];
	v1 =	vadd.f32 v2, v1;
	v0 =	vadd.f32 v4, v0;
	v2 =	vmul.f32 v4, v4  }
0x37c: {  	v4 =	vld [tilespmem:s21+$0xC530]  }
0x37d: {  	v7 =	vld [tilespmem:s13+$0x8D30];
	v1 =	vadd.f32 v2, v1;
	v0 =	vadd.f32 v3, v0;
	v2 =	vmul.f32 v3, v3  }
0x37e: {  	v3 =	vld [tilespmem:s21+$0xCD30]  }
0x37f: {  	v8 =	vld [tilespmem:s13+$0x9530];
	v1 =	vadd.f32 v2, v1;
	v0 =	vadd.f32 v5, v0;
	v2 =	vmul.f32 v5, v5  }
0x380: {  	v5 =	vld [tilespmem:s21+$0xD530]  }
0x381: {  	v10 =	vld [tilespmem:s13+$0x9D30];
	v9 =	vmul.f32 v4, v4;
	v1 =	vadd.f32 v2, v1;
	v0 =	vadd.f32 v4, v0  }
0x382: {  	v2 =	vmul.f32 v6, v6;
	v4 =	vadd.f32 v7, v6;
	v6 =	vmul.f32 v7, v7;
	v7 =	vld [tilespmem:s21+$0xDD30]  }
0x383: {  	v11 =	vld [tilespmem:s13+$0xA530];
	v1 =	vadd.f32 v9, v1;
	v0 =	vadd.f32 v3, v0;
	v3 =	vmul.f32 v3, v3  }
0x384: {  	v2 =	vadd.f32 v6, v2;
	v4 =	vadd.f32 v8, v4;
	v6 =	vmul.f32 v8, v8;
	v8 =	vld [tilespmem:s21+$0xE530]  }
0x385: {  	v9 =	vld [tilespmem:s13+$0xAD30];
	v3 =	vadd.f32 v3, v1;
	v0 =	vadd.f32 v5, v0;
	v5 =	vmul.f32 v5, v5  }
0x386: {  	v62 =	vld [tilespmem:s21+$0x10500];
	v2 =	vadd.f32 v6, v2;
	v4 =	vadd.f32 v10, v4;
	v6 =	vmul.f32 v10, v10  }
0x387: {  	v1 =	vld [tilespmem:s13+$0xB530];
	v3 =	vadd.f32 v5, v3;
	v0 =	vadd.f32 v7, v0;
	v7 =	vmul.f32 v7, v7  }
0x388: {  	v10 =	vmul.f32 v11, v11;
	v6 =	vadd.f32 v6, v2;
	v4 =	vadd.f32 v11, v4;
	v5 =	vld [tilespmem:s21+$0x14500]  }
0x389: {  	v2 =	vld [tilespmem:s13+$0xBD30];
	v63 =	vmul.f32 v8, v8;
	v11 =	vadd.f32 v7, v3;
	v0 =	vadd.f32 v8, v0  }
0x38a: {  	s17 =	simm.s32 $0x100;
	v8 =	vadd.f32 v10, v6;
	v6 =	vadd.f32 v9, v4;
	v4 =	vld [tilespmem:s13+$0xC530];
	v10 =	vmul.f32 v9, v9  }
0x38b: {  	s18 =	simm.s32 $0x600;
	v3 =	vimm.f32 $0.0e+00;
	v7 =	vld [tilespmem:s17+$0x8530];
	v9 =	vadd.f32 v63, v11;
	v0 =	vadd.f32 v62, v0  }
.LBB2_24:
0x38c: {  	p0 =	sne.s32 s18, $0x1E00;
	v11 =	vld [tilespmem:s17+$0x8D30];
	v8 =	vadd.f32 v10, v8;
	v6 =	vadd.f32 v1, v6;
	v1 =	vmul.f32 v1, v1  }
0x38d: {  	v10 =	vld [tilespmem:s13+$0xCD30];
	v5 =	vadd.f32 v5, v9;
	v0 =	vmul.f32 v0, v0  }
0x38e: {  	v9 =	vld [tilespmem:s17+$0x9530];
	v1 =	vadd.f32 v1, v8;
	v6 =	vadd.f32 v2, v6;
	v2 =	vmul.f32 v2, v2  }
0x38f: {  	v8 =	vmul.f32 v4, v4;
	v12 =	vld [tilespmem:s13+$0xD530];
	v0 =	vsub.f32 v0, v5  }
0x390: {  	v5 =	vmul.f32 v7, v7;
	v13 =	vld [tilespmem:s17+$0x9D30];
	v1 =	vadd.f32 v2, v1;
	v2 =	vadd.f32 v4, v6  }
0x391: {  	v4 =	vadd.f32 v11, v7;
	v6 =	vmul.f32 v11, v11;
	v7 =	vld [tilespmem:s13+$0xDD30];
	v3 =	vadd.f32 v0, v3  }
0x392: {  	v0 =	vld [tilespmem:s17+$0xA530];
	v1 =	vadd.f32 v8, v1;
	v2 =	vadd.f32 v10, v2;
	v8 =	vmul.f32 v10, v10  }
0x393: {  	v5 =	vadd.f32 v6, v5;
	v4 =	vadd.f32 v9, v4;
	v6 =	vmul.f32 v9, v9;
	v9 =	vld [tilespmem:s13+$0xE530]  }
0x394: {  	v10 =	vld [tilespmem:s17+$0xAD30];
	v8 =	vadd.f32 v8, v1;
	v2 =	vadd.f32 v12, v2;
	v11 =	vmul.f32 v12, v12  }
0x395: {  	v5 =	vadd.f32 v6, v5;
	v4 =	vadd.f32 v13, v4;
	v6 =	vmul.f32 v13, v13;
	v12 =	vld [tilespmem:s13+$0x10500]  }
.Ltmp11:
0x396: {  	v1 =	vld [tilespmem:s17+$0xB530];
	v8 =	vadd.f32 v11, v8;
	v11 =	vadd.f32 v7, v2;
	v7 =	vmul.f32 v7, v7;
	(pc) =	sbr.rel @p0 .LBB2_24-.Ltmp11, $4  }
0x397: {  	v6 =	vadd.f32 v6, v5;
	v4 =	vadd.f32 v0, v4;
	v0 =	vmul.f32 v0, v0;
	v5 =	vld [tilespmem:s13+$0x14500];
	s13 =	smov.u32 s17  }
0x398: {  	v2 =	vld [tilespmem:s13+$0xBD30];
	v13 =	vadd.f32 v7, v8;
	v11 =	vadd.f32 v9, v11;
	v9 =	vmul.f32 v9, v9  }
0x399: {  	s17 =	sshra.s32 s18, $0x2;
	v8 =	vadd.f32 v0, v6;
	v6 =	vadd.f32 v10, v4;
	v10 =	vmul.f32 v10, v10;
	v4 =	vld [tilespmem:s13+$0xC530]  }
0x39a: {  	s18 =	sadd.s32 $0x200, s18;
	v7 =	vld [tilespmem:s17+$0x8530];
	v9 =	vadd.f32 v9, v13;
	v0 =	vadd.f32 v12, v11  }
0x39b: {  	v11 =	vld [tilespmem:s17+$0x8D30];
	_ =	sdelay $0x1  }
0x39c: {  	v12 =	vld [tilespmem:s17+$0x9530];
	_ =	sdelay $0x1  }
0x39d: {  	v13 =	vld [tilespmem:s17+$0x9D30]  }
0x39e: {  	v14 =	vmul.f32 v7, v7;
	v7 =	vadd.f32 v11, v7;
	v11 =	vmul.f32 v11, v11  }
0x39f: {  	v15 =	vld [tilespmem:s17+$0xA530]  }
0x3a0: {  	v11 =	vadd.f32 v11, v14;
	v7 =	vadd.f32 v12, v7;
	v12 =	vmul.f32 v12, v12  }
0x3a1: {  	v52 =	vld [tilespmem:s17+$0xAD30]  }
0x3a2: {  	v53 =	vmul.f32 v13, v13;
	v11 =	vadd.f32 v12, v11;
	v7 =	vadd.f32 v13, v7  }
0x3a3: {  	v8 =	vadd.f32 v10, v8;
	v10 =	vld [tilespmem:s17+$0xB530]  }
0x3a4: {  	v54 =	vmul.f32 v15, v15;
	v11 =	vadd.f32 v53, v11;
	v7 =	vadd.f32 v15, v7  }
0x3a5: {  	v6 =	vadd.f32 v1, v6;
	v1 =	vmul.f32 v1, v1;
	v5 =	vadd.f32 v5, v9;
	v9 =	vld [tilespmem:s17+$0xBD30]  }
0x3a6: {  	v55 =	vld [tilespmem:s13+$0xCD30];
	v56 =	vmul.f32 v52, v52;
	v11 =	vadd.f32 v54, v11;
	v7 =	vadd.f32 v52, v7  }
0x3a7: {  	v1 =	vadd.f32 v1, v8;
	v6 =	vadd.f32 v2, v6;
	v2 =	vmul.f32 v2, v2;
	v8 =	vld [tilespmem:s17+$0xC530]  }
0x3a8: {  	v57 =	vld [tilespmem:s13+$0xD530];
	v11 =	vadd.f32 v56, v11;
	v7 =	vadd.f32 v10, v7;
	v10 =	vmul.f32 v10, v10  }
0x3a9: {  	v1 =	vadd.f32 v2, v1;
	v2 =	vmul.f32 v4, v4;
	v4 =	vadd.f32 v4, v6;
	v6 =	vld [tilespmem:s17+$0xCD30]  }
0x3aa: {  	v10 =	vadd.f32 v10, v11;
	v11 =	vld [tilespmem:s13+$0xDD30];
	v7 =	vadd.f32 v9, v7;
	v9 =	vmul.f32 v9, v9  }
0x3ab: {  	v58 =	vld [tilespmem:s17+$0xD530];
	v1 =	vadd.f32 v2, v1;
	v2 =	vadd.f32 v55, v4;
	v4 =	vmul.f32 v55, v55  }
0x3ac: {  	v9 =	vadd.f32 v9, v10;
	v10 =	vld [tilespmem:s13+$0xE530];
	v7 =	vadd.f32 v8, v7;
	v8 =	vmul.f32 v8, v8  }
0x3ad: {  	v59 =	vld [tilespmem:s17+$0xDD30];
	v1 =	vadd.f32 v4, v1;
	v2 =	vadd.f32 v57, v2;
	v4 =	vmul.f32 v57, v57  }
0x3ae: {  	v8 =	vadd.f32 v8, v9;
	v9 =	vld [tilespmem:s13+$0x10500];
	v7 =	vadd.f32 v6, v7;
	v6 =	vmul.f32 v6, v6  }
0x3af: {  	v1 =	vadd.f32 v4, v1;
	v2 =	vadd.f32 v11, v2;
	v4 =	vmul.f32 v11, v11;
	v11 =	vld [tilespmem:s17+$0xE530]  }
0x3b0: {  	v12 =	vmul.f32 v58, v58;
	v6 =	vadd.f32 v6, v8;
	v8 =	vld [tilespmem:s13+$0x14500];
	v7 =	vadd.f32 v58, v7  }
0x3b1: {  	v1 =	vadd.f32 v4, v1;
	v2 =	vadd.f32 v10, v2;
	v4 =	vmul.f32 v10, v10;
	v10 =	vld [tilespmem:s17+$0x10500]  }
0x3b2: {  	v60 =	vmul.f32 v59, v59;
	v6 =	vadd.f32 v12, v6;
	v7 =	vadd.f32 v59, v7  }
0x3b3: {  	v0 =	vmul.f32 v0, v0;
	v1 =	vadd.f32 v4, v1;
	v2 =	vadd.f32 v9, v2;
	v4 =	vld [tilespmem:s17+$0x14500]  }
0x3b4: {  	v6 =	vadd.f32 v60, v6;
	v7 =	vadd.f32 v11, v7;
	v9 =	vmul.f32 v11, v11  }
0x3b5: {  	v0 =	vsub.f32 v0, v5;
	v1 =	vadd.f32 v8, v1  }
0x3b6: {  	v2 =	vmul.f32 v2, v2;
	v5 =	vadd.f32 v9, v6;
	v6 =	vadd.f32 v10, v7  }
0x3b7: {  	v0 =	vadd.f32 v0, v3  }
0x3b8: {  	v1 =	vsub.f32 v2, v1;
	v2 =	vadd.f32 v4, v5;
	v3 =	vmul.f32 v6, v6;
	_ =	sdelay $0x1  }
0x3b9: {  	v0 =	vadd.f32 v1, v0;
	v1 =	vsub.f32 v3, v2;
	_ =	sdelay $0x1  }
0x3ba: {  	v0 =	vadd.f32 v1, v0;
	_ =	sdelay $0x1  }
0x3bb: {  	v0 =	vmul.f32 $5.000000000e-01, v0;
	_ =	sdelay $0x1  }
0x3bc: {  	s21 =	simm.s32 $0x0;
	[tilespmem:$0x16D30] =	vst v0  }
0x3bd: {  	[tilespmem:$0x1FFC0] =	vst v0;
	v0 =	vld [tilespmem:s21+$0x8540]  }
0x3be: {  	v1 =	vld [tilespmem:s21+$0x8D40];
	_ =	sdelay $0x1  }
0x3bf: {  	v2 =	vld [tilespmem:s21+$0x9540];
	_ =	sdelay $0x1  }
0x3c0: {  	v3 =	vld [tilespmem:s21+$0x9D40]  }
0x3c1: {  	v4 =	vmul.f32 v0, v0;
	v0 =	vadd.f32 v1, v0;
	v1 =	vmul.f32 v1, v1  }
0x3c2: {  	v5 =	vld [tilespmem:s21+$0xA540]  }
0x3c3: {  	v1 =	vadd.f32 v1, v4;
	v0 =	vadd.f32 v2, v0;
	v2 =	vmul.f32 v2, v2  }
0x3c4: {  	v4 =	vld [tilespmem:s21+$0xAD40]  }
0x3c5: {  	v1 =	vadd.f32 v2, v1;
	v0 =	vadd.f32 v3, v0;
	v2 =	vmul.f32 v3, v3  }
0x3c6: {  	v3 =	vld [tilespmem:s21+$0xB540]  }
0x3c7: {  	v1 =	vadd.f32 v2, v1;
	v0 =	vadd.f32 v5, v0;
	v2 =	vmul.f32 v5, v5  }
0x3c8: {  	s13 =	simm.s32 $0x80;
	v5 =	vld [tilespmem:s21+$0xBD40]  }
0x3c9: {  	v6 =	vld [tilespmem:s13+$0x8540];
	v1 =	vadd.f32 v2, v1;
	v0 =	vadd.f32 v4, v0;
	v2 =	vmul.f32 v4, v4  }
0x3ca: {  	v4 =	vld [tilespmem:s21+$0xC540]  }
0x3cb: {  	v7 =	vld [tilespmem:s13+$0x8D40];
	v1 =	vadd.f32 v2, v1;
	v0 =	vadd.f32 v3, v0;
	v2 =	vmul.f32 v3, v3  }
0x3cc: {  	v3 =	vld [tilespmem:s21+$0xCD40]  }
0x3cd: {  	v8 =	vld [tilespmem:s13+$0x9540];
	v1 =	vadd.f32 v2, v1;
	v0 =	vadd.f32 v5, v0;
	v2 =	vmul.f32 v5, v5  }
0x3ce: {  	v5 =	vld [tilespmem:s21+$0xD540]  }
0x3cf: {  	v10 =	vld [tilespmem:s13+$0x9D40];
	v9 =	vmul.f32 v4, v4;
	v1 =	vadd.f32 v2, v1;
	v0 =	vadd.f32 v4, v0  }
0x3d0: {  	v2 =	vmul.f32 v6, v6;
	v4 =	vadd.f32 v7, v6;
	v6 =	vmul.f32 v7, v7;
	v7 =	vld [tilespmem:s21+$0xDD40]  }
0x3d1: {  	v11 =	vld [tilespmem:s13+$0xA540];
	v1 =	vadd.f32 v9, v1;
	v0 =	vadd.f32 v3, v0;
	v3 =	vmul.f32 v3, v3  }
0x3d2: {  	v2 =	vadd.f32 v6, v2;
	v4 =	vadd.f32 v8, v4;
	v6 =	vmul.f32 v8, v8;
	v8 =	vld [tilespmem:s21+$0xE540]  }
0x3d3: {  	v9 =	vld [tilespmem:s13+$0xAD40];
	v3 =	vadd.f32 v3, v1;
	v0 =	vadd.f32 v5, v0;
	v5 =	vmul.f32 v5, v5  }
0x3d4: {  	v61 =	vld [tilespmem:s21+$0x10D00];
	v2 =	vadd.f32 v6, v2;
	v4 =	vadd.f32 v10, v4;
	v6 =	vmul.f32 v10, v10  }
0x3d5: {  	v1 =	vld [tilespmem:s13+$0xB540];
	v3 =	vadd.f32 v5, v3;
	v0 =	vadd.f32 v7, v0;
	v7 =	vmul.f32 v7, v7  }
0x3d6: {  	v6 =	vadd.f32 v6, v2;
	v10 =	vadd.f32 v11, v4;
	v11 =	vmul.f32 v11, v11;
	v5 =	vld [tilespmem:s21+$0x14D00]  }
0x3d7: {  	v2 =	vld [tilespmem:s13+$0xBD40];
	v63 =	vmul.f32 v8, v8;
	v62 =	vadd.f32 v7, v3;
	v0 =	vadd.f32 v8, v0  }
0x3d8: {  	s17 =	simm.s32 $0x100;
	v8 =	vadd.f32 v11, v6;
	v6 =	vadd.f32 v9, v10;
	v3 =	vld [tilespmem:s13+$0xC540];
	v10 =	vmul.f32 v9, v9  }
0x3d9: {  	s18 =	simm.s32 $0x600;
	v4 =	vimm.f32 $0.0e+00;
	v7 =	vld [tilespmem:s17+$0x8540];
	v9 =	vadd.f32 v63, v62;
	v0 =	vadd.f32 v61, v0  }
.LBB2_26:
0x3da: {  	p0 =	sne.s32 s18, $0x1E00;
	v11 =	vld [tilespmem:s17+$0x8D40];
	v8 =	vadd.f32 v10, v8;
	v6 =	vadd.f32 v1, v6;
	v1 =	vmul.f32 v1, v1  }
0x3db: {  	v10 =	vld [tilespmem:s13+$0xCD40];
	v5 =	vadd.f32 v5, v9;
	v0 =	vmul.f32 v0, v0  }
0x3dc: {  	v9 =	vld [tilespmem:s17+$0x9540];
	v1 =	vadd.f32 v1, v8;
	v6 =	vadd.f32 v2, v6;
	v2 =	vmul.f32 v2, v2  }
0x3dd: {  	v8 =	vmul.f32 v3, v3;
	v12 =	vld [tilespmem:s13+$0xD540];
	v0 =	vsub.f32 v0, v5  }
0x3de: {  	v5 =	vmul.f32 v7, v7;
	v13 =	vld [tilespmem:s17+$0x9D40];
	v1 =	vadd.f32 v2, v1;
	v2 =	vadd.f32 v3, v6  }
0x3df: {  	v3 =	vadd.f32 v11, v7;
	v6 =	vmul.f32 v11, v11;
	v7 =	vld [tilespmem:s13+$0xDD40];
	v4 =	vadd.f32 v0, v4  }
0x3e0: {  	v0 =	vld [tilespmem:s17+$0xA540];
	v1 =	vadd.f32 v8, v1;
	v2 =	vadd.f32 v10, v2;
	v8 =	vmul.f32 v10, v10  }
0x3e1: {  	v5 =	vadd.f32 v6, v5;
	v3 =	vadd.f32 v9, v3;
	v6 =	vmul.f32 v9, v9;
	v9 =	vld [tilespmem:s13+$0xE540]  }
0x3e2: {  	v10 =	vld [tilespmem:s17+$0xAD40];
	v8 =	vadd.f32 v8, v1;
	v2 =	vadd.f32 v12, v2;
	v11 =	vmul.f32 v12, v12  }
0x3e3: {  	v5 =	vadd.f32 v6, v5;
	v3 =	vadd.f32 v13, v3;
	v6 =	vmul.f32 v13, v13;
	v12 =	vld [tilespmem:s13+$0x10D00]  }
.Ltmp12:
0x3e4: {  	v1 =	vld [tilespmem:s17+$0xB540];
	v8 =	vadd.f32 v11, v8;
	v11 =	vadd.f32 v7, v2;
	v7 =	vmul.f32 v7, v7;
	(pc) =	sbr.rel @p0 .LBB2_26-.Ltmp12, $4  }
0x3e5: {  	v6 =	vadd.f32 v6, v5;
	v3 =	vadd.f32 v0, v3;
	v0 =	vmul.f32 v0, v0;
	v5 =	vld [tilespmem:s13+$0x14D00];
	s13 =	smov.u32 s17  }
0x3e6: {  	v2 =	vld [tilespmem:s13+$0xBD40];
	v13 =	vadd.f32 v7, v8;
	v11 =	vadd.f32 v9, v11;
	v9 =	vmul.f32 v9, v9  }
0x3e7: {  	s17 =	sshra.s32 s18, $0x2;
	v8 =	vadd.f32 v0, v6;
	v6 =	vadd.f32 v10, v3;
	v10 =	vmul.f32 v10, v10;
	v3 =	vld [tilespmem:s13+$0xC540]  }
0x3e8: {  	s18 =	sadd.s32 $0x200, s18;
	v7 =	vld [tilespmem:s17+$0x8540];
	v9 =	vadd.f32 v9, v13;
	v0 =	vadd.f32 v12, v11  }
0x3e9: {  	v11 =	vld [tilespmem:s17+$0x8D40];
	_ =	sdelay $0x1  }
0x3ea: {  	v12 =	vld [tilespmem:s17+$0x9540];
	_ =	sdelay $0x1  }
0x3eb: {  	v13 =	vld [tilespmem:s17+$0x9D40]  }
0x3ec: {  	v14 =	vmul.f32 v7, v7;
	v7 =	vadd.f32 v11, v7;
	v11 =	vmul.f32 v11, v11  }
0x3ed: {  	v15 =	vld [tilespmem:s17+$0xA540]  }
0x3ee: {  	v11 =	vadd.f32 v11, v14;
	v7 =	vadd.f32 v12, v7;
	v12 =	vmul.f32 v12, v12  }
0x3ef: {  	v53 =	vld [tilespmem:s17+$0xAD40]  }
0x3f0: {  	v54 =	vmul.f32 v13, v13;
	v11 =	vadd.f32 v12, v11;
	v7 =	vadd.f32 v13, v7  }
0x3f1: {  	v8 =	vadd.f32 v10, v8;
	v10 =	vld [tilespmem:s17+$0xB540]  }
0x3f2: {  	v55 =	vmul.f32 v15, v15;
	v11 =	vadd.f32 v54, v11;
	v7 =	vadd.f32 v15, v7  }
0x3f3: {  	v6 =	vadd.f32 v1, v6;
	v1 =	vmul.f32 v1, v1;
	v5 =	vadd.f32 v5, v9;
	v9 =	vld [tilespmem:s17+$0xBD40]  }
0x3f4: {  	v56 =	vld [tilespmem:s13+$0xCD40];
	v57 =	vmul.f32 v53, v53;
	v11 =	vadd.f32 v55, v11;
	v7 =	vadd.f32 v53, v7  }
0x3f5: {  	v1 =	vadd.f32 v1, v8;
	v6 =	vadd.f32 v2, v6;
	v2 =	vmul.f32 v2, v2;
	v8 =	vld [tilespmem:s17+$0xC540]  }
0x3f6: {  	v58 =	vld [tilespmem:s13+$0xD540];
	v11 =	vadd.f32 v57, v11;
	v7 =	vadd.f32 v10, v7;
	v10 =	vmul.f32 v10, v10  }
0x3f7: {  	v1 =	vadd.f32 v2, v1;
	v2 =	vmul.f32 v3, v3;
	v3 =	vadd.f32 v3, v6;
	v6 =	vld [tilespmem:s17+$0xCD40]  }
0x3f8: {  	v10 =	vadd.f32 v10, v11;
	v11 =	vld [tilespmem:s13+$0xDD40];
	v7 =	vadd.f32 v9, v7;
	v9 =	vmul.f32 v9, v9  }
0x3f9: {  	v59 =	vld [tilespmem:s17+$0xD540];
	v1 =	vadd.f32 v2, v1;
	v2 =	vadd.f32 v56, v3;
	v3 =	vmul.f32 v56, v56  }
0x3fa: {  	v9 =	vadd.f32 v9, v10;
	v10 =	vld [tilespmem:s13+$0xE540];
	v7 =	vadd.f32 v8, v7;
	v8 =	vmul.f32 v8, v8  }
0x3fb: {  	v60 =	vld [tilespmem:s17+$0xDD40];
	v1 =	vadd.f32 v3, v1;
	v2 =	vadd.f32 v58, v2;
	v3 =	vmul.f32 v58, v58  }
0x3fc: {  	v8 =	vadd.f32 v8, v9;
	v9 =	vld [tilespmem:s13+$0x10D00];
	v7 =	vadd.f32 v6, v7;
	v6 =	vmul.f32 v6, v6  }
0x3fd: {  	v1 =	vadd.f32 v3, v1;
	v2 =	vadd.f32 v11, v2;
	v3 =	vmul.f32 v11, v11;
	v11 =	vld [tilespmem:s17+$0xE540]  }
0x3fe: {  	v12 =	vmul.f32 v59, v59;
	v6 =	vadd.f32 v6, v8;
	v8 =	vld [tilespmem:s13+$0x14D00];
	v7 =	vadd.f32 v59, v7  }
0x3ff: {  	v1 =	vadd.f32 v3, v1;
	v2 =	vadd.f32 v10, v2;
	v3 =	vmul.f32 v10, v10;
	v10 =	vld [tilespmem:s17+$0x10D00]  }
0x400: {  	v61 =	vmul.f32 v60, v60;
	v6 =	vadd.f32 v12, v6;
	v7 =	vadd.f32 v60, v7  }
0x401: {  	v0 =	vmul.f32 v0, v0;
	v1 =	vadd.f32 v3, v1;
	v2 =	vadd.f32 v9, v2;
	v3 =	vld [tilespmem:s17+$0x14D00]  }
0x402: {  	v6 =	vadd.f32 v61, v6;
	v7 =	vadd.f32 v11, v7;
	v9 =	vmul.f32 v11, v11  }
0x403: {  	v0 =	vsub.f32 v0, v5;
	v1 =	vadd.f32 v8, v1  }
0x404: {  	v2 =	vmul.f32 v2, v2;
	v5 =	vadd.f32 v9, v6;
	v6 =	vadd.f32 v10, v7  }
0x405: {  	v0 =	vadd.f32 v0, v4  }
0x406: {  	v1 =	vsub.f32 v2, v1;
	v2 =	vadd.f32 v3, v5;
	v3 =	vmul.f32 v6, v6;
	_ =	sdelay $0x1  }
0x407: {  	v0 =	vadd.f32 v1, v0;
	v1 =	vsub.f32 v3, v2;
	_ =	sdelay $0x1  }
0x408: {  	v0 =	vadd.f32 v1, v0;
	_ =	sdelay $0x1  }
0x409: {  	v0 =	vmul.f32 $5.000000000e-01, v0;
	_ =	sdelay $0x1  }
0x40a: {  	s21 =	simm.s32 $0x0;
	[tilespmem:$0x16D40] =	vst v0  }
0x40b: {  	[tilespmem:$0x1FFB0] =	vst v0;
	v0 =	vld [tilespmem:s21+$0x8550]  }
0x40c: {  	v1 =	vld [tilespmem:s21+$0x8D50];
	_ =	sdelay $0x1  }
0x40d: {  	v2 =	vld [tilespmem:s21+$0x9550];
	_ =	sdelay $0x1  }
0x40e: {  	v3 =	vld [tilespmem:s21+$0x9D50]  }
0x40f: {  	v4 =	vmul.f32 v0, v0;
	v0 =	vadd.f32 v1, v0;
	v1 =	vmul.f32 v1, v1  }
0x410: {  	v5 =	vld [tilespmem:s21+$0xA550]  }
0x411: {  	v1 =	vadd.f32 v1, v4;
	v0 =	vadd.f32 v2, v0;
	v2 =	vmul.f32 v2, v2  }
0x412: {  	v4 =	vld [tilespmem:s21+$0xAD50]  }
0x413: {  	v1 =	vadd.f32 v2, v1;
	v0 =	vadd.f32 v3, v0;
	v2 =	vmul.f32 v3, v3  }
0x414: {  	v3 =	vld [tilespmem:s21+$0xB550]  }
0x415: {  	v1 =	vadd.f32 v2, v1;
	v0 =	vadd.f32 v5, v0;
	v2 =	vmul.f32 v5, v5  }
0x416: {  	s13 =	simm.s32 $0x80;
	v5 =	vld [tilespmem:s21+$0xBD50]  }
0x417: {  	v6 =	vld [tilespmem:s13+$0x8550];
	v1 =	vadd.f32 v2, v1;
	v0 =	vadd.f32 v4, v0;
	v2 =	vmul.f32 v4, v4  }
0x418: {  	v4 =	vld [tilespmem:s21+$0xC550]  }
0x419: {  	v7 =	vld [tilespmem:s13+$0x8D50];
	v1 =	vadd.f32 v2, v1;
	v0 =	vadd.f32 v3, v0;
	v2 =	vmul.f32 v3, v3  }
0x41a: {  	v3 =	vld [tilespmem:s21+$0xCD50]  }
0x41b: {  	v8 =	vld [tilespmem:s13+$0x9550];
	v1 =	vadd.f32 v2, v1;
	v0 =	vadd.f32 v5, v0;
	v2 =	vmul.f32 v5, v5  }
0x41c: {  	v5 =	vld [tilespmem:s21+$0xD550]  }
0x41d: {  	v10 =	vld [tilespmem:s13+$0x9D50];
	v9 =	vmul.f32 v4, v4;
	v1 =	vadd.f32 v2, v1;
	v0 =	vadd.f32 v4, v0  }
0x41e: {  	v2 =	vmul.f32 v6, v6;
	v4 =	vadd.f32 v7, v6;
	v6 =	vmul.f32 v7, v7;
	v7 =	vld [tilespmem:s21+$0xDD50]  }
0x41f: {  	v11 =	vld [tilespmem:s13+$0xA550];
	v1 =	vadd.f32 v9, v1;
	v0 =	vadd.f32 v3, v0;
	v3 =	vmul.f32 v3, v3  }
0x420: {  	v2 =	vadd.f32 v6, v2;
	v4 =	vadd.f32 v8, v4;
	v6 =	vmul.f32 v8, v8;
	v8 =	vld [tilespmem:s21+$0xE550]  }
0x421: {  	v9 =	vld [tilespmem:s13+$0xAD50];
	v3 =	vadd.f32 v3, v1;
	v0 =	vadd.f32 v5, v0;
	v5 =	vmul.f32 v5, v5  }
0x422: {  	v62 =	vld [tilespmem:s21+$0x11500];
	v2 =	vadd.f32 v6, v2;
	v4 =	vadd.f32 v10, v4;
	v6 =	vmul.f32 v10, v10  }
0x423: {  	v1 =	vld [tilespmem:s13+$0xB550];
	v3 =	vadd.f32 v5, v3;
	v0 =	vadd.f32 v7, v0;
	v5 =	vmul.f32 v7, v7  }
0x424: {  	v10 =	vmul.f32 v11, v11;
	v6 =	vadd.f32 v6, v2;
	v7 =	vadd.f32 v11, v4;
	v4 =	vld [tilespmem:s21+$0x15500]  }
0x425: {  	v2 =	vld [tilespmem:s13+$0xBD50];
	v63 =	vmul.f32 v8, v8;
	v11 =	vadd.f32 v5, v3;
	v0 =	vadd.f32 v8, v0  }
0x426: {  	s17 =	simm.s32 $0x100;
	v8 =	vadd.f32 v10, v6;
	v6 =	vadd.f32 v9, v7;
	v3 =	vld [tilespmem:s13+$0xC550];
	v10 =	vmul.f32 v9, v9  }
0x427: {  	s18 =	simm.s32 $0x600;
	v5 =	vimm.f32 $0.0e+00;
	v7 =	vld [tilespmem:s17+$0x8550];
	v9 =	vadd.f32 v63, v11;
	v0 =	vadd.f32 v62, v0  }
.LBB2_28:
0x428: {  	p0 =	sne.s32 s18, $0x1E00;
	v11 =	vld [tilespmem:s17+$0x8D50];
	v8 =	vadd.f32 v10, v8;
	v6 =	vadd.f32 v1, v6;
	v1 =	vmul.f32 v1, v1  }
0x429: {  	v10 =	vld [tilespmem:s13+$0xCD50];
	v4 =	vadd.f32 v4, v9;
	v0 =	vmul.f32 v0, v0  }
0x42a: {  	v9 =	vld [tilespmem:s17+$0x9550];
	v1 =	vadd.f32 v1, v8;
	v6 =	vadd.f32 v2, v6;
	v2 =	vmul.f32 v2, v2  }
0x42b: {  	v8 =	vmul.f32 v3, v3;
	v12 =	vld [tilespmem:s13+$0xD550];
	v0 =	vsub.f32 v0, v4  }
0x42c: {  	v4 =	vmul.f32 v7, v7;
	v13 =	vld [tilespmem:s17+$0x9D50];
	v1 =	vadd.f32 v2, v1;
	v2 =	vadd.f32 v3, v6  }
0x42d: {  	v3 =	vadd.f32 v11, v7;
	v6 =	vmul.f32 v11, v11;
	v7 =	vld [tilespmem:s13+$0xDD50];
	v5 =	vadd.f32 v0, v5  }
0x42e: {  	v0 =	vld [tilespmem:s17+$0xA550];
	v1 =	vadd.f32 v8, v1;
	v2 =	vadd.f32 v10, v2;
	v8 =	vmul.f32 v10, v10  }
0x42f: {  	v4 =	vadd.f32 v6, v4;
	v3 =	vadd.f32 v9, v3;
	v6 =	vmul.f32 v9, v9;
	v9 =	vld [tilespmem:s13+$0xE550]  }
0x430: {  	v10 =	vld [tilespmem:s17+$0xAD50];
	v8 =	vadd.f32 v8, v1;
	v2 =	vadd.f32 v12, v2;
	v11 =	vmul.f32 v12, v12  }
0x431: {  	v4 =	vadd.f32 v6, v4;
	v3 =	vadd.f32 v13, v3;
	v6 =	vmul.f32 v13, v13;
	v12 =	vld [tilespmem:s13+$0x11500]  }
.Ltmp13:
0x432: {  	v1 =	vld [tilespmem:s17+$0xB550];
	v8 =	vadd.f32 v11, v8;
	v11 =	vadd.f32 v7, v2;
	v7 =	vmul.f32 v7, v7;
	(pc) =	sbr.rel @p0 .LBB2_28-.Ltmp13, $4  }
0x433: {  	v6 =	vadd.f32 v6, v4;
	v3 =	vadd.f32 v0, v3;
	v0 =	vmul.f32 v0, v0;
	v4 =	vld [tilespmem:s13+$0x15500];
	s13 =	smov.u32 s17  }
0x434: {  	v2 =	vld [tilespmem:s13+$0xBD50];
	v13 =	vadd.f32 v7, v8;
	v11 =	vadd.f32 v9, v11;
	v9 =	vmul.f32 v9, v9  }
0x435: {  	s17 =	sshra.s32 s18, $0x2;
	v8 =	vadd.f32 v0, v6;
	v6 =	vadd.f32 v10, v3;
	v10 =	vmul.f32 v10, v10;
	v3 =	vld [tilespmem:s13+$0xC550]  }
0x436: {  	s18 =	sadd.s32 $0x200, s18;
	v7 =	vld [tilespmem:s17+$0x8550];
	v9 =	vadd.f32 v9, v13;
	v0 =	vadd.f32 v12, v11  }
0x437: {  	v11 =	vld [tilespmem:s17+$0x8D50];
	_ =	sdelay $0x1  }
0x438: {  	v12 =	vld [tilespmem:s17+$0x9550];
	_ =	sdelay $0x1  }
0x439: {  	v13 =	vld [tilespmem:s17+$0x9D50]  }
0x43a: {  	v14 =	vmul.f32 v7, v7;
	v7 =	vadd.f32 v11, v7;
	v11 =	vmul.f32 v11, v11  }
0x43b: {  	v15 =	vld [tilespmem:s17+$0xA550]  }
0x43c: {  	v11 =	vadd.f32 v11, v14;
	v7 =	vadd.f32 v12, v7;
	v12 =	vmul.f32 v12, v12  }
0x43d: {  	v52 =	vld [tilespmem:s17+$0xAD50]  }
0x43e: {  	v53 =	vmul.f32 v13, v13;
	v11 =	vadd.f32 v12, v11;
	v7 =	vadd.f32 v13, v7  }
0x43f: {  	v8 =	vadd.f32 v10, v8;
	v10 =	vld [tilespmem:s17+$0xB550]  }
0x440: {  	v54 =	vmul.f32 v15, v15;
	v11 =	vadd.f32 v53, v11;
	v7 =	vadd.f32 v15, v7  }
0x441: {  	v6 =	vadd.f32 v1, v6;
	v1 =	vmul.f32 v1, v1;
	v4 =	vadd.f32 v4, v9;
	v9 =	vld [tilespmem:s17+$0xBD50]  }
0x442: {  	v55 =	vld [tilespmem:s13+$0xCD50];
	v56 =	vmul.f32 v52, v52;
	v11 =	vadd.f32 v54, v11;
	v7 =	vadd.f32 v52, v7  }
0x443: {  	v1 =	vadd.f32 v1, v8;
	v6 =	vadd.f32 v2, v6;
	v2 =	vmul.f32 v2, v2;
	v8 =	vld [tilespmem:s17+$0xC550]  }
0x444: {  	v57 =	vld [tilespmem:s13+$0xD550];
	v11 =	vadd.f32 v56, v11;
	v7 =	vadd.f32 v10, v7;
	v10 =	vmul.f32 v10, v10  }
0x445: {  	v1 =	vadd.f32 v2, v1;
	v2 =	vmul.f32 v3, v3;
	v3 =	vadd.f32 v3, v6;
	v6 =	vld [tilespmem:s17+$0xCD50]  }
0x446: {  	v10 =	vadd.f32 v10, v11;
	v11 =	vld [tilespmem:s13+$0xDD50];
	v7 =	vadd.f32 v9, v7;
	v9 =	vmul.f32 v9, v9  }
0x447: {  	v58 =	vld [tilespmem:s17+$0xD550];
	v1 =	vadd.f32 v2, v1;
	v2 =	vadd.f32 v55, v3;
	v3 =	vmul.f32 v55, v55  }
0x448: {  	v9 =	vadd.f32 v9, v10;
	v10 =	vld [tilespmem:s13+$0xE550];
	v7 =	vadd.f32 v8, v7;
	v8 =	vmul.f32 v8, v8  }
0x449: {  	v59 =	vld [tilespmem:s17+$0xDD50];
	v1 =	vadd.f32 v3, v1;
	v2 =	vadd.f32 v57, v2;
	v3 =	vmul.f32 v57, v57  }
0x44a: {  	v8 =	vadd.f32 v8, v9;
	v9 =	vld [tilespmem:s13+$0x11500];
	v7 =	vadd.f32 v6, v7;
	v6 =	vmul.f32 v6, v6  }
0x44b: {  	v1 =	vadd.f32 v3, v1;
	v2 =	vadd.f32 v11, v2;
	v3 =	vmul.f32 v11, v11;
	v11 =	vld [tilespmem:s17+$0xE550]  }
0x44c: {  	v12 =	vmul.f32 v58, v58;
	v6 =	vadd.f32 v6, v8;
	v8 =	vld [tilespmem:s13+$0x15500];
	v7 =	vadd.f32 v58, v7  }
0x44d: {  	v1 =	vadd.f32 v3, v1;
	v2 =	vadd.f32 v10, v2;
	v3 =	vmul.f32 v10, v10;
	v10 =	vld [tilespmem:s17+$0x11500]  }
0x44e: {  	v60 =	vmul.f32 v59, v59;
	v6 =	vadd.f32 v12, v6;
	v7 =	vadd.f32 v59, v7  }
0x44f: {  	v0 =	vmul.f32 v0, v0;
	v1 =	vadd.f32 v3, v1;
	v2 =	vadd.f32 v9, v2;
	v3 =	vld [tilespmem:s17+$0x15500]  }
0x450: {  	v6 =	vadd.f32 v60, v6;
	v7 =	vadd.f32 v11, v7;
	v9 =	vmul.f32 v11, v11  }
0x451: {  	v0 =	vsub.f32 v0, v4;
	v1 =	vadd.f32 v8, v1  }
0x452: {  	v2 =	vmul.f32 v2, v2;
	v4 =	vadd.f32 v9, v6;
	v6 =	vadd.f32 v10, v7  }
0x453: {  	v0 =	vadd.f32 v0, v5  }
0x454: {  	v1 =	vsub.f32 v2, v1;
	v2 =	vadd.f32 v3, v4;
	v3 =	vmul.f32 v6, v6;
	_ =	sdelay $0x1  }
0x455: {  	v0 =	vadd.f32 v1, v0;
	v1 =	vsub.f32 v3, v2;
	_ =	sdelay $0x1  }
0x456: {  	v0 =	vadd.f32 v1, v0;
	_ =	sdelay $0x1  }
0x457: {  	v0 =	vmul.f32 $5.000000000e-01, v0;
	_ =	sdelay $0x1  }
0x458: {  	s21 =	simm.s32 $0x0;
	[tilespmem:$0x16D50] =	vst v0  }
0x459: {  	[tilespmem:$0x1FFA0] =	vst v0;
	v0 =	vld [tilespmem:s21+$0x8560]  }
0x45a: {  	v1 =	vld [tilespmem:s21+$0x8D60];
	_ =	sdelay $0x1  }
0x45b: {  	v2 =	vld [tilespmem:s21+$0x9560];
	_ =	sdelay $0x1  }
0x45c: {  	v3 =	vld [tilespmem:s21+$0x9D60]  }
0x45d: {  	v4 =	vmul.f32 v0, v0;
	v0 =	vadd.f32 v1, v0;
	v1 =	vmul.f32 v1, v1  }
0x45e: {  	v5 =	vld [tilespmem:s21+$0xA560]  }
0x45f: {  	v1 =	vadd.f32 v1, v4;
	v0 =	vadd.f32 v2, v0;
	v2 =	vmul.f32 v2, v2  }
0x460: {  	v4 =	vld [tilespmem:s21+$0xAD60]  }
0x461: {  	v1 =	vadd.f32 v2, v1;
	v0 =	vadd.f32 v3, v0;
	v2 =	vmul.f32 v3, v3  }
0x462: {  	v3 =	vld [tilespmem:s21+$0xB560]  }
0x463: {  	v1 =	vadd.f32 v2, v1;
	v0 =	vadd.f32 v5, v0;
	v2 =	vmul.f32 v5, v5  }
0x464: {  	s13 =	simm.s32 $0x80;
	v5 =	vld [tilespmem:s21+$0xBD60]  }
0x465: {  	v6 =	vld [tilespmem:s13+$0x8560];
	v1 =	vadd.f32 v2, v1;
	v0 =	vadd.f32 v4, v0;
	v2 =	vmul.f32 v4, v4  }
0x466: {  	v4 =	vld [tilespmem:s21+$0xC560]  }
0x467: {  	v7 =	vld [tilespmem:s13+$0x8D60];
	v1 =	vadd.f32 v2, v1;
	v0 =	vadd.f32 v3, v0;
	v2 =	vmul.f32 v3, v3  }
0x468: {  	v3 =	vld [tilespmem:s21+$0xCD60]  }
0x469: {  	v8 =	vld [tilespmem:s13+$0x9560];
	v1 =	vadd.f32 v2, v1;
	v0 =	vadd.f32 v5, v0;
	v2 =	vmul.f32 v5, v5  }
0x46a: {  	v5 =	vld [tilespmem:s21+$0xD560]  }
0x46b: {  	v10 =	vld [tilespmem:s13+$0x9D60];
	v9 =	vmul.f32 v4, v4;
	v1 =	vadd.f32 v2, v1;
	v0 =	vadd.f32 v4, v0  }
0x46c: {  	v2 =	vmul.f32 v6, v6;
	v4 =	vadd.f32 v7, v6;
	v6 =	vmul.f32 v7, v7;
	v7 =	vld [tilespmem:s21+$0xDD60]  }
0x46d: {  	v11 =	vld [tilespmem:s13+$0xA560];
	v1 =	vadd.f32 v9, v1;
	v0 =	vadd.f32 v3, v0;
	v3 =	vmul.f32 v3, v3  }
0x46e: {  	v2 =	vadd.f32 v6, v2;
	v4 =	vadd.f32 v8, v4;
	v6 =	vmul.f32 v8, v8;
	v8 =	vld [tilespmem:s21+$0xE560]  }
0x46f: {  	v9 =	vld [tilespmem:s13+$0xAD60];
	v3 =	vadd.f32 v3, v1;
	v0 =	vadd.f32 v5, v0;
	v5 =	vmul.f32 v5, v5  }
0x470: {  	v61 =	vld [tilespmem:s21+$0x11D00];
	v2 =	vadd.f32 v6, v2;
	v4 =	vadd.f32 v10, v4;
	v6 =	vmul.f32 v10, v10  }
0x471: {  	v1 =	vld [tilespmem:s13+$0xB560];
	v3 =	vadd.f32 v5, v3;
	v0 =	vadd.f32 v7, v0;
	v5 =	vmul.f32 v7, v7  }
0x472: {  	v7 =	vadd.f32 v6, v2;
	v10 =	vadd.f32 v11, v4;
	v11 =	vmul.f32 v11, v11;
	v4 =	vld [tilespmem:s21+$0x15D00]  }
0x473: {  	v2 =	vld [tilespmem:s13+$0xBD60];
	v63 =	vmul.f32 v8, v8;
	v62 =	vadd.f32 v5, v3;
	v0 =	vadd.f32 v8, v0  }
0x474: {  	s17 =	simm.s32 $0x100;
	v8 =	vadd.f32 v11, v7;
	v5 =	vadd.f32 v9, v10;
	v3 =	vld [tilespmem:s13+$0xC560];
	v10 =	vmul.f32 v9, v9  }
0x475: {  	s18 =	simm.s32 $0x600;
	v6 =	vimm.f32 $0.0e+00;
	v7 =	vld [tilespmem:s17+$0x8560];
	v9 =	vadd.f32 v63, v62;
	v0 =	vadd.f32 v61, v0  }
.LBB2_30:
0x476: {  	p0 =	sne.s32 s18, $0x1E00;
	v11 =	vld [tilespmem:s17+$0x8D60];
	v8 =	vadd.f32 v10, v8;
	v5 =	vadd.f32 v1, v5;
	v1 =	vmul.f32 v1, v1  }
0x477: {  	v10 =	vld [tilespmem:s13+$0xCD60];
	v4 =	vadd.f32 v4, v9;
	v0 =	vmul.f32 v0, v0  }
0x478: {  	v9 =	vld [tilespmem:s17+$0x9560];
	v1 =	vadd.f32 v1, v8;
	v5 =	vadd.f32 v2, v5;
	v2 =	vmul.f32 v2, v2  }
0x479: {  	v8 =	vmul.f32 v3, v3;
	v12 =	vld [tilespmem:s13+$0xD560];
	v0 =	vsub.f32 v0, v4  }
0x47a: {  	v4 =	vmul.f32 v7, v7;
	v13 =	vld [tilespmem:s17+$0x9D60];
	v1 =	vadd.f32 v2, v1;
	v2 =	vadd.f32 v3, v5  }
0x47b: {  	v3 =	vadd.f32 v11, v7;
	v5 =	vmul.f32 v11, v11;
	v7 =	vld [tilespmem:s13+$0xDD60];
	v6 =	vadd.f32 v0, v6  }
0x47c: {  	v0 =	vld [tilespmem:s17+$0xA560];
	v1 =	vadd.f32 v8, v1;
	v2 =	vadd.f32 v10, v2;
	v8 =	vmul.f32 v10, v10  }
0x47d: {  	v4 =	vadd.f32 v5, v4;
	v3 =	vadd.f32 v9, v3;
	v5 =	vmul.f32 v9, v9;
	v9 =	vld [tilespmem:s13+$0xE560]  }
0x47e: {  	v10 =	vld [tilespmem:s17+$0xAD60];
	v8 =	vadd.f32 v8, v1;
	v2 =	vadd.f32 v12, v2;
	v11 =	vmul.f32 v12, v12  }
0x47f: {  	v4 =	vadd.f32 v5, v4;
	v3 =	vadd.f32 v13, v3;
	v5 =	vmul.f32 v13, v13;
	v12 =	vld [tilespmem:s13+$0x11D00]  }
.Ltmp14:
0x480: {  	v1 =	vld [tilespmem:s17+$0xB560];
	v8 =	vadd.f32 v11, v8;
	v11 =	vadd.f32 v7, v2;
	v7 =	vmul.f32 v7, v7;
	(pc) =	sbr.rel @p0 .LBB2_30-.Ltmp14, $4  }
0x481: {  	v5 =	vadd.f32 v5, v4;
	v3 =	vadd.f32 v0, v3;
	v0 =	vmul.f32 v0, v0;
	v4 =	vld [tilespmem:s13+$0x15D00];
	s13 =	smov.u32 s17  }
0x482: {  	v2 =	vld [tilespmem:s13+$0xBD60];
	v13 =	vadd.f32 v7, v8;
	v11 =	vadd.f32 v9, v11;
	v9 =	vmul.f32 v9, v9  }
0x483: {  	s17 =	sshra.s32 s18, $0x2;
	v8 =	vadd.f32 v0, v5;
	v5 =	vadd.f32 v10, v3;
	v10 =	vmul.f32 v10, v10;
	v3 =	vld [tilespmem:s13+$0xC560]  }
0x484: {  	s18 =	sadd.s32 $0x200, s18;
	v7 =	vld [tilespmem:s17+$0x8560];
	v9 =	vadd.f32 v9, v13;
	v0 =	vadd.f32 v12, v11  }
0x485: {  	v11 =	vld [tilespmem:s17+$0x8D60];
	_ =	sdelay $0x1  }
0x486: {  	v12 =	vld [tilespmem:s17+$0x9560];
	_ =	sdelay $0x1  }
0x487: {  	v13 =	vld [tilespmem:s17+$0x9D60]  }
0x488: {  	v14 =	vmul.f32 v7, v7;
	v7 =	vadd.f32 v11, v7;
	v11 =	vmul.f32 v11, v11  }
0x489: {  	v15 =	vld [tilespmem:s17+$0xA560]  }
0x48a: {  	v11 =	vadd.f32 v11, v14;
	v7 =	vadd.f32 v12, v7;
	v12 =	vmul.f32 v12, v12  }
0x48b: {  	v52 =	vld [tilespmem:s17+$0xAD60]  }
0x48c: {  	v53 =	vmul.f32 v13, v13;
	v11 =	vadd.f32 v12, v11;
	v7 =	vadd.f32 v13, v7  }
0x48d: {  	v8 =	vadd.f32 v10, v8;
	v10 =	vld [tilespmem:s17+$0xB560]  }
0x48e: {  	v54 =	vmul.f32 v15, v15;
	v11 =	vadd.f32 v53, v11;
	v7 =	vadd.f32 v15, v7  }
0x48f: {  	v5 =	vadd.f32 v1, v5;
	v1 =	vmul.f32 v1, v1;
	v4 =	vadd.f32 v4, v9;
	v9 =	vld [tilespmem:s17+$0xBD60]  }
0x490: {  	v55 =	vld [tilespmem:s13+$0xCD60];
	v56 =	vmul.f32 v52, v52;
	v11 =	vadd.f32 v54, v11;
	v7 =	vadd.f32 v52, v7  }
0x491: {  	v1 =	vadd.f32 v1, v8;
	v5 =	vadd.f32 v2, v5;
	v2 =	vmul.f32 v2, v2;
	v8 =	vld [tilespmem:s17+$0xC560]  }
0x492: {  	v57 =	vld [tilespmem:s13+$0xD560];
	v11 =	vadd.f32 v56, v11;
	v7 =	vadd.f32 v10, v7;
	v10 =	vmul.f32 v10, v10  }
0x493: {  	v1 =	vadd.f32 v2, v1;
	v2 =	vmul.f32 v3, v3;
	v3 =	vadd.f32 v3, v5;
	v5 =	vld [tilespmem:s17+$0xCD60]  }
0x494: {  	v10 =	vadd.f32 v10, v11;
	v11 =	vld [tilespmem:s13+$0xDD60];
	v7 =	vadd.f32 v9, v7;
	v9 =	vmul.f32 v9, v9  }
0x495: {  	v58 =	vld [tilespmem:s17+$0xD560];
	v1 =	vadd.f32 v2, v1;
	v2 =	vadd.f32 v55, v3;
	v3 =	vmul.f32 v55, v55  }
0x496: {  	v9 =	vadd.f32 v9, v10;
	v10 =	vld [tilespmem:s13+$0xE560];
	v7 =	vadd.f32 v8, v7;
	v8 =	vmul.f32 v8, v8  }
0x497: {  	v59 =	vld [tilespmem:s17+$0xDD60];
	v1 =	vadd.f32 v3, v1;
	v2 =	vadd.f32 v57, v2;
	v3 =	vmul.f32 v57, v57  }
0x498: {  	v8 =	vadd.f32 v8, v9;
	v9 =	vld [tilespmem:s13+$0x11D00];
	v7 =	vadd.f32 v5, v7;
	v5 =	vmul.f32 v5, v5  }
0x499: {  	v1 =	vadd.f32 v3, v1;
	v2 =	vadd.f32 v11, v2;
	v3 =	vmul.f32 v11, v11;
	v11 =	vld [tilespmem:s17+$0xE560]  }
0x49a: {  	v12 =	vmul.f32 v58, v58;
	v5 =	vadd.f32 v5, v8;
	v8 =	vld [tilespmem:s13+$0x15D00];
	v7 =	vadd.f32 v58, v7  }
0x49b: {  	v1 =	vadd.f32 v3, v1;
	v2 =	vadd.f32 v10, v2;
	v3 =	vmul.f32 v10, v10;
	v10 =	vld [tilespmem:s17+$0x11D00]  }
0x49c: {  	v60 =	vmul.f32 v59, v59;
	v5 =	vadd.f32 v12, v5;
	v7 =	vadd.f32 v59, v7  }
0x49d: {  	v0 =	vmul.f32 v0, v0;
	v1 =	vadd.f32 v3, v1;
	v2 =	vadd.f32 v9, v2;
	v3 =	vld [tilespmem:s17+$0x15D00]  }
0x49e: {  	v5 =	vadd.f32 v60, v5;
	v7 =	vadd.f32 v11, v7;
	v9 =	vmul.f32 v11, v11  }
0x49f: {  	v0 =	vsub.f32 v0, v4;
	v1 =	vadd.f32 v8, v1  }
0x4a0: {  	v2 =	vmul.f32 v2, v2;
	v4 =	vadd.f32 v9, v5;
	v5 =	vadd.f32 v10, v7  }
0x4a1: {  	v0 =	vadd.f32 v0, v6  }
0x4a2: {  	v1 =	vsub.f32 v2, v1;
	v2 =	vadd.f32 v3, v4;
	v3 =	vmul.f32 v5, v5;
	_ =	sdelay $0x1  }
0x4a3: {  	v0 =	vadd.f32 v1, v0;
	v1 =	vsub.f32 v3, v2;
	_ =	sdelay $0x1  }
0x4a4: {  	v0 =	vadd.f32 v1, v0;
	_ =	sdelay $0x1  }
0x4a5: {  	v0 =	vmul.f32 $5.000000000e-01, v0;
	_ =	sdelay $0x1  }
0x4a6: {  	s21 =	simm.s32 $0x0;
	[tilespmem:$0x16D60] =	vst v0  }
0x4a7: {  	[tilespmem:$0x1FF90] =	vst v0;
	v0 =	vld [tilespmem:s21+$0x8570]  }
0x4a8: {  	v1 =	vld [tilespmem:s21+$0x8D70];
	_ =	sdelay $0x1  }
0x4a9: {  	v2 =	vld [tilespmem:s21+$0x9570];
	_ =	sdelay $0x1  }
0x4aa: {  	v3 =	vld [tilespmem:s21+$0x9D70]  }
0x4ab: {  	v4 =	vmul.f32 v0, v0;
	v0 =	vadd.f32 v1, v0;
	v1 =	vmul.f32 v1, v1  }
0x4ac: {  	v5 =	vld [tilespmem:s21+$0xA570]  }
0x4ad: {  	v1 =	vadd.f32 v1, v4;
	v0 =	vadd.f32 v2, v0;
	v2 =	vmul.f32 v2, v2  }
0x4ae: {  	v4 =	vld [tilespmem:s21+$0xAD70]  }
0x4af: {  	v1 =	vadd.f32 v2, v1;
	v0 =	vadd.f32 v3, v0;
	v2 =	vmul.f32 v3, v3  }
0x4b0: {  	v3 =	vld [tilespmem:s21+$0xB570]  }
0x4b1: {  	v1 =	vadd.f32 v2, v1;
	v0 =	vadd.f32 v5, v0;
	v2 =	vmul.f32 v5, v5  }
0x4b2: {  	s13 =	simm.s32 $0x80;
	v5 =	vld [tilespmem:s21+$0xBD70]  }
0x4b3: {  	v6 =	vld [tilespmem:s13+$0x8570];
	v1 =	vadd.f32 v2, v1;
	v0 =	vadd.f32 v4, v0;
	v2 =	vmul.f32 v4, v4  }
0x4b4: {  	v4 =	vld [tilespmem:s21+$0xC570]  }
0x4b5: {  	v7 =	vld [tilespmem:s13+$0x8D70];
	v1 =	vadd.f32 v2, v1;
	v0 =	vadd.f32 v3, v0;
	v2 =	vmul.f32 v3, v3  }
0x4b6: {  	v3 =	vld [tilespmem:s21+$0xCD70]  }
0x4b7: {  	v8 =	vld [tilespmem:s13+$0x9570];
	v1 =	vadd.f32 v2, v1;
	v0 =	vadd.f32 v5, v0;
	v2 =	vmul.f32 v5, v5  }
0x4b8: {  	v5 =	vld [tilespmem:s21+$0xD570]  }
0x4b9: {  	v10 =	vld [tilespmem:s13+$0x9D70];
	v9 =	vmul.f32 v4, v4;
	v1 =	vadd.f32 v2, v1;
	v0 =	vadd.f32 v4, v0  }
0x4ba: {  	v2 =	vmul.f32 v6, v6;
	v4 =	vadd.f32 v7, v6;
	v6 =	vmul.f32 v7, v7;
	v7 =	vld [tilespmem:s21+$0xDD70]  }
0x4bb: {  	v11 =	vld [tilespmem:s13+$0xA570];
	v1 =	vadd.f32 v9, v1;
	v0 =	vadd.f32 v3, v0;
	v3 =	vmul.f32 v3, v3  }
0x4bc: {  	v2 =	vadd.f32 v6, v2;
	v4 =	vadd.f32 v8, v4;
	v6 =	vmul.f32 v8, v8;
	v8 =	vld [tilespmem:s21+$0xE570]  }
0x4bd: {  	v9 =	vld [tilespmem:s13+$0xAD70];
	v3 =	vadd.f32 v3, v1;
	v0 =	vadd.f32 v5, v0;
	v5 =	vmul.f32 v5, v5  }
0x4be: {  	v61 =	vld [tilespmem:s21+$0x12500];
	v2 =	vadd.f32 v6, v2;
	v4 =	vadd.f32 v10, v4;
	v6 =	vmul.f32 v10, v10  }
0x4bf: {  	v1 =	vld [tilespmem:s13+$0xB570];
	v3 =	vadd.f32 v5, v3;
	v0 =	vadd.f32 v7, v0;
	v5 =	vmul.f32 v7, v7  }
0x4c0: {  	v6 =	vadd.f32 v6, v2;
	v10 =	vadd.f32 v11, v4;
	v11 =	vmul.f32 v11, v11;
	v4 =	vld [tilespmem:s21+$0x16500]  }
0x4c1: {  	v2 =	vld [tilespmem:s13+$0xBD70];
	v63 =	vmul.f32 v8, v8;
	v62 =	vadd.f32 v5, v3;
	v0 =	vadd.f32 v8, v0  }
0x4c2: {  	s17 =	simm.s32 $0x100;
	v8 =	vadd.f32 v11, v6;
	v5 =	vadd.f32 v9, v10;
	v3 =	vld [tilespmem:s13+$0xC570];
	v10 =	vmul.f32 v9, v9  }
0x4c3: {  	s18 =	simm.s32 $0x600;
	v7 =	vimm.f32 $0.0e+00;
	v6 =	vld [tilespmem:s17+$0x8570];
	v9 =	vadd.f32 v63, v62;
	v0 =	vadd.f32 v61, v0  }
.LBB2_32:
0x4c4: {  	p0 =	sne.s32 s18, $0x1E00;
	v11 =	vld [tilespmem:s17+$0x8D70];
	v8 =	vadd.f32 v10, v8;
	v5 =	vadd.f32 v1, v5;
	v1 =	vmul.f32 v1, v1  }
0x4c5: {  	v10 =	vld [tilespmem:s13+$0xCD70];
	v4 =	vadd.f32 v4, v9;
	v0 =	vmul.f32 v0, v0  }
0x4c6: {  	v9 =	vld [tilespmem:s17+$0x9570];
	v1 =	vadd.f32 v1, v8;
	v5 =	vadd.f32 v2, v5;
	v2 =	vmul.f32 v2, v2  }
0x4c7: {  	v8 =	vmul.f32 v3, v3;
	v12 =	vld [tilespmem:s13+$0xD570];
	v0 =	vsub.f32 v0, v4  }
0x4c8: {  	v4 =	vmul.f32 v6, v6;
	v13 =	vld [tilespmem:s17+$0x9D70];
	v1 =	vadd.f32 v2, v1;
	v2 =	vadd.f32 v3, v5  }
0x4c9: {  	v3 =	vadd.f32 v11, v6;
	v5 =	vmul.f32 v11, v11;
	v6 =	vld [tilespmem:s13+$0xDD70];
	v7 =	vadd.f32 v0, v7  }
0x4ca: {  	v0 =	vld [tilespmem:s17+$0xA570];
	v1 =	vadd.f32 v8, v1;
	v2 =	vadd.f32 v10, v2;
	v8 =	vmul.f32 v10, v10  }
0x4cb: {  	v4 =	vadd.f32 v5, v4;
	v3 =	vadd.f32 v9, v3;
	v5 =	vmul.f32 v9, v9;
	v9 =	vld [tilespmem:s13+$0xE570]  }
0x4cc: {  	v10 =	vld [tilespmem:s17+$0xAD70];
	v8 =	vadd.f32 v8, v1;
	v2 =	vadd.f32 v12, v2;
	v11 =	vmul.f32 v12, v12  }
0x4cd: {  	v4 =	vadd.f32 v5, v4;
	v3 =	vadd.f32 v13, v3;
	v5 =	vmul.f32 v13, v13;
	v12 =	vld [tilespmem:s13+$0x12500]  }
.Ltmp15:
0x4ce: {  	v1 =	vld [tilespmem:s17+$0xB570];
	v8 =	vadd.f32 v11, v8;
	v11 =	vadd.f32 v6, v2;
	v6 =	vmul.f32 v6, v6;
	(pc) =	sbr.rel @p0 .LBB2_32-.Ltmp15, $4  }
0x4cf: {  	v5 =	vadd.f32 v5, v4;
	v3 =	vadd.f32 v0, v3;
	v0 =	vmul.f32 v0, v0;
	v4 =	vld [tilespmem:s13+$0x16500];
	s13 =	smov.u32 s17  }
0x4d0: {  	v2 =	vld [tilespmem:s13+$0xBD70];
	v13 =	vadd.f32 v6, v8;
	v11 =	vadd.f32 v9, v11;
	v9 =	vmul.f32 v9, v9  }
0x4d1: {  	s17 =	sshra.s32 s18, $0x2;
	v8 =	vadd.f32 v0, v5;
	v5 =	vadd.f32 v10, v3;
	v10 =	vmul.f32 v10, v10;
	v3 =	vld [tilespmem:s13+$0xC570]  }
0x4d2: {  	s18 =	sadd.s32 $0x200, s18;
	v6 =	vld [tilespmem:s17+$0x8570];
	v9 =	vadd.f32 v9, v13;
	v0 =	vadd.f32 v12, v11  }
0x4d3: {  	v11 =	vld [tilespmem:s17+$0x8D70];
	_ =	sdelay $0x1  }
0x4d4: {  	v12 =	vld [tilespmem:s17+$0x9570];
	_ =	sdelay $0x1  }
0x4d5: {  	v13 =	vld [tilespmem:s17+$0x9D70]  }
0x4d6: {  	v14 =	vmul.f32 v6, v6;
	v38 =	vadd.f32 v11, v6;
	v11 =	vmul.f32 v11, v11  }
0x4d7: {  	v15 =	vld [tilespmem:s17+$0xA570]  }
0x4d8: {  	v11 =	vadd.f32 v11, v14;
	v6 =	vadd.f32 v12, v38;
	v12 =	vmul.f32 v12, v12  }
0x4d9: {  	v39 =	vld [tilespmem:s17+$0xAD70]  }
0x4da: {  	v40 =	vmul.f32 v13, v13;
	v11 =	vadd.f32 v12, v11;
	v6 =	vadd.f32 v13, v6  }
0x4db: {  	v8 =	vadd.f32 v10, v8;
	v41 =	vld [tilespmem:s17+$0xB570]  }
0x4dc: {  	v42 =	vmul.f32 v15, v15;
	v11 =	vadd.f32 v40, v11;
	v6 =	vadd.f32 v15, v6  }
0x4dd: {  	v5 =	vadd.f32 v1, v5;
	v43 =	vmul.f32 v1, v1;
	v44 =	vld [tilespmem:s17+$0xBD70];
	v4 =	vadd.f32 v4, v9  }
0x4de: {  	v45 =	vld [tilespmem:s13+$0xCD70];
	v46 =	vmul.f32 v39, v39;
	v11 =	vadd.f32 v42, v11;
	v6 =	vadd.f32 v39, v6  }
0x4df: {  	v48 =	vld [tilespmem:s17+$0xC570];
	v1 =	vadd.f32 v43, v8;
	v5 =	vadd.f32 v2, v5;
	v47 =	vmul.f32 v2, v2  }
0x4e0: {  	v49 =	vld [tilespmem:s13+$0xD570];
	v10 =	vmul.f32 v41, v41;
	v11 =	vadd.f32 v46, v11;
	v6 =	vadd.f32 v41, v6  }
0x4e1: {  	v52 =	vld [tilespmem:s17+$0xCD70];
	v50 =	vmul.f32 v3, v3;
	v1 =	vadd.f32 v47, v1;
	v51 =	vadd.f32 v3, v5  }
0x4e2: {  	v53 =	vld [tilespmem:s13+$0xDD70];
	v9 =	vmul.f32 v44, v44;
	v10 =	vadd.f32 v10, v11;
	v6 =	vadd.f32 v44, v6  }
0x4e3: {  	v55 =	vld [tilespmem:s17+$0xD570];
	v54 =	vmul.f32 v45, v45;
	v1 =	vadd.f32 v50, v1;
	v2 =	vadd.f32 v45, v51  }
0x4e4: {  	v56 =	vld [tilespmem:s13+$0xE570];
	v57 =	vmul.f32 v48, v48;
	v9 =	vadd.f32 v9, v10;
	v6 =	vadd.f32 v48, v6  }
0x4e5: {  	v59 =	vld [tilespmem:s17+$0xDD70];
	v58 =	vmul.f32 v49, v49;
	v1 =	vadd.f32 v54, v1;
	v2 =	vadd.f32 v49, v2  }
0x4e6: {  	v60 =	vld [tilespmem:s13+$0x12500];
	v3 =	vmul.f32 v52, v52;
	v9 =	vadd.f32 v57, v9;
	v6 =	vadd.f32 v52, v6  }
0x4e7: {  	v61 =	vld [tilespmem:s17+$0xE570];
	v5 =	vmul.f32 v53, v53;
	v1 =	vadd.f32 v58, v1;
	v2 =	vadd.f32 v53, v2  }
0x4e8: {  	v62 =	vld [tilespmem:s13+$0x16500];
	v63 =	vmul.f32 v55, v55;
	v3 =	vadd.f32 v3, v9;
	v6 =	vadd.f32 v55, v6  }
0x4e9: {  	v17 =	vld [tilespmem:s17+$0x12500];
	v16 =	vmul.f32 v56, v56;
	v1 =	vadd.f32 v5, v1;
	v2 =	vadd.f32 v56, v2  }
0x4ea: {  	v18 =	vmul.f32 v59, v59;
	v3 =	vadd.f32 v63, v3;
	v6 =	vadd.f32 v59, v6  }
0x4eb: {  	v19 =	vld [tilespmem:s17+$0x16500];
	v0 =	vmul.f32 v0, v0;
	v1 =	vadd.f32 v16, v1;
	v2 =	vadd.f32 v60, v2  }
0x4ec: {  	v8 =	vmul.f32 v61, v61;
	v3 =	vadd.f32 v18, v3;
	v6 =	vadd.f32 v61, v6  }
0x4ed: {  	v0 =	vsub.f32 v0, v4;
	v1 =	vadd.f32 v62, v1  }
0x4ee: {  	v2 =	vmul.f32 v2, v2;
	v3 =	vadd.f32 v8, v3;
	v20 =	vadd.f32 v17, v6  }
0x4ef: {  	v0 =	vadd.f32 v0, v7  }
0x4f0: {  	v1 =	vsub.f32 v2, v1;
	v21 =	vadd.f32 v19, v3;
	v22 =	vmul.f32 v20, v20;
	_ =	sdelay $0x1  }
0x4f1: {  	v0 =	vadd.f32 v1, v0;
	v23 =	vsub.f32 v22, v21;
	_ =	sdelay $0x1  }
0x4f2: {  	v0 =	vadd.f32 v23, v0;
	_ =	sdelay $0x1  }
0x4f3: {  	v0 =	vmul.f32 $5.000000000e-01, v0;
	_ =	sdelay $0x1  }
0x4f4: {  	[tilespmem:$0x1FF80] =	vst v0  }
0x4f5: {  	[tilespmem:$0x16D70] =	vst v0  }
0x4f6: {  	_ =	swait.ge [sflag:s0], $0x80  }
0x4f7: {  	[sflag:s0] =	ssyncset.done $0x0  }
0x4f8: {  	[sflag:s0] =	ssyncadd.s32 $0xFFFFFF80  }
0x4f9: {  	_ =	swait.ge [sflag:s0], $0x80  }
0x4fa: {  	[sflag:s0] =	ssyncset.done $0x0  }
0x4fb: {  	[sflag:s0] =	ssyncadd.s32 $0xFFFFFF80  }
0x4fc: {  	_ =	swait.ge [sflag:s0], $0x80  }
0x4fd: {  	[sflag:s0] =	ssyncset.done $0x0  }
0x4fe: {  	[sflag:s0] =	ssyncadd.s32 $0xFFFFFF80  }
0x4ff: {  	_ =	swait.ge [sflag:s0], $0x80  }
0x500: {  	[sflag:s0] =	ssyncset.done $0x0  }
0x501: {  	[sflag:s0] =	ssyncadd.s32 $0xFFFFFF80  }
0x502: {  	_ =	swait.ge [sflag:s0], $0x80  }
0x503: {  	[sflag:s0] =	ssyncset.done $0x0  }
0x504: {  	[sflag:s0] =	ssyncadd.s32 $0xFFFFFF80  }
0x505: {  	_ =	swait.ge [sflag:s0], $0x80  }
0x506: {  	[sflag:s0] =	ssyncset.done $0x0  }
0x507: {  	[sflag:s0] =	ssyncadd.s32 $0xFFFFFF80  }
0x508: {  	_ =	swait.ge [sflag:s0], $0x80  }
0x509: {  	[sflag:s0] =	ssyncset.done $0x0  }
0x50a: {  	[sflag:s0] =	ssyncadd.s32 $0xFFFFFF80  }
0x50b: {  	_ =	swait.ge [sflag:s0], $0x80  }
0x50c: {  	[sflag:s0] =	ssyncset.done $0x0  }
0x50d: {  	[sflag:s0] =	ssyncadd.s32 $0xFFFFFF80  }
0x50e: {  	_ =	swait.ge [sflag:s0], $0x80  }
0x50f: {  	[sflag:s0] =	ssyncset.done $0x0  }
0x510: {  	[sflag:s0] =	ssyncadd.s32 $0xFFFFFF80  }
0x511: {  	_ =	swait.ge [sflag:s0], $0x80  }
0x512: {  	[sflag:s0] =	ssyncset.done $0x0  }
0x513: {  	[sflag:s0] =	ssyncadd.s32 $0xFFFFFF80  }
0x514: {  	_ =	swait.ge [sflag:s0], $0x80  }
0x515: {  	[sflag:s0] =	ssyncset.done $0x0  }
0x516: {  	[sflag:s0] =	ssyncadd.s32 $0xFFFFFF80  }
0x517: {  	_ =	swait.ge [sflag:s0], $0x80  }
0x518: {  	[sflag:s0] =	ssyncset.done $0x0  }
0x519: {  	[sflag:s0] =	ssyncadd.s32 $0xFFFFFF80  }
0x51a: {  	_ =	swait.ge [sflag:s0], $0x80  }
0x51b: {  	[sflag:s0] =	ssyncset.done $0x0  }
0x51c: {  	[sflag:s0] =	ssyncadd.s32 $0xFFFFFF80  }
0x51d: {  	_ =	swait.ge [sflag:s0], $0x80  }
0x51e: {  	[sflag:s0] =	ssyncset.done $0x0  }
0x51f: {  	[sflag:s0] =	ssyncadd.s32 $0xFFFFFF80  }
0x520: {  	_ =	swait.ge [sflag:s0], $0x80  }
0x521: {  	[sflag:s0] =	ssyncset.done $0x0  }
0x522: {  	[sflag:s0] =	ssyncadd.s32 $0xFFFFFF80  }
0x523: {  	_ =	swait.ge [sflag:s0], $0x80  }
0x524: {  	[sflag:s0] =	ssyncset.done $0x0  }
0x525: {  	[sflag:s0] =	ssyncadd.s32 $0xFFFFFF80  }
0x526: {  	_ =	swait.ge [sflag:s0], $0x80  }
0x527: {  	[sflag:s0] =	ssyncset.done $0x0  }
0x528: {  	[sflag:s0] =	ssyncadd.s32 $0xFFFFFF80  }
0x529: {  	_ =	swait.ge [sflag:s0], $0x80  }
0x52a: {  	[sflag:s0] =	ssyncset.done $0x0  }
0x52b: {  	[sflag:s0] =	ssyncadd.s32 $0xFFFFFF80  }
0x52c: {  	_ =	swait.ge [sflag:s0], $0x80  }
0x52d: {  	[sflag:s0] =	ssyncset.done $0x0  }
0x52e: {  	[sflag:s0] =	ssyncadd.s32 $0xFFFFFF80  }
0x52f: {  	_ =	swait.ge [sflag:s0], $0x80  }
0x530: {  	[sflag:s0] =	ssyncset.done $0x0  }
0x531: {  	[sflag:s0] =	ssyncadd.s32 $0xFFFFFF80  }
0x532: {  	_ =	swait.ge [sflag:s0], $0x80  }
0x533: {  	[sflag:s0] =	ssyncset.done $0x0  }
0x534: {  	[sflag:s0] =	ssyncadd.s32 $0xFFFFFF80  }
0x535: {  	_ =	swait.ge [sflag:s0], $0x80  }
0x536: {  	[sflag:s0] =	ssyncset.done $0x0  }
0x537: {  	[sflag:s0] =	ssyncadd.s32 $0xFFFFFF80  }
0x538: {  	_ =	swait.ge [sflag:s0], $0x80  }
0x539: {  	[sflag:s0] =	ssyncset.done $0x0  }
0x53a: {  	[sflag:s0] =	ssyncadd.s32 $0xFFFFFF80  }
0x53b: {  	_ =	swait.ge [sflag:s0], $0x80  }
0x53c: {  	[sflag:s0] =	ssyncset.done $0x0  }
0x53d: {  	[sflag:s0] =	ssyncadd.s32 $0xFFFFFF80  }
0x53e: {  	_ =	swait.ge [sflag:s0], $0x80  }
0x53f: {  	[sflag:s0] =	ssyncset.done $0x0  }
0x540: {  	[sflag:s0] =	ssyncadd.s32 $0xFFFFFF80  }
0x541: {  	_ =	swait.ge [sflag:s0], $0x80  }
0x542: {  	[sflag:s0] =	ssyncset.done $0x0  }
0x543: {  	[sflag:s0] =	ssyncadd.s32 $0xFFFFFF80  }
0x544: {  	v43 =	vld [tilespmem:$0x1000]  }
0x545: {  	v45 =	vld [tilespmem:$0x1080]  }
0x546: {  	v32 =	vld [tilespmem:$0x1100]  }
0x547: {  	v36 =	vld [tilespmem:$0x1180]  }
0x548: {  	v44 =	vld [tilespmem:$0x1200]  }
0x549: {  	v49 =	vld [tilespmem:$0x1280]  }
0x54a: {  	v53 =	vld [tilespmem:$0x1300]  }
0x54b: {  	v57 =	vld [tilespmem:$0x1380]  }
0x54c: {  	v62 =	vld [tilespmem:$0x1400]  }
0x54d: {  	v24 =	vld [tilespmem:$0x1480]  }
0x54e: {  	v25 =	vld [tilespmem:$0x1500]  }
0x54f: {  	v26 =	vld [tilespmem:$0x1580]  }
0x550: {  	v27 =	vld [tilespmem:$0x1600]  }
0x551: {  	v28 =	vld [tilespmem:$0x1680]  }
0x552: {  	v29 =	vld [tilespmem:$0x1700]  }
0x553: {  	v30 =	vld [tilespmem:$0x1780]  }
0x554: {  	v31 =	vld [tilespmem:$0x1800]  }
0x555: {  	v33 =	vld [tilespmem:$0x1880]  }
0x556: {  	v34 =	vld [tilespmem:$0x1900]  }
0x557: {  	v35 =	vld [tilespmem:$0x1980]  }
0x558: {  	v37 =	vld [tilespmem:$0x1A00]  }
0x559: {  	v38 =	vld [tilespmem:$0x1A80]  }
0x55a: {  	v39 =	vld [tilespmem:$0x1B00]  }
0x55b: {  	v40 =	vld [tilespmem:$0x1B80]  }
0x55c: {  	v41 =	vld [tilespmem:$0x1C00]  }
0x55d: {  	v42 =	vld [tilespmem:$0x1C80]  }
0x55e: {  	v19 =	vld [tilespmem:$0x1190]  }
0x55f: {  	v23 =	vld [tilespmem:$0x1210]  }
0x560: {  	v48 =	vld [tilespmem:$0x1490]  }
0x561: {  	v52 =	vld [tilespmem:$0x1510]  }
0x562: {  	v55 =	vld [tilespmem:$0x1590]  }
0x563: {  	v59 =	vld [tilespmem:$0x1610]  }
0x564: {  	v63 =	vld [tilespmem:$0x1690]  }
0x565: {  	v46 =	vld [tilespmem:$0x1710]  }
0x566: {  	v47 =	vld [tilespmem:$0x1790]  }
0x567: {  	v50 =	vld [tilespmem:$0x1810]  }
0x568: {  	v51 =	vld [tilespmem:$0x1890]  }
0x569: {  	v54 =	vld [tilespmem:$0x1910]  }
0x56a: {  	v56 =	vld [tilespmem:$0x1990]  }
0x56b: {  	v58 =	vld [tilespmem:$0x1A10]  }
0x56c: {  	v60 =	vld [tilespmem:$0x1A90]  }
0x56d: {  	v61 =	vld [tilespmem:$0x1B10]  }
0x56e: {  	v4 =	vld [tilespmem:$0x1B90]  }
0x56f: {  	v5 =	vld [tilespmem:$0x1C10]  }
0x570: {  	v6 =	vld [tilespmem:$0x1C90]  }
0x571: {  	v22 =	vld [tilespmem:$0x10A0]  }
0x572: {  	v9 =	vld [tilespmem:$0x11A0]  }
0x573: {  	v11 =	vld [tilespmem:$0x1220]  }
0x574: {  	v13 =	vld [tilespmem:$0x12A0]  }
0x575: {  	v15 =	vld [tilespmem:$0x1320]  }
0x576: {  	v17 =	vld [tilespmem:$0x13A0]  }
0x577: {  	v20 =	vld [tilespmem:$0x1420]  }
0x578: {  	v7 =	vld [tilespmem:$0x1920]  }
0x579: {  	v8 =	vld [tilespmem:$0x19A0]  }
0x57a: {  	v10 =	vld [tilespmem:$0x1A20]  }
0x57b: {  	v12 =	vld [tilespmem:$0x1AA0]  }
0x57c: {  	v14 =	vld [tilespmem:$0x1B20]  }
0x57d: {  	v16 =	vld [tilespmem:$0x1BA0]  }
0x57e: {  	v18 =	vld [tilespmem:$0x1C20]  }
0x57f: {  	v21 =	vld [tilespmem:$0x1CA0]  }
0x580: {  	v2 =	vld [tilespmem:$0x1030]  }
0x581: {  	v1 =	vld [tilespmem:$0x10B0]  }
0x582: {  	v3 =	vld [tilespmem:$0x1130]  }
0x583: {  	v0 =	vld [tilespmem:$0x1B30]  }
0x584: {  	[tilespmem:$0x1FD00] =	vst v33;
	v33 =	vld [tilespmem:$0x1010]  }
0x585: {  	[tilespmem:$0x1FD40] =	vst v35;
	v35 =	vld [tilespmem:$0x1090]  }
0x586: {  	[tilespmem:$0x1FD70] =	vst v37;
	v37 =	vld [tilespmem:$0x1110]  }
0x587: {  	[tilespmem:$0x1FC80] =	vst v27;
	v27 =	vld [tilespmem:$0x1290]  }
0x588: {  	[tilespmem:$0x1FCC0] =	vst v30;
	v30 =	vld [tilespmem:$0x1310]  }
0x589: {  	[tilespmem:$0x1FDA0] =	vst v38;
	v38 =	vld [tilespmem:$0x1390]  }
0x58a: {  	[tilespmem:$0x1FE80] =	vst v42;
	v42 =	vld [tilespmem:$0x1410]  }
0x58b: {  	[tilespmem:$0x1FDD0] =	vst v39;
	v39 =	vld [tilespmem:$0x1020]  }
0x58c: {  	[tilespmem:$0x1FC50] =	vst v24;
	v24 =	vld [tilespmem:$0x1120]  }
0x58d: {  	[tilespmem:$0x1FC60] =	vst v25;
	v25 =	vld [tilespmem:$0x14A0]  }
0x58e: {  	[tilespmem:$0x1FC90] =	vst v28;
	v28 =	vld [tilespmem:$0x1520]  }
0x58f: {  	[tilespmem:$0x1FCE0] =	vst v31;
	v31 =	vld [tilespmem:$0x15A0]  }
0x590: {  	[tilespmem:$0x1FE00] =	vst v40;
	v40 =	vld [tilespmem:$0x1620]  }
0x591: {  	[tilespmem:$0x1FCB0] =	vst v46;
	v46 =	vld [tilespmem:$0x16A0]  }
0x592: {  	[tilespmem:$0x1FCF0] =	vst v50;
	v50 =	vld [tilespmem:$0x1720]  }
0x593: {  	[tilespmem:$0x1FD30] =	vst v54;
	v54 =	vld [tilespmem:$0x17A0]  }
0x594: {  	[tilespmem:$0x1FD90] =	vst v58;
	v58 =	vld [tilespmem:$0x1820]  }
0x595: {  	[tilespmem:$0x1FDF0] =	vst v61;
	v61 =	vld [tilespmem:$0x18A0]  }
0x596: {  	[tilespmem:$0x1FE20] =	vst v4;
	v4 =	vld [tilespmem:$0x11B0]  }
0x597: {  	[tilespmem:$0x1FE60] =	vst v5;
	v5 =	vld [tilespmem:$0x1230]  }
0x598: {  	[tilespmem:$0x1FEA0] =	vst v6;
	v6 =	vld [tilespmem:$0x12B0]  }
0x599: {  	[tilespmem:$0x1FD50] =	vst v7;
	v7 =	vld [tilespmem:$0x1330]  }
0x59a: {  	[tilespmem:$0x1FD80] =	vst v8;
	v8 =	vld [tilespmem:$0x13B0]  }
0x59b: {  	[tilespmem:$0x1FDB0] =	vst v10;
	v10 =	vld [tilespmem:$0x1430]  }
0x59c: {  	[tilespmem:$0x1FDE0] =	vst v12;
	v12 =	vld [tilespmem:$0x14B0]  }
0x59d: {  	[tilespmem:$0x1FE10] =	vst v14;
	v14 =	vld [tilespmem:$0x1530]  }
0x59e: {  	[tilespmem:$0x1FE50] =	vst v16;
	v16 =	vld [tilespmem:$0x15B0]  }
0x59f: {  	[tilespmem:$0x1FE90] =	vst v18;
	v18 =	vld [tilespmem:$0x1630]  }
0x5a0: {  	[tilespmem:$0x1FEC0] =	vst v21;
	v21 =	vld [tilespmem:$0x16B0]  }
0x5a1: {  	[tilespmem:$0x1FC70] =	vst v26;
	v26 =	vld [tilespmem:$0x1730]  }
0x5a2: {  	[tilespmem:$0x1FCA0] =	vst v29;
	v29 =	vld [tilespmem:$0x17B0]  }
0x5a3: {  	[tilespmem:$0x1FD20] =	vst v34;
	v34 =	vld [tilespmem:$0x1830]  }
0x5a4: {  	[tilespmem:$0x1FE40] =	vst v41;
	v41 =	vld [tilespmem:$0x18B0]  }
0x5a5: {  	[tilespmem:$0x1FE30] =	vst v0;
	v0 =	vld [tilespmem:$0x1BB0]  }
0x5a6: {  	[tilespmem:$0x1FCD0] =	vst v47;
	v47 =	vld [tilespmem:$0x1930]  }
0x5a7: {  	[tilespmem:$0x1FD10] =	vst v51;
	v51 =	vld [tilespmem:$0x19B0]  }
0x5a8: {  	[tilespmem:$0x1FD60] =	vst v56;
	v56 =	vld [tilespmem:$0x1A30];
	v1 =	vadd.f32 v1, v2  }
0x5a9: {  	[tilespmem:$0x1FDC0] =	vst v60;
	v60 =	vld [tilespmem:$0x1AB0]  }
0x5aa: {  	v1 =	vadd.f32 v3, v1;
	[tilespmem:$0x1FE70] =	vst v0;
	v0 =	vld [tilespmem:$0x1C30]  }
0x5ab: {  	v22 =	vadd.f32 v22, v39;
	v39 =	vld [tilespmem:$0x13C0]  }
0x5ac: {  	v33 =	vadd.f32 v35, v33;
	v35 =	vld [tilespmem:$0x14C0];
	v1 =	vadd.f32 v4, v1  }
0x5ad: {  	v4 =	vld [tilespmem:$0x1A50];
	v22 =	vadd.f32 v24, v22  }
0x5ae: {  	v1 =	vadd.f32 v5, v1;
	v5 =	vld [tilespmem:$0x1AD0]  }
0x5af: {  	v2 =	vadd.f32 v9, v22;
	v22 =	vld [tilespmem:$0x17C0]  }
0x5b0: {  	v9 =	vld [tilespmem:$0x1FC80]  }
0x5b1: {  	v1 =	vadd.f32 v6, v1;
	v6 =	vld [tilespmem:$0x19D0]  }
0x5b2: {  	[tilespmem:$0x1FEB0] =	vst v0;
	v0 =	vld [tilespmem:$0x1CB0]  }
0x5b3: {  	v2 =	vadd.f32 v11, v2;
	v11 =	vld [tilespmem:$0x1FCA0]  }
0x5b4: {  	v1 =	vadd.f32 v7, v1;
	v7 =	vld [tilespmem:$0x1C50]  }
0x5b5: {  	v2 =	vadd.f32 v13, v2;
	v13 =	vld [tilespmem:$0x1840]  }
0x5b6: {  	v1 =	vadd.f32 v8, v1;
	v8 =	vld [tilespmem:$0x1FC70]  }
0x5b7: {  	[tilespmem:$0x1FED0] =	vst v0;
	v0 =	vld [tilespmem:$0x1040]  }
0x5b8: {  	v2 =	vadd.f32 v15, v2;
	v15 =	vld [tilespmem:$0x1050]  }
0x5b9: {  	v1 =	vadd.f32 v10, v1;
	v10 =	vld [tilespmem:$0x1FC90]  }
0x5ba: {  	v2 =	vadd.f32 v17, v2;
	v17 =	vld [tilespmem:$0x10D0]  }
0x5bb: {  	v1 =	vadd.f32 v12, v1;
	v12 =	vld [tilespmem:$0x1FCB0]  }
0x5bc: {  	v2 =	vadd.f32 v20, v2;
	v20 =	vld [tilespmem:$0x11D0]  }
0x5bd: {  	v1 =	vadd.f32 v14, v1;
	v14 =	vld [tilespmem:$0x1FCC0]  }
0x5be: {  	[tilespmem:$0x1FEE0] =	vst v0;
	v0 =	vld [tilespmem:$0x10C0]  }
0x5bf: {  	v1 =	vadd.f32 v16, v1;
	v16 =	vld [tilespmem:$0x1150]  }
0x5c0: {  	v2 =	vadd.f32 v25, v2;
	v25 =	vld [tilespmem:$0x12D0]  }
0x5c1: {  	v1 =	vadd.f32 v18, v1;
	v18 =	vld [tilespmem:$0x1250]  }
0x5c2: {  	v2 =	vadd.f32 v28, v2;
	v28 =	vld [tilespmem:$0x1FCE0]  }
0x5c3: {  	[tilespmem:$0x1FEF0] =	vst v0;
	v0 =	vld [tilespmem:$0x1140]  }
0x5c4: {  	v1 =	vadd.f32 v21, v1;
	v21 =	vld [tilespmem:$0x1350]  }
0x5c5: {  	v15 =	vadd.f32 v17, v15;
	v2 =	vadd.f32 v31, v2;
	v31 =	vld [tilespmem:$0x1FD00]  }
0x5c6: {  	v1 =	vadd.f32 v26, v1;
	v26 =	vld [tilespmem:$0x1450]  }
0x5c7: {  	v15 =	vadd.f32 v16, v15;
	v2 =	vadd.f32 v40, v2;
	v40 =	vld [tilespmem:$0x1FD30]  }
0x5c8: {  	v1 =	vadd.f32 v29, v1;
	v29 =	vld [tilespmem:$0x1550]  }
0x5c9: {  	v15 =	vadd.f32 v20, v15;
	v2 =	vadd.f32 v46, v2;
	v46 =	vld [tilespmem:$0x1FD60]  }
0x5ca: {  	[tilespmem:$0x1FF00] =	vst v0;
	v0 =	vld [tilespmem:$0x11C0]  }
0x5cb: {  	v15 =	vadd.f32 v18, v15;
	v1 =	vadd.f32 v34, v1;
	v34 =	vld [tilespmem:$0x1750]  }
0x5cc: {  	v2 =	vadd.f32 v50, v2;
	v50 =	vld [tilespmem:$0x1FDA0]  }
0x5cd: {  	v15 =	vadd.f32 v25, v15;
	v25 =	vld [tilespmem:$0x18E0]  }
0x5ce: {  	v1 =	vadd.f32 v41, v1;
	v41 =	vld [tilespmem:$0x1FD40]  }
0x5cf: {  	v2 =	vadd.f32 v54, v2;
	v54 =	vld [tilespmem:$0x1FDC0]  }
0x5d0: {  	[tilespmem:$0x1FF10] =	vst v0;
	v0 =	vld [tilespmem:$0x1240]  }
0x5d1: {  	v1 =	vadd.f32 v47, v1;
	v47 =	vld [tilespmem:$0x1FD70]  }
0x5d2: {  	v2 =	vadd.f32 v58, v2;
	v58 =	vld [tilespmem:$0x1FDE0]  }
0x5d3: {  	v1 =	vadd.f32 v51, v1;
	v51 =	vld [tilespmem:$0x1FDB0]  }
0x5d4: {  	v2 =	vadd.f32 v61, v2;
	v61 =	vld [tilespmem:$0x1FE00]  }
0x5d5: {  	v1 =	vadd.f32 v56, v1;
	[tilespmem:$0x1FF20] =	vst v0;
	v0 =	vadd.f32 v45, v43;
	v45 =	vld [tilespmem:$0x12C0]  }
0x5d6: {  	v43 =	vld [tilespmem:$0x1340]  }
0x5d7: {  	v1 =	vadd.f32 v60, v1;
	v60 =	vld [tilespmem:$0x1FFD0]  }
0x5d8: {  	v0 =	vadd.f32 v32, v0;
	v32 =	vadd.f32 v37, v33;
	v37 =	vld [tilespmem:$0x1440]  }
0x5d9: {  	v33 =	vld [tilespmem:$0x1540]  }
0x5da: {  	v0 =	vadd.f32 v36, v0;
	v36 =	vld [tilespmem:$0x1640]  }
0x5db: {  	v19 =	vadd.f32 v19, v32;
	v32 =	vld [tilespmem:$0x1940]  }
0x5dc: {  	v0 =	vadd.f32 v44, v0;
	v44 =	vld [tilespmem:$0x15C0]  }
0x5dd: {  	v24 =	vadd.f32 v23, v19;
	v19 =	vld [tilespmem:$0x16C0]  }
0x5de: {  	v23 =	vld [tilespmem:$0x1FCD0]  }
0x5df: {  	v3 =	vadd.f32 v27, v24;
	v24 =	vld [tilespmem:$0x1740]  }
0x5e0: {  	v0 =	vadd.f32 v49, v0;
	v49 =	vld [tilespmem:$0x1FC50]  }
0x5e1: {  	v27 =	vld [tilespmem:$0x13D0]  }
0x5e2: {  	[tilespmem:$0x1FF40] =	vst v32;
	v32 =	vld [tilespmem:$0x1FD10]  }
0x5e3: {  	v3 =	vadd.f32 v30, v3;
	v30 =	vld [tilespmem:$0x18C0]  }
0x5e4: {  	v0 =	vadd.f32 v53, v0;
	v53 =	vld [tilespmem:$0x1AC0]  }
0x5e5: {  	v3 =	vadd.f32 v38, v3;
	v38 =	vld [tilespmem:$0x19C0]  }
0x5e6: {  	v0 =	vadd.f32 v57, v0;
	v57 =	vld [tilespmem:$0x1FC60]  }
0x5e7: {  	v3 =	vadd.f32 v42, v3;
	v42 =	vld [tilespmem:$0x1A40]  }
0x5e8: {  	v0 =	vadd.f32 v62, v0;
	v62 =	vld [tilespmem:$0x1B40]  }
0x5e9: {  	[tilespmem:$0x1FF70] =	vst v53;
	v53 =	vld [tilespmem:$0x1C40]  }
0x5ea: {  	[tilespmem:$0x1FF30] =	vst v30;
	v30 =	vld [tilespmem:$0x1FCF0]  }
0x5eb: {  	v3 =	vadd.f32 v48, v3;
	v48 =	vld [tilespmem:$0x1FD80]  }
0x5ec: {  	v0 =	vadd.f32 v49, v0;
	v49 =	vld [tilespmem:$0x1FD90]  }
0x5ed: {  	[tilespmem:$0x1FF50] =	vst v38;
	v38 =	vld [tilespmem:$0x1FD20]  }
0x5ee: {  	v0 =	vadd.f32 v57, v0;
	v57 =	vld [tilespmem:$0x1BC0]  }
0x5ef: {  	v3 =	vadd.f32 v52, v3;
	v52 =	vld [tilespmem:$0x1CC0]  }
0x5f0: {  	[tilespmem:$0x1FF60] =	vst v42;
	v42 =	vld [tilespmem:$0x1FD50]  }
0x5f1: {  	v0 =	vadd.f32 v8, v0;
	v3 =	vadd.f32 v55, v3;
	v8 =	vld [tilespmem:$0x17D0]  }
0x5f2: {  	v55 =	vld [tilespmem:$0x1FDD0]  }
0x5f3: {  	v0 =	vadd.f32 v9, v0;
	v3 =	vadd.f32 v59, v3;
	v59 =	vld [tilespmem:$0x1FDF0]  }
0x5f4: {  	v9 =	vld [tilespmem:$0x1BD0]  }
0x5f5: {  	v0 =	vadd.f32 v10, v0;
	v10 =	vld [tilespmem:$0x1950]  }
0x5f6: {  	v3 =	vadd.f32 v63, v3;
	v2 =	vadd.f32 v42, v2;
	v42 =	vld [tilespmem:$0x1FE40]  }
0x5f7: {  	v0 =	vadd.f32 v11, v0;
	v11 =	vld [tilespmem:$0x18D0]  }
0x5f8: {  	v3 =	vadd.f32 v12, v3;
	v2 =	vadd.f32 v48, v2;
	v48 =	vld [tilespmem:$0x1FE70]  }
0x5f9: {  	v0 =	vadd.f32 v14, v0;
	v14 =	vld [tilespmem:$0x1850]  }
0x5fa: {  	v3 =	vadd.f32 v23, v3;
	v23 =	vld [tilespmem:$0x1FE10]  }
0x5fb: {  	v2 =	vadd.f32 v51, v2;
	v51 =	vld [tilespmem:$0x1FEA0]  }
0x5fc: {  	v0 =	vadd.f32 v28, v0;
	v28 =	vld [tilespmem:$0x14D0]  }
0x5fd: {  	v15 =	vadd.f32 v21, v15;
	v3 =	vadd.f32 v30, v3;
	v30 =	vld [tilespmem:$0x15D0]  }
0x5fe: {  	v2 =	vadd.f32 v58, v2;
	v58 =	vld [tilespmem:$0x1FFE0]  }
0x5ff: {  	v15 =	vadd.f32 v27, v15;
	v0 =	vadd.f32 v31, v0;
	v31 =	vld [tilespmem:$0x1650]  }
0x600: {  	v3 =	vadd.f32 v32, v3;
	v32 =	vld [tilespmem:$0x16D0]  }
0x601: {  	v15 =	vadd.f32 v26, v15;
	v0 =	vadd.f32 v38, v0;
	v38 =	vld [tilespmem:$0x1FE20]  }
0x602: {  	v3 =	vadd.f32 v40, v3;
	v40 =	vld [tilespmem:$0x1FE30]  }
0x603: {  	v15 =	vadd.f32 v28, v15;
	v28 =	vld [tilespmem:$0x1960]  }
0x604: {  	v0 =	vadd.f32 v41, v0;
	v3 =	vadd.f32 v46, v3;
	v46 =	vld [tilespmem:$0x1FE50]  }
0x605: {  	v15 =	vadd.f32 v29, v15;
	v29 =	vld [tilespmem:$0x1FF30]  }
0x606: {  	v0 =	vadd.f32 v47, v0;
	v47 =	vld [tilespmem:$0x1FE60]  }
0x607: {  	v3 =	vadd.f32 v49, v3;
	v49 =	vld [tilespmem:$0x1FE80]  }
0x608: {  	v41 =	vadd.f32 v40, v1;
	v1 =	vld [tilespmem:$0x1CD0]  }
0x609: {  	v15 =	vadd.f32 v30, v15;
	v30 =	vld [tilespmem:$0x1970]  }
0x60a: {  	v0 =	vadd.f32 v50, v0;
	v50 =	vld [tilespmem:$0x1FE90]  }
0x60b: {  	v2 =	vadd.f32 v23, v2;
	v3 =	vadd.f32 v54, v3;
	v54 =	vld [tilespmem:$0x1FEB0]  }
0x60c: {  	v23 =	vadd.f32 v48, v41;
	v41 =	vld [tilespmem:$0x10E0]  }
0x60d: {  	v2 =	vadd.f32 v46, v2;
	v46 =	vld [tilespmem:$0x1160]  }
0x60e: {  	v48 =	vld [tilespmem:$0x15E0]  }
0x60f: {  	v56 =	vadd.f32 v55, v0;
	v0 =	vld [tilespmem:$0x1B50]  }
0x610: {  	v15 =	vadd.f32 v31, v15;
	v55 =	vld [tilespmem:$0x1FFF0]  }
0x611: {  	v3 =	vadd.f32 v59, v3;
	v59 =	vld [tilespmem:$0x1FED0]  }
0x612: {  	v15 =	vadd.f32 v32, v15;
	v32 =	vld [tilespmem:$0x19E0]  }
0x613: {  	v3 =	vadd.f32 v38, v3;
	v38 =	vld [tilespmem:$0x1060]  }
0x614: {  	v63 =	vadd.f32 v61, v56;
	v56 =	vld [tilespmem:$0x1FEC0]  }
0x615: {  	v61 =	vld [tilespmem:$0x1FEE0]  }
0x616: {  	v23 =	vadd.f32 v54, v23;
	v54 =	vld [tilespmem:$0x1170]  }
0x617: {  	v40 =	vadd.f32 v50, v2;
	v50 =	vld [tilespmem:$0x12E0];
	v3 =	vadd.f32 v47, v3  }
0x618: {  	v12 =	vadd.f32 v42, v63;
	v63 =	vld [tilespmem:$0x1FEF0]  }
0x619: {  	v42 =	vld [tilespmem:$0x1070];
	v3 =	vadd.f32 v51, v3  }
0x61a: {  	v23 =	vadd.f32 v59, v23;
	v59 =	vld [tilespmem:$0x11F0];
	v12 =	vadd.f32 v49, v12  }
0x61b: {  	v3 =	vadd.f32 v3, v58;
	v58 =	vld [tilespmem:$0x1FF00]  }
0x61c: {  	v2 =	vadd.f32 v12, v55;
	v12 =	vadd.f32 v56, v40;
	v40 =	vld [tilespmem:$0x10F0]  }
0x61d: {  	v47 =	vadd.f32 v63, v61;
	v63 =	vld [tilespmem:$0x1FF10]  }
0x61e: {  	v51 =	vld [tilespmem:$0x1FF20]  }
0x61f: {  	v56 =	vld [tilespmem:$0x11E0]  }
0x620: {  	v38 =	vadd.f32 v41, v38;
	v55 =	vld [tilespmem:$0x1FFC0];
	v47 =	vadd.f32 v58, v47  }
0x621: {  	v61 =	vld [tilespmem:$0x1260];
	v12 =	vadd.f32 v12, v60;
	v60 =	vadd.f32 v40, v42  }
0x622: {  	v49 =	vld [tilespmem:$0x1270];
	v38 =	vadd.f32 v46, v38;
	v42 =	vadd.f32 v63, v47  }
0x623: {  	v15 =	vadd.f32 v34, v15;
	v34 =	vld [tilespmem:$0x19F0];
	v16 =	vadd.f32 v54, v60  }
0x624: {  	v17 =	vadd.f32 v56, v38;
	v54 =	vld [tilespmem:$0x12F0];
	v42 =	vadd.f32 v51, v42  }
0x625: {  	v23 =	vadd.f32 v23, v55;
	v55 =	vld [tilespmem:$0x1360];
	v16 =	vadd.f32 v59, v16  }
0x626: {  	v58 =	vld [tilespmem:$0x1370];
	v17 =	vadd.f32 v61, v17;
	v56 =	vadd.f32 v45, v42  }
0x627: {  	v59 =	vld [tilespmem:$0x13E0];
	v16 =	vadd.f32 v49, v16  }
0x628: {  	v60 =	vld [tilespmem:$0x13F0];
	v17 =	vadd.f32 v50, v17;
	v41 =	vadd.f32 v43, v56  }
0x629: {  	v61 =	vld [tilespmem:$0x1460];
	v16 =	vadd.f32 v54, v16  }
0x62a: {  	v17 =	vadd.f32 v55, v17;
	v63 =	vadd.f32 v39, v41;
	v41 =	vld [tilespmem:$0x1470]  }
0x62b: {  	v42 =	vld [tilespmem:$0x14E0];
	v16 =	vadd.f32 v58, v16  }
0x62c: {  	v43 =	vld [tilespmem:$0x14F0];
	v17 =	vadd.f32 v59, v17;
	v37 =	vadd.f32 v37, v63  }
0x62d: {  	v45 =	vld [tilespmem:$0x1560];
	v16 =	vadd.f32 v60, v16  }
0x62e: {  	v47 =	vld [tilespmem:$0x1570];
	v17 =	vadd.f32 v61, v17;
	v46 =	vadd.f32 v35, v37  }
0x62f: {  	v38 =	vld [tilespmem:$0x1A70];
	v16 =	vadd.f32 v41, v16  }
0x630: {  	v49 =	vld [tilespmem:$0x15F0];
	v17 =	vadd.f32 v42, v17;
	v26 =	vadd.f32 v33, v46  }
0x631: {  	v50 =	vld [tilespmem:$0x1660];
	v16 =	vadd.f32 v43, v16  }
0x632: {  	v51 =	vld [tilespmem:$0x1670];
	v17 =	vadd.f32 v45, v17;
	v26 =	vadd.f32 v44, v26  }
0x633: {  	v54 =	vld [tilespmem:$0x16E0];
	v16 =	vadd.f32 v47, v16  }
0x634: {  	v55 =	vld [tilespmem:$0x16F0];
	v17 =	vadd.f32 v48, v17;
	v26 =	vadd.f32 v36, v26  }
0x635: {  	v56 =	vld [tilespmem:$0x1760];
	v16 =	vadd.f32 v49, v16  }
0x636: {  	v58 =	vld [tilespmem:$0x1770];
	v17 =	vadd.f32 v50, v17;
	v19 =	vadd.f32 v19, v26  }
0x637: {  	v59 =	vld [tilespmem:$0x17E0];
	v16 =	vadd.f32 v51, v16  }
0x638: {  	v60 =	vld [tilespmem:$0x17F0];
	v17 =	vadd.f32 v54, v17;
	v19 =	vadd.f32 v24, v19  }
0x639: {  	v61 =	vld [tilespmem:$0x1860];
	v16 =	vadd.f32 v55, v16  }
0x63a: {  	v63 =	vld [tilespmem:$0x1870];
	v17 =	vadd.f32 v56, v17;
	v19 =	vadd.f32 v22, v19  }
0x63b: {  	v8 =	vadd.f32 v8, v15;
	v33 =	vld [tilespmem:$0x1FF40];
	v24 =	vadd.f32 v58, v16  }
0x63c: {  	v26 =	vld [tilespmem:$0x18F0];
	v17 =	vadd.f32 v59, v17;
	v13 =	vadd.f32 v13, v19  }
0x63d: {  	v8 =	vadd.f32 v14, v8;
	v37 =	vld [tilespmem:$0x1FF50];
	v27 =	vadd.f32 v60, v24  }
0x63e: {  	v40 =	vld [tilespmem:$0x1AE0];
	v17 =	vadd.f32 v61, v17;
	v13 =	vadd.f32 v29, v13  }
0x63f: {  	v8 =	vadd.f32 v11, v8;
	v41 =	vld [tilespmem:$0x1FF60];
	v31 =	vadd.f32 v63, v27  }
0x640: {  	v45 =	vld [tilespmem:$0x1FF70];
	v16 =	vadd.f32 v25, v17;
	v13 =	vadd.f32 v33, v13  }
0x641: {  	v8 =	vadd.f32 v10, v8;
	v36 =	vld [tilespmem:$0x1A60];
	v35 =	vadd.f32 v26, v31  }
0x642: {  	v42 =	vld [tilespmem:$0x1AF0];
	v15 =	vadd.f32 v28, v16;
	v13 =	vadd.f32 v37, v13  }
0x643: {  	v6 =	vadd.f32 v6, v8;
	v46 =	vld [tilespmem:$0x1B70];
	v39 =	vadd.f32 v30, v35  }
0x644: {  	v48 =	vld [tilespmem:$0x1BE0];
	v14 =	vadd.f32 v32, v15;
	v13 =	vadd.f32 v41, v13  }
0x645: {  	v4 =	vadd.f32 v4, v6;
	v44 =	vld [tilespmem:$0x1B60];
	v43 =	vadd.f32 v34, v39  }
0x646: {  	v49 =	vld [tilespmem:$0x1BF0];
	v11 =	vadd.f32 v36, v14;
	v13 =	vadd.f32 v45, v13  }
0x647: {  	v4 =	vadd.f32 v5, v4;
	v54 =	vld [tilespmem:$0x1C70];
	v47 =	vadd.f32 v38, v43  }
0x648: {  	v51 =	vld [tilespmem:$0x1C60];
	v10 =	vadd.f32 v40, v11;
	v13 =	vadd.f32 v62, v13  }
0x649: {  	v0 =	vadd.f32 v0, v4;
	v56 =	vld [tilespmem:$0x1CF0];
	v50 =	vadd.f32 v42, v47  }
0x64a: {  	v55 =	vld [tilespmem:$0x1CE0];
	v8 =	vadd.f32 v44, v10;
	v13 =	vadd.f32 v57, v13  }
0x64b: {  	v0 =	vadd.f32 v9, v0;
	v59 =	vld [tilespmem:$0x1FFB0];
	v4 =	vadd.f32 v46, v50  }
0x64c: {  	v61 =	vld [tilespmem:$0x1FFA0];
	v6 =	vadd.f32 v48, v8;
	v13 =	vadd.f32 v53, v13  }
0x64d: {  	v0 =	vadd.f32 v7, v0;
	v62 =	vld [tilespmem:$0x1FF90];
	v4 =	vadd.f32 v49, v4  }
0x64e: {  	[tilespmem:$0x16D00] =	vst v2;
	v63 =	vld [tilespmem:$0x1FF80];
	v5 =	vadd.f32 v51, v6;
	v57 =	vadd.f32 v52, v13  }
0x64f: {  	[tilespmem:$0x16D10] =	vst v3;
	v0 =	vadd.f32 v1, v0;
	v58 =	vadd.f32 v54, v4  }
0x650: {  	[tilespmem:$0x16D20] =	vst v12;
	v60 =	vadd.f32 v55, v5;
	v2 =	vadd.f32 v57, v59  }
0x651: {  	[tilespmem:$0x16D30] =	vst v23;
	v0 =	vadd.f32 v0, v61;
	v1 =	vadd.f32 v56, v58  }
0x652: {  	[tilespmem:$0x16D40] =	vst v2;
	v2 =	vadd.f32 v60, v62  }
0x653: {  	s12 =	sadd.s32 $0x1, s12;
	[tilespmem:$0x16D50] =	vst v0;
	v0 =	vadd.f32 v1, v63  }
0x654: {  	p0 =	sne.s32 s12, s9;
	[tilespmem:$0x16D60] =	vst v2  }
.Ltmp16:
0x655: {  	[tilespmem:$0x16D70] =	vst v0;
	(pc) =	sbr.rel @p0 .LBB2_1-.Ltmp16, $4  }
0x656: {  	[hbm4b:s8+s2] =	stream.linear.scatter [tilespmem:s1], [sflag:$0x4], $0x80, $0x38;
	[tilespmem:$0x16D80] =	vst v63  }
0x657: {  	_ =	swait.ge [sflag:s15], $0x80  }
0x658: {  	[sflag:s15] =	ssyncset.done $0x0  }
0x659: {  	[sflag:s15] =	ssyncadd.s32 $0xFFFFFF80  }
0x65a: {  	_ =	sfence.sel $0x180000  }
0x65b: {  	[bflag:$0x0] =	sbarrier.arrive $0xFFFF  }
0x65c: {  	_ =	strace $0x90000047  }
0x65d: {  	s0 =	stileid.u32;
	[bflag:$0x2] =	sbarrier.arrive $0xFFFF  }
0x65e: {  	p0 =	sne.s32 s0, $0x0;
	s0 =	rddreg [dreg:$0x4]  }
0x65f: {  	s0 =	sadd.s32 @!p0 $0x100000, s0  }
0x660: {  	[sflag:s0] =	ssyncadd.tile.s32 @!p0 $0x1;
	_ =	shalt  }
.Lfunc_end2:
_tile_overlayer_lowered:
.L_overlay_start_2:
0x661: {  	(tag) =	ssettag $0x2  }
0x662: {  	s0 =	rddreg [dreg:$0x0];
	s2 =	stileid.u32  }
0x663: {  	s1 =	rddreg [dreg:$0x1];
	p0 =	sne.s32 s2, $0x0  }
0x664: {  	s3 =	rddreg [dreg:$0x2];
	[bflag:$0x3] =	sbarrier.arrive $0xFFFF;
	s2 =	simm.s32 @!p0 $0x1C04  }
0x665: {  	[timem:s3], [sflag:s2] =	dma.local @!p0 [hbm:s0], s1  }
0x666: {  	s0 =	simm.s32 @!p0 $0x4  }
0x667: {  	_ =	swait.ge @!p0 [sflag:s0], s1  }
0x668: {  	s1 =	ssub.s32 @!p0 $0x0, s1;
	[sflag:s0] =	ssyncset.done @!p0 $0x0  }
0x669: {  	[sflag:s0] =	ssyncadd.s32 @!p0 s1  }
0x66a: {  	[bflag:$0x3] =	sbarrier.arrive $0xFFFF  }
0x66b: {  	_ =	shalt  }

</sc_bundles>
